<compile_context>
chip_gen: v7x
topology: tpu7x:2x2x1
jax: 0.10.2.dev20260603
libtpu: 0.0.44.dev20260713+nightly
codegen_flags: <defaults>
</compile_context>

<pallas_src>
import functools
import math

import jax
import jax.numpy as jnp
from jax import lax
from jax.experimental import pallas as pl
from jax.experimental.pallas import tpu as pltpu
from jax.experimental.pallas import tpu_sc as plsc

CUTOFF = 10.0
NC, NS, LANES = 2, 16, 16
NW = NC * NS
CH = 64


def _xh_body(x_ref, w_ref, o_ref):
    o_ref[...] = jnp.dot(x_ref[...], w_ref[...], preferred_element_type=jnp.float32)


def _filter_body(ea_ref, ew_ref, w1t_ref, b1_ref, w2t_ref, b2_ref, o_ref):
    h = jnp.dot(ea_ref[...], w1t_ref[...], preferred_element_type=jnp.float32)
    h = h + b1_ref[...]
    h = h * jax.nn.sigmoid(h)
    w = jnp.dot(h, w2t_ref[...], preferred_element_type=jnp.float32) + b2_ref[...]
    c = 0.5 * (jnp.cos(ew_ref[...] * (math.pi / CUTOFF)) + 1.0)
    rows, f = ew_ref.shape[0], w.shape[1]
    w3 = w.reshape(rows, 128, f) * c[:, :, None]
    o_ref[...] = w3.reshape(rows * 128, f)


def _tail_body(p_ref, w2t_ref, b2_ref, wlt_ref, bl_ref, o_ref):
    agg = p_ref[0] + p_ref[1]
    t = jnp.dot(agg, w2t_ref[...], preferred_element_type=jnp.float32) + b2_ref[...]
    t = t * jax.nn.sigmoid(t)
    o_ref[...] = jnp.dot(t, wlt_ref[...], preferred_element_type=jnp.float32) + bl_ref[...]


def _sc_body(n_pad, n_chunks, xh, wmat, src, dst, parts, sidx, didx, xrows,
             wrows, acc, sem_i, sem_w, sem_g, sem_s):
    c = lax.axis_index("c")
    s = lax.axis_index("s")
    wid = s * NC + c
    rows_per_tile = n_pad // NS
    base = s * rows_per_tile
    f = xrows.shape[2]

    @plsc.parallel_loop(0, CH)
    def _zrow(i):
        for k in range(f // LANES):
            xrows[0, i, pl.ds(k * LANES, LANES)] = jnp.zeros((LANES,), jnp.float32)
    n_full = rows_per_tile // CH
    rem = rows_per_tile - n_full * CH
    for k in range(n_full):
        pltpu.sync_copy(xrows.at[0], acc.at[pl.ds(base + k * CH, CH)])
    if rem:
        pltpu.sync_copy(xrows.at[0, pl.ds(0, rem)],
                        acc.at[pl.ds(base + n_full * CH, rem)])
    plsc.subcore_barrier()

    ebase = wid * (n_chunks * CH)

    def issue_loads(j, bw, bx):
        off = ebase + j * CH
        pltpu.async_copy(src.at[pl.ds(off, CH)], sidx.at[bw], sem_i.at[bw])
        pltpu.async_copy(dst.at[pl.ds(off, CH)], didx.at[bx], sem_i.at[bw])
        pltpu.async_copy(wmat.at[pl.ds(off, CH)], wrows.at[bw], sem_w.at[bw])

    def wait_idx(bw, bx):
        pltpu.make_async_copy(src.at[pl.ds(0, CH)], sidx.at[bw], sem_i.at[bw]).wait()
        pltpu.make_async_copy(dst.at[pl.ds(0, CH)], didx.at[bx], sem_i.at[bw]).wait()

    def issue_gather(bw, bx):
        pltpu.async_copy(xh.at[sidx.at[bw]], xrows.at[bx], sem_g.at[bx])

    def wait_gather(bw, bx):
        pltpu.make_async_copy(xh.at[sidx.at[bw]], xrows.at[bx], sem_g.at[bx]).wait()

    def wait_w(bw):
        pltpu.make_async_copy(wmat.at[pl.ds(0, CH)], wrows.at[bw], sem_w.at[bw]).wait()

    def issue_scatter(bx):
        pltpu.async_copy(xrows.at[bx], acc.at[didx.at[bx]], sem_s.at[bx], add=True)

    def wait_scatter(bx):
        pltpu.make_async_copy(xrows.at[bx], acc.at[didx.at[bx]], sem_s.at[bx]).wait()

    def multiply(bw, bx):
        @plsc.parallel_loop(0, CH, unroll=2)
        def _mul(i):
            for k in range(f // LANES):
                sl = pl.ds(k * LANES, LANES)
                xrows[bx, i, sl] = xrows[bx, i, sl] * wrows[bw, i, sl]

    issue_loads(0, 0, 0)
    wait_idx(0, 0)
    issue_gather(0, 0)

    n_iters = n_chunks // 6

    def _body6(i, _):
        for t in range(6):
            bx, bw = t % 3, t % 2
            bxn, bwn = (t + 1) % 3, (t + 1) % 2
            jn = 6 * i + t + 1
            if t < 2:
                @pl.when(i >= 1)
                def _():
                    wait_scatter(bxn)
                issue_loads(jn, bwn, bxn)
                wait_idx(bwn, bxn)
                issue_gather(bwn, bxn)
            elif t < 5:
                wait_scatter(bxn)
                issue_loads(jn, bwn, bxn)
                wait_idx(bwn, bxn)
                issue_gather(bwn, bxn)
            else:
                @pl.when(i < n_iters - 1)
                def _():
                    wait_scatter(bxn)
                    issue_loads(jn, bwn, bxn)
                    wait_idx(bwn, bxn)
                    issue_gather(bwn, bxn)
            wait_gather(bw, bx)
            wait_w(bw)
            multiply(bw, bx)
            issue_scatter(bx)
        return 0

    lax.fori_loop(0, n_iters, _body6, 0)
    wait_scatter(0)
    wait_scatter(1)
    wait_scatter(2)
    plsc.subcore_barrier()

    for k in range(n_full):
        pltpu.sync_copy(acc.at[pl.ds(base + k * CH, CH)], xrows.at[0])
        pltpu.sync_copy(xrows.at[0], parts.at[c, pl.ds(base + k * CH, CH)])
    if rem:
        pltpu.sync_copy(acc.at[pl.ds(base + n_full * CH, rem)],
                        xrows.at[0, pl.ds(0, rem)])
        pltpu.sync_copy(xrows.at[0, pl.ds(0, rem)],
                        parts.at[c, pl.ds(base + n_full * CH, rem)])


def kernel(x, edge_index, edge_weight, edge_attr, dim_size, W_mlp1, b_mlp1,
           W_mlp2, b_mlp2, W1, W2, b2, Wl, bl):
    n, hdim = x.shape
    e = edge_index.shape[1]
    g = edge_attr.shape[1]
    f = W_mlp1.shape[0]

    ep = ((e + NW * CH * 6 - 1) // (NW * CH * 6)) * (NW * CH * 6)
    pad = ep - e
    src = jnp.pad(edge_index[0].astype(jnp.int32), (0, pad))
    dst = jnp.pad(edge_index[1].astype(jnp.int32), (0, pad))
    ew = jnp.pad(edge_weight, (0, pad), constant_values=CUTOFF).reshape(ep // 128, 128)
    ea = jnp.pad(edge_attr, ((0, pad), (0, 0)))

    xh = pl.pallas_call(
        _xh_body,
        grid=(5,),
        in_specs=[
            pl.BlockSpec((n // 5, hdim), lambda i: (i, 0)),
            pl.BlockSpec((hdim, f), lambda i: (0, 0)),
        ],
        out_specs=pl.BlockSpec((n // 5, f), lambda i: (i, 0)),
        out_shape=jax.ShapeDtypeStruct((n, f), jnp.float32),
    )(x, W1.T)

    be = 1024
    wmat = pl.pallas_call(
        _filter_body,
        grid=(ep // be,),
        in_specs=[
            pl.BlockSpec((be, g), lambda i: (i, 0)),
            pl.BlockSpec((be // 128, 128), lambda i: (i, 0)),
            pl.BlockSpec((g, f), lambda i: (0, 0)),
            pl.BlockSpec((1, f), lambda i: (0, 0)),
            pl.BlockSpec((f, f), lambda i: (0, 0)),
            pl.BlockSpec((1, f), lambda i: (0, 0)),
        ],
        out_specs=pl.BlockSpec((be, f), lambda i: (i, 0)),
        out_shape=jax.ShapeDtypeStruct((ep, f), jnp.float32),
    )(ea, ew, W_mlp1.T, b_mlp1.reshape(1, f), W_mlp2.T, b_mlp2.reshape(1, f))

    n_pad = ((n + 8 * NS - 1) // (8 * NS)) * (8 * NS)
    n_chunks = ep // (NW * CH)
    mesh = plsc.VectorSubcoreMesh(core_axis_name="c", subcore_axis_name="s")
    parts = pl.kernel(
        functools.partial(_sc_body, n_pad, n_chunks),
        out_type=jax.ShapeDtypeStruct((NC, n_pad, f), jnp.float32),
        mesh=mesh,
        scratch_types=[
            pltpu.VMEM((2, CH), jnp.int32),
            pltpu.VMEM((3, CH), jnp.int32),
            pltpu.VMEM((3, CH, f), jnp.float32),
            pltpu.VMEM((2, CH, f), jnp.float32),
            pltpu.VMEM_SHARED((n_pad, f), jnp.float32),
            pltpu.SemaphoreType.DMA((2,)),
            pltpu.SemaphoreType.DMA((2,)),
            pltpu.SemaphoreType.DMA((3,)),
            pltpu.SemaphoreType.DMA((3,)),
        ],
    )(xh, wmat, src, dst)

    bn = n // 5
    out = pl.pallas_call(
        _tail_body,
        grid=(5,),
        in_specs=[
            pl.BlockSpec((NC, bn, f), lambda i: (0, i, 0)),
            pl.BlockSpec((f, hdim), lambda i: (0, 0)),
            pl.BlockSpec((1, hdim), lambda i: (0, 0)),
            pl.BlockSpec((hdim, hdim), lambda i: (0, 0)),
            pl.BlockSpec((1, hdim), lambda i: (0, 0)),
        ],
        out_specs=pl.BlockSpec((bn, hdim), lambda i: (i, 0)),
        out_shape=jax.ShapeDtypeStruct((n, hdim), jnp.float32),
    )(parts, W2.T, b2.reshape(1, hdim), Wl.T, bl.reshape(1, hdim))
    return out

# --- scband reference (transcript-rebuilt; emitter-appended) ---
"""Pipeline reference for scband-interaction-block-18081812316197 (READ-ONLY COPY).

The authoritative reference and input builder live on the scoring server;
editing this copy changes nothing except your own understanding.
"""

import math
import jax, jax.numpy as jnp
import numpy as np

CUTOFF = 10.0

def silu(v):
    return v * jax.nn.sigmoid(v)

def setup_inputs(seed: int = 0) -> dict:
    key = jax.random.key(seed)
    ks = jax.random.split(key, 16)
    N, E, H, F, G = 10000, 320000, 128, 128, 50
    x = jax.random.normal(ks[0], (N, H), dtype=jnp.float32)
    edge_index = jax.random.randint(ks[1], (2, E), 0, N, dtype=jnp.int64)
    edge_weight = jax.random.uniform(ks[2], (E,), dtype=jnp.float32)
    edge_attr = jax.random.normal(ks[3], (E, G), dtype=jnp.float32)
    def xavier(k, shape):
        fan_in, fan_out = shape[1], shape[0]
        a = math.sqrt(6.0 / (fan_in + fan_out))
        return jax.random.uniform(k, shape, dtype=jnp.float32, minval=-a, maxval=a)
    W_mlp1 = xavier(ks[4], (F, G)); b_mlp1 = jnp.zeros((F,), dtype=jnp.float32)
    W_mlp2 = xavier(ks[5], (F, F)); b_mlp2 = jnp.zeros((F,), dtype=jnp.float32)
    W1 = xavier(ks[6], (F, H))
    W2 = xavier(ks[7], (H, F)); b2 = jnp.zeros((H,), dtype=jnp.float32)
    Wl = xavier(ks[8], (H, H)); bl = jnp.zeros((H,), dtype=jnp.float32)
    return {"x": x, "edge_index": edge_index, "edge_weight": edge_weight, "edge_attr": edge_attr, "dim_size": N,
            "W_mlp1": W_mlp1, "b_mlp1": b_mlp1, "W_mlp2": W_mlp2, "b_mlp2": b_mlp2,
            "W1": W1, "W2": W2, "b2": b2, "Wl": Wl, "bl": bl}

def reference(x, edge_index, edge_weight, edge_attr, dim_size, W_mlp1, b_mlp1, W_mlp2, b_mlp2, W1, W2, b2, Wl, bl):
    # CFConv
    C = 0.5 * (jnp.cos(edge_weight * math.pi / CUTOFF) + 1.0)
    h = edge_attr @ W_mlp1.T + b_mlp1
    h = silu(h)
    W = h @ W_mlp2.T + b_mlp2
    W = W * C[:, None]
    xh = x @ W1.T
    x_j = jnp.take(xh, edge_index[0], axis=0)
    x_j = x_j * W
    agg = jax.ops.segment_sum(x_j, edge_index[1] + (dim_size - dim_size), num_segments=x.shape[0])
    out = agg @ W2.T + b2
    # InteractionBlock tail
    out = silu(out)
    out = out @ Wl.T + bl
    return out

if __name__ == "__main__":
    import jax
    _d = setup_inputs()
    print(jax.jit(kernel)(*tuple(_d.values())))

</pallas_src>

<mosaic_0001>
#map = affine_map<(d0, d1) -> (0, 0)>
#map1 = affine_map<(d0, d1) -> (0)>
#map2 = affine_map<(d0, d1) -> (0, 0, 0)>
module attributes {stable_mosaic.version = 14 : i64} {
  func.func @_sc_body(%arg0: i32, %arg1: i32, %arg2: memref<10000x128xf32, #tpu.memory_space<hbm>>, %arg3: memref<331776x128xf32, #tpu.memory_space<hbm>>, %arg4: memref<331776xi32, #tpu.memory_space<hbm>>, %arg5: memref<331776xi32, #tpu.memory_space<hbm>>, %arg6: memref<2x10112x128xf32, #tpu.memory_space<hbm>>, %arg7: memref<2x64xi32, #tpu.memory_space<vmem>>, %arg8: memref<3x64xi32, #tpu.memory_space<vmem>>, %arg9: memref<3x64x128xf32, #tpu.memory_space<vmem>>, %arg10: memref<2x64x128xf32, #tpu.memory_space<vmem>>, %arg11: memref<10112x128xf32, #tpu.memory_space<vmem_shared>>, %arg12: memref<2x!tpu.dma_semaphore, #tpu.memory_space<semaphore_mem>>, %arg13: memref<2x!tpu.dma_semaphore, #tpu.memory_space<semaphore_mem>>, %arg14: memref<3x!tpu.dma_semaphore, #tpu.memory_space<semaphore_mem>>, %arg15: memref<3x!tpu.dma_semaphore, #tpu.memory_space<semaphore_mem>>) attributes {dimension_semantics = [#tpu.dimension_semantics<core_parallel>, #tpu.dimension_semantics<subcore_parallel>], iteration_bounds = array<i64: 2, 16>, scalar_prefetch = 0 : i64, scratch_operands = 9 : i64, tpu.core_type = #tpu.core_type<sc_vector_subcore>, window_params = [{transform_indices = #map}, {transform_indices = #map}, {transform_indices = #map1}, {transform_indices = #map1}, {transform_indices = #map2}]} {
    %mul3A = arith.constant 2 : i32
    %mul3A_0 = arith.muli %arg1, %mul3A : i32
    %add3A = arith.addi %mul3A_0, %arg0 : i32
    %mul3A_1 = arith.constant 632 : i32
    %mul3A_2 = arith.muli %arg1, %mul3A_1 : i32
    %parallel_loop3A = arith.constant 0 : i32
    %parallel_loop3A_3 = arith.constant 64 : i32
    %parallel_loop3A_4 = arith.constant 1 : i32
    scf.for %parallel_loop3A_231 = %parallel_loop3A to %parallel_loop3A_3 step %parallel_loop3A_4  : i32 {
      %parallel_loop3A_232 = arith.constant 0.000000e+00 : f32
      %parallel_loop3A_233 = vector.broadcast %parallel_loop3A_232 : f32 to vector<16xf32>
      %parallel_loop3A_234 = arith.constant 0 : i32
      %parallel_loop3A_235 = arith.index_cast %parallel_loop3A_234 : i32 to index
      %parallel_loop3A_236 = arith.index_cast %parallel_loop3A_231 : i32 to index
      %parallel_loop3A_237 = arith.constant 0 : index
      %parallel_loop3A_238 = tpu.vector_load %arg9[%parallel_loop3A_235, %parallel_loop3A_236, %parallel_loop3A_237] {strides = array<i32>} : memref<3x64x128xf32, #tpu.memory_space<vmem>>, vector<1x1x16xf32>,
      %parallel_loop3A_239 = vector.shape_cast %parallel_loop3A_238 : vector<1x1x16xf32> to vector<16xf32>
      %parallel_loop3A_240 = vector.shape_cast %parallel_loop3A_233 : vector<16xf32> to vector<1x1x16xf32>
      tpu.vector_store %arg9[%parallel_loop3A_235, %parallel_loop3A_236, %parallel_loop3A_237], %parallel_loop3A_240 {strides = array<i32>} : memref<3x64x128xf32, #tpu.memory_space<vmem>>, vector<1x1x16xf32>,
      %parallel_loop3A_241 = arith.constant 0.000000e+00 : f32
      %parallel_loop3A_242 = vector.broadcast %parallel_loop3A_241 : f32 to vector<16xf32>
      %parallel_loop3A_243 = arith.constant 0 : i32
      %parallel_loop3A_244 = arith.index_cast %parallel_loop3A_243 : i32 to index
      %parallel_loop3A_245 = arith.index_cast %parallel_loop3A_231 : i32 to index
      %parallel_loop3A_246 = arith.constant 16 : index
      %parallel_loop3A_247 = tpu.vector_load %arg9[%parallel_loop3A_244, %parallel_loop3A_245, %parallel_loop3A_246] {strides = array<i32>} : memref<3x64x128xf32, #tpu.memory_space<vmem>>, vector<1x1x16xf32>,
      %parallel_loop3A_248 = vector.shape_cast %parallel_loop3A_247 : vector<1x1x16xf32> to vector<16xf32>
      %parallel_loop3A_249 = vector.shape_cast %parallel_loop3A_242 : vector<16xf32> to vector<1x1x16xf32>
      tpu.vector_store %arg9[%parallel_loop3A_244, %parallel_loop3A_245, %parallel_loop3A_246], %parallel_loop3A_249 {strides = array<i32>} : memref<3x64x128xf32, #tpu.memory_space<vmem>>, vector<1x1x16xf32>,
      %parallel_loop3A_250 = arith.constant 0.000000e+00 : f32
      %parallel_loop3A_251 = vector.broadcast %parallel_loop3A_250 : f32 to vector<16xf32>
      %parallel_loop3A_252 = arith.constant 0 : i32
      %parallel_loop3A_253 = arith.index_cast %parallel_loop3A_252 : i32 to index
      %parallel_loop3A_254 = arith.index_cast %parallel_loop3A_231 : i32 to index
      %parallel_loop3A_255 = arith.constant 32 : index
      %parallel_loop3A_256 = tpu.vector_load %arg9[%parallel_loop3A_253, %parallel_loop3A_254, %parallel_loop3A_255] {strides = array<i32>} : memref<3x64x128xf32, #tpu.memory_space<vmem>>, vector<1x1x16xf32>,
      %parallel_loop3A_257 = vector.shape_cast %parallel_loop3A_256 : vector<1x1x16xf32> to vector<16xf32>
      %parallel_loop3A_258 = vector.shape_cast %parallel_loop3A_251 : vector<16xf32> to vector<1x1x16xf32>
      tpu.vector_store %arg9[%parallel_loop3A_253, %parallel_loop3A_254, %parallel_loop3A_255], %parallel_loop3A_258 {strides = array<i32>} : memref<3x64x128xf32, #tpu.memory_space<vmem>>, vector<1x1x16xf32>,
      %parallel_loop3A_259 = arith.constant 0.000000e+00 : f32
      %parallel_loop3A_260 = vector.broadcast %parallel_loop3A_259 : f32 to vector<16xf32>
      %parallel_loop3A_261 = arith.constant 0 : i32
      %parallel_loop3A_262 = arith.index_cast %parallel_loop3A_261 : i32 to index
      %parallel_loop3A_263 = arith.index_cast %parallel_loop3A_231 : i32 to index
      %parallel_loop3A_264 = arith.constant 48 : index
      %parallel_loop3A_265 = tpu.vector_load %arg9[%parallel_loop3A_262, %parallel_loop3A_263, %parallel_loop3A_264] {strides = array<i32>} : memref<3x64x128xf32, #tpu.memory_space<vmem>>, vector<1x1x16xf32>,
      %parallel_loop3A_266 = vector.shape_cast %parallel_loop3A_265 : vector<1x1x16xf32> to vector<16xf32>
      %parallel_loop3A_267 = vector.shape_cast %parallel_loop3A_260 : vector<16xf32> to vector<1x1x16xf32>
      tpu.vector_store %arg9[%parallel_loop3A_262, %parallel_loop3A_263, %parallel_loop3A_264], %parallel_loop3A_267 {strides = array<i32>} : memref<3x64x128xf32, #tpu.memory_space<vmem>>, vector<1x1x16xf32>,
      %parallel_loop3A_268 = arith.constant 0.000000e+00 : f32
      %parallel_loop3A_269 = vector.broadcast %parallel_loop3A_268 : f32 to vector<16xf32>
      %parallel_loop3A_270 = arith.constant 0 : i32
      %parallel_loop3A_271 = arith.index_cast %parallel_loop3A_270 : i32 to index
      %parallel_loop3A_272 = arith.index_cast %parallel_loop3A_231 : i32 to index
      %parallel_loop3A_273 = arith.constant 64 : index
      %parallel_loop3A_274 = tpu.vector_load %arg9[%parallel_loop3A_271, %parallel_loop3A_272, %parallel_loop3A_273] {strides = array<i32>} : memref<3x64x128xf32, #tpu.memory_space<vmem>>, vector<1x1x16xf32>,
      %parallel_loop3A_275 = vector.shape_cast %parallel_loop3A_274 : vector<1x1x16xf32> to vector<16xf32>
      %parallel_loop3A_276 = vector.shape_cast %parallel_loop3A_269 : vector<16xf32> to vector<1x1x16xf32>
      tpu.vector_store %arg9[%parallel_loop3A_271, %parallel_loop3A_272, %parallel_loop3A_273], %parallel_loop3A_276 {strides = array<i32>} : memref<3x64x128xf32, #tpu.memory_space<vmem>>, vector<1x1x16xf32>,
      %parallel_loop3A_277 = arith.constant 0.000000e+00 : f32
      %parallel_loop3A_278 = vector.broadcast %parallel_loop3A_277 : f32 to vector<16xf32>
      %parallel_loop3A_279 = arith.constant 0 : i32
      %parallel_loop3A_280 = arith.index_cast %parallel_loop3A_279 : i32 to index
      %parallel_loop3A_281 = arith.index_cast %parallel_loop3A_231 : i32 to index
      %parallel_loop3A_282 = arith.constant 80 : index
      %parallel_loop3A_283 = tpu.vector_load %arg9[%parallel_loop3A_280, %parallel_loop3A_281, %parallel_loop3A_282] {strides = array<i32>} : memref<3x64x128xf32, #tpu.memory_space<vmem>>, vector<1x1x16xf32>,
      %parallel_loop3A_284 = vector.shape_cast %parallel_loop3A_283 : vector<1x1x16xf32> to vector<16xf32>
      %parallel_loop3A_285 = vector.shape_cast %parallel_loop3A_278 : vector<16xf32> to vector<1x1x16xf32>
      tpu.vector_store %arg9[%parallel_loop3A_280, %parallel_loop3A_281, %parallel_loop3A_282], %parallel_loop3A_285 {strides = array<i32>} : memref<3x64x128xf32, #tpu.memory_space<vmem>>, vector<1x1x16xf32>,
      %parallel_loop3A_286 = arith.constant 0.000000e+00 : f32
      %parallel_loop3A_287 = vector.broadcast %parallel_loop3A_286 : f32 to vector<16xf32>
      %parallel_loop3A_288 = arith.constant 0 : i32
      %parallel_loop3A_289 = arith.index_cast %parallel_loop3A_288 : i32 to index
      %parallel_loop3A_290 = arith.index_cast %parallel_loop3A_231 : i32 to index
      %parallel_loop3A_291 = arith.constant 96 : index
      %parallel_loop3A_292 = tpu.vector_load %arg9[%parallel_loop3A_289, %parallel_loop3A_290, %parallel_loop3A_291] {strides = array<i32>} : memref<3x64x128xf32, #tpu.memory_space<vmem>>, vector<1x1x16xf32>,
      %parallel_loop3A_293 = vector.shape_cast %parallel_loop3A_292 : vector<1x1x16xf32> to vector<16xf32>
      %parallel_loop3A_294 = vector.shape_cast %parallel_loop3A_287 : vector<16xf32> to vector<1x1x16xf32>
      tpu.vector_store %arg9[%parallel_loop3A_289, %parallel_loop3A_290, %parallel_loop3A_291], %parallel_loop3A_294 {strides = array<i32>} : memref<3x64x128xf32, #tpu.memory_space<vmem>>, vector<1x1x16xf32>,
      %parallel_loop3A_295 = arith.constant 0.000000e+00 : f32
      %parallel_loop3A_296 = vector.broadcast %parallel_loop3A_295 : f32 to vector<16xf32>
      %parallel_loop3A_297 = arith.constant 0 : i32
      %parallel_loop3A_298 = arith.index_cast %parallel_loop3A_297 : i32 to index
      %parallel_loop3A_299 = arith.index_cast %parallel_loop3A_231 : i32 to index
      %parallel_loop3A_300 = arith.constant 112 : index
      %parallel_loop3A_301 = tpu.vector_load %arg9[%parallel_loop3A_298, %parallel_loop3A_299, %parallel_loop3A_300] {strides = array<i32>} : memref<3x64x128xf32, #tpu.memory_space<vmem>>, vector<1x1x16xf32>,
      %parallel_loop3A_302 = vector.shape_cast %parallel_loop3A_301 : vector<1x1x16xf32> to vector<16xf32>
      %parallel_loop3A_303 = vector.shape_cast %parallel_loop3A_296 : vector<16xf32> to vector<1x1x16xf32>
      tpu.vector_store %arg9[%parallel_loop3A_298, %parallel_loop3A_299, %parallel_loop3A_300], %parallel_loop3A_303 {strides = array<i32>} : memref<3x64x128xf32, #tpu.memory_space<vmem>>, vector<1x1x16xf32>,
    } {sc.loop_unroll_factor = 1 : i64, sc.parallel_access}
    %add3A_5 = arith.constant 0 : i32
    %add3A_6 = arith.addi %mul3A_2, %add3A_5 : i32
    %run_scoped3A = arith.constant 0 : i32
    "tpu.region"() ({
      %run_scoped3A_231 = tpu.sem_alloc : memref<!tpu.dma_semaphore, #tpu.memory_space<semaphore_mem>>
      %dma_start3A_232 = arith.constant 0 : i32
      %dma_start3A_233 = arith.constant 0 : i32
      %dma_start3A_234 = tpu.memref_slice %arg9[%run_scoped3A, %dma_start3A_232, %dma_start3A_233] : memref<3x64x128xf32, #tpu.memory_space<vmem>> -> memref<1x64x128xf32, #tpu.memory_space<vmem>>
      %dma_start3A_235 = tpu.memref_squeeze %dma_start3A_234 : memref<1x64x128xf32, #tpu.memory_space<vmem>> -> memref<64x128xf32, #tpu.memory_space<vmem>>
      %dma_start3A_236 = arith.constant 0 : i32
      %dma_start3A_237 = tpu.memref_slice %arg11[%add3A_6, %dma_start3A_236] : memref<10112x128xf32, #tpu.memory_space<vmem_shared>> -> memref<64x128xf32, #tpu.memory_space<vmem_shared>>
      %dma_start3A_238 = arith.constant 0 : i32
      %dma_start3A_239 = tpu.memref_slice %arg11[%add3A_6, %dma_start3A_238] : memref<10112x128xf32, #tpu.memory_space<vmem_shared>> -> memref<64x128xf32, #tpu.memory_space<vmem_shared>>
      %dma_start3A_240 = arith.constant 0 : i32
      %dma_start3A_241 = arith.constant 0 : i32
      %dma_start3A_242 = tpu.memref_slice %arg9[%run_scoped3A, %dma_start3A_240, %dma_start3A_241] : memref<3x64x128xf32, #tpu.memory_space<vmem>> -> memref<1x64x128xf32, #tpu.memory_space<vmem>>
      %dma_start3A_243 = tpu.memref_squeeze %dma_start3A_242 : memref<1x64x128xf32, #tpu.memory_space<vmem>> -> memref<64x128xf32, #tpu.memory_space<vmem>>
      tpu.enqueue_dma source(%dma_start3A_243 : memref<64x128xf32, #tpu.memory_space<vmem>>) target(%dma_start3A_239 : memref<64x128xf32, #tpu.memory_space<vmem_shared>>) target_semaphore(%run_scoped3A_231 : memref<!tpu.dma_semaphore, #tpu.memory_space<semaphore_mem>>)
      %dma_wait3A_244 = arith.constant 0 : i32
      %dma_wait3A_245 = arith.constant 0 : i32
      %dma_wait3A_246 = tpu.memref_slice %arg9[%run_scoped3A, %dma_wait3A_244, %dma_wait3A_245] : memref<3x64x128xf32, #tpu.memory_space<vmem>> -> memref<1x64x128xf32, #tpu.memory_space<vmem>>
      %dma_wait3A_247 = tpu.memref_squeeze %dma_wait3A_246 : memref<1x64x128xf32, #tpu.memory_space<vmem>> -> memref<64x128xf32, #tpu.memory_space<vmem>>
      %dma_wait3A_248 = arith.constant 0 : i32
      %dma_wait3A_249 = tpu.memref_slice %arg11[%add3A_6, %dma_wait3A_248] : memref<10112x128xf32, #tpu.memory_space<vmem_shared>> -> memref<64x128xf32, #tpu.memory_space<vmem_shared>>
      %dma_wait3A_250 = arith.constant 0 : i32
      %dma_wait3A_251 = tpu.memref_slice %arg11[%add3A_6, %dma_wait3A_250] : memref<10112x128xf32, #tpu.memory_space<vmem_shared>> -> memref<64x128xf32, #tpu.memory_space<vmem_shared>>
      %dma_wait3A_252 = arith.constant 0 : i32
      %dma_wait3A_253 = arith.constant 0 : i32
      %dma_wait3A_254 = tpu.memref_slice %arg9[%run_scoped3A, %dma_wait3A_252, %dma_wait3A_253] : memref<3x64x128xf32, #tpu.memory_space<vmem>> -> memref<1x64x128xf32, #tpu.memory_space<vmem>>
      %dma_wait3A_255 = tpu.memref_squeeze %dma_wait3A_254 : memref<1x64x128xf32, #tpu.memory_space<vmem>> -> memref<64x128xf32, #tpu.memory_space<vmem>>
      tpu.wait_dma2 semaphore(%run_scoped3A_231 : memref<!tpu.dma_semaphore, #tpu.memory_space<semaphore_mem>>) src(%dma_wait3A_255 : memref<64x128xf32, #tpu.memory_space<vmem>>) dst(%dma_wait3A_251 : memref<64x128xf32, #tpu.memory_space<vmem_shared>>)
      tpu.yield
    }) : () -> ()
    %add3A_7 = arith.constant 64 : i32
    %add3A_8 = arith.addi %mul3A_2, %add3A_7 : i32
    %run_scoped3A_9 = arith.constant 0 : i32
    "tpu.region"() ({
      %run_scoped3A_231 = tpu.sem_alloc : memref<!tpu.dma_semaphore, #tpu.memory_space<semaphore_mem>>
      %dma_start3A_232 = arith.constant 0 : i32
      %dma_start3A_233 = arith.constant 0 : i32
      %dma_start3A_234 = tpu.memref_slice %arg9[%run_scoped3A_9, %dma_start3A_232, %dma_start3A_233] : memref<3x64x128xf32, #tpu.memory_space<vmem>> -> memref<1x64x128xf32, #tpu.memory_space<vmem>>
      %dma_start3A_235 = tpu.memref_squeeze %dma_start3A_234 : memref<1x64x128xf32, #tpu.memory_space<vmem>> -> memref<64x128xf32, #tpu.memory_space<vmem>>
      %dma_start3A_236 = arith.constant 0 : i32
      %dma_start3A_237 = tpu.memref_slice %arg11[%add3A_8, %dma_start3A_236] : memref<10112x128xf32, #tpu.memory_space<vmem_shared>> -> memref<64x128xf32, #tpu.memory_space<vmem_shared>>
      %dma_start3A_238 = arith.constant 0 : i32
      %dma_start3A_239 = tpu.memref_slice %arg11[%add3A_8, %dma_start3A_238] : memref<10112x128xf32, #tpu.memory_space<vmem_shared>> -> memref<64x128xf32, #tpu.memory_space<vmem_shared>>
      %dma_start3A_240 = arith.constant 0 : i32
      %dma_start3A_241 = arith.constant 0 : i32
      %dma_start3A_242 = tpu.memref_slice %arg9[%run_scoped3A_9, %dma_start3A_240, %dma_start3A_241] : memref<3x64x128xf32, #tpu.memory_space<vmem>> -> memref<1x64x128xf32, #tpu.memory_space<vmem>>
      %dma_start3A_243 = tpu.memref_squeeze %dma_start3A_242 : memref<1x64x128xf32, #tpu.memory_space<vmem>> -> memref<64x128xf32, #tpu.memory_space<vmem>>
      tpu.enqueue_dma source(%dma_start3A_243 : memref<64x128xf32, #tpu.memory_space<vmem>>) target(%dma_start3A_239 : memref<64x128xf32, #tpu.memory_space<vmem_shared>>) target_semaphore(%run_scoped3A_231 : memref<!tpu.dma_semaphore, #tpu.memory_space<semaphore_mem>>)
      %dma_wait3A_244 = arith.constant 0 : i32
      %dma_wait3A_245 = arith.constant 0 : i32
      %dma_wait3A_246 = tpu.memref_slice %arg9[%run_scoped3A_9, %dma_wait3A_244, %dma_wait3A_245] : memref<3x64x128xf32, #tpu.memory_space<vmem>> -> memref<1x64x128xf32, #tpu.memory_space<vmem>>
      %dma_wait3A_247 = tpu.memref_squeeze %dma_wait3A_246 : memref<1x64x128xf32, #tpu.memory_space<vmem>> -> memref<64x128xf32, #tpu.memory_space<vmem>>
      %dma_wait3A_248 = arith.constant 0 : i32
      %dma_wait3A_249 = tpu.memref_slice %arg11[%add3A_8, %dma_wait3A_248] : memref<10112x128xf32, #tpu.memory_space<vmem_shared>> -> memref<64x128xf32, #tpu.memory_space<vmem_shared>>
      %dma_wait3A_250 = arith.constant 0 : i32
      %dma_wait3A_251 = tpu.memref_slice %arg11[%add3A_8, %dma_wait3A_250] : memref<10112x128xf32, #tpu.memory_space<vmem_shared>> -> memref<64x128xf32, #tpu.memory_space<vmem_shared>>
      %dma_wait3A_252 = arith.constant 0 : i32
      %dma_wait3A_253 = arith.constant 0 : i32
      %dma_wait3A_254 = tpu.memref_slice %arg9[%run_scoped3A_9, %dma_wait3A_252, %dma_wait3A_253] : memref<3x64x128xf32, #tpu.memory_space<vmem>> -> memref<1x64x128xf32, #tpu.memory_space<vmem>>
      %dma_wait3A_255 = tpu.memref_squeeze %dma_wait3A_254 : memref<1x64x128xf32, #tpu.memory_space<vmem>> -> memref<64x128xf32, #tpu.memory_space<vmem>>
      tpu.wait_dma2 semaphore(%run_scoped3A_231 : memref<!tpu.dma_semaphore, #tpu.memory_space<semaphore_mem>>) src(%dma_wait3A_255 : memref<64x128xf32, #tpu.memory_space<vmem>>) dst(%dma_wait3A_251 : memref<64x128xf32, #tpu.memory_space<vmem_shared>>)
      tpu.yield
    }) : () -> ()
    %add3A_10 = arith.constant 128 : i32
    %add3A_11 = arith.addi %mul3A_2, %add3A_10 : i32
    %run_scoped3A_12 = arith.constant 0 : i32
    "tpu.region"() ({
      %run_scoped3A_231 = tpu.sem_alloc : memref<!tpu.dma_semaphore, #tpu.memory_space<semaphore_mem>>
      %dma_start3A_232 = arith.constant 0 : i32
      %dma_start3A_233 = arith.constant 0 : i32
      %dma_start3A_234 = tpu.memref_slice %arg9[%run_scoped3A_12, %dma_start3A_232, %dma_start3A_233] : memref<3x64x128xf32, #tpu.memory_space<vmem>> -> memref<1x64x128xf32, #tpu.memory_space<vmem>>
      %dma_start3A_235 = tpu.memref_squeeze %dma_start3A_234 : memref<1x64x128xf32, #tpu.memory_space<vmem>> -> memref<64x128xf32, #tpu.memory_space<vmem>>
      %dma_start3A_236 = arith.constant 0 : i32
      %dma_start3A_237 = tpu.memref_slice %arg11[%add3A_11, %dma_start3A_236] : memref<10112x128xf32, #tpu.memory_space<vmem_shared>> -> memref<64x128xf32, #tpu.memory_space<vmem_shared>>
      %dma_start3A_238 = arith.constant 0 : i32
      %dma_start3A_239 = tpu.memref_slice %arg11[%add3A_11, %dma_start3A_238] : memref<10112x128xf32, #tpu.memory_space<vmem_shared>> -> memref<64x128xf32, #tpu.memory_space<vmem_shared>>
      %dma_start3A_240 = arith.constant 0 : i32
      %dma_start3A_241 = arith.constant 0 : i32
      %dma_start3A_242 = tpu.memref_slice %arg9[%run_scoped3A_12, %dma_start3A_240, %dma_start3A_241] : memref<3x64x128xf32, #tpu.memory_space<vmem>> -> memref<1x64x128xf32, #tpu.memory_space<vmem>>
      %dma_start3A_243 = tpu.memref_squeeze %dma_start3A_242 : memref<1x64x128xf32, #tpu.memory_space<vmem>> -> memref<64x128xf32, #tpu.memory_space<vmem>>
      tpu.enqueue_dma source(%dma_start3A_243 : memref<64x128xf32, #tpu.memory_space<vmem>>) target(%dma_start3A_239 : memref<64x128xf32, #tpu.memory_space<vmem_shared>>) target_semaphore(%run_scoped3A_231 : memref<!tpu.dma_semaphore, #tpu.memory_space<semaphore_mem>>)
      %dma_wait3A_244 = arith.constant 0 : i32
      %dma_wait3A_245 = arith.constant 0 : i32
      %dma_wait3A_246 = tpu.memref_slice %arg9[%run_scoped3A_12, %dma_wait3A_244, %dma_wait3A_245] : memref<3x64x128xf32, #tpu.memory_space<vmem>> -> memref<1x64x128xf32, #tpu.memory_space<vmem>>
      %dma_wait3A_247 = tpu.memref_squeeze %dma_wait3A_246 : memref<1x64x128xf32, #tpu.memory_space<vmem>> -> memref<64x128xf32, #tpu.memory_space<vmem>>
      %dma_wait3A_248 = arith.constant 0 : i32
      %dma_wait3A_249 = tpu.memref_slice %arg11[%add3A_11, %dma_wait3A_248] : memref<10112x128xf32, #tpu.memory_space<vmem_shared>> -> memref<64x128xf32, #tpu.memory_space<vmem_shared>>
      %dma_wait3A_250 = arith.constant 0 : i32
      %dma_wait3A_251 = tpu.memref_slice %arg11[%add3A_11, %dma_wait3A_250] : memref<10112x128xf32, #tpu.memory_space<vmem_shared>> -> memref<64x128xf32, #tpu.memory_space<vmem_shared>>
      %dma_wait3A_252 = arith.constant 0 : i32
      %dma_wait3A_253 = arith.constant 0 : i32
      %dma_wait3A_254 = tpu.memref_slice %arg9[%run_scoped3A_12, %dma_wait3A_252, %dma_wait3A_253] : memref<3x64x128xf32, #tpu.memory_space<vmem>> -> memref<1x64x128xf32, #tpu.memory_space<vmem>>
      %dma_wait3A_255 = tpu.memref_squeeze %dma_wait3A_254 : memref<1x64x128xf32, #tpu.memory_space<vmem>> -> memref<64x128xf32, #tpu.memory_space<vmem>>
      tpu.wait_dma2 semaphore(%run_scoped3A_231 : memref<!tpu.dma_semaphore, #tpu.memory_space<semaphore_mem>>) src(%dma_wait3A_255 : memref<64x128xf32, #tpu.memory_space<vmem>>) dst(%dma_wait3A_251 : memref<64x128xf32, #tpu.memory_space<vmem_shared>>)
      tpu.yield
    }) : () -> ()
    %add3A_13 = arith.constant 192 : i32
    %add3A_14 = arith.addi %mul3A_2, %add3A_13 : i32
    %run_scoped3A_15 = arith.constant 0 : i32
    "tpu.region"() ({
      %run_scoped3A_231 = tpu.sem_alloc : memref<!tpu.dma_semaphore, #tpu.memory_space<semaphore_mem>>
      %dma_start3A_232 = arith.constant 0 : i32
      %dma_start3A_233 = arith.constant 0 : i32
      %dma_start3A_234 = tpu.memref_slice %arg9[%run_scoped3A_15, %dma_start3A_232, %dma_start3A_233] : memref<3x64x128xf32, #tpu.memory_space<vmem>> -> memref<1x64x128xf32, #tpu.memory_space<vmem>>
      %dma_start3A_235 = tpu.memref_squeeze %dma_start3A_234 : memref<1x64x128xf32, #tpu.memory_space<vmem>> -> memref<64x128xf32, #tpu.memory_space<vmem>>
      %dma_start3A_236 = arith.constant 0 : i32
      %dma_start3A_237 = tpu.memref_slice %arg11[%add3A_14, %dma_start3A_236] : memref<10112x128xf32, #tpu.memory_space<vmem_shared>> -> memref<64x128xf32, #tpu.memory_space<vmem_shared>>
      %dma_start3A_238 = arith.constant 0 : i32
      %dma_start3A_239 = tpu.memref_slice %arg11[%add3A_14, %dma_start3A_238] : memref<10112x128xf32, #tpu.memory_space<vmem_shared>> -> memref<64x128xf32, #tpu.memory_space<vmem_shared>>
      %dma_start3A_240 = arith.constant 0 : i32
      %dma_start3A_241 = arith.constant 0 : i32
      %dma_start3A_242 = tpu.memref_slice %arg9[%run_scoped3A_15, %dma_start3A_240, %dma_start3A_241] : memref<3x64x128xf32, #tpu.memory_space<vmem>> -> memref<1x64x128xf32, #tpu.memory_space<vmem>>
      %dma_start3A_243 = tpu.memref_squeeze %dma_start3A_242 : memref<1x64x128xf32, #tpu.memory_space<vmem>> -> memref<64x128xf32, #tpu.memory_space<vmem>>
      tpu.enqueue_dma source(%dma_start3A_243 : memref<64x128xf32, #tpu.memory_space<vmem>>) target(%dma_start3A_239 : memref<64x128xf32, #tpu.memory_space<vmem_shared>>) target_semaphore(%run_scoped3A_231 : memref<!tpu.dma_semaphore, #tpu.memory_space<semaphore_mem>>)
      %dma_wait3A_244 = arith.constant 0 : i32
      %dma_wait3A_245 = arith.constant 0 : i32
      %dma_wait3A_246 = tpu.memref_slice %arg9[%run_scoped3A_15, %dma_wait3A_244, %dma_wait3A_245] : memref<3x64x128xf32, #tpu.memory_space<vmem>> -> memref<1x64x128xf32, #tpu.memory_space<vmem>>
      %dma_wait3A_247 = tpu.memref_squeeze %dma_wait3A_246 : memref<1x64x128xf32, #tpu.memory_space<vmem>> -> memref<64x128xf32, #tpu.memory_space<vmem>>
      %dma_wait3A_248 = arith.constant 0 : i32
      %dma_wait3A_249 = tpu.memref_slice %arg11[%add3A_14, %dma_wait3A_248] : memref<10112x128xf32, #tpu.memory_space<vmem_shared>> -> memref<64x128xf32, #tpu.memory_space<vmem_shared>>
      %dma_wait3A_250 = arith.constant 0 : i32
      %dma_wait3A_251 = tpu.memref_slice %arg11[%add3A_14, %dma_wait3A_250] : memref<10112x128xf32, #tpu.memory_space<vmem_shared>> -> memref<64x128xf32, #tpu.memory_space<vmem_shared>>
      %dma_wait3A_252 = arith.constant 0 : i32
      %dma_wait3A_253 = arith.constant 0 : i32
      %dma_wait3A_254 = tpu.memref_slice %arg9[%run_scoped3A_15, %dma_wait3A_252, %dma_wait3A_253] : memref<3x64x128xf32, #tpu.memory_space<vmem>> -> memref<1x64x128xf32, #tpu.memory_space<vmem>>
      %dma_wait3A_255 = tpu.memref_squeeze %dma_wait3A_254 : memref<1x64x128xf32, #tpu.memory_space<vmem>> -> memref<64x128xf32, #tpu.memory_space<vmem>>
      tpu.wait_dma2 semaphore(%run_scoped3A_231 : memref<!tpu.dma_semaphore, #tpu.memory_space<semaphore_mem>>) src(%dma_wait3A_255 : memref<64x128xf32, #tpu.memory_space<vmem>>) dst(%dma_wait3A_251 : memref<64x128xf32, #tpu.memory_space<vmem_shared>>)
      tpu.yield
    }) : () -> ()
    %add3A_16 = arith.constant 256 : i32
    %add3A_17 = arith.addi %mul3A_2, %add3A_16 : i32
    %run_scoped3A_18 = arith.constant 0 : i32
    "tpu.region"() ({
      %run_scoped3A_231 = tpu.sem_alloc : memref<!tpu.dma_semaphore, #tpu.memory_space<semaphore_mem>>
      %dma_start3A_232 = arith.constant 0 : i32
      %dma_start3A_233 = arith.constant 0 : i32
      %dma_start3A_234 = tpu.memref_slice %arg9[%run_scoped3A_18, %dma_start3A_232, %dma_start3A_233] : memref<3x64x128xf32, #tpu.memory_space<vmem>> -> memref<1x64x128xf32, #tpu.memory_space<vmem>>
      %dma_start3A_235 = tpu.memref_squeeze %dma_start3A_234 : memref<1x64x128xf32, #tpu.memory_space<vmem>> -> memref<64x128xf32, #tpu.memory_space<vmem>>
      %dma_start3A_236 = arith.constant 0 : i32
      %dma_start3A_237 = tpu.memref_slice %arg11[%add3A_17, %dma_start3A_236] : memref<10112x128xf32, #tpu.memory_space<vmem_shared>> -> memref<64x128xf32, #tpu.memory_space<vmem_shared>>
      %dma_start3A_238 = arith.constant 0 : i32
      %dma_start3A_239 = tpu.memref_slice %arg11[%add3A_17, %dma_start3A_238] : memref<10112x128xf32, #tpu.memory_space<vmem_shared>> -> memref<64x128xf32, #tpu.memory_space<vmem_shared>>
      %dma_start3A_240 = arith.constant 0 : i32
      %dma_start3A_241 = arith.constant 0 : i32
      %dma_start3A_242 = tpu.memref_slice %arg9[%run_scoped3A_18, %dma_start3A_240, %dma_start3A_241] : memref<3x64x128xf32, #tpu.memory_space<vmem>> -> memref<1x64x128xf32, #tpu.memory_space<vmem>>
      %dma_start3A_243 = tpu.memref_squeeze %dma_start3A_242 : memref<1x64x128xf32, #tpu.memory_space<vmem>> -> memref<64x128xf32, #tpu.memory_space<vmem>>
      tpu.enqueue_dma source(%dma_start3A_243 : memref<64x128xf32, #tpu.memory_space<vmem>>) target(%dma_start3A_239 : memref<64x128xf32, #tpu.memory_space<vmem_shared>>) target_semaphore(%run_scoped3A_231 : memref<!tpu.dma_semaphore, #tpu.memory_space<semaphore_mem>>)
      %dma_wait3A_244 = arith.constant 0 : i32
      %dma_wait3A_245 = arith.constant 0 : i32
      %dma_wait3A_246 = tpu.memref_slice %arg9[%run_scoped3A_18, %dma_wait3A_244, %dma_wait3A_245] : memref<3x64x128xf32, #tpu.memory_space<vmem>> -> memref<1x64x128xf32, #tpu.memory_space<vmem>>
      %dma_wait3A_247 = tpu.memref_squeeze %dma_wait3A_246 : memref<1x64x128xf32, #tpu.memory_space<vmem>> -> memref<64x128xf32, #tpu.memory_space<vmem>>
      %dma_wait3A_248 = arith.constant 0 : i32
      %dma_wait3A_249 = tpu.memref_slice %arg11[%add3A_17, %dma_wait3A_248] : memref<10112x128xf32, #tpu.memory_space<vmem_shared>> -> memref<64x128xf32, #tpu.memory_space<vmem_shared>>
      %dma_wait3A_250 = arith.constant 0 : i32
      %dma_wait3A_251 = tpu.memref_slice %arg11[%add3A_17, %dma_wait3A_250] : memref<10112x128xf32, #tpu.memory_space<vmem_shared>> -> memref<64x128xf32, #tpu.memory_space<vmem_shared>>
      %dma_wait3A_252 = arith.constant 0 : i32
      %dma_wait3A_253 = arith.constant 0 : i32
      %dma_wait3A_254 = tpu.memref_slice %arg9[%run_scoped3A_18, %dma_wait3A_252, %dma_wait3A_253] : memref<3x64x128xf32, #tpu.memory_space<vmem>> -> memref<1x64x128xf32, #tpu.memory_space<vmem>>
      %dma_wait3A_255 = tpu.memref_squeeze %dma_wait3A_254 : memref<1x64x128xf32, #tpu.memory_space<vmem>> -> memref<64x128xf32, #tpu.memory_space<vmem>>
      tpu.wait_dma2 semaphore(%run_scoped3A_231 : memref<!tpu.dma_semaphore, #tpu.memory_space<semaphore_mem>>) src(%dma_wait3A_255 : memref<64x128xf32, #tpu.memory_space<vmem>>) dst(%dma_wait3A_251 : memref<64x128xf32, #tpu.memory_space<vmem_shared>>)
      tpu.yield
    }) : () -> ()
    %add3A_19 = arith.constant 320 : i32
    %add3A_20 = arith.addi %mul3A_2, %add3A_19 : i32
    %run_scoped3A_21 = arith.constant 0 : i32
    "tpu.region"() ({
      %run_scoped3A_231 = tpu.sem_alloc : memref<!tpu.dma_semaphore, #tpu.memory_space<semaphore_mem>>
      %dma_start3A_232 = arith.constant 0 : i32
      %dma_start3A_233 = arith.constant 0 : i32
      %dma_start3A_234 = tpu.memref_slice %arg9[%run_scoped3A_21, %dma_start3A_232, %dma_start3A_233] : memref<3x64x128xf32, #tpu.memory_space<vmem>> -> memref<1x64x128xf32, #tpu.memory_space<vmem>>
      %dma_start3A_235 = tpu.memref_squeeze %dma_start3A_234 : memref<1x64x128xf32, #tpu.memory_space<vmem>> -> memref<64x128xf32, #tpu.memory_space<vmem>>
      %dma_start3A_236 = arith.constant 0 : i32
      %dma_start3A_237 = tpu.memref_slice %arg11[%add3A_20, %dma_start3A_236] : memref<10112x128xf32, #tpu.memory_space<vmem_shared>> -> memref<64x128xf32, #tpu.memory_space<vmem_shared>>
      %dma_start3A_238 = arith.constant 0 : i32
      %dma_start3A_239 = tpu.memref_slice %arg11[%add3A_20, %dma_start3A_238] : memref<10112x128xf32, #tpu.memory_space<vmem_shared>> -> memref<64x128xf32, #tpu.memory_space<vmem_shared>>
      %dma_start3A_240 = arith.constant 0 : i32
      %dma_start3A_241 = arith.constant 0 : i32
      %dma_start3A_242 = tpu.memref_slice %arg9[%run_scoped3A_21, %dma_start3A_240, %dma_start3A_241] : memref<3x64x128xf32, #tpu.memory_space<vmem>> -> memref<1x64x128xf32, #tpu.memory_space<vmem>>
      %dma_start3A_243 = tpu.memref_squeeze %dma_start3A_242 : memref<1x64x128xf32, #tpu.memory_space<vmem>> -> memref<64x128xf32, #tpu.memory_space<vmem>>
      tpu.enqueue_dma source(%dma_start3A_243 : memref<64x128xf32, #tpu.memory_space<vmem>>) target(%dma_start3A_239 : memref<64x128xf32, #tpu.memory_space<vmem_shared>>) target_semaphore(%run_scoped3A_231 : memref<!tpu.dma_semaphore, #tpu.memory_space<semaphore_mem>>)
      %dma_wait3A_244 = arith.constant 0 : i32
      %dma_wait3A_245 = arith.constant 0 : i32
      %dma_wait3A_246 = tpu.memref_slice %arg9[%run_scoped3A_21, %dma_wait3A_244, %dma_wait3A_245] : memref<3x64x128xf32, #tpu.memory_space<vmem>> -> memref<1x64x128xf32, #tpu.memory_space<vmem>>
      %dma_wait3A_247 = tpu.memref_squeeze %dma_wait3A_246 : memref<1x64x128xf32, #tpu.memory_space<vmem>> -> memref<64x128xf32, #tpu.memory_space<vmem>>
      %dma_wait3A_248 = arith.constant 0 : i32
      %dma_wait3A_249 = tpu.memref_slice %arg11[%add3A_20, %dma_wait3A_248] : memref<10112x128xf32, #tpu.memory_space<vmem_shared>> -> memref<64x128xf32, #tpu.memory_space<vmem_shared>>
      %dma_wait3A_250 = arith.constant 0 : i32
      %dma_wait3A_251 = tpu.memref_slice %arg11[%add3A_20, %dma_wait3A_250] : memref<10112x128xf32, #tpu.memory_space<vmem_shared>> -> memref<64x128xf32, #tpu.memory_space<vmem_shared>>
      %dma_wait3A_252 = arith.constant 0 : i32
      %dma_wait3A_253 = arith.constant 0 : i32
      %dma_wait3A_254 = tpu.memref_slice %arg9[%run_scoped3A_21, %dma_wait3A_252, %dma_wait3A_253] : memref<3x64x128xf32, #tpu.memory_space<vmem>> -> memref<1x64x128xf32, #tpu.memory_space<vmem>>
      %dma_wait3A_255 = tpu.memref_squeeze %dma_wait3A_254 : memref<1x64x128xf32, #tpu.memory_space<vmem>> -> memref<64x128xf32, #tpu.memory_space<vmem>>
      tpu.wait_dma2 semaphore(%run_scoped3A_231 : memref<!tpu.dma_semaphore, #tpu.memory_space<semaphore_mem>>) src(%dma_wait3A_255 : memref<64x128xf32, #tpu.memory_space<vmem>>) dst(%dma_wait3A_251 : memref<64x128xf32, #tpu.memory_space<vmem_shared>>)
      tpu.yield
    }) : () -> ()
    %add3A_22 = arith.constant 384 : i32
    %add3A_23 = arith.addi %mul3A_2, %add3A_22 : i32
    %run_scoped3A_24 = arith.constant 0 : i32
    "tpu.region"() ({
      %run_scoped3A_231 = tpu.sem_alloc : memref<!tpu.dma_semaphore, #tpu.memory_space<semaphore_mem>>
      %dma_start3A_232 = arith.constant 0 : i32
      %dma_start3A_233 = arith.constant 0 : i32
      %dma_start3A_234 = tpu.memref_slice %arg9[%run_scoped3A_24, %dma_start3A_232, %dma_start3A_233] : memref<3x64x128xf32, #tpu.memory_space<vmem>> -> memref<1x64x128xf32, #tpu.memory_space<vmem>>
      %dma_start3A_235 = tpu.memref_squeeze %dma_start3A_234 : memref<1x64x128xf32, #tpu.memory_space<vmem>> -> memref<64x128xf32, #tpu.memory_space<vmem>>
      %dma_start3A_236 = arith.constant 0 : i32
      %dma_start3A_237 = tpu.memref_slice %arg11[%add3A_23, %dma_start3A_236] : memref<10112x128xf32, #tpu.memory_space<vmem_shared>> -> memref<64x128xf32, #tpu.memory_space<vmem_shared>>
      %dma_start3A_238 = arith.constant 0 : i32
      %dma_start3A_239 = tpu.memref_slice %arg11[%add3A_23, %dma_start3A_238] : memref<10112x128xf32, #tpu.memory_space<vmem_shared>> -> memref<64x128xf32, #tpu.memory_space<vmem_shared>>
      %dma_start3A_240 = arith.constant 0 : i32
      %dma_start3A_241 = arith.constant 0 : i32
      %dma_start3A_242 = tpu.memref_slice %arg9[%run_scoped3A_24, %dma_start3A_240, %dma_start3A_241] : memref<3x64x128xf32, #tpu.memory_space<vmem>> -> memref<1x64x128xf32, #tpu.memory_space<vmem>>
      %dma_start3A_243 = tpu.memref_squeeze %dma_start3A_242 : memref<1x64x128xf32, #tpu.memory_space<vmem>> -> memref<64x128xf32, #tpu.memory_space<vmem>>
      tpu.enqueue_dma source(%dma_start3A_243 : memref<64x128xf32, #tpu.memory_space<vmem>>) target(%dma_start3A_239 : memref<64x128xf32, #tpu.memory_space<vmem_shared>>) target_semaphore(%run_scoped3A_231 : memref<!tpu.dma_semaphore, #tpu.memory_space<semaphore_mem>>)
      %dma_wait3A_244 = arith.constant 0 : i32
      %dma_wait3A_245 = arith.constant 0 : i32
      %dma_wait3A_246 = tpu.memref_slice %arg9[%run_scoped3A_24, %dma_wait3A_244, %dma_wait3A_245] : memref<3x64x128xf32, #tpu.memory_space<vmem>> -> memref<1x64x128xf32, #tpu.memory_space<vmem>>
      %dma_wait3A_247 = tpu.memref_squeeze %dma_wait3A_246 : memref<1x64x128xf32, #tpu.memory_space<vmem>> -> memref<64x128xf32, #tpu.memory_space<vmem>>
      %dma_wait3A_248 = arith.constant 0 : i32
      %dma_wait3A_249 = tpu.memref_slice %arg11[%add3A_23, %dma_wait3A_248] : memref<10112x128xf32, #tpu.memory_space<vmem_shared>> -> memref<64x128xf32, #tpu.memory_space<vmem_shared>>
      %dma_wait3A_250 = arith.constant 0 : i32
      %dma_wait3A_251 = tpu.memref_slice %arg11[%add3A_23, %dma_wait3A_250] : memref<10112x128xf32, #tpu.memory_space<vmem_shared>> -> memref<64x128xf32, #tpu.memory_space<vmem_shared>>
      %dma_wait3A_252 = arith.constant 0 : i32
      %dma_wait3A_253 = arith.constant 0 : i32
      %dma_wait3A_254 = tpu.memref_slice %arg9[%run_scoped3A_24, %dma_wait3A_252, %dma_wait3A_253] : memref<3x64x128xf32, #tpu.memory_space<vmem>> -> memref<1x64x128xf32, #tpu.memory_space<vmem>>
      %dma_wait3A_255 = tpu.memref_squeeze %dma_wait3A_254 : memref<1x64x128xf32, #tpu.memory_space<vmem>> -> memref<64x128xf32, #tpu.memory_space<vmem>>
      tpu.wait_dma2 semaphore(%run_scoped3A_231 : memref<!tpu.dma_semaphore, #tpu.memory_space<semaphore_mem>>) src(%dma_wait3A_255 : memref<64x128xf32, #tpu.memory_space<vmem>>) dst(%dma_wait3A_251 : memref<64x128xf32, #tpu.memory_space<vmem_shared>>)
      tpu.yield
    }) : () -> ()
    %add3A_25 = arith.constant 448 : i32
    %add3A_26 = arith.addi %mul3A_2, %add3A_25 : i32
    %run_scoped3A_27 = arith.constant 0 : i32
    "tpu.region"() ({
      %run_scoped3A_231 = tpu.sem_alloc : memref<!tpu.dma_semaphore, #tpu.memory_space<semaphore_mem>>
      %dma_start3A_232 = arith.constant 0 : i32
      %dma_start3A_233 = arith.constant 0 : i32
      %dma_start3A_234 = tpu.memref_slice %arg9[%run_scoped3A_27, %dma_start3A_232, %dma_start3A_233] : memref<3x64x128xf32, #tpu.memory_space<vmem>> -> memref<1x64x128xf32, #tpu.memory_space<vmem>>
      %dma_start3A_235 = tpu.memref_squeeze %dma_start3A_234 : memref<1x64x128xf32, #tpu.memory_space<vmem>> -> memref<64x128xf32, #tpu.memory_space<vmem>>
      %dma_start3A_236 = arith.constant 0 : i32
      %dma_start3A_237 = tpu.memref_slice %arg11[%add3A_26, %dma_start3A_236] : memref<10112x128xf32, #tpu.memory_space<vmem_shared>> -> memref<64x128xf32, #tpu.memory_space<vmem_shared>>
      %dma_start3A_238 = arith.constant 0 : i32
      %dma_start3A_239 = tpu.memref_slice %arg11[%add3A_26, %dma_start3A_238] : memref<10112x128xf32, #tpu.memory_space<vmem_shared>> -> memref<64x128xf32, #tpu.memory_space<vmem_shared>>
      %dma_start3A_240 = arith.constant 0 : i32
      %dma_start3A_241 = arith.constant 0 : i32
      %dma_start3A_242 = tpu.memref_slice %arg9[%run_scoped3A_27, %dma_start3A_240, %dma_start3A_241] : memref<3x64x128xf32, #tpu.memory_space<vmem>> -> memref<1x64x128xf32, #tpu.memory_space<vmem>>
      %dma_start3A_243 = tpu.memref_squeeze %dma_start3A_242 : memref<1x64x128xf32, #tpu.memory_space<vmem>> -> memref<64x128xf32, #tpu.memory_space<vmem>>
      tpu.enqueue_dma source(%dma_start3A_243 : memref<64x128xf32, #tpu.memory_space<vmem>>) target(%dma_start3A_239 : memref<64x128xf32, #tpu.memory_space<vmem_shared>>) target_semaphore(%run_scoped3A_231 : memref<!tpu.dma_semaphore, #tpu.memory_space<semaphore_mem>>)
      %dma_wait3A_244 = arith.constant 0 : i32
      %dma_wait3A_245 = arith.constant 0 : i32
      %dma_wait3A_246 = tpu.memref_slice %arg9[%run_scoped3A_27, %dma_wait3A_244, %dma_wait3A_245] : memref<3x64x128xf32, #tpu.memory_space<vmem>> -> memref<1x64x128xf32, #tpu.memory_space<vmem>>
      %dma_wait3A_247 = tpu.memref_squeeze %dma_wait3A_246 : memref<1x64x128xf32, #tpu.memory_space<vmem>> -> memref<64x128xf32, #tpu.memory_space<vmem>>
      %dma_wait3A_248 = arith.constant 0 : i32
      %dma_wait3A_249 = tpu.memref_slice %arg11[%add3A_26, %dma_wait3A_248] : memref<10112x128xf32, #tpu.memory_space<vmem_shared>> -> memref<64x128xf32, #tpu.memory_space<vmem_shared>>
      %dma_wait3A_250 = arith.constant 0 : i32
      %dma_wait3A_251 = tpu.memref_slice %arg11[%add3A_26, %dma_wait3A_250] : memref<10112x128xf32, #tpu.memory_space<vmem_shared>> -> memref<64x128xf32, #tpu.memory_space<vmem_shared>>
      %dma_wait3A_252 = arith.constant 0 : i32
      %dma_wait3A_253 = arith.constant 0 : i32
      %dma_wait3A_254 = tpu.memref_slice %arg9[%run_scoped3A_27, %dma_wait3A_252, %dma_wait3A_253] : memref<3x64x128xf32, #tpu.memory_space<vmem>> -> memref<1x64x128xf32, #tpu.memory_space<vmem>>
      %dma_wait3A_255 = tpu.memref_squeeze %dma_wait3A_254 : memref<1x64x128xf32, #tpu.memory_space<vmem>> -> memref<64x128xf32, #tpu.memory_space<vmem>>
      tpu.wait_dma2 semaphore(%run_scoped3A_231 : memref<!tpu.dma_semaphore, #tpu.memory_space<semaphore_mem>>) src(%dma_wait3A_255 : memref<64x128xf32, #tpu.memory_space<vmem>>) dst(%dma_wait3A_251 : memref<64x128xf32, #tpu.memory_space<vmem_shared>>)
      tpu.yield
    }) : () -> ()
    %add3A_28 = arith.constant 512 : i32
    %add3A_29 = arith.addi %mul3A_2, %add3A_28 : i32
    %run_scoped3A_30 = arith.constant 0 : i32
    "tpu.region"() ({
      %run_scoped3A_231 = tpu.sem_alloc : memref<!tpu.dma_semaphore, #tpu.memory_space<semaphore_mem>>
      %dma_start3A_232 = arith.constant 0 : i32
      %dma_start3A_233 = arith.constant 0 : i32
      %dma_start3A_234 = tpu.memref_slice %arg9[%run_scoped3A_30, %dma_start3A_232, %dma_start3A_233] : memref<3x64x128xf32, #tpu.memory_space<vmem>> -> memref<1x64x128xf32, #tpu.memory_space<vmem>>
      %dma_start3A_235 = tpu.memref_squeeze %dma_start3A_234 : memref<1x64x128xf32, #tpu.memory_space<vmem>> -> memref<64x128xf32, #tpu.memory_space<vmem>>
      %dma_start3A_236 = arith.constant 0 : i32
      %dma_start3A_237 = tpu.memref_slice %arg11[%add3A_29, %dma_start3A_236] : memref<10112x128xf32, #tpu.memory_space<vmem_shared>> -> memref<64x128xf32, #tpu.memory_space<vmem_shared>>
      %dma_start3A_238 = arith.constant 0 : i32
      %dma_start3A_239 = tpu.memref_slice %arg11[%add3A_29, %dma_start3A_238] : memref<10112x128xf32, #tpu.memory_space<vmem_shared>> -> memref<64x128xf32, #tpu.memory_space<vmem_shared>>
      %dma_start3A_240 = arith.constant 0 : i32
      %dma_start3A_241 = arith.constant 0 : i32
      %dma_start3A_242 = tpu.memref_slice %arg9[%run_scoped3A_30, %dma_start3A_240, %dma_start3A_241] : memref<3x64x128xf32, #tpu.memory_space<vmem>> -> memref<1x64x128xf32, #tpu.memory_space<vmem>>
      %dma_start3A_243 = tpu.memref_squeeze %dma_start3A_242 : memref<1x64x128xf32, #tpu.memory_space<vmem>> -> memref<64x128xf32, #tpu.memory_space<vmem>>
      tpu.enqueue_dma source(%dma_start3A_243 : memref<64x128xf32, #tpu.memory_space<vmem>>) target(%dma_start3A_239 : memref<64x128xf32, #tpu.memory_space<vmem_shared>>) target_semaphore(%run_scoped3A_231 : memref<!tpu.dma_semaphore, #tpu.memory_space<semaphore_mem>>)
      %dma_wait3A_244 = arith.constant 0 : i32
      %dma_wait3A_245 = arith.constant 0 : i32
      %dma_wait3A_246 = tpu.memref_slice %arg9[%run_scoped3A_30, %dma_wait3A_244, %dma_wait3A_245] : memref<3x64x128xf32, #tpu.memory_space<vmem>> -> memref<1x64x128xf32, #tpu.memory_space<vmem>>
      %dma_wait3A_247 = tpu.memref_squeeze %dma_wait3A_246 : memref<1x64x128xf32, #tpu.memory_space<vmem>> -> memref<64x128xf32, #tpu.memory_space<vmem>>
      %dma_wait3A_248 = arith.constant 0 : i32
      %dma_wait3A_249 = tpu.memref_slice %arg11[%add3A_29, %dma_wait3A_248] : memref<10112x128xf32, #tpu.memory_space<vmem_shared>> -> memref<64x128xf32, #tpu.memory_space<vmem_shared>>
      %dma_wait3A_250 = arith.constant 0 : i32
      %dma_wait3A_251 = tpu.memref_slice %arg11[%add3A_29, %dma_wait3A_250] : memref<10112x128xf32, #tpu.memory_space<vmem_shared>> -> memref<64x128xf32, #tpu.memory_space<vmem_shared>>
      %dma_wait3A_252 = arith.constant 0 : i32
      %dma_wait3A_253 = arith.constant 0 : i32
      %dma_wait3A_254 = tpu.memref_slice %arg9[%run_scoped3A_30, %dma_wait3A_252, %dma_wait3A_253] : memref<3x64x128xf32, #tpu.memory_space<vmem>> -> memref<1x64x128xf32, #tpu.memory_space<vmem>>
      %dma_wait3A_255 = tpu.memref_squeeze %dma_wait3A_254 : memref<1x64x128xf32, #tpu.memory_space<vmem>> -> memref<64x128xf32, #tpu.memory_space<vmem>>
      tpu.wait_dma2 semaphore(%run_scoped3A_231 : memref<!tpu.dma_semaphore, #tpu.memory_space<semaphore_mem>>) src(%dma_wait3A_255 : memref<64x128xf32, #tpu.memory_space<vmem>>) dst(%dma_wait3A_251 : memref<64x128xf32, #tpu.memory_space<vmem_shared>>)
      tpu.yield
    }) : () -> ()
    %add3A_31 = arith.constant 576 : i32
    %add3A_32 = arith.addi %mul3A_2, %add3A_31 : i32
    %run_scoped3A_33 = arith.constant 0 : i32
    "tpu.region"() ({
      %run_scoped3A_231 = tpu.sem_alloc : memref<!tpu.dma_semaphore, #tpu.memory_space<semaphore_mem>>
      %dma_start3A_232 = arith.constant 0 : i32
      %dma_start3A_233 = arith.constant 0 : i32
      %dma_start3A_234 = tpu.memref_slice %arg9[%run_scoped3A_33, %dma_start3A_232, %dma_start3A_233] : memref<3x64x128xf32, #tpu.memory_space<vmem>> -> memref<1x56x128xf32, #tpu.memory_space<vmem>>
      %dma_start3A_235 = tpu.memref_squeeze %dma_start3A_234 : memref<1x56x128xf32, #tpu.memory_space<vmem>> -> memref<56x128xf32, #tpu.memory_space<vmem>>
      %dma_start3A_236 = arith.constant 0 : i32
      %dma_start3A_237 = tpu.memref_slice %arg11[%add3A_32, %dma_start3A_236] : memref<10112x128xf32, #tpu.memory_space<vmem_shared>> -> memref<56x128xf32, #tpu.memory_space<vmem_shared>>
      %dma_start3A_238 = arith.constant 0 : i32
      %dma_start3A_239 = tpu.memref_slice %arg11[%add3A_32, %dma_start3A_238] : memref<10112x128xf32, #tpu.memory_space<vmem_shared>> -> memref<56x128xf32, #tpu.memory_space<vmem_shared>>
      %dma_start3A_240 = arith.constant 0 : i32
      %dma_start3A_241 = arith.constant 0 : i32
      %dma_start3A_242 = tpu.memref_slice %arg9[%run_scoped3A_33, %dma_start3A_240, %dma_start3A_241] : memref<3x64x128xf32, #tpu.memory_space<vmem>> -> memref<1x56x128xf32, #tpu.memory_space<vmem>>
      %dma_start3A_243 = tpu.memref_squeeze %dma_start3A_242 : memref<1x56x128xf32, #tpu.memory_space<vmem>> -> memref<56x128xf32, #tpu.memory_space<vmem>>
      tpu.enqueue_dma source(%dma_start3A_243 : memref<56x128xf32, #tpu.memory_space<vmem>>) target(%dma_start3A_239 : memref<56x128xf32, #tpu.memory_space<vmem_shared>>) target_semaphore(%run_scoped3A_231 : memref<!tpu.dma_semaphore, #tpu.memory_space<semaphore_mem>>)
      %dma_wait3A_244 = arith.constant 0 : i32
      %dma_wait3A_245 = arith.constant 0 : i32
      %dma_wait3A_246 = tpu.memref_slice %arg9[%run_scoped3A_33, %dma_wait3A_244, %dma_wait3A_245] : memref<3x64x128xf32, #tpu.memory_space<vmem>> -> memref<1x56x128xf32, #tpu.memory_space<vmem>>
      %dma_wait3A_247 = tpu.memref_squeeze %dma_wait3A_246 : memref<1x56x128xf32, #tpu.memory_space<vmem>> -> memref<56x128xf32, #tpu.memory_space<vmem>>
      %dma_wait3A_248 = arith.constant 0 : i32
      %dma_wait3A_249 = tpu.memref_slice %arg11[%add3A_32, %dma_wait3A_248] : memref<10112x128xf32, #tpu.memory_space<vmem_shared>> -> memref<56x128xf32, #tpu.memory_space<vmem_shared>>
      %dma_wait3A_250 = arith.constant 0 : i32
      %dma_wait3A_251 = tpu.memref_slice %arg11[%add3A_32, %dma_wait3A_250] : memref<10112x128xf32, #tpu.memory_space<vmem_shared>> -> memref<56x128xf32, #tpu.memory_space<vmem_shared>>
      %dma_wait3A_252 = arith.constant 0 : i32
      %dma_wait3A_253 = arith.constant 0 : i32
      %dma_wait3A_254 = tpu.memref_slice %arg9[%run_scoped3A_33, %dma_wait3A_252, %dma_wait3A_253] : memref<3x64x128xf32, #tpu.memory_space<vmem>> -> memref<1x56x128xf32, #tpu.memory_space<vmem>>
      %dma_wait3A_255 = tpu.memref_squeeze %dma_wait3A_254 : memref<1x56x128xf32, #tpu.memory_space<vmem>> -> memref<56x128xf32, #tpu.memory_space<vmem>>
      tpu.wait_dma2 semaphore(%run_scoped3A_231 : memref<!tpu.dma_semaphore, #tpu.memory_space<semaphore_mem>>) src(%dma_wait3A_255 : memref<56x128xf32, #tpu.memory_space<vmem>>) dst(%dma_wait3A_251 : memref<56x128xf32, #tpu.memory_space<vmem_shared>>)
      tpu.yield
    }) : () -> ()
    %barrier3A = arith.constant 0 : index
    tpu.barrier barrier_id(%barrier3A)
    %mul3A_34 = arith.constant 10368 : i32
    %mul3A_35 = arith.muli %add3A, %mul3A_34 : i32
    %add3A_36 = arith.constant 0 : i32
    %add3A_37 = arith.addi %mul3A_35, %add3A_36 : i32
    %dma_start3A = arith.constant 0 : i32
    %dma_start3A_38 = arith.constant 0 : i32
    %dma_start3A_39 = arith.constant 0 : i32
    %dma_start3A_40 = tpu.memref_slice %arg7[%dma_start3A, %dma_start3A_39] : memref<2x64xi32, #tpu.memory_space<vmem>> -> memref<1x64xi32, #tpu.memory_space<vmem>>
    %dma_start3A_41 = tpu.memref_squeeze %dma_start3A_40 : memref<1x64xi32, #tpu.memory_space<vmem>> -> memref<64xi32, #tpu.memory_space<vmem>>
    %dma_start3A_42 = tpu.memref_slice %arg4[%add3A_37] : memref<331776xi32, #tpu.memory_space<hbm>> -> memref<64xi32, #tpu.memory_space<hbm>>
    %dma_start3A_43 = tpu.memref_slice %arg12[%dma_start3A_38] : memref<2x!tpu.dma_semaphore, #tpu.memory_space<semaphore_mem>> -> memref<1x!tpu.dma_semaphore, #tpu.memory_space<semaphore_mem>>
    %dma_start3A_44 = tpu.memref_squeeze %dma_start3A_43 : memref<1x!tpu.dma_semaphore, #tpu.memory_space<semaphore_mem>> -> memref<!tpu.dma_semaphore, #tpu.memory_space<semaphore_mem>>
    %dma_start3A_45 = arith.constant 0 : i32
    %dma_start3A_46 = tpu.memref_slice %arg7[%dma_start3A, %dma_start3A_45] : memref<2x64xi32, #tpu.memory_space<vmem>> -> memref<1x64xi32, #tpu.memory_space<vmem>>
    %dma_start3A_47 = tpu.memref_squeeze %dma_start3A_46 : memref<1x64xi32, #tpu.memory_space<vmem>> -> memref<64xi32, #tpu.memory_space<vmem>>
    %dma_start3A_48 = tpu.memref_slice %arg4[%add3A_37] : memref<331776xi32, #tpu.memory_space<hbm>> -> memref<64xi32, #tpu.memory_space<hbm>>
    tpu.enqueue_dma source(%dma_start3A_48 : memref<64xi32, #tpu.memory_space<hbm>>) target(%dma_start3A_47 : memref<64xi32, #tpu.memory_space<vmem>>) target_semaphore(%dma_start3A_44 : memref<!tpu.dma_semaphore, #tpu.memory_space<semaphore_mem>>)
    %dma_start3A_49 = arith.constant 0 : i32
    %dma_start3A_50 = arith.constant 0 : i32
    %dma_start3A_51 = arith.constant 0 : i32
    %dma_start3A_52 = tpu.memref_slice %arg8[%dma_start3A_49, %dma_start3A_51] : memref<3x64xi32, #tpu.memory_space<vmem>> -> memref<1x64xi32, #tpu.memory_space<vmem>>
    %dma_start3A_53 = tpu.memref_squeeze %dma_start3A_52 : memref<1x64xi32, #tpu.memory_space<vmem>> -> memref<64xi32, #tpu.memory_space<vmem>>
    %dma_start3A_54 = tpu.memref_slice %arg5[%add3A_37] : memref<331776xi32, #tpu.memory_space<hbm>> -> memref<64xi32, #tpu.memory_space<hbm>>
    %dma_start3A_55 = tpu.memref_slice %arg12[%dma_start3A_50] : memref<2x!tpu.dma_semaphore, #tpu.memory_space<semaphore_mem>> -> memref<1x!tpu.dma_semaphore, #tpu.memory_space<semaphore_mem>>
    %dma_start3A_56 = tpu.memref_squeeze %dma_start3A_55 : memref<1x!tpu.dma_semaphore, #tpu.memory_space<semaphore_mem>> -> memref<!tpu.dma_semaphore, #tpu.memory_space<semaphore_mem>>
    %dma_start3A_57 = arith.constant 0 : i32
    %dma_start3A_58 = tpu.memref_slice %arg8[%dma_start3A_49, %dma_start3A_57] : memref<3x64xi32, #tpu.memory_space<vmem>> -> memref<1x64xi32, #tpu.memory_space<vmem>>
    %dma_start3A_59 = tpu.memref_squeeze %dma_start3A_58 : memref<1x64xi32, #tpu.memory_space<vmem>> -> memref<64xi32, #tpu.memory_space<vmem>>
    %dma_start3A_60 = tpu.memref_slice %arg5[%add3A_37] : memref<331776xi32, #tpu.memory_space<hbm>> -> memref<64xi32, #tpu.memory_space<hbm>>
    tpu.enqueue_dma source(%dma_start3A_60 : memref<64xi32, #tpu.memory_space<hbm>>) target(%dma_start3A_59 : memref<64xi32, #tpu.memory_space<vmem>>) target_semaphore(%dma_start3A_56 : memref<!tpu.dma_semaphore, #tpu.memory_space<semaphore_mem>>)
    %dma_start3A_61 = arith.constant 0 : i32
    %dma_start3A_62 = arith.constant 0 : i32
    %dma_start3A_63 = arith.constant 0 : i32
    %dma_start3A_64 = arith.constant 0 : i32
    %dma_start3A_65 = tpu.memref_slice %arg10[%dma_start3A_61, %dma_start3A_63, %dma_start3A_64] : memref<2x64x128xf32, #tpu.memory_space<vmem>> -> memref<1x64x128xf32, #tpu.memory_space<vmem>>
    %dma_start3A_66 = tpu.memref_squeeze %dma_start3A_65 : memref<1x64x128xf32, #tpu.memory_space<vmem>> -> memref<64x128xf32, #tpu.memory_space<vmem>>
    %dma_start3A_67 = arith.constant 0 : i32
    %dma_start3A_68 = tpu.memref_slice %arg3[%add3A_37, %dma_start3A_67] : memref<331776x128xf32, #tpu.memory_space<hbm>> -> memref<64x128xf32, #tpu.memory_space<hbm>>
    %dma_start3A_69 = tpu.memref_slice %arg13[%dma_start3A_62] : memref<2x!tpu.dma_semaphore, #tpu.memory_space<semaphore_mem>> -> memref<1x!tpu.dma_semaphore, #tpu.memory_space<semaphore_mem>>
    %dma_start3A_70 = tpu.memref_squeeze %dma_start3A_69 : memref<1x!tpu.dma_semaphore, #tpu.memory_space<semaphore_mem>> -> memref<!tpu.dma_semaphore, #tpu.memory_space<semaphore_mem>>
    %dma_start3A_71 = arith.constant 0 : i32
    %dma_start3A_72 = arith.constant 0 : i32
    %dma_start3A_73 = tpu.memref_slice %arg10[%dma_start3A_61, %dma_start3A_71, %dma_start3A_72] : memref<2x64x128xf32, #tpu.memory_space<vmem>> -> memref<1x64x128xf32, #tpu.memory_space<vmem>>
    %dma_start3A_74 = tpu.memref_squeeze %dma_start3A_73 : memref<1x64x128xf32, #tpu.memory_space<vmem>> -> memref<64x128xf32, #tpu.memory_space<vmem>>
    %dma_start3A_75 = arith.constant 0 : i32
    %dma_start3A_76 = tpu.memref_slice %arg3[%add3A_37, %dma_start3A_75] : memref<331776x128xf32, #tpu.memory_space<hbm>> -> memref<64x128xf32, #tpu.memory_space<hbm>>
    tpu.enqueue_dma source(%dma_start3A_76 : memref<64x128xf32, #tpu.memory_space<hbm>>) target(%dma_start3A_74 : memref<64x128xf32, #tpu.memory_space<vmem>>) target_semaphore(%dma_start3A_70 : memref<!tpu.dma_semaphore, #tpu.memory_space<semaphore_mem>>)
    %dma_wait3A = arith.constant 0 : i32
    %dma_wait3A_77 = arith.constant 0 : i32
    %dma_wait3A_78 = arith.constant 0 : i32
    %dma_wait3A_79 = tpu.memref_slice %arg7[%dma_wait3A, %dma_wait3A_78] : memref<2x64xi32, #tpu.memory_space<vmem>> -> memref<1x64xi32, #tpu.memory_space<vmem>>
    %dma_wait3A_80 = tpu.memref_squeeze %dma_wait3A_79 : memref<1x64xi32, #tpu.memory_space<vmem>> -> memref<64xi32, #tpu.memory_space<vmem>>
    %dma_wait3A_81 = arith.constant 0 : i32
    %dma_wait3A_82 = tpu.memref_slice %arg4[%dma_wait3A_81] : memref<331776xi32, #tpu.memory_space<hbm>> -> memref<64xi32, #tpu.memory_space<hbm>>
    %dma_wait3A_83 = tpu.memref_slice %arg12[%dma_wait3A_77] : memref<2x!tpu.dma_semaphore, #tpu.memory_space<semaphore_mem>> -> memref<1x!tpu.dma_semaphore, #tpu.memory_space<semaphore_mem>>
    %dma_wait3A_84 = tpu.memref_squeeze %dma_wait3A_83 : memref<1x!tpu.dma_semaphore, #tpu.memory_space<semaphore_mem>> -> memref<!tpu.dma_semaphore, #tpu.memory_space<semaphore_mem>>
    %dma_wait3A_85 = arith.constant 0 : i32
    %dma_wait3A_86 = tpu.memref_slice %arg7[%dma_wait3A, %dma_wait3A_85] : memref<2x64xi32, #tpu.memory_space<vmem>> -> memref<1x64xi32, #tpu.memory_space<vmem>>
    %dma_wait3A_87 = tpu.memref_squeeze %dma_wait3A_86 : memref<1x64xi32, #tpu.memory_space<vmem>> -> memref<64xi32, #tpu.memory_space<vmem>>
    %dma_wait3A_88 = arith.constant 0 : i32
    %dma_wait3A_89 = tpu.memref_slice %arg4[%dma_wait3A_88] : memref<331776xi32, #tpu.memory_space<hbm>> -> memref<64xi32, #tpu.memory_space<hbm>>
    tpu.wait_dma2 semaphore(%dma_wait3A_84 : memref<!tpu.dma_semaphore, #tpu.memory_space<semaphore_mem>>) src(%dma_wait3A_89 : memref<64xi32, #tpu.memory_space<hbm>>) dst(%dma_wait3A_87 : memref<64xi32, #tpu.memory_space<vmem>>)
    %dma_wait3A_90 = arith.constant 0 : i32
    %dma_wait3A_91 = arith.constant 0 : i32
    %dma_wait3A_92 = arith.constant 0 : i32
    %dma_wait3A_93 = tpu.memref_slice %arg8[%dma_wait3A_90, %dma_wait3A_92] : memref<3x64xi32, #tpu.memory_space<vmem>> -> memref<1x64xi32, #tpu.memory_space<vmem>>
    %dma_wait3A_94 = tpu.memref_squeeze %dma_wait3A_93 : memref<1x64xi32, #tpu.memory_space<vmem>> -> memref<64xi32, #tpu.memory_space<vmem>>
    %dma_wait3A_95 = arith.constant 0 : i32
    %dma_wait3A_96 = tpu.memref_slice %arg5[%dma_wait3A_95] : memref<331776xi32, #tpu.memory_space<hbm>> -> memref<64xi32, #tpu.memory_space<hbm>>
    %dma_wait3A_97 = tpu.memref_slice %arg12[%dma_wait3A_91] : memref<2x!tpu.dma_semaphore, #tpu.memory_space<semaphore_mem>> -> memref<1x!tpu.dma_semaphore, #tpu.memory_space<semaphore_mem>>
    %dma_wait3A_98 = tpu.memref_squeeze %dma_wait3A_97 : memref<1x!tpu.dma_semaphore, #tpu.memory_space<semaphore_mem>> -> memref<!tpu.dma_semaphore, #tpu.memory_space<semaphore_mem>>
    %dma_wait3A_99 = arith.constant 0 : i32
    %dma_wait3A_100 = tpu.memref_slice %arg8[%dma_wait3A_90, %dma_wait3A_99] : memref<3x64xi32, #tpu.memory_space<vmem>> -> memref<1x64xi32, #tpu.memory_space<vmem>>
    %dma_wait3A_101 = tpu.memref_squeeze %dma_wait3A_100 : memref<1x64xi32, #tpu.memory_space<vmem>> -> memref<64xi32, #tpu.memory_space<vmem>>
    %dma_wait3A_102 = arith.constant 0 : i32
    %dma_wait3A_103 = tpu.memref_slice %arg5[%dma_wait3A_102] : memref<331776xi32, #tpu.memory_space<hbm>> -> memref<64xi32, #tpu.memory_space<hbm>>
    tpu.wait_dma2 semaphore(%dma_wait3A_98 : memref<!tpu.dma_semaphore, #tpu.memory_space<semaphore_mem>>) src(%dma_wait3A_103 : memref<64xi32, #tpu.memory_space<hbm>>) dst(%dma_wait3A_101 : memref<64xi32, #tpu.memory_space<vmem>>)
    %dma_start3A_104 = arith.constant 0 : i32
    %dma_start3A_105 = arith.constant 0 : i32
    %dma_start3A_106 = arith.constant 0 : i32
    %dma_start3A_107 = arith.constant 0 : i32
    %dma_start3A_108 = arith.constant 0 : i32
    %dma_start3A_109 = tpu.memref_slice %arg9[%dma_start3A_105, %dma_start3A_107, %dma_start3A_108] : memref<3x64x128xf32, #tpu.memory_space<vmem>> -> memref<1x64x128xf32, #tpu.memory_space<vmem>>
    %dma_start3A_110 = tpu.memref_squeeze %dma_start3A_109 : memref<1x64x128xf32, #tpu.memory_space<vmem>> -> memref<64x128xf32, #tpu.memory_space<vmem>>
    %dma_start3A_111 = arith.constant 0 : i32
    %dma_start3A_112 = tpu.memref_slice %arg7[%dma_start3A_104, %dma_start3A_111] : memref<2x64xi32, #tpu.memory_space<vmem>> -> memref<1x64xi32, #tpu.memory_space<vmem>>
    %dma_start3A_113 = tpu.memref_squeeze %dma_start3A_112 : memref<1x64xi32, #tpu.memory_space<vmem>> -> memref<64xi32, #tpu.memory_space<vmem>>
    %dma_start3A_114 = arith.constant 0 : i32
    %dma_start3A_115 = arith.constant 0 : i32
    %dma_start3A_116 = tpu.memref_slice %arg2[%dma_start3A_114, %dma_start3A_115] : memref<10000x128xf32, #tpu.memory_space<hbm>> -> memref<10000x128xf32, #tpu.memory_space<hbm>>
    %dma_start3A_117 = tpu.memref_slice %arg14[%dma_start3A_106] : memref<3x!tpu.dma_semaphore, #tpu.memory_space<semaphore_mem>> -> memref<1x!tpu.dma_semaphore, #tpu.memory_space<semaphore_mem>>
    %dma_start3A_118 = tpu.memref_squeeze %dma_start3A_117 : memref<1x!tpu.dma_semaphore, #tpu.memory_space<semaphore_mem>> -> memref<!tpu.dma_semaphore, #tpu.memory_space<semaphore_mem>>
    tpu.enqueue_indirect_dma source(%dma_start3A_116 : memref<10000x128xf32, #tpu.memory_space<hbm>>) target(%dma_start3A_110 : memref<64x128xf32, #tpu.memory_space<vmem>>) offsets(%dma_start3A_113 : memref<64xi32, #tpu.memory_space<vmem>>) semaphore(%dma_start3A_118 : memref<!tpu.dma_semaphore, #tpu.memory_space<semaphore_mem>>)
    %scan3A = arith.constant 0 : i32
    %scan3A_119 = arith.constant 0 : i32
    %scan3A_120 = arith.constant 27 : i32
    %scan3A_121 = arith.addi %scan3A_119, %scan3A_120 : i32
    %scan3A_122 = arith.constant 1 : i32
    %scan3A_123 = scf.for %scan3A_231 = %scan3A_119 to %scan3A_121 step %scan3A_122 iter_args(%scan3A_232 = %scan3A) -> (i32)  : i32 {
      %mul3A_233 = arith.constant 6 : i32
      %mul3A_234 = arith.muli %mul3A_233, %scan3A_231 : i32
      %add3A_235 = arith.constant 0 : i32
      %add3A_236 = arith.addi %mul3A_234, %add3A_235 : i32
      %add3A_237 = arith.constant 1 : i32
      %add3A_238 = arith.addi %add3A_236, %add3A_237 : i32
      %ge3A = arith.constant 1 : i32
      %ge3A_239 = arith.cmpi sge, %scan3A_231, %ge3A : i32
      %convert_element_type3A = arith.extui %ge3A_239 : i1 to i32
      %cond3A = arith.constant 0 : i32
      %cond3A_240 = arith.cmpi ne, %convert_element_type3A, %cond3A : i32
      scf.if %cond3A_240 {
        %dma_wait3A_1062 = arith.constant 1 : i32
        %dma_wait3A_1063 = arith.constant 1 : i32
        %dma_wait3A_1064 = arith.constant 1 : i32
        %dma_wait3A_1065 = arith.constant 0 : i32
        %dma_wait3A_1066 = arith.constant 0 : i32
        %dma_wait3A_1067 = tpu.memref_slice %arg9[%dma_wait3A_1062, %dma_wait3A_1065, %dma_wait3A_1066] : memref<3x64x128xf32, #tpu.memory_space<vmem>> -> memref<1x64x128xf32, #tpu.memory_space<vmem>>
        %dma_wait3A_1068 = tpu.memref_squeeze %dma_wait3A_1067 : memref<1x64x128xf32, #tpu.memory_space<vmem>> -> memref<64x128xf32, #tpu.memory_space<vmem>>
        %dma_wait3A_1069 = arith.constant 0 : i32
        %dma_wait3A_1070 = tpu.memref_slice %arg8[%dma_wait3A_1063, %dma_wait3A_1069] : memref<3x64xi32, #tpu.memory_space<vmem>> -> memref<1x64xi32, #tpu.memory_space<vmem>>
        %dma_wait3A_1071 = tpu.memref_squeeze %dma_wait3A_1070 : memref<1x64xi32, #tpu.memory_space<vmem>> -> memref<64xi32, #tpu.memory_space<vmem>>
        %dma_wait3A_1072 = arith.constant 0 : i32
        %dma_wait3A_1073 = arith.constant 0 : i32
        %dma_wait3A_1074 = tpu.memref_slice %arg11[%dma_wait3A_1072, %dma_wait3A_1073] : memref<10112x128xf32, #tpu.memory_space<vmem_shared>> -> memref<10112x128xf32, #tpu.memory_space<vmem_shared>>
        %dma_wait3A_1075 = tpu.memref_slice %arg15[%dma_wait3A_1064] : memref<3x!tpu.dma_semaphore, #tpu.memory_space<semaphore_mem>> -> memref<1x!tpu.dma_semaphore, #tpu.memory_space<semaphore_mem>>
        %dma_wait3A_1076 = tpu.memref_squeeze %dma_wait3A_1075 : memref<1x!tpu.dma_semaphore, #tpu.memory_space<semaphore_mem>> -> memref<!tpu.dma_semaphore, #tpu.memory_space<semaphore_mem>>
        tpu.wait_indirect_dma semaphore(%dma_wait3A_1076 : memref<!tpu.dma_semaphore, #tpu.memory_space<semaphore_mem>>) src(%dma_wait3A_1068 : memref<64x128xf32, #tpu.memory_space<vmem>>) dst(%dma_wait3A_1074 : memref<10112x128xf32, #tpu.memory_space<vmem_shared>>)
      } else {
      }
      %mul3A_241 = arith.constant 64 : i32
      %mul3A_242 = arith.muli %add3A_238, %mul3A_241 : i32
      %add3A_243 = arith.addi %mul3A_35, %mul3A_242 : i32
      %dma_start3A_244 = arith.constant 1 : i32
      %dma_start3A_245 = arith.constant 1 : i32
      %dma_start3A_246 = arith.constant 0 : i32
      %dma_start3A_247 = tpu.memref_slice %arg7[%dma_start3A_244, %dma_start3A_246] : memref<2x64xi32, #tpu.memory_space<vmem>> -> memref<1x64xi32, #tpu.memory_space<vmem>>
      %dma_start3A_248 = tpu.memref_squeeze %dma_start3A_247 : memref<1x64xi32, #tpu.memory_space<vmem>> -> memref<64xi32, #tpu.memory_space<vmem>>
      %dma_start3A_249 = tpu.memref_slice %arg4[%add3A_243] : memref<331776xi32, #tpu.memory_space<hbm>> -> memref<64xi32, #tpu.memory_space<hbm>>
      %dma_start3A_250 = tpu.memref_slice %arg12[%dma_start3A_245] : memref<2x!tpu.dma_semaphore, #tpu.memory_space<semaphore_mem>> -> memref<1x!tpu.dma_semaphore, #tpu.memory_space<semaphore_mem>>
      %dma_start3A_251 = tpu.memref_squeeze %dma_start3A_250 : memref<1x!tpu.dma_semaphore, #tpu.memory_space<semaphore_mem>> -> memref<!tpu.dma_semaphore, #tpu.memory_space<semaphore_mem>>
      %dma_start3A_252 = arith.constant 0 : i32
      %dma_start3A_253 = tpu.memref_slice %arg7[%dma_start3A_244, %dma_start3A_252] : memref<2x64xi32, #tpu.memory_space<vmem>> -> memref<1x64xi32, #tpu.memory_space<vmem>>
      %dma_start3A_254 = tpu.memref_squeeze %dma_start3A_253 : memref<1x64xi32, #tpu.memory_space<vmem>> -> memref<64xi32, #tpu.memory_space<vmem>>
      %dma_start3A_255 = tpu.memref_slice %arg4[%add3A_243] : memref<331776xi32, #tpu.memory_space<hbm>> -> memref<64xi32, #tpu.memory_space<hbm>>
      tpu.enqueue_dma source(%dma_start3A_255 : memref<64xi32, #tpu.memory_space<hbm>>) target(%dma_start3A_254 : memref<64xi32, #tpu.memory_space<vmem>>) target_semaphore(%dma_start3A_251 : memref<!tpu.dma_semaphore, #tpu.memory_space<semaphore_mem>>)
      %dma_start3A_256 = arith.constant 1 : i32
      %dma_start3A_257 = arith.constant 1 : i32
      %dma_start3A_258 = arith.constant 0 : i32
      %dma_start3A_259 = tpu.memref_slice %arg8[%dma_start3A_256, %dma_start3A_258] : memref<3x64xi32, #tpu.memory_space<vmem>> -> memref<1x64xi32, #tpu.memory_space<vmem>>
      %dma_start3A_260 = tpu.memref_squeeze %dma_start3A_259 : memref<1x64xi32, #tpu.memory_space<vmem>> -> memref<64xi32, #tpu.memory_space<vmem>>
      %dma_start3A_261 = tpu.memref_slice %arg5[%add3A_243] : memref<331776xi32, #tpu.memory_space<hbm>> -> memref<64xi32, #tpu.memory_space<hbm>>
      %dma_start3A_262 = tpu.memref_slice %arg12[%dma_start3A_257] : memref<2x!tpu.dma_semaphore, #tpu.memory_space<semaphore_mem>> -> memref<1x!tpu.dma_semaphore, #tpu.memory_space<semaphore_mem>>
      %dma_start3A_263 = tpu.memref_squeeze %dma_start3A_262 : memref<1x!tpu.dma_semaphore, #tpu.memory_space<semaphore_mem>> -> memref<!tpu.dma_semaphore, #tpu.memory_space<semaphore_mem>>
      %dma_start3A_264 = arith.constant 0 : i32
      %dma_start3A_265 = tpu.memref_slice %arg8[%dma_start3A_256, %dma_start3A_264] : memref<3x64xi32, #tpu.memory_space<vmem>> -> memref<1x64xi32, #tpu.memory_space<vmem>>
      %dma_start3A_266 = tpu.memref_squeeze %dma_start3A_265 : memref<1x64xi32, #tpu.memory_space<vmem>> -> memref<64xi32, #tpu.memory_space<vmem>>
      %dma_start3A_267 = tpu.memref_slice %arg5[%add3A_243] : memref<331776xi32, #tpu.memory_space<hbm>> -> memref<64xi32, #tpu.memory_space<hbm>>
      tpu.enqueue_dma source(%dma_start3A_267 : memref<64xi32, #tpu.memory_space<hbm>>) target(%dma_start3A_266 : memref<64xi32, #tpu.memory_space<vmem>>) target_semaphore(%dma_start3A_263 : memref<!tpu.dma_semaphore, #tpu.memory_space<semaphore_mem>>)
      %dma_start3A_268 = arith.constant 1 : i32
      %dma_start3A_269 = arith.constant 1 : i32
      %dma_start3A_270 = arith.constant 0 : i32
      %dma_start3A_271 = arith.constant 0 : i32
      %dma_start3A_272 = tpu.memref_slice %arg10[%dma_start3A_268, %dma_start3A_270, %dma_start3A_271] : memref<2x64x128xf32, #tpu.memory_space<vmem>> -> memref<1x64x128xf32, #tpu.memory_space<vmem>>
      %dma_start3A_273 = tpu.memref_squeeze %dma_start3A_272 : memref<1x64x128xf32, #tpu.memory_space<vmem>> -> memref<64x128xf32, #tpu.memory_space<vmem>>
      %dma_start3A_274 = arith.constant 0 : i32
      %dma_start3A_275 = tpu.memref_slice %arg3[%add3A_243, %dma_start3A_274] : memref<331776x128xf32, #tpu.memory_space<hbm>> -> memref<64x128xf32, #tpu.memory_space<hbm>>
      %dma_start3A_276 = tpu.memref_slice %arg13[%dma_start3A_269] : memref<2x!tpu.dma_semaphore, #tpu.memory_space<semaphore_mem>> -> memref<1x!tpu.dma_semaphore, #tpu.memory_space<semaphore_mem>>
      %dma_start3A_277 = tpu.memref_squeeze %dma_start3A_276 : memref<1x!tpu.dma_semaphore, #tpu.memory_space<semaphore_mem>> -> memref<!tpu.dma_semaphore, #tpu.memory_space<semaphore_mem>>
      %dma_start3A_278 = arith.constant 0 : i32
      %dma_start3A_279 = arith.constant 0 : i32
      %dma_start3A_280 = tpu.memref_slice %arg10[%dma_start3A_268, %dma_start3A_278, %dma_start3A_279] : memref<2x64x128xf32, #tpu.memory_space<vmem>> -> memref<1x64x128xf32, #tpu.memory_space<vmem>>
      %dma_start3A_281 = tpu.memref_squeeze %dma_start3A_280 : memref<1x64x128xf32, #tpu.memory_space<vmem>> -> memref<64x128xf32, #tpu.memory_space<vmem>>
      %dma_start3A_282 = arith.constant 0 : i32
      %dma_start3A_283 = tpu.memref_slice %arg3[%add3A_243, %dma_start3A_282] : memref<331776x128xf32, #tpu.memory_space<hbm>> -> memref<64x128xf32, #tpu.memory_space<hbm>>
      tpu.enqueue_dma source(%dma_start3A_283 : memref<64x128xf32, #tpu.memory_space<hbm>>) target(%dma_start3A_281 : memref<64x128xf32, #tpu.memory_space<vmem>>) target_semaphore(%dma_start3A_277 : memref<!tpu.dma_semaphore, #tpu.memory_space<semaphore_mem>>)
      %dma_wait3A_284 = arith.constant 1 : i32
      %dma_wait3A_285 = arith.constant 1 : i32
      %dma_wait3A_286 = arith.constant 0 : i32
      %dma_wait3A_287 = tpu.memref_slice %arg7[%dma_wait3A_284, %dma_wait3A_286] : memref<2x64xi32, #tpu.memory_space<vmem>> -> memref<1x64xi32, #tpu.memory_space<vmem>>
      %dma_wait3A_288 = tpu.memref_squeeze %dma_wait3A_287 : memref<1x64xi32, #tpu.memory_space<vmem>> -> memref<64xi32, #tpu.memory_space<vmem>>
      %dma_wait3A_289 = arith.constant 0 : i32
      %dma_wait3A_290 = tpu.memref_slice %arg4[%dma_wait3A_289] : memref<331776xi32, #tpu.memory_space<hbm>> -> memref<64xi32, #tpu.memory_space<hbm>>
      %dma_wait3A_291 = tpu.memref_slice %arg12[%dma_wait3A_285] : memref<2x!tpu.dma_semaphore, #tpu.memory_space<semaphore_mem>> -> memref<1x!tpu.dma_semaphore, #tpu.memory_space<semaphore_mem>>
      %dma_wait3A_292 = tpu.memref_squeeze %dma_wait3A_291 : memref<1x!tpu.dma_semaphore, #tpu.memory_space<semaphore_mem>> -> memref<!tpu.dma_semaphore, #tpu.memory_space<semaphore_mem>>
      %dma_wait3A_293 = arith.constant 0 : i32
      %dma_wait3A_294 = tpu.memref_slice %arg7[%dma_wait3A_284, %dma_wait3A_293] : memref<2x64xi32, #tpu.memory_space<vmem>> -> memref<1x64xi32, #tpu.memory_space<vmem>>
      %dma_wait3A_295 = tpu.memref_squeeze %dma_wait3A_294 : memref<1x64xi32, #tpu.memory_space<vmem>> -> memref<64xi32, #tpu.memory_space<vmem>>
      %dma_wait3A_296 = arith.constant 0 : i32
      %dma_wait3A_297 = tpu.memref_slice %arg4[%dma_wait3A_296] : memref<331776xi32, #tpu.memory_space<hbm>> -> memref<64xi32, #tpu.memory_space<hbm>>
      tpu.wait_dma2 semaphore(%dma_wait3A_292 : memref<!tpu.dma_semaphore, #tpu.memory_space<semaphore_mem>>) src(%dma_wait3A_297 : memref<64xi32, #tpu.memory_space<hbm>>) dst(%dma_wait3A_295 : memref<64xi32, #tpu.memory_space<vmem>>)
      %dma_wait3A_298 = arith.constant 1 : i32
      %dma_wait3A_299 = arith.constant 1 : i32
      %dma_wait3A_300 = arith.constant 0 : i32
      %dma_wait3A_301 = tpu.memref_slice %arg8[%dma_wait3A_298, %dma_wait3A_300] : memref<3x64xi32, #tpu.memory_space<vmem>> -> memref<1x64xi32, #tpu.memory_space<vmem>>
      %dma_wait3A_302 = tpu.memref_squeeze %dma_wait3A_301 : memref<1x64xi32, #tpu.memory_space<vmem>> -> memref<64xi32, #tpu.memory_space<vmem>>
      %dma_wait3A_303 = arith.constant 0 : i32
      %dma_wait3A_304 = tpu.memref_slice %arg5[%dma_wait3A_303] : memref<331776xi32, #tpu.memory_space<hbm>> -> memref<64xi32, #tpu.memory_space<hbm>>
      %dma_wait3A_305 = tpu.memref_slice %arg12[%dma_wait3A_299] : memref<2x!tpu.dma_semaphore, #tpu.memory_space<semaphore_mem>> -> memref<1x!tpu.dma_semaphore, #tpu.memory_space<semaphore_mem>>
      %dma_wait3A_306 = tpu.memref_squeeze %dma_wait3A_305 : memref<1x!tpu.dma_semaphore, #tpu.memory_space<semaphore_mem>> -> memref<!tpu.dma_semaphore, #tpu.memory_space<semaphore_mem>>
      %dma_wait3A_307 = arith.constant 0 : i32
      %dma_wait3A_308 = tpu.memref_slice %arg8[%dma_wait3A_298, %dma_wait3A_307] : memref<3x64xi32, #tpu.memory_space<vmem>> -> memref<1x64xi32, #tpu.memory_space<vmem>>
      %dma_wait3A_309 = tpu.memref_squeeze %dma_wait3A_308 : memref<1x64xi32, #tpu.memory_space<vmem>> -> memref<64xi32, #tpu.memory_space<vmem>>
      %dma_wait3A_310 = arith.constant 0 : i32
      %dma_wait3A_311 = tpu.memref_slice %arg5[%dma_wait3A_310] : memref<331776xi32, #tpu.memory_space<hbm>> -> memref<64xi32, #tpu.memory_space<hbm>>
      tpu.wait_dma2 semaphore(%dma_wait3A_306 : memref<!tpu.dma_semaphore, #tpu.memory_space<semaphore_mem>>) src(%dma_wait3A_311 : memref<64xi32, #tpu.memory_space<hbm>>) dst(%dma_wait3A_309 : memref<64xi32, #tpu.memory_space<vmem>>)
      %dma_start3A_312 = arith.constant 1 : i32
      %dma_start3A_313 = arith.constant 1 : i32
      %dma_start3A_314 = arith.constant 1 : i32
      %dma_start3A_315 = arith.constant 0 : i32
      %dma_start3A_316 = arith.constant 0 : i32
      %dma_start3A_317 = tpu.memref_slice %arg9[%dma_start3A_313, %dma_start3A_315, %dma_start3A_316] : memref<3x64x128xf32, #tpu.memory_space<vmem>> -> memref<1x64x128xf32, #tpu.memory_space<vmem>>
      %dma_start3A_318 = tpu.memref_squeeze %dma_start3A_317 : memref<1x64x128xf32, #tpu.memory_space<vmem>> -> memref<64x128xf32, #tpu.memory_space<vmem>>
      %dma_start3A_319 = arith.constant 0 : i32
      %dma_start3A_320 = tpu.memref_slice %arg7[%dma_start3A_312, %dma_start3A_319] : memref<2x64xi32, #tpu.memory_space<vmem>> -> memref<1x64xi32, #tpu.memory_space<vmem>>
      %dma_start3A_321 = tpu.memref_squeeze %dma_start3A_320 : memref<1x64xi32, #tpu.memory_space<vmem>> -> memref<64xi32, #tpu.memory_space<vmem>>
      %dma_start3A_322 = arith.constant 0 : i32
      %dma_start3A_323 = arith.constant 0 : i32
      %dma_start3A_324 = tpu.memref_slice %arg2[%dma_start3A_322, %dma_start3A_323] : memref<10000x128xf32, #tpu.memory_space<hbm>> -> memref<10000x128xf32, #tpu.memory_space<hbm>>
      %dma_start3A_325 = tpu.memref_slice %arg14[%dma_start3A_314] : memref<3x!tpu.dma_semaphore, #tpu.memory_space<semaphore_mem>> -> memref<1x!tpu.dma_semaphore, #tpu.memory_space<semaphore_mem>>
      %dma_start3A_326 = tpu.memref_squeeze %dma_start3A_325 : memref<1x!tpu.dma_semaphore, #tpu.memory_space<semaphore_mem>> -> memref<!tpu.dma_semaphore, #tpu.memory_space<semaphore_mem>>
      tpu.enqueue_indirect_dma source(%dma_start3A_324 : memref<10000x128xf32, #tpu.memory_space<hbm>>) target(%dma_start3A_318 : memref<64x128xf32, #tpu.memory_space<vmem>>) offsets(%dma_start3A_321 : memref<64xi32, #tpu.memory_space<vmem>>) semaphore(%dma_start3A_326 : memref<!tpu.dma_semaphore, #tpu.memory_space<semaphore_mem>>)
      %dma_wait3A_327 = arith.constant 0 : i32
      %dma_wait3A_328 = arith.constant 0 : i32
      %dma_wait3A_329 = arith.constant 0 : i32
      %dma_wait3A_330 = arith.constant 0 : i32
      %dma_wait3A_331 = arith.constant 0 : i32
      %dma_wait3A_332 = tpu.memref_slice %arg9[%dma_wait3A_328, %dma_wait3A_330, %dma_wait3A_331] : memref<3x64x128xf32, #tpu.memory_space<vmem>> -> memref<1x64x128xf32, #tpu.memory_space<vmem>>
      %dma_wait3A_333 = tpu.memref_squeeze %dma_wait3A_332 : memref<1x64x128xf32, #tpu.memory_space<vmem>> -> memref<64x128xf32, #tpu.memory_space<vmem>>
      %dma_wait3A_334 = arith.constant 0 : i32
      %dma_wait3A_335 = tpu.memref_slice %arg7[%dma_wait3A_327, %dma_wait3A_334] : memref<2x64xi32, #tpu.memory_space<vmem>> -> memref<1x64xi32, #tpu.memory_space<vmem>>
      %dma_wait3A_336 = tpu.memref_squeeze %dma_wait3A_335 : memref<1x64xi32, #tpu.memory_space<vmem>> -> memref<64xi32, #tpu.memory_space<vmem>>
      %dma_wait3A_337 = arith.constant 0 : i32
      %dma_wait3A_338 = arith.constant 0 : i32
      %dma_wait3A_339 = tpu.memref_slice %arg2[%dma_wait3A_337, %dma_wait3A_338] : memref<10000x128xf32, #tpu.memory_space<hbm>> -> memref<10000x128xf32, #tpu.memory_space<hbm>>
      %dma_wait3A_340 = tpu.memref_slice %arg14[%dma_wait3A_329] : memref<3x!tpu.dma_semaphore, #tpu.memory_space<semaphore_mem>> -> memref<1x!tpu.dma_semaphore, #tpu.memory_space<semaphore_mem>>
      %dma_wait3A_341 = tpu.memref_squeeze %dma_wait3A_340 : memref<1x!tpu.dma_semaphore, #tpu.memory_space<semaphore_mem>> -> memref<!tpu.dma_semaphore, #tpu.memory_space<semaphore_mem>>
      tpu.wait_indirect_dma semaphore(%dma_wait3A_341 : memref<!tpu.dma_semaphore, #tpu.memory_space<semaphore_mem>>) src(%dma_wait3A_339 : memref<10000x128xf32, #tpu.memory_space<hbm>>) dst(%dma_wait3A_333 : memref<64x128xf32, #tpu.memory_space<vmem>>)
      %dma_wait3A_342 = arith.constant 0 : i32
      %dma_wait3A_343 = arith.constant 0 : i32
      %dma_wait3A_344 = arith.constant 0 : i32
      %dma_wait3A_345 = arith.constant 0 : i32
      %dma_wait3A_346 = tpu.memref_slice %arg10[%dma_wait3A_342, %dma_wait3A_344, %dma_wait3A_345] : memref<2x64x128xf32, #tpu.memory_space<vmem>> -> memref<1x64x128xf32, #tpu.memory_space<vmem>>
      %dma_wait3A_347 = tpu.memref_squeeze %dma_wait3A_346 : memref<1x64x128xf32, #tpu.memory_space<vmem>> -> memref<64x128xf32, #tpu.memory_space<vmem>>
      %dma_wait3A_348 = arith.constant 0 : i32
      %dma_wait3A_349 = arith.constant 0 : i32
      %dma_wait3A_350 = tpu.memref_slice %arg3[%dma_wait3A_348, %dma_wait3A_349] : memref<331776x128xf32, #tpu.memory_space<hbm>> -> memref<64x128xf32, #tpu.memory_space<hbm>>
      %dma_wait3A_351 = tpu.memref_slice %arg13[%dma_wait3A_343] : memref<2x!tpu.dma_semaphore, #tpu.memory_space<semaphore_mem>> -> memref<1x!tpu.dma_semaphore, #tpu.memory_space<semaphore_mem>>
      %dma_wait3A_352 = tpu.memref_squeeze %dma_wait3A_351 : memref<1x!tpu.dma_semaphore, #tpu.memory_space<semaphore_mem>> -> memref<!tpu.dma_semaphore, #tpu.memory_space<semaphore_mem>>
      %dma_wait3A_353 = arith.constant 0 : i32
      %dma_wait3A_354 = arith.constant 0 : i32
      %dma_wait3A_355 = tpu.memref_slice %arg10[%dma_wait3A_342, %dma_wait3A_353, %dma_wait3A_354] : memref<2x64x128xf32, #tpu.memory_space<vmem>> -> memref<1x64x128xf32, #tpu.memory_space<vmem>>
      %dma_wait3A_356 = tpu.memref_squeeze %dma_wait3A_355 : memref<1x64x128xf32, #tpu.memory_space<vmem>> -> memref<64x128xf32, #tpu.memory_space<vmem>>
      %dma_wait3A_357 = arith.constant 0 : i32
      %dma_wait3A_358 = arith.constant 0 : i32
      %dma_wait3A_359 = tpu.memref_slice %arg3[%dma_wait3A_357, %dma_wait3A_358] : memref<331776x128xf32, #tpu.memory_space<hbm>> -> memref<64x128xf32, #tpu.memory_space<hbm>>
      tpu.wait_dma2 semaphore(%dma_wait3A_352 : memref<!tpu.dma_semaphore, #tpu.memory_space<semaphore_mem>>) src(%dma_wait3A_359 : memref<64x128xf32, #tpu.memory_space<hbm>>) dst(%dma_wait3A_356 : memref<64x128xf32, #tpu.memory_space<vmem>>)
      %parallel_loop3A_360 = arith.constant 0 : i32
      %parallel_loop3A_361 = arith.constant 64 : i32
      %parallel_loop3A_362 = arith.constant 1 : i32
      scf.for %parallel_loop3A_1062 = %parallel_loop3A_360 to %parallel_loop3A_361 step %parallel_loop3A_362  : i32 {
        %parallel_loop3A_1063 = arith.constant 0 : i32
        %parallel_loop3A_1064 = arith.index_cast %parallel_loop3A_1063 : i32 to index
        %parallel_loop3A_1065 = arith.index_cast %parallel_loop3A_1062 : i32 to index
        %parallel_loop3A_1066 = arith.constant 0 : index
        %parallel_loop3A_1067 = tpu.vector_load %arg9[%parallel_loop3A_1064, %parallel_loop3A_1065, %parallel_loop3A_1066] {strides = array<i32>} : memref<3x64x128xf32, #tpu.memory_space<vmem>>, vector<1x1x16xf32>,
        %parallel_loop3A_1068 = vector.shape_cast %parallel_loop3A_1067 : vector<1x1x16xf32> to vector<16xf32>
        %parallel_loop3A_1069 = arith.constant 0 : i32
        %parallel_loop3A_1070 = arith.index_cast %parallel_loop3A_1069 : i32 to index
        %parallel_loop3A_1071 = arith.index_cast %parallel_loop3A_1062 : i32 to index
        %parallel_loop3A_1072 = arith.constant 0 : index
        %parallel_loop3A_1073 = tpu.vector_load %arg10[%parallel_loop3A_1070, %parallel_loop3A_1071, %parallel_loop3A_1072] {strides = array<i32>} : memref<2x64x128xf32, #tpu.memory_space<vmem>>, vector<1x1x16xf32>,
        %parallel_loop3A_1074 = vector.shape_cast %parallel_loop3A_1073 : vector<1x1x16xf32> to vector<16xf32>
        %parallel_loop3A_1075 = arith.mulf %parallel_loop3A_1068, %parallel_loop3A_1074 : vector<16xf32>
        %parallel_loop3A_1076 = arith.constant 0 : i32
        %parallel_loop3A_1077 = arith.index_cast %parallel_loop3A_1076 : i32 to index
        %parallel_loop3A_1078 = arith.index_cast %parallel_loop3A_1062 : i32 to index
        %parallel_loop3A_1079 = arith.constant 0 : index
        %parallel_loop3A_1080 = tpu.vector_load %arg9[%parallel_loop3A_1077, %parallel_loop3A_1078, %parallel_loop3A_1079] {strides = array<i32>} : memref<3x64x128xf32, #tpu.memory_space<vmem>>, vector<1x1x16xf32>,
        %parallel_loop3A_1081 = vector.shape_cast %parallel_loop3A_1080 : vector<1x1x16xf32> to vector<16xf32>
        %parallel_loop3A_1082 = vector.shape_cast %parallel_loop3A_1075 : vector<16xf32> to vector<1x1x16xf32>
        tpu.vector_store %arg9[%parallel_loop3A_1077, %parallel_loop3A_1078, %parallel_loop3A_1079], %parallel_loop3A_1082 {strides = array<i32>} : memref<3x64x128xf32, #tpu.memory_space<vmem>>, vector<1x1x16xf32>,
        %parallel_loop3A_1083 = arith.constant 0 : i32
        %parallel_loop3A_1084 = arith.index_cast %parallel_loop3A_1083 : i32 to index
        %parallel_loop3A_1085 = arith.index_cast %parallel_loop3A_1062 : i32 to index
        %parallel_loop3A_1086 = arith.constant 16 : index
        %parallel_loop3A_1087 = tpu.vector_load %arg9[%parallel_loop3A_1084, %parallel_loop3A_1085, %parallel_loop3A_1086] {strides = array<i32>} : memref<3x64x128xf32, #tpu.memory_space<vmem>>, vector<1x1x16xf32>,
        %parallel_loop3A_1088 = vector.shape_cast %parallel_loop3A_1087 : vector<1x1x16xf32> to vector<16xf32>
        %parallel_loop3A_1089 = arith.constant 0 : i32
        %parallel_loop3A_1090 = arith.index_cast %parallel_loop3A_1089 : i32 to index
        %parallel_loop3A_1091 = arith.index_cast %parallel_loop3A_1062 : i32 to index
        %parallel_loop3A_1092 = arith.constant 16 : index
        %parallel_loop3A_1093 = tpu.vector_load %arg10[%parallel_loop3A_1090, %parallel_loop3A_1091, %parallel_loop3A_1092] {strides = array<i32>} : memref<2x64x128xf32, #tpu.memory_space<vmem>>, vector<1x1x16xf32>,
        %parallel_loop3A_1094 = vector.shape_cast %parallel_loop3A_1093 : vector<1x1x16xf32> to vector<16xf32>
        %parallel_loop3A_1095 = arith.mulf %parallel_loop3A_1088, %parallel_loop3A_1094 : vector<16xf32>
        %parallel_loop3A_1096 = arith.constant 0 : i32
        %parallel_loop3A_1097 = arith.index_cast %parallel_loop3A_1096 : i32 to index
        %parallel_loop3A_1098 = arith.index_cast %parallel_loop3A_1062 : i32 to index
        %parallel_loop3A_1099 = arith.constant 16 : index
        %parallel_loop3A_1100 = tpu.vector_load %arg9[%parallel_loop3A_1097, %parallel_loop3A_1098, %parallel_loop3A_1099] {strides = array<i32>} : memref<3x64x128xf32, #tpu.memory_space<vmem>>, vector<1x1x16xf32>,
        %parallel_loop3A_1101 = vector.shape_cast %parallel_loop3A_1100 : vector<1x1x16xf32> to vector<16xf32>
        %parallel_loop3A_1102 = vector.shape_cast %parallel_loop3A_1095 : vector<16xf32> to vector<1x1x16xf32>
        tpu.vector_store %arg9[%parallel_loop3A_1097, %parallel_loop3A_1098, %parallel_loop3A_1099], %parallel_loop3A_1102 {strides = array<i32>} : memref<3x64x128xf32, #tpu.memory_space<vmem>>, vector<1x1x16xf32>,
        %parallel_loop3A_1103 = arith.constant 0 : i32
        %parallel_loop3A_1104 = arith.index_cast %parallel_loop3A_1103 : i32 to index
        %parallel_loop3A_1105 = arith.index_cast %parallel_loop3A_1062 : i32 to index
        %parallel_loop3A_1106 = arith.constant 32 : index
        %parallel_loop3A_1107 = tpu.vector_load %arg9[%parallel_loop3A_1104, %parallel_loop3A_1105, %parallel_loop3A_1106] {strides = array<i32>} : memref<3x64x128xf32, #tpu.memory_space<vmem>>, vector<1x1x16xf32>,
        %parallel_loop3A_1108 = vector.shape_cast %parallel_loop3A_1107 : vector<1x1x16xf32> to vector<16xf32>
        %parallel_loop3A_1109 = arith.constant 0 : i32
        %parallel_loop3A_1110 = arith.index_cast %parallel_loop3A_1109 : i32 to index
        %parallel_loop3A_1111 = arith.index_cast %parallel_loop3A_1062 : i32 to index
        %parallel_loop3A_1112 = arith.constant 32 : index
        %parallel_loop3A_1113 = tpu.vector_load %arg10[%parallel_loop3A_1110, %parallel_loop3A_1111, %parallel_loop3A_1112] {strides = array<i32>} : memref<2x64x128xf32, #tpu.memory_space<vmem>>, vector<1x1x16xf32>,
        %parallel_loop3A_1114 = vector.shape_cast %parallel_loop3A_1113 : vector<1x1x16xf32> to vector<16xf32>
        %parallel_loop3A_1115 = arith.mulf %parallel_loop3A_1108, %parallel_loop3A_1114 : vector<16xf32>
        %parallel_loop3A_1116 = arith.constant 0 : i32
        %parallel_loop3A_1117 = arith.index_cast %parallel_loop3A_1116 : i32 to index
        %parallel_loop3A_1118 = arith.index_cast %parallel_loop3A_1062 : i32 to index
        %parallel_loop3A_1119 = arith.constant 32 : index
        %parallel_loop3A_1120 = tpu.vector_load %arg9[%parallel_loop3A_1117, %parallel_loop3A_1118, %parallel_loop3A_1119] {strides = array<i32>} : memref<3x64x128xf32, #tpu.memory_space<vmem>>, vector<1x1x16xf32>,
        %parallel_loop3A_1121 = vector.shape_cast %parallel_loop3A_1120 : vector<1x1x16xf32> to vector<16xf32>
        %parallel_loop3A_1122 = vector.shape_cast %parallel_loop3A_1115 : vector<16xf32> to vector<1x1x16xf32>
        tpu.vector_store %arg9[%parallel_loop3A_1117, %parallel_loop3A_1118, %parallel_loop3A_1119], %parallel_loop3A_1122 {strides = array<i32>} : memref<3x64x128xf32, #tpu.memory_space<vmem>>, vector<1x1x16xf32>,
        %parallel_loop3A_1123 = arith.constant 0 : i32
        %parallel_loop3A_1124 = arith.index_cast %parallel_loop3A_1123 : i32 to index
        %parallel_loop3A_1125 = arith.index_cast %parallel_loop3A_1062 : i32 to index
        %parallel_loop3A_1126 = arith.constant 48 : index
        %parallel_loop3A_1127 = tpu.vector_load %arg9[%parallel_loop3A_1124, %parallel_loop3A_1125, %parallel_loop3A_1126] {strides = array<i32>} : memref<3x64x128xf32, #tpu.memory_space<vmem>>, vector<1x1x16xf32>,
        %parallel_loop3A_1128 = vector.shape_cast %parallel_loop3A_1127 : vector<1x1x16xf32> to vector<16xf32>
        %parallel_loop3A_1129 = arith.constant 0 : i32
        %parallel_loop3A_1130 = arith.index_cast %parallel_loop3A_1129 : i32 to index
        %parallel_loop3A_1131 = arith.index_cast %parallel_loop3A_1062 : i32 to index
        %parallel_loop3A_1132 = arith.constant 48 : index
        %parallel_loop3A_1133 = tpu.vector_load %arg10[%parallel_loop3A_1130, %parallel_loop3A_1131, %parallel_loop3A_1132] {strides = array<i32>} : memref<2x64x128xf32, #tpu.memory_space<vmem>>, vector<1x1x16xf32>,
        %parallel_loop3A_1134 = vector.shape_cast %parallel_loop3A_1133 : vector<1x1x16xf32> to vector<16xf32>
        %parallel_loop3A_1135 = arith.mulf %parallel_loop3A_1128, %parallel_loop3A_1134 : vector<16xf32>
        %parallel_loop3A_1136 = arith.constant 0 : i32
        %parallel_loop3A_1137 = arith.index_cast %parallel_loop3A_1136 : i32 to index
        %parallel_loop3A_1138 = arith.index_cast %parallel_loop3A_1062 : i32 to index
        %parallel_loop3A_1139 = arith.constant 48 : index
        %parallel_loop3A_1140 = tpu.vector_load %arg9[%parallel_loop3A_1137, %parallel_loop3A_1138, %parallel_loop3A_1139] {strides = array<i32>} : memref<3x64x128xf32, #tpu.memory_space<vmem>>, vector<1x1x16xf32>,
        %parallel_loop3A_1141 = vector.shape_cast %parallel_loop3A_1140 : vector<1x1x16xf32> to vector<16xf32>
        %parallel_loop3A_1142 = vector.shape_cast %parallel_loop3A_1135 : vector<16xf32> to vector<1x1x16xf32>
        tpu.vector_store %arg9[%parallel_loop3A_1137, %parallel_loop3A_1138, %parallel_loop3A_1139], %parallel_loop3A_1142 {strides = array<i32>} : memref<3x64x128xf32, #tpu.memory_space<vmem>>, vector<1x1x16xf32>,
        %parallel_loop3A_1143 = arith.constant 0 : i32
        %parallel_loop3A_1144 = arith.index_cast %parallel_loop3A_1143 : i32 to index
        %parallel_loop3A_1145 = arith.index_cast %parallel_loop3A_1062 : i32 to index
        %parallel_loop3A_1146 = arith.constant 64 : index
        %parallel_loop3A_1147 = tpu.vector_load %arg9[%parallel_loop3A_1144, %parallel_loop3A_1145, %parallel_loop3A_1146] {strides = array<i32>} : memref<3x64x128xf32, #tpu.memory_space<vmem>>, vector<1x1x16xf32>,
        %parallel_loop3A_1148 = vector.shape_cast %parallel_loop3A_1147 : vector<1x1x16xf32> to vector<16xf32>
        %parallel_loop3A_1149 = arith.constant 0 : i32
        %parallel_loop3A_1150 = arith.index_cast %parallel_loop3A_1149 : i32 to index
        %parallel_loop3A_1151 = arith.index_cast %parallel_loop3A_1062 : i32 to index
        %parallel_loop3A_1152 = arith.constant 64 : index
        %parallel_loop3A_1153 = tpu.vector_load %arg10[%parallel_loop3A_1150, %parallel_loop3A_1151, %parallel_loop3A_1152] {strides = array<i32>} : memref<2x64x128xf32, #tpu.memory_space<vmem>>, vector<1x1x16xf32>,
        %parallel_loop3A_1154 = vector.shape_cast %parallel_loop3A_1153 : vector<1x1x16xf32> to vector<16xf32>
        %parallel_loop3A_1155 = arith.mulf %parallel_loop3A_1148, %parallel_loop3A_1154 : vector<16xf32>
        %parallel_loop3A_1156 = arith.constant 0 : i32
        %parallel_loop3A_1157 = arith.index_cast %parallel_loop3A_1156 : i32 to index
        %parallel_loop3A_1158 = arith.index_cast %parallel_loop3A_1062 : i32 to index
        %parallel_loop3A_1159 = arith.constant 64 : index
        %parallel_loop3A_1160 = tpu.vector_load %arg9[%parallel_loop3A_1157, %parallel_loop3A_1158, %parallel_loop3A_1159] {strides = array<i32>} : memref<3x64x128xf32, #tpu.memory_space<vmem>>, vector<1x1x16xf32>,
        %parallel_loop3A_1161 = vector.shape_cast %parallel_loop3A_1160 : vector<1x1x16xf32> to vector<16xf32>
        %parallel_loop3A_1162 = vector.shape_cast %parallel_loop3A_1155 : vector<16xf32> to vector<1x1x16xf32>
        tpu.vector_store %arg9[%parallel_loop3A_1157, %parallel_loop3A_1158, %parallel_loop3A_1159], %parallel_loop3A_1162 {strides = array<i32>} : memref<3x64x128xf32, #tpu.memory_space<vmem>>, vector<1x1x16xf32>,
        %parallel_loop3A_1163 = arith.constant 0 : i32
        %parallel_loop3A_1164 = arith.index_cast %parallel_loop3A_1163 : i32 to index
        %parallel_loop3A_1165 = arith.index_cast %parallel_loop3A_1062 : i32 to index
        %parallel_loop3A_1166 = arith.constant 80 : index
        %parallel_loop3A_1167 = tpu.vector_load %arg9[%parallel_loop3A_1164, %parallel_loop3A_1165, %parallel_loop3A_1166] {strides = array<i32>} : memref<3x64x128xf32, #tpu.memory_space<vmem>>, vector<1x1x16xf32>,
        %parallel_loop3A_1168 = vector.shape_cast %parallel_loop3A_1167 : vector<1x1x16xf32> to vector<16xf32>
        %parallel_loop3A_1169 = arith.constant 0 : i32
        %parallel_loop3A_1170 = arith.index_cast %parallel_loop3A_1169 : i32 to index
        %parallel_loop3A_1171 = arith.index_cast %parallel_loop3A_1062 : i32 to index
        %parallel_loop3A_1172 = arith.constant 80 : index
        %parallel_loop3A_1173 = tpu.vector_load %arg10[%parallel_loop3A_1170, %parallel_loop3A_1171, %parallel_loop3A_1172] {strides = array<i32>} : memref<2x64x128xf32, #tpu.memory_space<vmem>>, vector<1x1x16xf32>,
        %parallel_loop3A_1174 = vector.shape_cast %parallel_loop3A_1173 : vector<1x1x16xf32> to vector<16xf32>
        %parallel_loop3A_1175 = arith.mulf %parallel_loop3A_1168, %parallel_loop3A_1174 : vector<16xf32>
        %parallel_loop3A_1176 = arith.constant 0 : i32
        %parallel_loop3A_1177 = arith.index_cast %parallel_loop3A_1176 : i32 to index
        %parallel_loop3A_1178 = arith.index_cast %parallel_loop3A_1062 : i32 to index
        %parallel_loop3A_1179 = arith.constant 80 : index
        %parallel_loop3A_1180 = tpu.vector_load %arg9[%parallel_loop3A_1177, %parallel_loop3A_1178, %parallel_loop3A_1179] {strides = array<i32>} : memref<3x64x128xf32, #tpu.memory_space<vmem>>, vector<1x1x16xf32>,
        %parallel_loop3A_1181 = vector.shape_cast %parallel_loop3A_1180 : vector<1x1x16xf32> to vector<16xf32>
        %parallel_loop3A_1182 = vector.shape_cast %parallel_loop3A_1175 : vector<16xf32> to vector<1x1x16xf32>
        tpu.vector_store %arg9[%parallel_loop3A_1177, %parallel_loop3A_1178, %parallel_loop3A_1179], %parallel_loop3A_1182 {strides = array<i32>} : memref<3x64x128xf32, #tpu.memory_space<vmem>>, vector<1x1x16xf32>,
        %parallel_loop3A_1183 = arith.constant 0 : i32
        %parallel_loop3A_1184 = arith.index_cast %parallel_loop3A_1183 : i32 to index
        %parallel_loop3A_1185 = arith.index_cast %parallel_loop3A_1062 : i32 to index
        %parallel_loop3A_1186 = arith.constant 96 : index
        %parallel_loop3A_1187 = tpu.vector_load %arg9[%parallel_loop3A_1184, %parallel_loop3A_1185, %parallel_loop3A_1186] {strides = array<i32>} : memref<3x64x128xf32, #tpu.memory_space<vmem>>, vector<1x1x16xf32>,
        %parallel_loop3A_1188 = vector.shape_cast %parallel_loop3A_1187 : vector<1x1x16xf32> to vector<16xf32>
        %parallel_loop3A_1189 = arith.constant 0 : i32
        %parallel_loop3A_1190 = arith.index_cast %parallel_loop3A_1189 : i32 to index
        %parallel_loop3A_1191 = arith.index_cast %parallel_loop3A_1062 : i32 to index
        %parallel_loop3A_1192 = arith.constant 96 : index
        %parallel_loop3A_1193 = tpu.vector_load %arg10[%parallel_loop3A_1190, %parallel_loop3A_1191, %parallel_loop3A_1192] {strides = array<i32>} : memref<2x64x128xf32, #tpu.memory_space<vmem>>, vector<1x1x16xf32>,
        %parallel_loop3A_1194 = vector.shape_cast %parallel_loop3A_1193 : vector<1x1x16xf32> to vector<16xf32>
        %parallel_loop3A_1195 = arith.mulf %parallel_loop3A_1188, %parallel_loop3A_1194 : vector<16xf32>
        %parallel_loop3A_1196 = arith.constant 0 : i32
        %parallel_loop3A_1197 = arith.index_cast %parallel_loop3A_1196 : i32 to index
        %parallel_loop3A_1198 = arith.index_cast %parallel_loop3A_1062 : i32 to index
        %parallel_loop3A_1199 = arith.constant 96 : index
        %parallel_loop3A_1200 = tpu.vector_load %arg9[%parallel_loop3A_1197, %parallel_loop3A_1198, %parallel_loop3A_1199] {strides = array<i32>} : memref<3x64x128xf32, #tpu.memory_space<vmem>>, vector<1x1x16xf32>,
        %parallel_loop3A_1201 = vector.shape_cast %parallel_loop3A_1200 : vector<1x1x16xf32> to vector<16xf32>
        %parallel_loop3A_1202 = vector.shape_cast %parallel_loop3A_1195 : vector<16xf32> to vector<1x1x16xf32>
        tpu.vector_store %arg9[%parallel_loop3A_1197, %parallel_loop3A_1198, %parallel_loop3A_1199], %parallel_loop3A_1202 {strides = array<i32>} : memref<3x64x128xf32, #tpu.memory_space<vmem>>, vector<1x1x16xf32>,
        %parallel_loop3A_1203 = arith.constant 0 : i32
        %parallel_loop3A_1204 = arith.index_cast %parallel_loop3A_1203 : i32 to index
        %parallel_loop3A_1205 = arith.index_cast %parallel_loop3A_1062 : i32 to index
        %parallel_loop3A_1206 = arith.constant 112 : index
        %parallel_loop3A_1207 = tpu.vector_load %arg9[%parallel_loop3A_1204, %parallel_loop3A_1205, %parallel_loop3A_1206] {strides = array<i32>} : memref<3x64x128xf32, #tpu.memory_space<vmem>>, vector<1x1x16xf32>,
        %parallel_loop3A_1208 = vector.shape_cast %parallel_loop3A_1207 : vector<1x1x16xf32> to vector<16xf32>
        %parallel_loop3A_1209 = arith.constant 0 : i32
        %parallel_loop3A_1210 = arith.index_cast %parallel_loop3A_1209 : i32 to index
        %parallel_loop3A_1211 = arith.index_cast %parallel_loop3A_1062 : i32 to index
        %parallel_loop3A_1212 = arith.constant 112 : index
        %parallel_loop3A_1213 = tpu.vector_load %arg10[%parallel_loop3A_1210, %parallel_loop3A_1211, %parallel_loop3A_1212] {strides = array<i32>} : memref<2x64x128xf32, #tpu.memory_space<vmem>>, vector<1x1x16xf32>,
        %parallel_loop3A_1214 = vector.shape_cast %parallel_loop3A_1213 : vector<1x1x16xf32> to vector<16xf32>
        %parallel_loop3A_1215 = arith.mulf %parallel_loop3A_1208, %parallel_loop3A_1214 : vector<16xf32>
        %parallel_loop3A_1216 = arith.constant 0 : i32
        %parallel_loop3A_1217 = arith.index_cast %parallel_loop3A_1216 : i32 to index
        %parallel_loop3A_1218 = arith.index_cast %parallel_loop3A_1062 : i32 to index
        %parallel_loop3A_1219 = arith.constant 112 : index
        %parallel_loop3A_1220 = tpu.vector_load %arg9[%parallel_loop3A_1217, %parallel_loop3A_1218, %parallel_loop3A_1219] {strides = array<i32>} : memref<3x64x128xf32, #tpu.memory_space<vmem>>, vector<1x1x16xf32>,
        %parallel_loop3A_1221 = vector.shape_cast %parallel_loop3A_1220 : vector<1x1x16xf32> to vector<16xf32>
        %parallel_loop3A_1222 = vector.shape_cast %parallel_loop3A_1215 : vector<16xf32> to vector<1x1x16xf32>
        tpu.vector_store %arg9[%parallel_loop3A_1217, %parallel_loop3A_1218, %parallel_loop3A_1219], %parallel_loop3A_1222 {strides = array<i32>} : memref<3x64x128xf32, #tpu.memory_space<vmem>>, vector<1x1x16xf32>,
      } {sc.loop_unroll_factor = 2 : i64, sc.parallel_access}
      %dma_start3A_363 = arith.constant 0 : i32
      %dma_start3A_364 = arith.constant 0 : i32
      %dma_start3A_365 = arith.constant 0 : i32
      %dma_start3A_366 = arith.constant 0 : i32
      %dma_start3A_367 = arith.constant 0 : i32
      %dma_start3A_368 = tpu.memref_slice %arg9[%dma_start3A_363, %dma_start3A_366, %dma_start3A_367] : memref<3x64x128xf32, #tpu.memory_space<vmem>> -> memref<1x64x128xf32, #tpu.memory_space<vmem>>
      %dma_start3A_369 = tpu.memref_squeeze %dma_start3A_368 : memref<1x64x128xf32, #tpu.memory_space<vmem>> -> memref<64x128xf32, #tpu.memory_space<vmem>>
      %dma_start3A_370 = arith.constant 0 : i32
      %dma_start3A_371 = tpu.memref_slice %arg8[%dma_start3A_364, %dma_start3A_370] : memref<3x64xi32, #tpu.memory_space<vmem>> -> memref<1x64xi32, #tpu.memory_space<vmem>>
      %dma_start3A_372 = tpu.memref_squeeze %dma_start3A_371 : memref<1x64xi32, #tpu.memory_space<vmem>> -> memref<64xi32, #tpu.memory_space<vmem>>
      %dma_start3A_373 = arith.constant 0 : i32
      %dma_start3A_374 = arith.constant 0 : i32
      %dma_start3A_375 = tpu.memref_slice %arg11[%dma_start3A_373, %dma_start3A_374] : memref<10112x128xf32, #tpu.memory_space<vmem_shared>> -> memref<10112x128xf32, #tpu.memory_space<vmem_shared>>
      %dma_start3A_376 = tpu.memref_slice %arg15[%dma_start3A_365] : memref<3x!tpu.dma_semaphore, #tpu.memory_space<semaphore_mem>> -> memref<1x!tpu.dma_semaphore, #tpu.memory_space<semaphore_mem>>
      %dma_start3A_377 = tpu.memref_squeeze %dma_start3A_376 : memref<1x!tpu.dma_semaphore, #tpu.memory_space<semaphore_mem>> -> memref<!tpu.dma_semaphore, #tpu.memory_space<semaphore_mem>>
      tpu.enqueue_indirect_dma source(%dma_start3A_369 : memref<64x128xf32, #tpu.memory_space<vmem>>) target(%dma_start3A_375 : memref<10112x128xf32, #tpu.memory_space<vmem_shared>>) offsets(%dma_start3A_372 : memref<64xi32, #tpu.memory_space<vmem>>) semaphore(%dma_start3A_377 : memref<!tpu.dma_semaphore, #tpu.memory_space<semaphore_mem>>) {add = true}
      %mul3A_378 = arith.constant 6 : i32
      %mul3A_379 = arith.muli %mul3A_378, %scan3A_231 : i32
      %add3A_380 = arith.constant 1 : i32
      %add3A_381 = arith.addi %mul3A_379, %add3A_380 : i32
      %add3A_382 = arith.constant 1 : i32
      %add3A_383 = arith.addi %add3A_381, %add3A_382 : i32
      %ge3A_384 = arith.constant 1 : i32
      %ge3A_385 = arith.cmpi sge, %scan3A_231, %ge3A_384 : i32
      %convert_element_type3A_386 = arith.extui %ge3A_385 : i1 to i32
      %cond3A_387 = arith.constant 0 : i32
      %cond3A_388 = arith.cmpi ne, %convert_element_type3A_386, %cond3A_387 : i32
      scf.if %cond3A_388 {
        %dma_wait3A_1062 = arith.constant 2 : i32
        %dma_wait3A_1063 = arith.constant 2 : i32
        %dma_wait3A_1064 = arith.constant 2 : i32
        %dma_wait3A_1065 = arith.constant 0 : i32
        %dma_wait3A_1066 = arith.constant 0 : i32
        %dma_wait3A_1067 = tpu.memref_slice %arg9[%dma_wait3A_1062, %dma_wait3A_1065, %dma_wait3A_1066] : memref<3x64x128xf32, #tpu.memory_space<vmem>> -> memref<1x64x128xf32, #tpu.memory_space<vmem>>
        %dma_wait3A_1068 = tpu.memref_squeeze %dma_wait3A_1067 : memref<1x64x128xf32, #tpu.memory_space<vmem>> -> memref<64x128xf32, #tpu.memory_space<vmem>>
        %dma_wait3A_1069 = arith.constant 0 : i32
        %dma_wait3A_1070 = tpu.memref_slice %arg8[%dma_wait3A_1063, %dma_wait3A_1069] : memref<3x64xi32, #tpu.memory_space<vmem>> -> memref<1x64xi32, #tpu.memory_space<vmem>>
        %dma_wait3A_1071 = tpu.memref_squeeze %dma_wait3A_1070 : memref<1x64xi32, #tpu.memory_space<vmem>> -> memref<64xi32, #tpu.memory_space<vmem>>
        %dma_wait3A_1072 = arith.constant 0 : i32
        %dma_wait3A_1073 = arith.constant 0 : i32
        %dma_wait3A_1074 = tpu.memref_slice %arg11[%dma_wait3A_1072, %dma_wait3A_1073] : memref<10112x128xf32, #tpu.memory_space<vmem_shared>> -> memref<10112x128xf32, #tpu.memory_space<vmem_shared>>
        %dma_wait3A_1075 = tpu.memref_slice %arg15[%dma_wait3A_1064] : memref<3x!tpu.dma_semaphore, #tpu.memory_space<semaphore_mem>> -> memref<1x!tpu.dma_semaphore, #tpu.memory_space<semaphore_mem>>
        %dma_wait3A_1076 = tpu.memref_squeeze %dma_wait3A_1075 : memref<1x!tpu.dma_semaphore, #tpu.memory_space<semaphore_mem>> -> memref<!tpu.dma_semaphore, #tpu.memory_space<semaphore_mem>>
        tpu.wait_indirect_dma semaphore(%dma_wait3A_1076 : memref<!tpu.dma_semaphore, #tpu.memory_space<semaphore_mem>>) src(%dma_wait3A_1068 : memref<64x128xf32, #tpu.memory_space<vmem>>) dst(%dma_wait3A_1074 : memref<10112x128xf32, #tpu.memory_space<vmem_shared>>)
      } else {
      }
      %mul3A_389 = arith.constant 64 : i32
      %mul3A_390 = arith.muli %add3A_383, %mul3A_389 : i32
      %add3A_391 = arith.addi %mul3A_35, %mul3A_390 : i32
      %dma_start3A_392 = arith.constant 0 : i32
      %dma_start3A_393 = arith.constant 0 : i32
      %dma_start3A_394 = arith.constant 0 : i32
      %dma_start3A_395 = tpu.memref_slice %arg7[%dma_start3A_392, %dma_start3A_394] : memref<2x64xi32, #tpu.memory_space<vmem>> -> memref<1x64xi32, #tpu.memory_space<vmem>>
      %dma_start3A_396 = tpu.memref_squeeze %dma_start3A_395 : memref<1x64xi32, #tpu.memory_space<vmem>> -> memref<64xi32, #tpu.memory_space<vmem>>
      %dma_start3A_397 = tpu.memref_slice %arg4[%add3A_391] : memref<331776xi32, #tpu.memory_space<hbm>> -> memref<64xi32, #tpu.memory_space<hbm>>
      %dma_start3A_398 = tpu.memref_slice %arg12[%dma_start3A_393] : memref<2x!tpu.dma_semaphore, #tpu.memory_space<semaphore_mem>> -> memref<1x!tpu.dma_semaphore, #tpu.memory_space<semaphore_mem>>
      %dma_start3A_399 = tpu.memref_squeeze %dma_start3A_398 : memref<1x!tpu.dma_semaphore, #tpu.memory_space<semaphore_mem>> -> memref<!tpu.dma_semaphore, #tpu.memory_space<semaphore_mem>>
      %dma_start3A_400 = arith.constant 0 : i32
      %dma_start3A_401 = tpu.memref_slice %arg7[%dma_start3A_392, %dma_start3A_400] : memref<2x64xi32, #tpu.memory_space<vmem>> -> memref<1x64xi32, #tpu.memory_space<vmem>>
      %dma_start3A_402 = tpu.memref_squeeze %dma_start3A_401 : memref<1x64xi32, #tpu.memory_space<vmem>> -> memref<64xi32, #tpu.memory_space<vmem>>
      %dma_start3A_403 = tpu.memref_slice %arg4[%add3A_391] : memref<331776xi32, #tpu.memory_space<hbm>> -> memref<64xi32, #tpu.memory_space<hbm>>
      tpu.enqueue_dma source(%dma_start3A_403 : memref<64xi32, #tpu.memory_space<hbm>>) target(%dma_start3A_402 : memref<64xi32, #tpu.memory_space<vmem>>) target_semaphore(%dma_start3A_399 : memref<!tpu.dma_semaphore, #tpu.memory_space<semaphore_mem>>)
      %dma_start3A_404 = arith.constant 2 : i32
      %dma_start3A_405 = arith.constant 0 : i32
      %dma_start3A_406 = arith.constant 0 : i32
      %dma_start3A_407 = tpu.memref_slice %arg8[%dma_start3A_404, %dma_start3A_406] : memref<3x64xi32, #tpu.memory_space<vmem>> -> memref<1x64xi32, #tpu.memory_space<vmem>>
      %dma_start3A_408 = tpu.memref_squeeze %dma_start3A_407 : memref<1x64xi32, #tpu.memory_space<vmem>> -> memref<64xi32, #tpu.memory_space<vmem>>
      %dma_start3A_409 = tpu.memref_slice %arg5[%add3A_391] : memref<331776xi32, #tpu.memory_space<hbm>> -> memref<64xi32, #tpu.memory_space<hbm>>
      %dma_start3A_410 = tpu.memref_slice %arg12[%dma_start3A_405] : memref<2x!tpu.dma_semaphore, #tpu.memory_space<semaphore_mem>> -> memref<1x!tpu.dma_semaphore, #tpu.memory_space<semaphore_mem>>
      %dma_start3A_411 = tpu.memref_squeeze %dma_start3A_410 : memref<1x!tpu.dma_semaphore, #tpu.memory_space<semaphore_mem>> -> memref<!tpu.dma_semaphore, #tpu.memory_space<semaphore_mem>>
      %dma_start3A_412 = arith.constant 0 : i32
      %dma_start3A_413 = tpu.memref_slice %arg8[%dma_start3A_404, %dma_start3A_412] : memref<3x64xi32, #tpu.memory_space<vmem>> -> memref<1x64xi32, #tpu.memory_space<vmem>>
      %dma_start3A_414 = tpu.memref_squeeze %dma_start3A_413 : memref<1x64xi32, #tpu.memory_space<vmem>> -> memref<64xi32, #tpu.memory_space<vmem>>
      %dma_start3A_415 = tpu.memref_slice %arg5[%add3A_391] : memref<331776xi32, #tpu.memory_space<hbm>> -> memref<64xi32, #tpu.memory_space<hbm>>
      tpu.enqueue_dma source(%dma_start3A_415 : memref<64xi32, #tpu.memory_space<hbm>>) target(%dma_start3A_414 : memref<64xi32, #tpu.memory_space<vmem>>) target_semaphore(%dma_start3A_411 : memref<!tpu.dma_semaphore, #tpu.memory_space<semaphore_mem>>)
      %dma_start3A_416 = arith.constant 0 : i32
      %dma_start3A_417 = arith.constant 0 : i32
      %dma_start3A_418 = arith.constant 0 : i32
      %dma_start3A_419 = arith.constant 0 : i32
      %dma_start3A_420 = tpu.memref_slice %arg10[%dma_start3A_416, %dma_start3A_418, %dma_start3A_419] : memref<2x64x128xf32, #tpu.memory_space<vmem>> -> memref<1x64x128xf32, #tpu.memory_space<vmem>>
      %dma_start3A_421 = tpu.memref_squeeze %dma_start3A_420 : memref<1x64x128xf32, #tpu.memory_space<vmem>> -> memref<64x128xf32, #tpu.memory_space<vmem>>
      %dma_start3A_422 = arith.constant 0 : i32
      %dma_start3A_423 = tpu.memref_slice %arg3[%add3A_391, %dma_start3A_422] : memref<331776x128xf32, #tpu.memory_space<hbm>> -> memref<64x128xf32, #tpu.memory_space<hbm>>
      %dma_start3A_424 = tpu.memref_slice %arg13[%dma_start3A_417] : memref<2x!tpu.dma_semaphore, #tpu.memory_space<semaphore_mem>> -> memref<1x!tpu.dma_semaphore, #tpu.memory_space<semaphore_mem>>
      %dma_start3A_425 = tpu.memref_squeeze %dma_start3A_424 : memref<1x!tpu.dma_semaphore, #tpu.memory_space<semaphore_mem>> -> memref<!tpu.dma_semaphore, #tpu.memory_space<semaphore_mem>>
      %dma_start3A_426 = arith.constant 0 : i32
      %dma_start3A_427 = arith.constant 0 : i32
      %dma_start3A_428 = tpu.memref_slice %arg10[%dma_start3A_416, %dma_start3A_426, %dma_start3A_427] : memref<2x64x128xf32, #tpu.memory_space<vmem>> -> memref<1x64x128xf32, #tpu.memory_space<vmem>>
      %dma_start3A_429 = tpu.memref_squeeze %dma_start3A_428 : memref<1x64x128xf32, #tpu.memory_space<vmem>> -> memref<64x128xf32, #tpu.memory_space<vmem>>
      %dma_start3A_430 = arith.constant 0 : i32
      %dma_start3A_431 = tpu.memref_slice %arg3[%add3A_391, %dma_start3A_430] : memref<331776x128xf32, #tpu.memory_space<hbm>> -> memref<64x128xf32, #tpu.memory_space<hbm>>
      tpu.enqueue_dma source(%dma_start3A_431 : memref<64x128xf32, #tpu.memory_space<hbm>>) target(%dma_start3A_429 : memref<64x128xf32, #tpu.memory_space<vmem>>) target_semaphore(%dma_start3A_425 : memref<!tpu.dma_semaphore, #tpu.memory_space<semaphore_mem>>)
      %dma_wait3A_432 = arith.constant 0 : i32
      %dma_wait3A_433 = arith.constant 0 : i32
      %dma_wait3A_434 = arith.constant 0 : i32
      %dma_wait3A_435 = tpu.memref_slice %arg7[%dma_wait3A_432, %dma_wait3A_434] : memref<2x64xi32, #tpu.memory_space<vmem>> -> memref<1x64xi32, #tpu.memory_space<vmem>>
      %dma_wait3A_436 = tpu.memref_squeeze %dma_wait3A_435 : memref<1x64xi32, #tpu.memory_space<vmem>> -> memref<64xi32, #tpu.memory_space<vmem>>
      %dma_wait3A_437 = arith.constant 0 : i32
      %dma_wait3A_438 = tpu.memref_slice %arg4[%dma_wait3A_437] : memref<331776xi32, #tpu.memory_space<hbm>> -> memref<64xi32, #tpu.memory_space<hbm>>
      %dma_wait3A_439 = tpu.memref_slice %arg12[%dma_wait3A_433] : memref<2x!tpu.dma_semaphore, #tpu.memory_space<semaphore_mem>> -> memref<1x!tpu.dma_semaphore, #tpu.memory_space<semaphore_mem>>
      %dma_wait3A_440 = tpu.memref_squeeze %dma_wait3A_439 : memref<1x!tpu.dma_semaphore, #tpu.memory_space<semaphore_mem>> -> memref<!tpu.dma_semaphore, #tpu.memory_space<semaphore_mem>>
      %dma_wait3A_441 = arith.constant 0 : i32
      %dma_wait3A_442 = tpu.memref_slice %arg7[%dma_wait3A_432, %dma_wait3A_441] : memref<2x64xi32, #tpu.memory_space<vmem>> -> memref<1x64xi32, #tpu.memory_space<vmem>>
      %dma_wait3A_443 = tpu.memref_squeeze %dma_wait3A_442 : memref<1x64xi32, #tpu.memory_space<vmem>> -> memref<64xi32, #tpu.memory_space<vmem>>
      %dma_wait3A_444 = arith.constant 0 : i32
      %dma_wait3A_445 = tpu.memref_slice %arg4[%dma_wait3A_444] : memref<331776xi32, #tpu.memory_space<hbm>> -> memref<64xi32, #tpu.memory_space<hbm>>
      tpu.wait_dma2 semaphore(%dma_wait3A_440 : memref<!tpu.dma_semaphore, #tpu.memory_space<semaphore_mem>>) src(%dma_wait3A_445 : memref<64xi32, #tpu.memory_space<hbm>>) dst(%dma_wait3A_443 : memref<64xi32, #tpu.memory_space<vmem>>)
      %dma_wait3A_446 = arith.constant 2 : i32
      %dma_wait3A_447 = arith.constant 0 : i32
      %dma_wait3A_448 = arith.constant 0 : i32
      %dma_wait3A_449 = tpu.memref_slice %arg8[%dma_wait3A_446, %dma_wait3A_448] : memref<3x64xi32, #tpu.memory_space<vmem>> -> memref<1x64xi32, #tpu.memory_space<vmem>>
      %dma_wait3A_450 = tpu.memref_squeeze %dma_wait3A_449 : memref<1x64xi32, #tpu.memory_space<vmem>> -> memref<64xi32, #tpu.memory_space<vmem>>
      %dma_wait3A_451 = arith.constant 0 : i32
      %dma_wait3A_452 = tpu.memref_slice %arg5[%dma_wait3A_451] : memref<331776xi32, #tpu.memory_space<hbm>> -> memref<64xi32, #tpu.memory_space<hbm>>
      %dma_wait3A_453 = tpu.memref_slice %arg12[%dma_wait3A_447] : memref<2x!tpu.dma_semaphore, #tpu.memory_space<semaphore_mem>> -> memref<1x!tpu.dma_semaphore, #tpu.memory_space<semaphore_mem>>
      %dma_wait3A_454 = tpu.memref_squeeze %dma_wait3A_453 : memref<1x!tpu.dma_semaphore, #tpu.memory_space<semaphore_mem>> -> memref<!tpu.dma_semaphore, #tpu.memory_space<semaphore_mem>>
      %dma_wait3A_455 = arith.constant 0 : i32
      %dma_wait3A_456 = tpu.memref_slice %arg8[%dma_wait3A_446, %dma_wait3A_455] : memref<3x64xi32, #tpu.memory_space<vmem>> -> memref<1x64xi32, #tpu.memory_space<vmem>>
      %dma_wait3A_457 = tpu.memref_squeeze %dma_wait3A_456 : memref<1x64xi32, #tpu.memory_space<vmem>> -> memref<64xi32, #tpu.memory_space<vmem>>
      %dma_wait3A_458 = arith.constant 0 : i32
      %dma_wait3A_459 = tpu.memref_slice %arg5[%dma_wait3A_458] : memref<331776xi32, #tpu.memory_space<hbm>> -> memref<64xi32, #tpu.memory_space<hbm>>
      tpu.wait_dma2 semaphore(%dma_wait3A_454 : memref<!tpu.dma_semaphore, #tpu.memory_space<semaphore_mem>>) src(%dma_wait3A_459 : memref<64xi32, #tpu.memory_space<hbm>>) dst(%dma_wait3A_457 : memref<64xi32, #tpu.memory_space<vmem>>)
      %dma_start3A_460 = arith.constant 0 : i32
      %dma_start3A_461 = arith.constant 2 : i32
      %dma_start3A_462 = arith.constant 2 : i32
      %dma_start3A_463 = arith.constant 0 : i32
      %dma_start3A_464 = arith.constant 0 : i32
      %dma_start3A_465 = tpu.memref_slice %arg9[%dma_start3A_461, %dma_start3A_463, %dma_start3A_464] : memref<3x64x128xf32, #tpu.memory_space<vmem>> -> memref<1x64x128xf32, #tpu.memory_space<vmem>>
      %dma_start3A_466 = tpu.memref_squeeze %dma_start3A_465 : memref<1x64x128xf32, #tpu.memory_space<vmem>> -> memref<64x128xf32, #tpu.memory_space<vmem>>
      %dma_start3A_467 = arith.constant 0 : i32
      %dma_start3A_468 = tpu.memref_slice %arg7[%dma_start3A_460, %dma_start3A_467] : memref<2x64xi32, #tpu.memory_space<vmem>> -> memref<1x64xi32, #tpu.memory_space<vmem>>
      %dma_start3A_469 = tpu.memref_squeeze %dma_start3A_468 : memref<1x64xi32, #tpu.memory_space<vmem>> -> memref<64xi32, #tpu.memory_space<vmem>>
      %dma_start3A_470 = arith.constant 0 : i32
      %dma_start3A_471 = arith.constant 0 : i32
      %dma_start3A_472 = tpu.memref_slice %arg2[%dma_start3A_470, %dma_start3A_471] : memref<10000x128xf32, #tpu.memory_space<hbm>> -> memref<10000x128xf32, #tpu.memory_space<hbm>>
      %dma_start3A_473 = tpu.memref_slice %arg14[%dma_start3A_462] : memref<3x!tpu.dma_semaphore, #tpu.memory_space<semaphore_mem>> -> memref<1x!tpu.dma_semaphore, #tpu.memory_space<semaphore_mem>>
      %dma_start3A_474 = tpu.memref_squeeze %dma_start3A_473 : memref<1x!tpu.dma_semaphore, #tpu.memory_space<semaphore_mem>> -> memref<!tpu.dma_semaphore, #tpu.memory_space<semaphore_mem>>
      tpu.enqueue_indirect_dma source(%dma_start3A_472 : memref<10000x128xf32, #tpu.memory_space<hbm>>) target(%dma_start3A_466 : memref<64x128xf32, #tpu.memory_space<vmem>>) offsets(%dma_start3A_469 : memref<64xi32, #tpu.memory_space<vmem>>) semaphore(%dma_start3A_474 : memref<!tpu.dma_semaphore, #tpu.memory_space<semaphore_mem>>)
      %dma_wait3A_475 = arith.constant 1 : i32
      %dma_wait3A_476 = arith.constant 1 : i32
      %dma_wait3A_477 = arith.constant 1 : i32
      %dma_wait3A_478 = arith.constant 0 : i32
      %dma_wait3A_479 = arith.constant 0 : i32
      %dma_wait3A_480 = tpu.memref_slice %arg9[%dma_wait3A_476, %dma_wait3A_478, %dma_wait3A_479] : memref<3x64x128xf32, #tpu.memory_space<vmem>> -> memref<1x64x128xf32, #tpu.memory_space<vmem>>
      %dma_wait3A_481 = tpu.memref_squeeze %dma_wait3A_480 : memref<1x64x128xf32, #tpu.memory_space<vmem>> -> memref<64x128xf32, #tpu.memory_space<vmem>>
      %dma_wait3A_482 = arith.constant 0 : i32
      %dma_wait3A_483 = tpu.memref_slice %arg7[%dma_wait3A_475, %dma_wait3A_482] : memref<2x64xi32, #tpu.memory_space<vmem>> -> memref<1x64xi32, #tpu.memory_space<vmem>>
      %dma_wait3A_484 = tpu.memref_squeeze %dma_wait3A_483 : memref<1x64xi32, #tpu.memory_space<vmem>> -> memref<64xi32, #tpu.memory_space<vmem>>
      %dma_wait3A_485 = arith.constant 0 : i32
      %dma_wait3A_486 = arith.constant 0 : i32
      %dma_wait3A_487 = tpu.memref_slice %arg2[%dma_wait3A_485, %dma_wait3A_486] : memref<10000x128xf32, #tpu.memory_space<hbm>> -> memref<10000x128xf32, #tpu.memory_space<hbm>>
      %dma_wait3A_488 = tpu.memref_slice %arg14[%dma_wait3A_477] : memref<3x!tpu.dma_semaphore, #tpu.memory_space<semaphore_mem>> -> memref<1x!tpu.dma_semaphore, #tpu.memory_space<semaphore_mem>>
      %dma_wait3A_489 = tpu.memref_squeeze %dma_wait3A_488 : memref<1x!tpu.dma_semaphore, #tpu.memory_space<semaphore_mem>> -> memref<!tpu.dma_semaphore, #tpu.memory_space<semaphore_mem>>
      tpu.wait_indirect_dma semaphore(%dma_wait3A_489 : memref<!tpu.dma_semaphore, #tpu.memory_space<semaphore_mem>>) src(%dma_wait3A_487 : memref<10000x128xf32, #tpu.memory_space<hbm>>) dst(%dma_wait3A_481 : memref<64x128xf32, #tpu.memory_space<vmem>>)
      %dma_wait3A_490 = arith.constant 1 : i32
      %dma_wait3A_491 = arith.constant 1 : i32
      %dma_wait3A_492 = arith.constant 0 : i32
      %dma_wait3A_493 = arith.constant 0 : i32
      %dma_wait3A_494 = tpu.memref_slice %arg10[%dma_wait3A_490, %dma_wait3A_492, %dma_wait3A_493] : memref<2x64x128xf32, #tpu.memory_space<vmem>> -> memref<1x64x128xf32, #tpu.memory_space<vmem>>
      %dma_wait3A_495 = tpu.memref_squeeze %dma_wait3A_494 : memref<1x64x128xf32, #tpu.memory_space<vmem>> -> memref<64x128xf32, #tpu.memory_space<vmem>>
      %dma_wait3A_496 = arith.constant 0 : i32
      %dma_wait3A_497 = arith.constant 0 : i32
      %dma_wait3A_498 = tpu.memref_slice %arg3[%dma_wait3A_496, %dma_wait3A_497] : memref<331776x128xf32, #tpu.memory_space<hbm>> -> memref<64x128xf32, #tpu.memory_space<hbm>>
      %dma_wait3A_499 = tpu.memref_slice %arg13[%dma_wait3A_491] : memref<2x!tpu.dma_semaphore, #tpu.memory_space<semaphore_mem>> -> memref<1x!tpu.dma_semaphore, #tpu.memory_space<semaphore_mem>>
      %dma_wait3A_500 = tpu.memref_squeeze %dma_wait3A_499 : memref<1x!tpu.dma_semaphore, #tpu.memory_space<semaphore_mem>> -> memref<!tpu.dma_semaphore, #tpu.memory_space<semaphore_mem>>
      %dma_wait3A_501 = arith.constant 0 : i32
      %dma_wait3A_502 = arith.constant 0 : i32
      %dma_wait3A_503 = tpu.memref_slice %arg10[%dma_wait3A_490, %dma_wait3A_501, %dma_wait3A_502] : memref<2x64x128xf32, #tpu.memory_space<vmem>> -> memref<1x64x128xf32, #tpu.memory_space<vmem>>
      %dma_wait3A_504 = tpu.memref_squeeze %dma_wait3A_503 : memref<1x64x128xf32, #tpu.memory_space<vmem>> -> memref<64x128xf32, #tpu.memory_space<vmem>>
      %dma_wait3A_505 = arith.constant 0 : i32
      %dma_wait3A_506 = arith.constant 0 : i32
      %dma_wait3A_507 = tpu.memref_slice %arg3[%dma_wait3A_505, %dma_wait3A_506] : memref<331776x128xf32, #tpu.memory_space<hbm>> -> memref<64x128xf32, #tpu.memory_space<hbm>>
      tpu.wait_dma2 semaphore(%dma_wait3A_500 : memref<!tpu.dma_semaphore, #tpu.memory_space<semaphore_mem>>) src(%dma_wait3A_507 : memref<64x128xf32, #tpu.memory_space<hbm>>) dst(%dma_wait3A_504 : memref<64x128xf32, #tpu.memory_space<vmem>>)
      %parallel_loop3A_508 = arith.constant 0 : i32
      %parallel_loop3A_509 = arith.constant 64 : i32
      %parallel_loop3A_510 = arith.constant 1 : i32
      scf.for %parallel_loop3A_1062 = %parallel_loop3A_508 to %parallel_loop3A_509 step %parallel_loop3A_510  : i32 {
        %parallel_loop3A_1063 = arith.constant 1 : i32
        %parallel_loop3A_1064 = arith.index_cast %parallel_loop3A_1063 : i32 to index
        %parallel_loop3A_1065 = arith.index_cast %parallel_loop3A_1062 : i32 to index
        %parallel_loop3A_1066 = arith.constant 0 : index
        %parallel_loop3A_1067 = tpu.vector_load %arg9[%parallel_loop3A_1064, %parallel_loop3A_1065, %parallel_loop3A_1066] {strides = array<i32>} : memref<3x64x128xf32, #tpu.memory_space<vmem>>, vector<1x1x16xf32>,
        %parallel_loop3A_1068 = vector.shape_cast %parallel_loop3A_1067 : vector<1x1x16xf32> to vector<16xf32>
        %parallel_loop3A_1069 = arith.constant 1 : i32
        %parallel_loop3A_1070 = arith.index_cast %parallel_loop3A_1069 : i32 to index
        %parallel_loop3A_1071 = arith.index_cast %parallel_loop3A_1062 : i32 to index
        %parallel_loop3A_1072 = arith.constant 0 : index
        %parallel_loop3A_1073 = tpu.vector_load %arg10[%parallel_loop3A_1070, %parallel_loop3A_1071, %parallel_loop3A_1072] {strides = array<i32>} : memref<2x64x128xf32, #tpu.memory_space<vmem>>, vector<1x1x16xf32>,
        %parallel_loop3A_1074 = vector.shape_cast %parallel_loop3A_1073 : vector<1x1x16xf32> to vector<16xf32>
        %parallel_loop3A_1075 = arith.mulf %parallel_loop3A_1068, %parallel_loop3A_1074 : vector<16xf32>
        %parallel_loop3A_1076 = arith.constant 1 : i32
        %parallel_loop3A_1077 = arith.index_cast %parallel_loop3A_1076 : i32 to index
        %parallel_loop3A_1078 = arith.index_cast %parallel_loop3A_1062 : i32 to index
        %parallel_loop3A_1079 = arith.constant 0 : index
        %parallel_loop3A_1080 = tpu.vector_load %arg9[%parallel_loop3A_1077, %parallel_loop3A_1078, %parallel_loop3A_1079] {strides = array<i32>} : memref<3x64x128xf32, #tpu.memory_space<vmem>>, vector<1x1x16xf32>,
        %parallel_loop3A_1081 = vector.shape_cast %parallel_loop3A_1080 : vector<1x1x16xf32> to vector<16xf32>
        %parallel_loop3A_1082 = vector.shape_cast %parallel_loop3A_1075 : vector<16xf32> to vector<1x1x16xf32>
        tpu.vector_store %arg9[%parallel_loop3A_1077, %parallel_loop3A_1078, %parallel_loop3A_1079], %parallel_loop3A_1082 {strides = array<i32>} : memref<3x64x128xf32, #tpu.memory_space<vmem>>, vector<1x1x16xf32>,
        %parallel_loop3A_1083 = arith.constant 1 : i32
        %parallel_loop3A_1084 = arith.index_cast %parallel_loop3A_1083 : i32 to index
        %parallel_loop3A_1085 = arith.index_cast %parallel_loop3A_1062 : i32 to index
        %parallel_loop3A_1086 = arith.constant 16 : index
        %parallel_loop3A_1087 = tpu.vector_load %arg9[%parallel_loop3A_1084, %parallel_loop3A_1085, %parallel_loop3A_1086] {strides = array<i32>} : memref<3x64x128xf32, #tpu.memory_space<vmem>>, vector<1x1x16xf32>,
        %parallel_loop3A_1088 = vector.shape_cast %parallel_loop3A_1087 : vector<1x1x16xf32> to vector<16xf32>
        %parallel_loop3A_1089 = arith.constant 1 : i32
        %parallel_loop3A_1090 = arith.index_cast %parallel_loop3A_1089 : i32 to index
        %parallel_loop3A_1091 = arith.index_cast %parallel_loop3A_1062 : i32 to index
        %parallel_loop3A_1092 = arith.constant 16 : index
        %parallel_loop3A_1093 = tpu.vector_load %arg10[%parallel_loop3A_1090, %parallel_loop3A_1091, %parallel_loop3A_1092] {strides = array<i32>} : memref<2x64x128xf32, #tpu.memory_space<vmem>>, vector<1x1x16xf32>,
        %parallel_loop3A_1094 = vector.shape_cast %parallel_loop3A_1093 : vector<1x1x16xf32> to vector<16xf32>
        %parallel_loop3A_1095 = arith.mulf %parallel_loop3A_1088, %parallel_loop3A_1094 : vector<16xf32>
        %parallel_loop3A_1096 = arith.constant 1 : i32
        %parallel_loop3A_1097 = arith.index_cast %parallel_loop3A_1096 : i32 to index
        %parallel_loop3A_1098 = arith.index_cast %parallel_loop3A_1062 : i32 to index
        %parallel_loop3A_1099 = arith.constant 16 : index
        %parallel_loop3A_1100 = tpu.vector_load %arg9[%parallel_loop3A_1097, %parallel_loop3A_1098, %parallel_loop3A_1099] {strides = array<i32>} : memref<3x64x128xf32, #tpu.memory_space<vmem>>, vector<1x1x16xf32>,
        %parallel_loop3A_1101 = vector.shape_cast %parallel_loop3A_1100 : vector<1x1x16xf32> to vector<16xf32>
        %parallel_loop3A_1102 = vector.shape_cast %parallel_loop3A_1095 : vector<16xf32> to vector<1x1x16xf32>
        tpu.vector_store %arg9[%parallel_loop3A_1097, %parallel_loop3A_1098, %parallel_loop3A_1099], %parallel_loop3A_1102 {strides = array<i32>} : memref<3x64x128xf32, #tpu.memory_space<vmem>>, vector<1x1x16xf32>,
        %parallel_loop3A_1103 = arith.constant 1 : i32
        %parallel_loop3A_1104 = arith.index_cast %parallel_loop3A_1103 : i32 to index
        %parallel_loop3A_1105 = arith.index_cast %parallel_loop3A_1062 : i32 to index
        %parallel_loop3A_1106 = arith.constant 32 : index
        %parallel_loop3A_1107 = tpu.vector_load %arg9[%parallel_loop3A_1104, %parallel_loop3A_1105, %parallel_loop3A_1106] {strides = array<i32>} : memref<3x64x128xf32, #tpu.memory_space<vmem>>, vector<1x1x16xf32>,
        %parallel_loop3A_1108 = vector.shape_cast %parallel_loop3A_1107 : vector<1x1x16xf32> to vector<16xf32>
        %parallel_loop3A_1109 = arith.constant 1 : i32
        %parallel_loop3A_1110 = arith.index_cast %parallel_loop3A_1109 : i32 to index
        %parallel_loop3A_1111 = arith.index_cast %parallel_loop3A_1062 : i32 to index
        %parallel_loop3A_1112 = arith.constant 32 : index
        %parallel_loop3A_1113 = tpu.vector_load %arg10[%parallel_loop3A_1110, %parallel_loop3A_1111, %parallel_loop3A_1112] {strides = array<i32>} : memref<2x64x128xf32, #tpu.memory_space<vmem>>, vector<1x1x16xf32>,
        %parallel_loop3A_1114 = vector.shape_cast %parallel_loop3A_1113 : vector<1x1x16xf32> to vector<16xf32>
        %parallel_loop3A_1115 = arith.mulf %parallel_loop3A_1108, %parallel_loop3A_1114 : vector<16xf32>
        %parallel_loop3A_1116 = arith.constant 1 : i32
        %parallel_loop3A_1117 = arith.index_cast %parallel_loop3A_1116 : i32 to index
        %parallel_loop3A_1118 = arith.index_cast %parallel_loop3A_1062 : i32 to index
        %parallel_loop3A_1119 = arith.constant 32 : index
        %parallel_loop3A_1120 = tpu.vector_load %arg9[%parallel_loop3A_1117, %parallel_loop3A_1118, %parallel_loop3A_1119] {strides = array<i32>} : memref<3x64x128xf32, #tpu.memory_space<vmem>>, vector<1x1x16xf32>,
        %parallel_loop3A_1121 = vector.shape_cast %parallel_loop3A_1120 : vector<1x1x16xf32> to vector<16xf32>
        %parallel_loop3A_1122 = vector.shape_cast %parallel_loop3A_1115 : vector<16xf32> to vector<1x1x16xf32>
        tpu.vector_store %arg9[%parallel_loop3A_1117, %parallel_loop3A_1118, %parallel_loop3A_1119], %parallel_loop3A_1122 {strides = array<i32>} : memref<3x64x128xf32, #tpu.memory_space<vmem>>, vector<1x1x16xf32>,
        %parallel_loop3A_1123 = arith.constant 1 : i32
        %parallel_loop3A_1124 = arith.index_cast %parallel_loop3A_1123 : i32 to index
        %parallel_loop3A_1125 = arith.index_cast %parallel_loop3A_1062 : i32 to index
        %parallel_loop3A_1126 = arith.constant 48 : index
        %parallel_loop3A_1127 = tpu.vector_load %arg9[%parallel_loop3A_1124, %parallel_loop3A_1125, %parallel_loop3A_1126] {strides = array<i32>} : memref<3x64x128xf32, #tpu.memory_space<vmem>>, vector<1x1x16xf32>,
        %parallel_loop3A_1128 = vector.shape_cast %parallel_loop3A_1127 : vector<1x1x16xf32> to vector<16xf32>
        %parallel_loop3A_1129 = arith.constant 1 : i32
        %parallel_loop3A_1130 = arith.index_cast %parallel_loop3A_1129 : i32 to index
        %parallel_loop3A_1131 = arith.index_cast %parallel_loop3A_1062 : i32 to index
        %parallel_loop3A_1132 = arith.constant 48 : index
        %parallel_loop3A_1133 = tpu.vector_load %arg10[%parallel_loop3A_1130, %parallel_loop3A_1131, %parallel_loop3A_1132] {strides = array<i32>} : memref<2x64x128xf32, #tpu.memory_space<vmem>>, vector<1x1x16xf32>,
        %parallel_loop3A_1134 = vector.shape_cast %parallel_loop3A_1133 : vector<1x1x16xf32> to vector<16xf32>
        %parallel_loop3A_1135 = arith.mulf %parallel_loop3A_1128, %parallel_loop3A_1134 : vector<16xf32>
        %parallel_loop3A_1136 = arith.constant 1 : i32
        %parallel_loop3A_1137 = arith.index_cast %parallel_loop3A_1136 : i32 to index
        %parallel_loop3A_1138 = arith.index_cast %parallel_loop3A_1062 : i32 to index
        %parallel_loop3A_1139 = arith.constant 48 : index
        %parallel_loop3A_1140 = tpu.vector_load %arg9[%parallel_loop3A_1137, %parallel_loop3A_1138, %parallel_loop3A_1139] {strides = array<i32>} : memref<3x64x128xf32, #tpu.memory_space<vmem>>, vector<1x1x16xf32>,
        %parallel_loop3A_1141 = vector.shape_cast %parallel_loop3A_1140 : vector<1x1x16xf32> to vector<16xf32>
        %parallel_loop3A_1142 = vector.shape_cast %parallel_loop3A_1135 : vector<16xf32> to vector<1x1x16xf32>
        tpu.vector_store %arg9[%parallel_loop3A_1137, %parallel_loop3A_1138, %parallel_loop3A_1139], %parallel_loop3A_1142 {strides = array<i32>} : memref<3x64x128xf32, #tpu.memory_space<vmem>>, vector<1x1x16xf32>,
        %parallel_loop3A_1143 = arith.constant 1 : i32
        %parallel_loop3A_1144 = arith.index_cast %parallel_loop3A_1143 : i32 to index
        %parallel_loop3A_1145 = arith.index_cast %parallel_loop3A_1062 : i32 to index
        %parallel_loop3A_1146 = arith.constant 64 : index
        %parallel_loop3A_1147 = tpu.vector_load %arg9[%parallel_loop3A_1144, %parallel_loop3A_1145, %parallel_loop3A_1146] {strides = array<i32>} : memref<3x64x128xf32, #tpu.memory_space<vmem>>, vector<1x1x16xf32>,
        %parallel_loop3A_1148 = vector.shape_cast %parallel_loop3A_1147 : vector<1x1x16xf32> to vector<16xf32>
        %parallel_loop3A_1149 = arith.constant 1 : i32
        %parallel_loop3A_1150 = arith.index_cast %parallel_loop3A_1149 : i32 to index
        %parallel_loop3A_1151 = arith.index_cast %parallel_loop3A_1062 : i32 to index
        %parallel_loop3A_1152 = arith.constant 64 : index
        %parallel_loop3A_1153 = tpu.vector_load %arg10[%parallel_loop3A_1150, %parallel_loop3A_1151, %parallel_loop3A_1152] {strides = array<i32>} : memref<2x64x128xf32, #tpu.memory_space<vmem>>, vector<1x1x16xf32>,
        %parallel_loop3A_1154 = vector.shape_cast %parallel_loop3A_1153 : vector<1x1x16xf32> to vector<16xf32>
        %parallel_loop3A_1155 = arith.mulf %parallel_loop3A_1148, %parallel_loop3A_1154 : vector<16xf32>
        %parallel_loop3A_1156 = arith.constant 1 : i32
        %parallel_loop3A_1157 = arith.index_cast %parallel_loop3A_1156 : i32 to index
        %parallel_loop3A_1158 = arith.index_cast %parallel_loop3A_1062 : i32 to index
        %parallel_loop3A_1159 = arith.constant 64 : index
        %parallel_loop3A_1160 = tpu.vector_load %arg9[%parallel_loop3A_1157, %parallel_loop3A_1158, %parallel_loop3A_1159] {strides = array<i32>} : memref<3x64x128xf32, #tpu.memory_space<vmem>>, vector<1x1x16xf32>,
        %parallel_loop3A_1161 = vector.shape_cast %parallel_loop3A_1160 : vector<1x1x16xf32> to vector<16xf32>
        %parallel_loop3A_1162 = vector.shape_cast %parallel_loop3A_1155 : vector<16xf32> to vector<1x1x16xf32>
        tpu.vector_store %arg9[%parallel_loop3A_1157, %parallel_loop3A_1158, %parallel_loop3A_1159], %parallel_loop3A_1162 {strides = array<i32>} : memref<3x64x128xf32, #tpu.memory_space<vmem>>, vector<1x1x16xf32>,
        %parallel_loop3A_1163 = arith.constant 1 : i32
        %parallel_loop3A_1164 = arith.index_cast %parallel_loop3A_1163 : i32 to index
        %parallel_loop3A_1165 = arith.index_cast %parallel_loop3A_1062 : i32 to index
        %parallel_loop3A_1166 = arith.constant 80 : index
        %parallel_loop3A_1167 = tpu.vector_load %arg9[%parallel_loop3A_1164, %parallel_loop3A_1165, %parallel_loop3A_1166] {strides = array<i32>} : memref<3x64x128xf32, #tpu.memory_space<vmem>>, vector<1x1x16xf32>,
        %parallel_loop3A_1168 = vector.shape_cast %parallel_loop3A_1167 : vector<1x1x16xf32> to vector<16xf32>
        %parallel_loop3A_1169 = arith.constant 1 : i32
        %parallel_loop3A_1170 = arith.index_cast %parallel_loop3A_1169 : i32 to index
        %parallel_loop3A_1171 = arith.index_cast %parallel_loop3A_1062 : i32 to index
        %parallel_loop3A_1172 = arith.constant 80 : index
        %parallel_loop3A_1173 = tpu.vector_load %arg10[%parallel_loop3A_1170, %parallel_loop3A_1171, %parallel_loop3A_1172] {strides = array<i32>} : memref<2x64x128xf32, #tpu.memory_space<vmem>>, vector<1x1x16xf32>,
        %parallel_loop3A_1174 = vector.shape_cast %parallel_loop3A_1173 : vector<1x1x16xf32> to vector<16xf32>
        %parallel_loop3A_1175 = arith.mulf %parallel_loop3A_1168, %parallel_loop3A_1174 : vector<16xf32>
        %parallel_loop3A_1176 = arith.constant 1 : i32
        %parallel_loop3A_1177 = arith.index_cast %parallel_loop3A_1176 : i32 to index
        %parallel_loop3A_1178 = arith.index_cast %parallel_loop3A_1062 : i32 to index
        %parallel_loop3A_1179 = arith.constant 80 : index
        %parallel_loop3A_1180 = tpu.vector_load %arg9[%parallel_loop3A_1177, %parallel_loop3A_1178, %parallel_loop3A_1179] {strides = array<i32>} : memref<3x64x128xf32, #tpu.memory_space<vmem>>, vector<1x1x16xf32>,
        %parallel_loop3A_1181 = vector.shape_cast %parallel_loop3A_1180 : vector<1x1x16xf32> to vector<16xf32>
        %parallel_loop3A_1182 = vector.shape_cast %parallel_loop3A_1175 : vector<16xf32> to vector<1x1x16xf32>
        tpu.vector_store %arg9[%parallel_loop3A_1177, %parallel_loop3A_1178, %parallel_loop3A_1179], %parallel_loop3A_1182 {strides = array<i32>} : memref<3x64x128xf32, #tpu.memory_space<vmem>>, vector<1x1x16xf32>,
        %parallel_loop3A_1183 = arith.constant 1 : i32
        %parallel_loop3A_1184 = arith.index_cast %parallel_loop3A_1183 : i32 to index
        %parallel_loop3A_1185 = arith.index_cast %parallel_loop3A_1062 : i32 to index
        %parallel_loop3A_1186 = arith.constant 96 : index
        %parallel_loop3A_1187 = tpu.vector_load %arg9[%parallel_loop3A_1184, %parallel_loop3A_1185, %parallel_loop3A_1186] {strides = array<i32>} : memref<3x64x128xf32, #tpu.memory_space<vmem>>, vector<1x1x16xf32>,
        %parallel_loop3A_1188 = vector.shape_cast %parallel_loop3A_1187 : vector<1x1x16xf32> to vector<16xf32>
        %parallel_loop3A_1189 = arith.constant 1 : i32
        %parallel_loop3A_1190 = arith.index_cast %parallel_loop3A_1189 : i32 to index
        %parallel_loop3A_1191 = arith.index_cast %parallel_loop3A_1062 : i32 to index
        %parallel_loop3A_1192 = arith.constant 96 : index
        %parallel_loop3A_1193 = tpu.vector_load %arg10[%parallel_loop3A_1190, %parallel_loop3A_1191, %parallel_loop3A_1192] {strides = array<i32>} : memref<2x64x128xf32, #tpu.memory_space<vmem>>, vector<1x1x16xf32>,
        %parallel_loop3A_1194 = vector.shape_cast %parallel_loop3A_1193 : vector<1x1x16xf32> to vector<16xf32>
        %parallel_loop3A_1195 = arith.mulf %parallel_loop3A_1188, %parallel_loop3A_1194 : vector<16xf32>
        %parallel_loop3A_1196 = arith.constant 1 : i32
        %parallel_loop3A_1197 = arith.index_cast %parallel_loop3A_1196 : i32 to index
        %parallel_loop3A_1198 = arith.index_cast %parallel_loop3A_1062 : i32 to index
        %parallel_loop3A_1199 = arith.constant 96 : index
        %parallel_loop3A_1200 = tpu.vector_load %arg9[%parallel_loop3A_1197, %parallel_loop3A_1198, %parallel_loop3A_1199] {strides = array<i32>} : memref<3x64x128xf32, #tpu.memory_space<vmem>>, vector<1x1x16xf32>,
        %parallel_loop3A_1201 = vector.shape_cast %parallel_loop3A_1200 : vector<1x1x16xf32> to vector<16xf32>
        %parallel_loop3A_1202 = vector.shape_cast %parallel_loop3A_1195 : vector<16xf32> to vector<1x1x16xf32>
        tpu.vector_store %arg9[%parallel_loop3A_1197, %parallel_loop3A_1198, %parallel_loop3A_1199], %parallel_loop3A_1202 {strides = array<i32>} : memref<3x64x128xf32, #tpu.memory_space<vmem>>, vector<1x1x16xf32>,
        %parallel_loop3A_1203 = arith.constant 1 : i32
        %parallel_loop3A_1204 = arith.index_cast %parallel_loop3A_1203 : i32 to index
        %parallel_loop3A_1205 = arith.index_cast %parallel_loop3A_1062 : i32 to index
        %parallel_loop3A_1206 = arith.constant 112 : index
        %parallel_loop3A_1207 = tpu.vector_load %arg9[%parallel_loop3A_1204, %parallel_loop3A_1205, %parallel_loop3A_1206] {strides = array<i32>} : memref<3x64x128xf32, #tpu.memory_space<vmem>>, vector<1x1x16xf32>,
        %parallel_loop3A_1208 = vector.shape_cast %parallel_loop3A_1207 : vector<1x1x16xf32> to vector<16xf32>
        %parallel_loop3A_1209 = arith.constant 1 : i32
        %parallel_loop3A_1210 = arith.index_cast %parallel_loop3A_1209 : i32 to index
        %parallel_loop3A_1211 = arith.index_cast %parallel_loop3A_1062 : i32 to index
        %parallel_loop3A_1212 = arith.constant 112 : index
        %parallel_loop3A_1213 = tpu.vector_load %arg10[%parallel_loop3A_1210, %parallel_loop3A_1211, %parallel_loop3A_1212] {strides = array<i32>} : memref<2x64x128xf32, #tpu.memory_space<vmem>>, vector<1x1x16xf32>,
        %parallel_loop3A_1214 = vector.shape_cast %parallel_loop3A_1213 : vector<1x1x16xf32> to vector<16xf32>
        %parallel_loop3A_1215 = arith.mulf %parallel_loop3A_1208, %parallel_loop3A_1214 : vector<16xf32>
        %parallel_loop3A_1216 = arith.constant 1 : i32
        %parallel_loop3A_1217 = arith.index_cast %parallel_loop3A_1216 : i32 to index
        %parallel_loop3A_1218 = arith.index_cast %parallel_loop3A_1062 : i32 to index
        %parallel_loop3A_1219 = arith.constant 112 : index
        %parallel_loop3A_1220 = tpu.vector_load %arg9[%parallel_loop3A_1217, %parallel_loop3A_1218, %parallel_loop3A_1219] {strides = array<i32>} : memref<3x64x128xf32, #tpu.memory_space<vmem>>, vector<1x1x16xf32>,
        %parallel_loop3A_1221 = vector.shape_cast %parallel_loop3A_1220 : vector<1x1x16xf32> to vector<16xf32>
        %parallel_loop3A_1222 = vector.shape_cast %parallel_loop3A_1215 : vector<16xf32> to vector<1x1x16xf32>
        tpu.vector_store %arg9[%parallel_loop3A_1217, %parallel_loop3A_1218, %parallel_loop3A_1219], %parallel_loop3A_1222 {strides = array<i32>} : memref<3x64x128xf32, #tpu.memory_space<vmem>>, vector<1x1x16xf32>,
      } {sc.loop_unroll_factor = 2 : i64, sc.parallel_access}
      %dma_start3A_511 = arith.constant 1 : i32
      %dma_start3A_512 = arith.constant 1 : i32
      %dma_start3A_513 = arith.constant 1 : i32
      %dma_start3A_514 = arith.constant 0 : i32
      %dma_start3A_515 = arith.constant 0 : i32
      %dma_start3A_516 = tpu.memref_slice %arg9[%dma_start3A_511, %dma_start3A_514, %dma_start3A_515] : memref<3x64x128xf32, #tpu.memory_space<vmem>> -> memref<1x64x128xf32, #tpu.memory_space<vmem>>
      %dma_start3A_517 = tpu.memref_squeeze %dma_start3A_516 : memref<1x64x128xf32, #tpu.memory_space<vmem>> -> memref<64x128xf32, #tpu.memory_space<vmem>>
      %dma_start3A_518 = arith.constant 0 : i32
      %dma_start3A_519 = tpu.memref_slice %arg8[%dma_start3A_512, %dma_start3A_518] : memref<3x64xi32, #tpu.memory_space<vmem>> -> memref<1x64xi32, #tpu.memory_space<vmem>>
      %dma_start3A_520 = tpu.memref_squeeze %dma_start3A_519 : memref<1x64xi32, #tpu.memory_space<vmem>> -> memref<64xi32, #tpu.memory_space<vmem>>
      %dma_start3A_521 = arith.constant 0 : i32
      %dma_start3A_522 = arith.constant 0 : i32
      %dma_start3A_523 = tpu.memref_slice %arg11[%dma_start3A_521, %dma_start3A_522] : memref<10112x128xf32, #tpu.memory_space<vmem_shared>> -> memref<10112x128xf32, #tpu.memory_space<vmem_shared>>
      %dma_start3A_524 = tpu.memref_slice %arg15[%dma_start3A_513] : memref<3x!tpu.dma_semaphore, #tpu.memory_space<semaphore_mem>> -> memref<1x!tpu.dma_semaphore, #tpu.memory_space<semaphore_mem>>
      %dma_start3A_525 = tpu.memref_squeeze %dma_start3A_524 : memref<1x!tpu.dma_semaphore, #tpu.memory_space<semaphore_mem>> -> memref<!tpu.dma_semaphore, #tpu.memory_space<semaphore_mem>>
      tpu.enqueue_indirect_dma source(%dma_start3A_517 : memref<64x128xf32, #tpu.memory_space<vmem>>) target(%dma_start3A_523 : memref<10112x128xf32, #tpu.memory_space<vmem_shared>>) offsets(%dma_start3A_520 : memref<64xi32, #tpu.memory_space<vmem>>) semaphore(%dma_start3A_525 : memref<!tpu.dma_semaphore, #tpu.memory_space<semaphore_mem>>) {add = true}
      %mul3A_526 = arith.constant 6 : i32
      %mul3A_527 = arith.muli %mul3A_526, %scan3A_231 : i32
      %add3A_528 = arith.constant 2 : i32
      %add3A_529 = arith.addi %mul3A_527, %add3A_528 : i32
      %add3A_530 = arith.constant 1 : i32
      %add3A_531 = arith.addi %add3A_529, %add3A_530 : i32
      %dma_wait3A_532 = arith.constant 0 : i32
      %dma_wait3A_533 = arith.constant 0 : i32
      %dma_wait3A_534 = arith.constant 0 : i32
      %dma_wait3A_535 = arith.constant 0 : i32
      %dma_wait3A_536 = arith.constant 0 : i32
      %dma_wait3A_537 = tpu.memref_slice %arg9[%dma_wait3A_532, %dma_wait3A_535, %dma_wait3A_536] : memref<3x64x128xf32, #tpu.memory_space<vmem>> -> memref<1x64x128xf32, #tpu.memory_space<vmem>>
      %dma_wait3A_538 = tpu.memref_squeeze %dma_wait3A_537 : memref<1x64x128xf32, #tpu.memory_space<vmem>> -> memref<64x128xf32, #tpu.memory_space<vmem>>
      %dma_wait3A_539 = arith.constant 0 : i32
      %dma_wait3A_540 = tpu.memref_slice %arg8[%dma_wait3A_533, %dma_wait3A_539] : memref<3x64xi32, #tpu.memory_space<vmem>> -> memref<1x64xi32, #tpu.memory_space<vmem>>
      %dma_wait3A_541 = tpu.memref_squeeze %dma_wait3A_540 : memref<1x64xi32, #tpu.memory_space<vmem>> -> memref<64xi32, #tpu.memory_space<vmem>>
      %dma_wait3A_542 = arith.constant 0 : i32
      %dma_wait3A_543 = arith.constant 0 : i32
      %dma_wait3A_544 = tpu.memref_slice %arg11[%dma_wait3A_542, %dma_wait3A_543] : memref<10112x128xf32, #tpu.memory_space<vmem_shared>> -> memref<10112x128xf32, #tpu.memory_space<vmem_shared>>
      %dma_wait3A_545 = tpu.memref_slice %arg15[%dma_wait3A_534] : memref<3x!tpu.dma_semaphore, #tpu.memory_space<semaphore_mem>> -> memref<1x!tpu.dma_semaphore, #tpu.memory_space<semaphore_mem>>
      %dma_wait3A_546 = tpu.memref_squeeze %dma_wait3A_545 : memref<1x!tpu.dma_semaphore, #tpu.memory_space<semaphore_mem>> -> memref<!tpu.dma_semaphore, #tpu.memory_space<semaphore_mem>>
      tpu.wait_indirect_dma semaphore(%dma_wait3A_546 : memref<!tpu.dma_semaphore, #tpu.memory_space<semaphore_mem>>) src(%dma_wait3A_538 : memref<64x128xf32, #tpu.memory_space<vmem>>) dst(%dma_wait3A_544 : memref<10112x128xf32, #tpu.memory_space<vmem_shared>>)
      %mul3A_547 = arith.constant 64 : i32
      %mul3A_548 = arith.muli %add3A_531, %mul3A_547 : i32
      %add3A_549 = arith.addi %mul3A_35, %mul3A_548 : i32
      %dma_start3A_550 = arith.constant 1 : i32
      %dma_start3A_551 = arith.constant 1 : i32
      %dma_start3A_552 = arith.constant 0 : i32
      %dma_start3A_553 = tpu.memref_slice %arg7[%dma_start3A_550, %dma_start3A_552] : memref<2x64xi32, #tpu.memory_space<vmem>> -> memref<1x64xi32, #tpu.memory_space<vmem>>
      %dma_start3A_554 = tpu.memref_squeeze %dma_start3A_553 : memref<1x64xi32, #tpu.memory_space<vmem>> -> memref<64xi32, #tpu.memory_space<vmem>>
      %dma_start3A_555 = tpu.memref_slice %arg4[%add3A_549] : memref<331776xi32, #tpu.memory_space<hbm>> -> memref<64xi32, #tpu.memory_space<hbm>>
      %dma_start3A_556 = tpu.memref_slice %arg12[%dma_start3A_551] : memref<2x!tpu.dma_semaphore, #tpu.memory_space<semaphore_mem>> -> memref<1x!tpu.dma_semaphore, #tpu.memory_space<semaphore_mem>>
      %dma_start3A_557 = tpu.memref_squeeze %dma_start3A_556 : memref<1x!tpu.dma_semaphore, #tpu.memory_space<semaphore_mem>> -> memref<!tpu.dma_semaphore, #tpu.memory_space<semaphore_mem>>
      %dma_start3A_558 = arith.constant 0 : i32
      %dma_start3A_559 = tpu.memref_slice %arg7[%dma_start3A_550, %dma_start3A_558] : memref<2x64xi32, #tpu.memory_space<vmem>> -> memref<1x64xi32, #tpu.memory_space<vmem>>
      %dma_start3A_560 = tpu.memref_squeeze %dma_start3A_559 : memref<1x64xi32, #tpu.memory_space<vmem>> -> memref<64xi32, #tpu.memory_space<vmem>>
      %dma_start3A_561 = tpu.memref_slice %arg4[%add3A_549] : memref<331776xi32, #tpu.memory_space<hbm>> -> memref<64xi32, #tpu.memory_space<hbm>>
      tpu.enqueue_dma source(%dma_start3A_561 : memref<64xi32, #tpu.memory_space<hbm>>) target(%dma_start3A_560 : memref<64xi32, #tpu.memory_space<vmem>>) target_semaphore(%dma_start3A_557 : memref<!tpu.dma_semaphore, #tpu.memory_space<semaphore_mem>>)
      %dma_start3A_562 = arith.constant 0 : i32
      %dma_start3A_563 = arith.constant 1 : i32
      %dma_start3A_564 = arith.constant 0 : i32
      %dma_start3A_565 = tpu.memref_slice %arg8[%dma_start3A_562, %dma_start3A_564] : memref<3x64xi32, #tpu.memory_space<vmem>> -> memref<1x64xi32, #tpu.memory_space<vmem>>
      %dma_start3A_566 = tpu.memref_squeeze %dma_start3A_565 : memref<1x64xi32, #tpu.memory_space<vmem>> -> memref<64xi32, #tpu.memory_space<vmem>>
      %dma_start3A_567 = tpu.memref_slice %arg5[%add3A_549] : memref<331776xi32, #tpu.memory_space<hbm>> -> memref<64xi32, #tpu.memory_space<hbm>>
      %dma_start3A_568 = tpu.memref_slice %arg12[%dma_start3A_563] : memref<2x!tpu.dma_semaphore, #tpu.memory_space<semaphore_mem>> -> memref<1x!tpu.dma_semaphore, #tpu.memory_space<semaphore_mem>>
      %dma_start3A_569 = tpu.memref_squeeze %dma_start3A_568 : memref<1x!tpu.dma_semaphore, #tpu.memory_space<semaphore_mem>> -> memref<!tpu.dma_semaphore, #tpu.memory_space<semaphore_mem>>
      %dma_start3A_570 = arith.constant 0 : i32
      %dma_start3A_571 = tpu.memref_slice %arg8[%dma_start3A_562, %dma_start3A_570] : memref<3x64xi32, #tpu.memory_space<vmem>> -> memref<1x64xi32, #tpu.memory_space<vmem>>
      %dma_start3A_572 = tpu.memref_squeeze %dma_start3A_571 : memref<1x64xi32, #tpu.memory_space<vmem>> -> memref<64xi32, #tpu.memory_space<vmem>>
      %dma_start3A_573 = tpu.memref_slice %arg5[%add3A_549] : memref<331776xi32, #tpu.memory_space<hbm>> -> memref<64xi32, #tpu.memory_space<hbm>>
      tpu.enqueue_dma source(%dma_start3A_573 : memref<64xi32, #tpu.memory_space<hbm>>) target(%dma_start3A_572 : memref<64xi32, #tpu.memory_space<vmem>>) target_semaphore(%dma_start3A_569 : memref<!tpu.dma_semaphore, #tpu.memory_space<semaphore_mem>>)
      %dma_start3A_574 = arith.constant 1 : i32
      %dma_start3A_575 = arith.constant 1 : i32
      %dma_start3A_576 = arith.constant 0 : i32
      %dma_start3A_577 = arith.constant 0 : i32
      %dma_start3A_578 = tpu.memref_slice %arg10[%dma_start3A_574, %dma_start3A_576, %dma_start3A_577] : memref<2x64x128xf32, #tpu.memory_space<vmem>> -> memref<1x64x128xf32, #tpu.memory_space<vmem>>
      %dma_start3A_579 = tpu.memref_squeeze %dma_start3A_578 : memref<1x64x128xf32, #tpu.memory_space<vmem>> -> memref<64x128xf32, #tpu.memory_space<vmem>>
      %dma_start3A_580 = arith.constant 0 : i32
      %dma_start3A_581 = tpu.memref_slice %arg3[%add3A_549, %dma_start3A_580] : memref<331776x128xf32, #tpu.memory_space<hbm>> -> memref<64x128xf32, #tpu.memory_space<hbm>>
      %dma_start3A_582 = tpu.memref_slice %arg13[%dma_start3A_575] : memref<2x!tpu.dma_semaphore, #tpu.memory_space<semaphore_mem>> -> memref<1x!tpu.dma_semaphore, #tpu.memory_space<semaphore_mem>>
      %dma_start3A_583 = tpu.memref_squeeze %dma_start3A_582 : memref<1x!tpu.dma_semaphore, #tpu.memory_space<semaphore_mem>> -> memref<!tpu.dma_semaphore, #tpu.memory_space<semaphore_mem>>
      %dma_start3A_584 = arith.constant 0 : i32
      %dma_start3A_585 = arith.constant 0 : i32
      %dma_start3A_586 = tpu.memref_slice %arg10[%dma_start3A_574, %dma_start3A_584, %dma_start3A_585] : memref<2x64x128xf32, #tpu.memory_space<vmem>> -> memref<1x64x128xf32, #tpu.memory_space<vmem>>
      %dma_start3A_587 = tpu.memref_squeeze %dma_start3A_586 : memref<1x64x128xf32, #tpu.memory_space<vmem>> -> memref<64x128xf32, #tpu.memory_space<vmem>>
      %dma_start3A_588 = arith.constant 0 : i32
      %dma_start3A_589 = tpu.memref_slice %arg3[%add3A_549, %dma_start3A_588] : memref<331776x128xf32, #tpu.memory_space<hbm>> -> memref<64x128xf32, #tpu.memory_space<hbm>>
      tpu.enqueue_dma source(%dma_start3A_589 : memref<64x128xf32, #tpu.memory_space<hbm>>) target(%dma_start3A_587 : memref<64x128xf32, #tpu.memory_space<vmem>>) target_semaphore(%dma_start3A_583 : memref<!tpu.dma_semaphore, #tpu.memory_space<semaphore_mem>>)
      %dma_wait3A_590 = arith.constant 1 : i32
      %dma_wait3A_591 = arith.constant 1 : i32
      %dma_wait3A_592 = arith.constant 0 : i32
      %dma_wait3A_593 = tpu.memref_slice %arg7[%dma_wait3A_590, %dma_wait3A_592] : memref<2x64xi32, #tpu.memory_space<vmem>> -> memref<1x64xi32, #tpu.memory_space<vmem>>
      %dma_wait3A_594 = tpu.memref_squeeze %dma_wait3A_593 : memref<1x64xi32, #tpu.memory_space<vmem>> -> memref<64xi32, #tpu.memory_space<vmem>>
      %dma_wait3A_595 = arith.constant 0 : i32
      %dma_wait3A_596 = tpu.memref_slice %arg4[%dma_wait3A_595] : memref<331776xi32, #tpu.memory_space<hbm>> -> memref<64xi32, #tpu.memory_space<hbm>>
      %dma_wait3A_597 = tpu.memref_slice %arg12[%dma_wait3A_591] : memref<2x!tpu.dma_semaphore, #tpu.memory_space<semaphore_mem>> -> memref<1x!tpu.dma_semaphore, #tpu.memory_space<semaphore_mem>>
      %dma_wait3A_598 = tpu.memref_squeeze %dma_wait3A_597 : memref<1x!tpu.dma_semaphore, #tpu.memory_space<semaphore_mem>> -> memref<!tpu.dma_semaphore, #tpu.memory_space<semaphore_mem>>
      %dma_wait3A_599 = arith.constant 0 : i32
      %dma_wait3A_600 = tpu.memref_slice %arg7[%dma_wait3A_590, %dma_wait3A_599] : memref<2x64xi32, #tpu.memory_space<vmem>> -> memref<1x64xi32, #tpu.memory_space<vmem>>
      %dma_wait3A_601 = tpu.memref_squeeze %dma_wait3A_600 : memref<1x64xi32, #tpu.memory_space<vmem>> -> memref<64xi32, #tpu.memory_space<vmem>>
      %dma_wait3A_602 = arith.constant 0 : i32
      %dma_wait3A_603 = tpu.memref_slice %arg4[%dma_wait3A_602] : memref<331776xi32, #tpu.memory_space<hbm>> -> memref<64xi32, #tpu.memory_space<hbm>>
      tpu.wait_dma2 semaphore(%dma_wait3A_598 : memref<!tpu.dma_semaphore, #tpu.memory_space<semaphore_mem>>) src(%dma_wait3A_603 : memref<64xi32, #tpu.memory_space<hbm>>) dst(%dma_wait3A_601 : memref<64xi32, #tpu.memory_space<vmem>>)
      %dma_wait3A_604 = arith.constant 0 : i32
      %dma_wait3A_605 = arith.constant 1 : i32
      %dma_wait3A_606 = arith.constant 0 : i32
      %dma_wait3A_607 = tpu.memref_slice %arg8[%dma_wait3A_604, %dma_wait3A_606] : memref<3x64xi32, #tpu.memory_space<vmem>> -> memref<1x64xi32, #tpu.memory_space<vmem>>
      %dma_wait3A_608 = tpu.memref_squeeze %dma_wait3A_607 : memref<1x64xi32, #tpu.memory_space<vmem>> -> memref<64xi32, #tpu.memory_space<vmem>>
      %dma_wait3A_609 = arith.constant 0 : i32
      %dma_wait3A_610 = tpu.memref_slice %arg5[%dma_wait3A_609] : memref<331776xi32, #tpu.memory_space<hbm>> -> memref<64xi32, #tpu.memory_space<hbm>>
      %dma_wait3A_611 = tpu.memref_slice %arg12[%dma_wait3A_605] : memref<2x!tpu.dma_semaphore, #tpu.memory_space<semaphore_mem>> -> memref<1x!tpu.dma_semaphore, #tpu.memory_space<semaphore_mem>>
      %dma_wait3A_612 = tpu.memref_squeeze %dma_wait3A_611 : memref<1x!tpu.dma_semaphore, #tpu.memory_space<semaphore_mem>> -> memref<!tpu.dma_semaphore, #tpu.memory_space<semaphore_mem>>
      %dma_wait3A_613 = arith.constant 0 : i32
      %dma_wait3A_614 = tpu.memref_slice %arg8[%dma_wait3A_604, %dma_wait3A_613] : memref<3x64xi32, #tpu.memory_space<vmem>> -> memref<1x64xi32, #tpu.memory_space<vmem>>
      %dma_wait3A_615 = tpu.memref_squeeze %dma_wait3A_614 : memref<1x64xi32, #tpu.memory_space<vmem>> -> memref<64xi32, #tpu.memory_space<vmem>>
      %dma_wait3A_616 = arith.constant 0 : i32
      %dma_wait3A_617 = tpu.memref_slice %arg5[%dma_wait3A_616] : memref<331776xi32, #tpu.memory_space<hbm>> -> memref<64xi32, #tpu.memory_space<hbm>>
      tpu.wait_dma2 semaphore(%dma_wait3A_612 : memref<!tpu.dma_semaphore, #tpu.memory_space<semaphore_mem>>) src(%dma_wait3A_617 : memref<64xi32, #tpu.memory_space<hbm>>) dst(%dma_wait3A_615 : memref<64xi32, #tpu.memory_space<vmem>>)
      %dma_start3A_618 = arith.constant 1 : i32
      %dma_start3A_619 = arith.constant 0 : i32
      %dma_start3A_620 = arith.constant 0 : i32
      %dma_start3A_621 = arith.constant 0 : i32
      %dma_start3A_622 = arith.constant 0 : i32
      %dma_start3A_623 = tpu.memref_slice %arg9[%dma_start3A_619, %dma_start3A_621, %dma_start3A_622] : memref<3x64x128xf32, #tpu.memory_space<vmem>> -> memref<1x64x128xf32, #tpu.memory_space<vmem>>
      %dma_start3A_624 = tpu.memref_squeeze %dma_start3A_623 : memref<1x64x128xf32, #tpu.memory_space<vmem>> -> memref<64x128xf32, #tpu.memory_space<vmem>>
      %dma_start3A_625 = arith.constant 0 : i32
      %dma_start3A_626 = tpu.memref_slice %arg7[%dma_start3A_618, %dma_start3A_625] : memref<2x64xi32, #tpu.memory_space<vmem>> -> memref<1x64xi32, #tpu.memory_space<vmem>>
      %dma_start3A_627 = tpu.memref_squeeze %dma_start3A_626 : memref<1x64xi32, #tpu.memory_space<vmem>> -> memref<64xi32, #tpu.memory_space<vmem>>
      %dma_start3A_628 = arith.constant 0 : i32
      %dma_start3A_629 = arith.constant 0 : i32
      %dma_start3A_630 = tpu.memref_slice %arg2[%dma_start3A_628, %dma_start3A_629] : memref<10000x128xf32, #tpu.memory_space<hbm>> -> memref<10000x128xf32, #tpu.memory_space<hbm>>
      %dma_start3A_631 = tpu.memref_slice %arg14[%dma_start3A_620] : memref<3x!tpu.dma_semaphore, #tpu.memory_space<semaphore_mem>> -> memref<1x!tpu.dma_semaphore, #tpu.memory_space<semaphore_mem>>
      %dma_start3A_632 = tpu.memref_squeeze %dma_start3A_631 : memref<1x!tpu.dma_semaphore, #tpu.memory_space<semaphore_mem>> -> memref<!tpu.dma_semaphore, #tpu.memory_space<semaphore_mem>>
      tpu.enqueue_indirect_dma source(%dma_start3A_630 : memref<10000x128xf32, #tpu.memory_space<hbm>>) target(%dma_start3A_624 : memref<64x128xf32, #tpu.memory_space<vmem>>) offsets(%dma_start3A_627 : memref<64xi32, #tpu.memory_space<vmem>>) semaphore(%dma_start3A_632 : memref<!tpu.dma_semaphore, #tpu.memory_space<semaphore_mem>>)
      %dma_wait3A_633 = arith.constant 0 : i32
      %dma_wait3A_634 = arith.constant 2 : i32
      %dma_wait3A_635 = arith.constant 2 : i32
      %dma_wait3A_636 = arith.constant 0 : i32
      %dma_wait3A_637 = arith.constant 0 : i32
      %dma_wait3A_638 = tpu.memref_slice %arg9[%dma_wait3A_634, %dma_wait3A_636, %dma_wait3A_637] : memref<3x64x128xf32, #tpu.memory_space<vmem>> -> memref<1x64x128xf32, #tpu.memory_space<vmem>>
      %dma_wait3A_639 = tpu.memref_squeeze %dma_wait3A_638 : memref<1x64x128xf32, #tpu.memory_space<vmem>> -> memref<64x128xf32, #tpu.memory_space<vmem>>
      %dma_wait3A_640 = arith.constant 0 : i32
      %dma_wait3A_641 = tpu.memref_slice %arg7[%dma_wait3A_633, %dma_wait3A_640] : memref<2x64xi32, #tpu.memory_space<vmem>> -> memref<1x64xi32, #tpu.memory_space<vmem>>
      %dma_wait3A_642 = tpu.memref_squeeze %dma_wait3A_641 : memref<1x64xi32, #tpu.memory_space<vmem>> -> memref<64xi32, #tpu.memory_space<vmem>>
      %dma_wait3A_643 = arith.constant 0 : i32
      %dma_wait3A_644 = arith.constant 0 : i32
      %dma_wait3A_645 = tpu.memref_slice %arg2[%dma_wait3A_643, %dma_wait3A_644] : memref<10000x128xf32, #tpu.memory_space<hbm>> -> memref<10000x128xf32, #tpu.memory_space<hbm>>
      %dma_wait3A_646 = tpu.memref_slice %arg14[%dma_wait3A_635] : memref<3x!tpu.dma_semaphore, #tpu.memory_space<semaphore_mem>> -> memref<1x!tpu.dma_semaphore, #tpu.memory_space<semaphore_mem>>
      %dma_wait3A_647 = tpu.memref_squeeze %dma_wait3A_646 : memref<1x!tpu.dma_semaphore, #tpu.memory_space<semaphore_mem>> -> memref<!tpu.dma_semaphore, #tpu.memory_space<semaphore_mem>>
      tpu.wait_indirect_dma semaphore(%dma_wait3A_647 : memref<!tpu.dma_semaphore, #tpu.memory_space<semaphore_mem>>) src(%dma_wait3A_645 : memref<10000x128xf32, #tpu.memory_space<hbm>>) dst(%dma_wait3A_639 : memref<64x128xf32, #tpu.memory_space<vmem>>)
      %dma_wait3A_648 = arith.constant 0 : i32
      %dma_wait3A_649 = arith.constant 0 : i32
      %dma_wait3A_650 = arith.constant 0 : i32
      %dma_wait3A_651 = arith.constant 0 : i32
      %dma_wait3A_652 = tpu.memref_slice %arg10[%dma_wait3A_648, %dma_wait3A_650, %dma_wait3A_651] : memref<2x64x128xf32, #tpu.memory_space<vmem>> -> memref<1x64x128xf32, #tpu.memory_space<vmem>>
      %dma_wait3A_653 = tpu.memref_squeeze %dma_wait3A_652 : memref<1x64x128xf32, #tpu.memory_space<vmem>> -> memref<64x128xf32, #tpu.memory_space<vmem>>
      %dma_wait3A_654 = arith.constant 0 : i32
      %dma_wait3A_655 = arith.constant 0 : i32
      %dma_wait3A_656 = tpu.memref_slice %arg3[%dma_wait3A_654, %dma_wait3A_655] : memref<331776x128xf32, #tpu.memory_space<hbm>> -> memref<64x128xf32, #tpu.memory_space<hbm>>
      %dma_wait3A_657 = tpu.memref_slice %arg13[%dma_wait3A_649] : memref<2x!tpu.dma_semaphore, #tpu.memory_space<semaphore_mem>> -> memref<1x!tpu.dma_semaphore, #tpu.memory_space<semaphore_mem>>
      %dma_wait3A_658 = tpu.memref_squeeze %dma_wait3A_657 : memref<1x!tpu.dma_semaphore, #tpu.memory_space<semaphore_mem>> -> memref<!tpu.dma_semaphore, #tpu.memory_space<semaphore_mem>>
      %dma_wait3A_659 = arith.constant 0 : i32
      %dma_wait3A_660 = arith.constant 0 : i32
      %dma_wait3A_661 = tpu.memref_slice %arg10[%dma_wait3A_648, %dma_wait3A_659, %dma_wait3A_660] : memref<2x64x128xf32, #tpu.memory_space<vmem>> -> memref<1x64x128xf32, #tpu.memory_space<vmem>>
      %dma_wait3A_662 = tpu.memref_squeeze %dma_wait3A_661 : memref<1x64x128xf32, #tpu.memory_space<vmem>> -> memref<64x128xf32, #tpu.memory_space<vmem>>
      %dma_wait3A_663 = arith.constant 0 : i32
      %dma_wait3A_664 = arith.constant 0 : i32
      %dma_wait3A_665 = tpu.memref_slice %arg3[%dma_wait3A_663, %dma_wait3A_664] : memref<331776x128xf32, #tpu.memory_space<hbm>> -> memref<64x128xf32, #tpu.memory_space<hbm>>
      tpu.wait_dma2 semaphore(%dma_wait3A_658 : memref<!tpu.dma_semaphore, #tpu.memory_space<semaphore_mem>>) src(%dma_wait3A_665 : memref<64x128xf32, #tpu.memory_space<hbm>>) dst(%dma_wait3A_662 : memref<64x128xf32, #tpu.memory_space<vmem>>)
      %parallel_loop3A_666 = arith.constant 0 : i32
      %parallel_loop3A_667 = arith.constant 64 : i32
      %parallel_loop3A_668 = arith.constant 1 : i32
      scf.for %parallel_loop3A_1062 = %parallel_loop3A_666 to %parallel_loop3A_667 step %parallel_loop3A_668  : i32 {
        %parallel_loop3A_1063 = arith.constant 2 : i32
        %parallel_loop3A_1064 = arith.index_cast %parallel_loop3A_1063 : i32 to index
        %parallel_loop3A_1065 = arith.index_cast %parallel_loop3A_1062 : i32 to index
        %parallel_loop3A_1066 = arith.constant 0 : index
        %parallel_loop3A_1067 = tpu.vector_load %arg9[%parallel_loop3A_1064, %parallel_loop3A_1065, %parallel_loop3A_1066] {strides = array<i32>} : memref<3x64x128xf32, #tpu.memory_space<vmem>>, vector<1x1x16xf32>,
        %parallel_loop3A_1068 = vector.shape_cast %parallel_loop3A_1067 : vector<1x1x16xf32> to vector<16xf32>
        %parallel_loop3A_1069 = arith.constant 0 : i32
        %parallel_loop3A_1070 = arith.index_cast %parallel_loop3A_1069 : i32 to index
        %parallel_loop3A_1071 = arith.index_cast %parallel_loop3A_1062 : i32 to index
        %parallel_loop3A_1072 = arith.constant 0 : index
        %parallel_loop3A_1073 = tpu.vector_load %arg10[%parallel_loop3A_1070, %parallel_loop3A_1071, %parallel_loop3A_1072] {strides = array<i32>} : memref<2x64x128xf32, #tpu.memory_space<vmem>>, vector<1x1x16xf32>,
        %parallel_loop3A_1074 = vector.shape_cast %parallel_loop3A_1073 : vector<1x1x16xf32> to vector<16xf32>
        %parallel_loop3A_1075 = arith.mulf %parallel_loop3A_1068, %parallel_loop3A_1074 : vector<16xf32>
        %parallel_loop3A_1076 = arith.constant 2 : i32
        %parallel_loop3A_1077 = arith.index_cast %parallel_loop3A_1076 : i32 to index
        %parallel_loop3A_1078 = arith.index_cast %parallel_loop3A_1062 : i32 to index
        %parallel_loop3A_1079 = arith.constant 0 : index
        %parallel_loop3A_1080 = tpu.vector_load %arg9[%parallel_loop3A_1077, %parallel_loop3A_1078, %parallel_loop3A_1079] {strides = array<i32>} : memref<3x64x128xf32, #tpu.memory_space<vmem>>, vector<1x1x16xf32>,
        %parallel_loop3A_1081 = vector.shape_cast %parallel_loop3A_1080 : vector<1x1x16xf32> to vector<16xf32>
        %parallel_loop3A_1082 = vector.shape_cast %parallel_loop3A_1075 : vector<16xf32> to vector<1x1x16xf32>
        tpu.vector_store %arg9[%parallel_loop3A_1077, %parallel_loop3A_1078, %parallel_loop3A_1079], %parallel_loop3A_1082 {strides = array<i32>} : memref<3x64x128xf32, #tpu.memory_space<vmem>>, vector<1x1x16xf32>,
        %parallel_loop3A_1083 = arith.constant 2 : i32
        %parallel_loop3A_1084 = arith.index_cast %parallel_loop3A_1083 : i32 to index
        %parallel_loop3A_1085 = arith.index_cast %parallel_loop3A_1062 : i32 to index
        %parallel_loop3A_1086 = arith.constant 16 : index
        %parallel_loop3A_1087 = tpu.vector_load %arg9[%parallel_loop3A_1084, %parallel_loop3A_1085, %parallel_loop3A_1086] {strides = array<i32>} : memref<3x64x128xf32, #tpu.memory_space<vmem>>, vector<1x1x16xf32>,
        %parallel_loop3A_1088 = vector.shape_cast %parallel_loop3A_1087 : vector<1x1x16xf32> to vector<16xf32>
        %parallel_loop3A_1089 = arith.constant 0 : i32
        %parallel_loop3A_1090 = arith.index_cast %parallel_loop3A_1089 : i32 to index
        %parallel_loop3A_1091 = arith.index_cast %parallel_loop3A_1062 : i32 to index
        %parallel_loop3A_1092 = arith.constant 16 : index
        %parallel_loop3A_1093 = tpu.vector_load %arg10[%parallel_loop3A_1090, %parallel_loop3A_1091, %parallel_loop3A_1092] {strides = array<i32>} : memref<2x64x128xf32, #tpu.memory_space<vmem>>, vector<1x1x16xf32>,
        %parallel_loop3A_1094 = vector.shape_cast %parallel_loop3A_1093 : vector<1x1x16xf32> to vector<16xf32>
        %parallel_loop3A_1095 = arith.mulf %parallel_loop3A_1088, %parallel_loop3A_1094 : vector<16xf32>
        %parallel_loop3A_1096 = arith.constant 2 : i32
        %parallel_loop3A_1097 = arith.index_cast %parallel_loop3A_1096 : i32 to index
        %parallel_loop3A_1098 = arith.index_cast %parallel_loop3A_1062 : i32 to index
        %parallel_loop3A_1099 = arith.constant 16 : index
        %parallel_loop3A_1100 = tpu.vector_load %arg9[%parallel_loop3A_1097, %parallel_loop3A_1098, %parallel_loop3A_1099] {strides = array<i32>} : memref<3x64x128xf32, #tpu.memory_space<vmem>>, vector<1x1x16xf32>,
        %parallel_loop3A_1101 = vector.shape_cast %parallel_loop3A_1100 : vector<1x1x16xf32> to vector<16xf32>
        %parallel_loop3A_1102 = vector.shape_cast %parallel_loop3A_1095 : vector<16xf32> to vector<1x1x16xf32>
        tpu.vector_store %arg9[%parallel_loop3A_1097, %parallel_loop3A_1098, %parallel_loop3A_1099], %parallel_loop3A_1102 {strides = array<i32>} : memref<3x64x128xf32, #tpu.memory_space<vmem>>, vector<1x1x16xf32>,
        %parallel_loop3A_1103 = arith.constant 2 : i32
        %parallel_loop3A_1104 = arith.index_cast %parallel_loop3A_1103 : i32 to index
        %parallel_loop3A_1105 = arith.index_cast %parallel_loop3A_1062 : i32 to index
        %parallel_loop3A_1106 = arith.constant 32 : index
        %parallel_loop3A_1107 = tpu.vector_load %arg9[%parallel_loop3A_1104, %parallel_loop3A_1105, %parallel_loop3A_1106] {strides = array<i32>} : memref<3x64x128xf32, #tpu.memory_space<vmem>>, vector<1x1x16xf32>,
        %parallel_loop3A_1108 = vector.shape_cast %parallel_loop3A_1107 : vector<1x1x16xf32> to vector<16xf32>
        %parallel_loop3A_1109 = arith.constant 0 : i32
        %parallel_loop3A_1110 = arith.index_cast %parallel_loop3A_1109 : i32 to index
        %parallel_loop3A_1111 = arith.index_cast %parallel_loop3A_1062 : i32 to index
        %parallel_loop3A_1112 = arith.constant 32 : index
        %parallel_loop3A_1113 = tpu.vector_load %arg10[%parallel_loop3A_1110, %parallel_loop3A_1111, %parallel_loop3A_1112] {strides = array<i32>} : memref<2x64x128xf32, #tpu.memory_space<vmem>>, vector<1x1x16xf32>,
        %parallel_loop3A_1114 = vector.shape_cast %parallel_loop3A_1113 : vector<1x1x16xf32> to vector<16xf32>
        %parallel_loop3A_1115 = arith.mulf %parallel_loop3A_1108, %parallel_loop3A_1114 : vector<16xf32>
        %parallel_loop3A_1116 = arith.constant 2 : i32
        %parallel_loop3A_1117 = arith.index_cast %parallel_loop3A_1116 : i32 to index
        %parallel_loop3A_1118 = arith.index_cast %parallel_loop3A_1062 : i32 to index
        %parallel_loop3A_1119 = arith.constant 32 : index
        %parallel_loop3A_1120 = tpu.vector_load %arg9[%parallel_loop3A_1117, %parallel_loop3A_1118, %parallel_loop3A_1119] {strides = array<i32>} : memref<3x64x128xf32, #tpu.memory_space<vmem>>, vector<1x1x16xf32>,
        %parallel_loop3A_1121 = vector.shape_cast %parallel_loop3A_1120 : vector<1x1x16xf32> to vector<16xf32>
        %parallel_loop3A_1122 = vector.shape_cast %parallel_loop3A_1115 : vector<16xf32> to vector<1x1x16xf32>
        tpu.vector_store %arg9[%parallel_loop3A_1117, %parallel_loop3A_1118, %parallel_loop3A_1119], %parallel_loop3A_1122 {strides = array<i32>} : memref<3x64x128xf32, #tpu.memory_space<vmem>>, vector<1x1x16xf32>,
        %parallel_loop3A_1123 = arith.constant 2 : i32
        %parallel_loop3A_1124 = arith.index_cast %parallel_loop3A_1123 : i32 to index
        %parallel_loop3A_1125 = arith.index_cast %parallel_loop3A_1062 : i32 to index
        %parallel_loop3A_1126 = arith.constant 48 : index
        %parallel_loop3A_1127 = tpu.vector_load %arg9[%parallel_loop3A_1124, %parallel_loop3A_1125, %parallel_loop3A_1126] {strides = array<i32>} : memref<3x64x128xf32, #tpu.memory_space<vmem>>, vector<1x1x16xf32>,
        %parallel_loop3A_1128 = vector.shape_cast %parallel_loop3A_1127 : vector<1x1x16xf32> to vector<16xf32>
        %parallel_loop3A_1129 = arith.constant 0 : i32
        %parallel_loop3A_1130 = arith.index_cast %parallel_loop3A_1129 : i32 to index
        %parallel_loop3A_1131 = arith.index_cast %parallel_loop3A_1062 : i32 to index
        %parallel_loop3A_1132 = arith.constant 48 : index
        %parallel_loop3A_1133 = tpu.vector_load %arg10[%parallel_loop3A_1130, %parallel_loop3A_1131, %parallel_loop3A_1132] {strides = array<i32>} : memref<2x64x128xf32, #tpu.memory_space<vmem>>, vector<1x1x16xf32>,
        %parallel_loop3A_1134 = vector.shape_cast %parallel_loop3A_1133 : vector<1x1x16xf32> to vector<16xf32>
        %parallel_loop3A_1135 = arith.mulf %parallel_loop3A_1128, %parallel_loop3A_1134 : vector<16xf32>
        %parallel_loop3A_1136 = arith.constant 2 : i32
        %parallel_loop3A_1137 = arith.index_cast %parallel_loop3A_1136 : i32 to index
        %parallel_loop3A_1138 = arith.index_cast %parallel_loop3A_1062 : i32 to index
        %parallel_loop3A_1139 = arith.constant 48 : index
        %parallel_loop3A_1140 = tpu.vector_load %arg9[%parallel_loop3A_1137, %parallel_loop3A_1138, %parallel_loop3A_1139] {strides = array<i32>} : memref<3x64x128xf32, #tpu.memory_space<vmem>>, vector<1x1x16xf32>,
        %parallel_loop3A_1141 = vector.shape_cast %parallel_loop3A_1140 : vector<1x1x16xf32> to vector<16xf32>
        %parallel_loop3A_1142 = vector.shape_cast %parallel_loop3A_1135 : vector<16xf32> to vector<1x1x16xf32>
        tpu.vector_store %arg9[%parallel_loop3A_1137, %parallel_loop3A_1138, %parallel_loop3A_1139], %parallel_loop3A_1142 {strides = array<i32>} : memref<3x64x128xf32, #tpu.memory_space<vmem>>, vector<1x1x16xf32>,
        %parallel_loop3A_1143 = arith.constant 2 : i32
        %parallel_loop3A_1144 = arith.index_cast %parallel_loop3A_1143 : i32 to index
        %parallel_loop3A_1145 = arith.index_cast %parallel_loop3A_1062 : i32 to index
        %parallel_loop3A_1146 = arith.constant 64 : index
        %parallel_loop3A_1147 = tpu.vector_load %arg9[%parallel_loop3A_1144, %parallel_loop3A_1145, %parallel_loop3A_1146] {strides = array<i32>} : memref<3x64x128xf32, #tpu.memory_space<vmem>>, vector<1x1x16xf32>,
        %parallel_loop3A_1148 = vector.shape_cast %parallel_loop3A_1147 : vector<1x1x16xf32> to vector<16xf32>
        %parallel_loop3A_1149 = arith.constant 0 : i32
        %parallel_loop3A_1150 = arith.index_cast %parallel_loop3A_1149 : i32 to index
        %parallel_loop3A_1151 = arith.index_cast %parallel_loop3A_1062 : i32 to index
        %parallel_loop3A_1152 = arith.constant 64 : index
        %parallel_loop3A_1153 = tpu.vector_load %arg10[%parallel_loop3A_1150, %parallel_loop3A_1151, %parallel_loop3A_1152] {strides = array<i32>} : memref<2x64x128xf32, #tpu.memory_space<vmem>>, vector<1x1x16xf32>,
        %parallel_loop3A_1154 = vector.shape_cast %parallel_loop3A_1153 : vector<1x1x16xf32> to vector<16xf32>
        %parallel_loop3A_1155 = arith.mulf %parallel_loop3A_1148, %parallel_loop3A_1154 : vector<16xf32>
        %parallel_loop3A_1156 = arith.constant 2 : i32
        %parallel_loop3A_1157 = arith.index_cast %parallel_loop3A_1156 : i32 to index
        %parallel_loop3A_1158 = arith.index_cast %parallel_loop3A_1062 : i32 to index
        %parallel_loop3A_1159 = arith.constant 64 : index
        %parallel_loop3A_1160 = tpu.vector_load %arg9[%parallel_loop3A_1157, %parallel_loop3A_1158, %parallel_loop3A_1159] {strides = array<i32>} : memref<3x64x128xf32, #tpu.memory_space<vmem>>, vector<1x1x16xf32>,
        %parallel_loop3A_1161 = vector.shape_cast %parallel_loop3A_1160 : vector<1x1x16xf32> to vector<16xf32>
        %parallel_loop3A_1162 = vector.shape_cast %parallel_loop3A_1155 : vector<16xf32> to vector<1x1x16xf32>
        tpu.vector_store %arg9[%parallel_loop3A_1157, %parallel_loop3A_1158, %parallel_loop3A_1159], %parallel_loop3A_1162 {strides = array<i32>} : memref<3x64x128xf32, #tpu.memory_space<vmem>>, vector<1x1x16xf32>,
        %parallel_loop3A_1163 = arith.constant 2 : i32
        %parallel_loop3A_1164 = arith.index_cast %parallel_loop3A_1163 : i32 to index
        %parallel_loop3A_1165 = arith.index_cast %parallel_loop3A_1062 : i32 to index
        %parallel_loop3A_1166 = arith.constant 80 : index
        %parallel_loop3A_1167 = tpu.vector_load %arg9[%parallel_loop3A_1164, %parallel_loop3A_1165, %parallel_loop3A_1166] {strides = array<i32>} : memref<3x64x128xf32, #tpu.memory_space<vmem>>, vector<1x1x16xf32>,
        %parallel_loop3A_1168 = vector.shape_cast %parallel_loop3A_1167 : vector<1x1x16xf32> to vector<16xf32>
        %parallel_loop3A_1169 = arith.constant 0 : i32
        %parallel_loop3A_1170 = arith.index_cast %parallel_loop3A_1169 : i32 to index
        %parallel_loop3A_1171 = arith.index_cast %parallel_loop3A_1062 : i32 to index
        %parallel_loop3A_1172 = arith.constant 80 : index
        %parallel_loop3A_1173 = tpu.vector_load %arg10[%parallel_loop3A_1170, %parallel_loop3A_1171, %parallel_loop3A_1172] {strides = array<i32>} : memref<2x64x128xf32, #tpu.memory_space<vmem>>, vector<1x1x16xf32>,
        %parallel_loop3A_1174 = vector.shape_cast %parallel_loop3A_1173 : vector<1x1x16xf32> to vector<16xf32>
        %parallel_loop3A_1175 = arith.mulf %parallel_loop3A_1168, %parallel_loop3A_1174 : vector<16xf32>
        %parallel_loop3A_1176 = arith.constant 2 : i32
        %parallel_loop3A_1177 = arith.index_cast %parallel_loop3A_1176 : i32 to index
        %parallel_loop3A_1178 = arith.index_cast %parallel_loop3A_1062 : i32 to index
        %parallel_loop3A_1179 = arith.constant 80 : index
        %parallel_loop3A_1180 = tpu.vector_load %arg9[%parallel_loop3A_1177, %parallel_loop3A_1178, %parallel_loop3A_1179] {strides = array<i32>} : memref<3x64x128xf32, #tpu.memory_space<vmem>>, vector<1x1x16xf32>,
        %parallel_loop3A_1181 = vector.shape_cast %parallel_loop3A_1180 : vector<1x1x16xf32> to vector<16xf32>
        %parallel_loop3A_1182 = vector.shape_cast %parallel_loop3A_1175 : vector<16xf32> to vector<1x1x16xf32>
        tpu.vector_store %arg9[%parallel_loop3A_1177, %parallel_loop3A_1178, %parallel_loop3A_1179], %parallel_loop3A_1182 {strides = array<i32>} : memref<3x64x128xf32, #tpu.memory_space<vmem>>, vector<1x1x16xf32>,
        %parallel_loop3A_1183 = arith.constant 2 : i32
        %parallel_loop3A_1184 = arith.index_cast %parallel_loop3A_1183 : i32 to index
        %parallel_loop3A_1185 = arith.index_cast %parallel_loop3A_1062 : i32 to index
        %parallel_loop3A_1186 = arith.constant 96 : index
        %parallel_loop3A_1187 = tpu.vector_load %arg9[%parallel_loop3A_1184, %parallel_loop3A_1185, %parallel_loop3A_1186] {strides = array<i32>} : memref<3x64x128xf32, #tpu.memory_space<vmem>>, vector<1x1x16xf32>,
        %parallel_loop3A_1188 = vector.shape_cast %parallel_loop3A_1187 : vector<1x1x16xf32> to vector<16xf32>
        %parallel_loop3A_1189 = arith.constant 0 : i32
        %parallel_loop3A_1190 = arith.index_cast %parallel_loop3A_1189 : i32 to index
        %parallel_loop3A_1191 = arith.index_cast %parallel_loop3A_1062 : i32 to index
        %parallel_loop3A_1192 = arith.constant 96 : index
        %parallel_loop3A_1193 = tpu.vector_load %arg10[%parallel_loop3A_1190, %parallel_loop3A_1191, %parallel_loop3A_1192] {strides = array<i32>} : memref<2x64x128xf32, #tpu.memory_space<vmem>>, vector<1x1x16xf32>,
        %parallel_loop3A_1194 = vector.shape_cast %parallel_loop3A_1193 : vector<1x1x16xf32> to vector<16xf32>
        %parallel_loop3A_1195 = arith.mulf %parallel_loop3A_1188, %parallel_loop3A_1194 : vector<16xf32>
        %parallel_loop3A_1196 = arith.constant 2 : i32
        %parallel_loop3A_1197 = arith.index_cast %parallel_loop3A_1196 : i32 to index
        %parallel_loop3A_1198 = arith.index_cast %parallel_loop3A_1062 : i32 to index
        %parallel_loop3A_1199 = arith.constant 96 : index
        %parallel_loop3A_1200 = tpu.vector_load %arg9[%parallel_loop3A_1197, %parallel_loop3A_1198, %parallel_loop3A_1199] {strides = array<i32>} : memref<3x64x128xf32, #tpu.memory_space<vmem>>, vector<1x1x16xf32>,
        %parallel_loop3A_1201 = vector.shape_cast %parallel_loop3A_1200 : vector<1x1x16xf32> to vector<16xf32>
        %parallel_loop3A_1202 = vector.shape_cast %parallel_loop3A_1195 : vector<16xf32> to vector<1x1x16xf32>
        tpu.vector_store %arg9[%parallel_loop3A_1197, %parallel_loop3A_1198, %parallel_loop3A_1199], %parallel_loop3A_1202 {strides = array<i32>} : memref<3x64x128xf32, #tpu.memory_space<vmem>>, vector<1x1x16xf32>,
        %parallel_loop3A_1203 = arith.constant 2 : i32
        %parallel_loop3A_1204 = arith.index_cast %parallel_loop3A_1203 : i32 to index
        %parallel_loop3A_1205 = arith.index_cast %parallel_loop3A_1062 : i32 to index
        %parallel_loop3A_1206 = arith.constant 112 : index
        %parallel_loop3A_1207 = tpu.vector_load %arg9[%parallel_loop3A_1204, %parallel_loop3A_1205, %parallel_loop3A_1206] {strides = array<i32>} : memref<3x64x128xf32, #tpu.memory_space<vmem>>, vector<1x1x16xf32>,
        %parallel_loop3A_1208 = vector.shape_cast %parallel_loop3A_1207 : vector<1x1x16xf32> to vector<16xf32>
        %parallel_loop3A_1209 = arith.constant 0 : i32
        %parallel_loop3A_1210 = arith.index_cast %parallel_loop3A_1209 : i32 to index
        %parallel_loop3A_1211 = arith.index_cast %parallel_loop3A_1062 : i32 to index
        %parallel_loop3A_1212 = arith.constant 112 : index
        %parallel_loop3A_1213 = tpu.vector_load %arg10[%parallel_loop3A_1210, %parallel_loop3A_1211, %parallel_loop3A_1212] {strides = array<i32>} : memref<2x64x128xf32, #tpu.memory_space<vmem>>, vector<1x1x16xf32>,
        %parallel_loop3A_1214 = vector.shape_cast %parallel_loop3A_1213 : vector<1x1x16xf32> to vector<16xf32>
        %parallel_loop3A_1215 = arith.mulf %parallel_loop3A_1208, %parallel_loop3A_1214 : vector<16xf32>
        %parallel_loop3A_1216 = arith.constant 2 : i32
        %parallel_loop3A_1217 = arith.index_cast %parallel_loop3A_1216 : i32 to index
        %parallel_loop3A_1218 = arith.index_cast %parallel_loop3A_1062 : i32 to index
        %parallel_loop3A_1219 = arith.constant 112 : index
        %parallel_loop3A_1220 = tpu.vector_load %arg9[%parallel_loop3A_1217, %parallel_loop3A_1218, %parallel_loop3A_1219] {strides = array<i32>} : memref<3x64x128xf32, #tpu.memory_space<vmem>>, vector<1x1x16xf32>,
        %parallel_loop3A_1221 = vector.shape_cast %parallel_loop3A_1220 : vector<1x1x16xf32> to vector<16xf32>
        %parallel_loop3A_1222 = vector.shape_cast %parallel_loop3A_1215 : vector<16xf32> to vector<1x1x16xf32>
        tpu.vector_store %arg9[%parallel_loop3A_1217, %parallel_loop3A_1218, %parallel_loop3A_1219], %parallel_loop3A_1222 {strides = array<i32>} : memref<3x64x128xf32, #tpu.memory_space<vmem>>, vector<1x1x16xf32>,
      } {sc.loop_unroll_factor = 2 : i64, sc.parallel_access}
      %dma_start3A_669 = arith.constant 2 : i32
      %dma_start3A_670 = arith.constant 2 : i32
      %dma_start3A_671 = arith.constant 2 : i32
      %dma_start3A_672 = arith.constant 0 : i32
      %dma_start3A_673 = arith.constant 0 : i32
      %dma_start3A_674 = tpu.memref_slice %arg9[%dma_start3A_669, %dma_start3A_672, %dma_start3A_673] : memref<3x64x128xf32, #tpu.memory_space<vmem>> -> memref<1x64x128xf32, #tpu.memory_space<vmem>>
      %dma_start3A_675 = tpu.memref_squeeze %dma_start3A_674 : memref<1x64x128xf32, #tpu.memory_space<vmem>> -> memref<64x128xf32, #tpu.memory_space<vmem>>
      %dma_start3A_676 = arith.constant 0 : i32
      %dma_start3A_677 = tpu.memref_slice %arg8[%dma_start3A_670, %dma_start3A_676] : memref<3x64xi32, #tpu.memory_space<vmem>> -> memref<1x64xi32, #tpu.memory_space<vmem>>
      %dma_start3A_678 = tpu.memref_squeeze %dma_start3A_677 : memref<1x64xi32, #tpu.memory_space<vmem>> -> memref<64xi32, #tpu.memory_space<vmem>>
      %dma_start3A_679 = arith.constant 0 : i32
      %dma_start3A_680 = arith.constant 0 : i32
      %dma_start3A_681 = tpu.memref_slice %arg11[%dma_start3A_679, %dma_start3A_680] : memref<10112x128xf32, #tpu.memory_space<vmem_shared>> -> memref<10112x128xf32, #tpu.memory_space<vmem_shared>>
      %dma_start3A_682 = tpu.memref_slice %arg15[%dma_start3A_671] : memref<3x!tpu.dma_semaphore, #tpu.memory_space<semaphore_mem>> -> memref<1x!tpu.dma_semaphore, #tpu.memory_space<semaphore_mem>>
      %dma_start3A_683 = tpu.memref_squeeze %dma_start3A_682 : memref<1x!tpu.dma_semaphore, #tpu.memory_space<semaphore_mem>> -> memref<!tpu.dma_semaphore, #tpu.memory_space<semaphore_mem>>
      tpu.enqueue_indirect_dma source(%dma_start3A_675 : memref<64x128xf32, #tpu.memory_space<vmem>>) target(%dma_start3A_681 : memref<10112x128xf32, #tpu.memory_space<vmem_shared>>) offsets(%dma_start3A_678 : memref<64xi32, #tpu.memory_space<vmem>>) semaphore(%dma_start3A_683 : memref<!tpu.dma_semaphore, #tpu.memory_space<semaphore_mem>>) {add = true}
      %mul3A_684 = arith.constant 6 : i32
      %mul3A_685 = arith.muli %mul3A_684, %scan3A_231 : i32
      %add3A_686 = arith.constant 3 : i32
      %add3A_687 = arith.addi %mul3A_685, %add3A_686 : i32
      %add3A_688 = arith.constant 1 : i32
      %add3A_689 = arith.addi %add3A_687, %add3A_688 : i32
      %dma_wait3A_690 = arith.constant 1 : i32
      %dma_wait3A_691 = arith.constant 1 : i32
      %dma_wait3A_692 = arith.constant 1 : i32
      %dma_wait3A_693 = arith.constant 0 : i32
      %dma_wait3A_694 = arith.constant 0 : i32
      %dma_wait3A_695 = tpu.memref_slice %arg9[%dma_wait3A_690, %dma_wait3A_693, %dma_wait3A_694] : memref<3x64x128xf32, #tpu.memory_space<vmem>> -> memref<1x64x128xf32, #tpu.memory_space<vmem>>
      %dma_wait3A_696 = tpu.memref_squeeze %dma_wait3A_695 : memref<1x64x128xf32, #tpu.memory_space<vmem>> -> memref<64x128xf32, #tpu.memory_space<vmem>>
      %dma_wait3A_697 = arith.constant 0 : i32
      %dma_wait3A_698 = tpu.memref_slice %arg8[%dma_wait3A_691, %dma_wait3A_697] : memref<3x64xi32, #tpu.memory_space<vmem>> -> memref<1x64xi32, #tpu.memory_space<vmem>>
      %dma_wait3A_699 = tpu.memref_squeeze %dma_wait3A_698 : memref<1x64xi32, #tpu.memory_space<vmem>> -> memref<64xi32, #tpu.memory_space<vmem>>
      %dma_wait3A_700 = arith.constant 0 : i32
      %dma_wait3A_701 = arith.constant 0 : i32
      %dma_wait3A_702 = tpu.memref_slice %arg11[%dma_wait3A_700, %dma_wait3A_701] : memref<10112x128xf32, #tpu.memory_space<vmem_shared>> -> memref<10112x128xf32, #tpu.memory_space<vmem_shared>>
      %dma_wait3A_703 = tpu.memref_slice %arg15[%dma_wait3A_692] : memref<3x!tpu.dma_semaphore, #tpu.memory_space<semaphore_mem>> -> memref<1x!tpu.dma_semaphore, #tpu.memory_space<semaphore_mem>>
      %dma_wait3A_704 = tpu.memref_squeeze %dma_wait3A_703 : memref<1x!tpu.dma_semaphore, #tpu.memory_space<semaphore_mem>> -> memref<!tpu.dma_semaphore, #tpu.memory_space<semaphore_mem>>
      tpu.wait_indirect_dma semaphore(%dma_wait3A_704 : memref<!tpu.dma_semaphore, #tpu.memory_space<semaphore_mem>>) src(%dma_wait3A_696 : memref<64x128xf32, #tpu.memory_space<vmem>>) dst(%dma_wait3A_702 : memref<10112x128xf32, #tpu.memory_space<vmem_shared>>)
      %mul3A_705 = arith.constant 64 : i32
      %mul3A_706 = arith.muli %add3A_689, %mul3A_705 : i32
      %add3A_707 = arith.addi %mul3A_35, %mul3A_706 : i32
      %dma_start3A_708 = arith.constant 0 : i32
      %dma_start3A_709 = arith.constant 0 : i32
      %dma_start3A_710 = arith.constant 0 : i32
      %dma_start3A_711 = tpu.memref_slice %arg7[%dma_start3A_708, %dma_start3A_710] : memref<2x64xi32, #tpu.memory_space<vmem>> -> memref<1x64xi32, #tpu.memory_space<vmem>>
      %dma_start3A_712 = tpu.memref_squeeze %dma_start3A_711 : memref<1x64xi32, #tpu.memory_space<vmem>> -> memref<64xi32, #tpu.memory_space<vmem>>
      %dma_start3A_713 = tpu.memref_slice %arg4[%add3A_707] : memref<331776xi32, #tpu.memory_space<hbm>> -> memref<64xi32, #tpu.memory_space<hbm>>
      %dma_start3A_714 = tpu.memref_slice %arg12[%dma_start3A_709] : memref<2x!tpu.dma_semaphore, #tpu.memory_space<semaphore_mem>> -> memref<1x!tpu.dma_semaphore, #tpu.memory_space<semaphore_mem>>
      %dma_start3A_715 = tpu.memref_squeeze %dma_start3A_714 : memref<1x!tpu.dma_semaphore, #tpu.memory_space<semaphore_mem>> -> memref<!tpu.dma_semaphore, #tpu.memory_space<semaphore_mem>>
      %dma_start3A_716 = arith.constant 0 : i32
      %dma_start3A_717 = tpu.memref_slice %arg7[%dma_start3A_708, %dma_start3A_716] : memref<2x64xi32, #tpu.memory_space<vmem>> -> memref<1x64xi32, #tpu.memory_space<vmem>>
      %dma_start3A_718 = tpu.memref_squeeze %dma_start3A_717 : memref<1x64xi32, #tpu.memory_space<vmem>> -> memref<64xi32, #tpu.memory_space<vmem>>
      %dma_start3A_719 = tpu.memref_slice %arg4[%add3A_707] : memref<331776xi32, #tpu.memory_space<hbm>> -> memref<64xi32, #tpu.memory_space<hbm>>
      tpu.enqueue_dma source(%dma_start3A_719 : memref<64xi32, #tpu.memory_space<hbm>>) target(%dma_start3A_718 : memref<64xi32, #tpu.memory_space<vmem>>) target_semaphore(%dma_start3A_715 : memref<!tpu.dma_semaphore, #tpu.memory_space<semaphore_mem>>)
      %dma_start3A_720 = arith.constant 1 : i32
      %dma_start3A_721 = arith.constant 0 : i32
      %dma_start3A_722 = arith.constant 0 : i32
      %dma_start3A_723 = tpu.memref_slice %arg8[%dma_start3A_720, %dma_start3A_722] : memref<3x64xi32, #tpu.memory_space<vmem>> -> memref<1x64xi32, #tpu.memory_space<vmem>>
      %dma_start3A_724 = tpu.memref_squeeze %dma_start3A_723 : memref<1x64xi32, #tpu.memory_space<vmem>> -> memref<64xi32, #tpu.memory_space<vmem>>
      %dma_start3A_725 = tpu.memref_slice %arg5[%add3A_707] : memref<331776xi32, #tpu.memory_space<hbm>> -> memref<64xi32, #tpu.memory_space<hbm>>
      %dma_start3A_726 = tpu.memref_slice %arg12[%dma_start3A_721] : memref<2x!tpu.dma_semaphore, #tpu.memory_space<semaphore_mem>> -> memref<1x!tpu.dma_semaphore, #tpu.memory_space<semaphore_mem>>
      %dma_start3A_727 = tpu.memref_squeeze %dma_start3A_726 : memref<1x!tpu.dma_semaphore, #tpu.memory_space<semaphore_mem>> -> memref<!tpu.dma_semaphore, #tpu.memory_space<semaphore_mem>>
      %dma_start3A_728 = arith.constant 0 : i32
      %dma_start3A_729 = tpu.memref_slice %arg8[%dma_start3A_720, %dma_start3A_728] : memref<3x64xi32, #tpu.memory_space<vmem>> -> memref<1x64xi32, #tpu.memory_space<vmem>>
      %dma_start3A_730 = tpu.memref_squeeze %dma_start3A_729 : memref<1x64xi32, #tpu.memory_space<vmem>> -> memref<64xi32, #tpu.memory_space<vmem>>
      %dma_start3A_731 = tpu.memref_slice %arg5[%add3A_707] : memref<331776xi32, #tpu.memory_space<hbm>> -> memref<64xi32, #tpu.memory_space<hbm>>
      tpu.enqueue_dma source(%dma_start3A_731 : memref<64xi32, #tpu.memory_space<hbm>>) target(%dma_start3A_730 : memref<64xi32, #tpu.memory_space<vmem>>) target_semaphore(%dma_start3A_727 : memref<!tpu.dma_semaphore, #tpu.memory_space<semaphore_mem>>)
      %dma_start3A_732 = arith.constant 0 : i32
      %dma_start3A_733 = arith.constant 0 : i32
      %dma_start3A_734 = arith.constant 0 : i32
      %dma_start3A_735 = arith.constant 0 : i32
      %dma_start3A_736 = tpu.memref_slice %arg10[%dma_start3A_732, %dma_start3A_734, %dma_start3A_735] : memref<2x64x128xf32, #tpu.memory_space<vmem>> -> memref<1x64x128xf32, #tpu.memory_space<vmem>>
      %dma_start3A_737 = tpu.memref_squeeze %dma_start3A_736 : memref<1x64x128xf32, #tpu.memory_space<vmem>> -> memref<64x128xf32, #tpu.memory_space<vmem>>
      %dma_start3A_738 = arith.constant 0 : i32
      %dma_start3A_739 = tpu.memref_slice %arg3[%add3A_707, %dma_start3A_738] : memref<331776x128xf32, #tpu.memory_space<hbm>> -> memref<64x128xf32, #tpu.memory_space<hbm>>
      %dma_start3A_740 = tpu.memref_slice %arg13[%dma_start3A_733] : memref<2x!tpu.dma_semaphore, #tpu.memory_space<semaphore_mem>> -> memref<1x!tpu.dma_semaphore, #tpu.memory_space<semaphore_mem>>
      %dma_start3A_741 = tpu.memref_squeeze %dma_start3A_740 : memref<1x!tpu.dma_semaphore, #tpu.memory_space<semaphore_mem>> -> memref<!tpu.dma_semaphore, #tpu.memory_space<semaphore_mem>>
      %dma_start3A_742 = arith.constant 0 : i32
      %dma_start3A_743 = arith.constant 0 : i32
      %dma_start3A_744 = tpu.memref_slice %arg10[%dma_start3A_732, %dma_start3A_742, %dma_start3A_743] : memref<2x64x128xf32, #tpu.memory_space<vmem>> -> memref<1x64x128xf32, #tpu.memory_space<vmem>>
      %dma_start3A_745 = tpu.memref_squeeze %dma_start3A_744 : memref<1x64x128xf32, #tpu.memory_space<vmem>> -> memref<64x128xf32, #tpu.memory_space<vmem>>
      %dma_start3A_746 = arith.constant 0 : i32
      %dma_start3A_747 = tpu.memref_slice %arg3[%add3A_707, %dma_start3A_746] : memref<331776x128xf32, #tpu.memory_space<hbm>> -> memref<64x128xf32, #tpu.memory_space<hbm>>
      tpu.enqueue_dma source(%dma_start3A_747 : memref<64x128xf32, #tpu.memory_space<hbm>>) target(%dma_start3A_745 : memref<64x128xf32, #tpu.memory_space<vmem>>) target_semaphore(%dma_start3A_741 : memref<!tpu.dma_semaphore, #tpu.memory_space<semaphore_mem>>)
      %dma_wait3A_748 = arith.constant 0 : i32
      %dma_wait3A_749 = arith.constant 0 : i32
      %dma_wait3A_750 = arith.constant 0 : i32
      %dma_wait3A_751 = tpu.memref_slice %arg7[%dma_wait3A_748, %dma_wait3A_750] : memref<2x64xi32, #tpu.memory_space<vmem>> -> memref<1x64xi32, #tpu.memory_space<vmem>>
      %dma_wait3A_752 = tpu.memref_squeeze %dma_wait3A_751 : memref<1x64xi32, #tpu.memory_space<vmem>> -> memref<64xi32, #tpu.memory_space<vmem>>
      %dma_wait3A_753 = arith.constant 0 : i32
      %dma_wait3A_754 = tpu.memref_slice %arg4[%dma_wait3A_753] : memref<331776xi32, #tpu.memory_space<hbm>> -> memref<64xi32, #tpu.memory_space<hbm>>
      %dma_wait3A_755 = tpu.memref_slice %arg12[%dma_wait3A_749] : memref<2x!tpu.dma_semaphore, #tpu.memory_space<semaphore_mem>> -> memref<1x!tpu.dma_semaphore, #tpu.memory_space<semaphore_mem>>
      %dma_wait3A_756 = tpu.memref_squeeze %dma_wait3A_755 : memref<1x!tpu.dma_semaphore, #tpu.memory_space<semaphore_mem>> -> memref<!tpu.dma_semaphore, #tpu.memory_space<semaphore_mem>>
      %dma_wait3A_757 = arith.constant 0 : i32
      %dma_wait3A_758 = tpu.memref_slice %arg7[%dma_wait3A_748, %dma_wait3A_757] : memref<2x64xi32, #tpu.memory_space<vmem>> -> memref<1x64xi32, #tpu.memory_space<vmem>>
      %dma_wait3A_759 = tpu.memref_squeeze %dma_wait3A_758 : memref<1x64xi32, #tpu.memory_space<vmem>> -> memref<64xi32, #tpu.memory_space<vmem>>
      %dma_wait3A_760 = arith.constant 0 : i32
      %dma_wait3A_761 = tpu.memref_slice %arg4[%dma_wait3A_760] : memref<331776xi32, #tpu.memory_space<hbm>> -> memref<64xi32, #tpu.memory_space<hbm>>
      tpu.wait_dma2 semaphore(%dma_wait3A_756 : memref<!tpu.dma_semaphore, #tpu.memory_space<semaphore_mem>>) src(%dma_wait3A_761 : memref<64xi32, #tpu.memory_space<hbm>>) dst(%dma_wait3A_759 : memref<64xi32, #tpu.memory_space<vmem>>)
      %dma_wait3A_762 = arith.constant 1 : i32
      %dma_wait3A_763 = arith.constant 0 : i32
      %dma_wait3A_764 = arith.constant 0 : i32
      %dma_wait3A_765 = tpu.memref_slice %arg8[%dma_wait3A_762, %dma_wait3A_764] : memref<3x64xi32, #tpu.memory_space<vmem>> -> memref<1x64xi32, #tpu.memory_space<vmem>>
      %dma_wait3A_766 = tpu.memref_squeeze %dma_wait3A_765 : memref<1x64xi32, #tpu.memory_space<vmem>> -> memref<64xi32, #tpu.memory_space<vmem>>
      %dma_wait3A_767 = arith.constant 0 : i32
      %dma_wait3A_768 = tpu.memref_slice %arg5[%dma_wait3A_767] : memref<331776xi32, #tpu.memory_space<hbm>> -> memref<64xi32, #tpu.memory_space<hbm>>
      %dma_wait3A_769 = tpu.memref_slice %arg12[%dma_wait3A_763] : memref<2x!tpu.dma_semaphore, #tpu.memory_space<semaphore_mem>> -> memref<1x!tpu.dma_semaphore, #tpu.memory_space<semaphore_mem>>
      %dma_wait3A_770 = tpu.memref_squeeze %dma_wait3A_769 : memref<1x!tpu.dma_semaphore, #tpu.memory_space<semaphore_mem>> -> memref<!tpu.dma_semaphore, #tpu.memory_space<semaphore_mem>>
      %dma_wait3A_771 = arith.constant 0 : i32
      %dma_wait3A_772 = tpu.memref_slice %arg8[%dma_wait3A_762, %dma_wait3A_771] : memref<3x64xi32, #tpu.memory_space<vmem>> -> memref<1x64xi32, #tpu.memory_space<vmem>>
      %dma_wait3A_773 = tpu.memref_squeeze %dma_wait3A_772 : memref<1x64xi32, #tpu.memory_space<vmem>> -> memref<64xi32, #tpu.memory_space<vmem>>
      %dma_wait3A_774 = arith.constant 0 : i32
      %dma_wait3A_775 = tpu.memref_slice %arg5[%dma_wait3A_774] : memref<331776xi32, #tpu.memory_space<hbm>> -> memref<64xi32, #tpu.memory_space<hbm>>
      tpu.wait_dma2 semaphore(%dma_wait3A_770 : memref<!tpu.dma_semaphore, #tpu.memory_space<semaphore_mem>>) src(%dma_wait3A_775 : memref<64xi32, #tpu.memory_space<hbm>>) dst(%dma_wait3A_773 : memref<64xi32, #tpu.memory_space<vmem>>)
      %dma_start3A_776 = arith.constant 0 : i32
      %dma_start3A_777 = arith.constant 1 : i32
      %dma_start3A_778 = arith.constant 1 : i32
      %dma_start3A_779 = arith.constant 0 : i32
      %dma_start3A_780 = arith.constant 0 : i32
      %dma_start3A_781 = tpu.memref_slice %arg9[%dma_start3A_777, %dma_start3A_779, %dma_start3A_780] : memref<3x64x128xf32, #tpu.memory_space<vmem>> -> memref<1x64x128xf32, #tpu.memory_space<vmem>>
      %dma_start3A_782 = tpu.memref_squeeze %dma_start3A_781 : memref<1x64x128xf32, #tpu.memory_space<vmem>> -> memref<64x128xf32, #tpu.memory_space<vmem>>
      %dma_start3A_783 = arith.constant 0 : i32
      %dma_start3A_784 = tpu.memref_slice %arg7[%dma_start3A_776, %dma_start3A_783] : memref<2x64xi32, #tpu.memory_space<vmem>> -> memref<1x64xi32, #tpu.memory_space<vmem>>
      %dma_start3A_785 = tpu.memref_squeeze %dma_start3A_784 : memref<1x64xi32, #tpu.memory_space<vmem>> -> memref<64xi32, #tpu.memory_space<vmem>>
      %dma_start3A_786 = arith.constant 0 : i32
      %dma_start3A_787 = arith.constant 0 : i32
      %dma_start3A_788 = tpu.memref_slice %arg2[%dma_start3A_786, %dma_start3A_787] : memref<10000x128xf32, #tpu.memory_space<hbm>> -> memref<10000x128xf32, #tpu.memory_space<hbm>>
      %dma_start3A_789 = tpu.memref_slice %arg14[%dma_start3A_778] : memref<3x!tpu.dma_semaphore, #tpu.memory_space<semaphore_mem>> -> memref<1x!tpu.dma_semaphore, #tpu.memory_space<semaphore_mem>>
      %dma_start3A_790 = tpu.memref_squeeze %dma_start3A_789 : memref<1x!tpu.dma_semaphore, #tpu.memory_space<semaphore_mem>> -> memref<!tpu.dma_semaphore, #tpu.memory_space<semaphore_mem>>
      tpu.enqueue_indirect_dma source(%dma_start3A_788 : memref<10000x128xf32, #tpu.memory_space<hbm>>) target(%dma_start3A_782 : memref<64x128xf32, #tpu.memory_space<vmem>>) offsets(%dma_start3A_785 : memref<64xi32, #tpu.memory_space<vmem>>) semaphore(%dma_start3A_790 : memref<!tpu.dma_semaphore, #tpu.memory_space<semaphore_mem>>)
      %dma_wait3A_791 = arith.constant 1 : i32
      %dma_wait3A_792 = arith.constant 0 : i32
      %dma_wait3A_793 = arith.constant 0 : i32
      %dma_wait3A_794 = arith.constant 0 : i32
      %dma_wait3A_795 = arith.constant 0 : i32
      %dma_wait3A_796 = tpu.memref_slice %arg9[%dma_wait3A_792, %dma_wait3A_794, %dma_wait3A_795] : memref<3x64x128xf32, #tpu.memory_space<vmem>> -> memref<1x64x128xf32, #tpu.memory_space<vmem>>
      %dma_wait3A_797 = tpu.memref_squeeze %dma_wait3A_796 : memref<1x64x128xf32, #tpu.memory_space<vmem>> -> memref<64x128xf32, #tpu.memory_space<vmem>>
      %dma_wait3A_798 = arith.constant 0 : i32
      %dma_wait3A_799 = tpu.memref_slice %arg7[%dma_wait3A_791, %dma_wait3A_798] : memref<2x64xi32, #tpu.memory_space<vmem>> -> memref<1x64xi32, #tpu.memory_space<vmem>>
      %dma_wait3A_800 = tpu.memref_squeeze %dma_wait3A_799 : memref<1x64xi32, #tpu.memory_space<vmem>> -> memref<64xi32, #tpu.memory_space<vmem>>
      %dma_wait3A_801 = arith.constant 0 : i32
      %dma_wait3A_802 = arith.constant 0 : i32
      %dma_wait3A_803 = tpu.memref_slice %arg2[%dma_wait3A_801, %dma_wait3A_802] : memref<10000x128xf32, #tpu.memory_space<hbm>> -> memref<10000x128xf32, #tpu.memory_space<hbm>>
      %dma_wait3A_804 = tpu.memref_slice %arg14[%dma_wait3A_793] : memref<3x!tpu.dma_semaphore, #tpu.memory_space<semaphore_mem>> -> memref<1x!tpu.dma_semaphore, #tpu.memory_space<semaphore_mem>>
      %dma_wait3A_805 = tpu.memref_squeeze %dma_wait3A_804 : memref<1x!tpu.dma_semaphore, #tpu.memory_space<semaphore_mem>> -> memref<!tpu.dma_semaphore, #tpu.memory_space<semaphore_mem>>
      tpu.wait_indirect_dma semaphore(%dma_wait3A_805 : memref<!tpu.dma_semaphore, #tpu.memory_space<semaphore_mem>>) src(%dma_wait3A_803 : memref<10000x128xf32, #tpu.memory_space<hbm>>) dst(%dma_wait3A_797 : memref<64x128xf32, #tpu.memory_space<vmem>>)
      %dma_wait3A_806 = arith.constant 1 : i32
      %dma_wait3A_807 = arith.constant 1 : i32
      %dma_wait3A_808 = arith.constant 0 : i32
      %dma_wait3A_809 = arith.constant 0 : i32
      %dma_wait3A_810 = tpu.memref_slice %arg10[%dma_wait3A_806, %dma_wait3A_808, %dma_wait3A_809] : memref<2x64x128xf32, #tpu.memory_space<vmem>> -> memref<1x64x128xf32, #tpu.memory_space<vmem>>
      %dma_wait3A_811 = tpu.memref_squeeze %dma_wait3A_810 : memref<1x64x128xf32, #tpu.memory_space<vmem>> -> memref<64x128xf32, #tpu.memory_space<vmem>>
      %dma_wait3A_812 = arith.constant 0 : i32
      %dma_wait3A_813 = arith.constant 0 : i32
      %dma_wait3A_814 = tpu.memref_slice %arg3[%dma_wait3A_812, %dma_wait3A_813] : memref<331776x128xf32, #tpu.memory_space<hbm>> -> memref<64x128xf32, #tpu.memory_space<hbm>>
      %dma_wait3A_815 = tpu.memref_slice %arg13[%dma_wait3A_807] : memref<2x!tpu.dma_semaphore, #tpu.memory_space<semaphore_mem>> -> memref<1x!tpu.dma_semaphore, #tpu.memory_space<semaphore_mem>>
      %dma_wait3A_816 = tpu.memref_squeeze %dma_wait3A_815 : memref<1x!tpu.dma_semaphore, #tpu.memory_space<semaphore_mem>> -> memref<!tpu.dma_semaphore, #tpu.memory_space<semaphore_mem>>
      %dma_wait3A_817 = arith.constant 0 : i32
      %dma_wait3A_818 = arith.constant 0 : i32
      %dma_wait3A_819 = tpu.memref_slice %arg10[%dma_wait3A_806, %dma_wait3A_817, %dma_wait3A_818] : memref<2x64x128xf32, #tpu.memory_space<vmem>> -> memref<1x64x128xf32, #tpu.memory_space<vmem>>
      %dma_wait3A_820 = tpu.memref_squeeze %dma_wait3A_819 : memref<1x64x128xf32, #tpu.memory_space<vmem>> -> memref<64x128xf32, #tpu.memory_space<vmem>>
      %dma_wait3A_821 = arith.constant 0 : i32
      %dma_wait3A_822 = arith.constant 0 : i32
      %dma_wait3A_823 = tpu.memref_slice %arg3[%dma_wait3A_821, %dma_wait3A_822] : memref<331776x128xf32, #tpu.memory_space<hbm>> -> memref<64x128xf32, #tpu.memory_space<hbm>>
      tpu.wait_dma2 semaphore(%dma_wait3A_816 : memref<!tpu.dma_semaphore, #tpu.memory_space<semaphore_mem>>) src(%dma_wait3A_823 : memref<64x128xf32, #tpu.memory_space<hbm>>) dst(%dma_wait3A_820 : memref<64x128xf32, #tpu.memory_space<vmem>>)
      %parallel_loop3A_824 = arith.constant 0 : i32
      %parallel_loop3A_825 = arith.constant 64 : i32
      %parallel_loop3A_826 = arith.constant 1 : i32
      scf.for %parallel_loop3A_1062 = %parallel_loop3A_824 to %parallel_loop3A_825 step %parallel_loop3A_826  : i32 {
        %parallel_loop3A_1063 = arith.constant 0 : i32
        %parallel_loop3A_1064 = arith.index_cast %parallel_loop3A_1063 : i32 to index
        %parallel_loop3A_1065 = arith.index_cast %parallel_loop3A_1062 : i32 to index
        %parallel_loop3A_1066 = arith.constant 0 : index
        %parallel_loop3A_1067 = tpu.vector_load %arg9[%parallel_loop3A_1064, %parallel_loop3A_1065, %parallel_loop3A_1066] {strides = array<i32>} : memref<3x64x128xf32, #tpu.memory_space<vmem>>, vector<1x1x16xf32>,
        %parallel_loop3A_1068 = vector.shape_cast %parallel_loop3A_1067 : vector<1x1x16xf32> to vector<16xf32>
        %parallel_loop3A_1069 = arith.constant 1 : i32
        %parallel_loop3A_1070 = arith.index_cast %parallel_loop3A_1069 : i32 to index
        %parallel_loop3A_1071 = arith.index_cast %parallel_loop3A_1062 : i32 to index
        %parallel_loop3A_1072 = arith.constant 0 : index
        %parallel_loop3A_1073 = tpu.vector_load %arg10[%parallel_loop3A_1070, %parallel_loop3A_1071, %parallel_loop3A_1072] {strides = array<i32>} : memref<2x64x128xf32, #tpu.memory_space<vmem>>, vector<1x1x16xf32>,
        %parallel_loop3A_1074 = vector.shape_cast %parallel_loop3A_1073 : vector<1x1x16xf32> to vector<16xf32>
        %parallel_loop3A_1075 = arith.mulf %parallel_loop3A_1068, %parallel_loop3A_1074 : vector<16xf32>
        %parallel_loop3A_1076 = arith.constant 0 : i32
        %parallel_loop3A_1077 = arith.index_cast %parallel_loop3A_1076 : i32 to index
        %parallel_loop3A_1078 = arith.index_cast %parallel_loop3A_1062 : i32 to index
        %parallel_loop3A_1079 = arith.constant 0 : index
        %parallel_loop3A_1080 = tpu.vector_load %arg9[%parallel_loop3A_1077, %parallel_loop3A_1078, %parallel_loop3A_1079] {strides = array<i32>} : memref<3x64x128xf32, #tpu.memory_space<vmem>>, vector<1x1x16xf32>,
        %parallel_loop3A_1081 = vector.shape_cast %parallel_loop3A_1080 : vector<1x1x16xf32> to vector<16xf32>
        %parallel_loop3A_1082 = vector.shape_cast %parallel_loop3A_1075 : vector<16xf32> to vector<1x1x16xf32>
        tpu.vector_store %arg9[%parallel_loop3A_1077, %parallel_loop3A_1078, %parallel_loop3A_1079], %parallel_loop3A_1082 {strides = array<i32>} : memref<3x64x128xf32, #tpu.memory_space<vmem>>, vector<1x1x16xf32>,
        %parallel_loop3A_1083 = arith.constant 0 : i32
        %parallel_loop3A_1084 = arith.index_cast %parallel_loop3A_1083 : i32 to index
        %parallel_loop3A_1085 = arith.index_cast %parallel_loop3A_1062 : i32 to index
        %parallel_loop3A_1086 = arith.constant 16 : index
        %parallel_loop3A_1087 = tpu.vector_load %arg9[%parallel_loop3A_1084, %parallel_loop3A_1085, %parallel_loop3A_1086] {strides = array<i32>} : memref<3x64x128xf32, #tpu.memory_space<vmem>>, vector<1x1x16xf32>,
        %parallel_loop3A_1088 = vector.shape_cast %parallel_loop3A_1087 : vector<1x1x16xf32> to vector<16xf32>
        %parallel_loop3A_1089 = arith.constant 1 : i32
        %parallel_loop3A_1090 = arith.index_cast %parallel_loop3A_1089 : i32 to index
        %parallel_loop3A_1091 = arith.index_cast %parallel_loop3A_1062 : i32 to index
        %parallel_loop3A_1092 = arith.constant 16 : index
        %parallel_loop3A_1093 = tpu.vector_load %arg10[%parallel_loop3A_1090, %parallel_loop3A_1091, %parallel_loop3A_1092] {strides = array<i32>} : memref<2x64x128xf32, #tpu.memory_space<vmem>>, vector<1x1x16xf32>,
        %parallel_loop3A_1094 = vector.shape_cast %parallel_loop3A_1093 : vector<1x1x16xf32> to vector<16xf32>
        %parallel_loop3A_1095 = arith.mulf %parallel_loop3A_1088, %parallel_loop3A_1094 : vector<16xf32>
        %parallel_loop3A_1096 = arith.constant 0 : i32
        %parallel_loop3A_1097 = arith.index_cast %parallel_loop3A_1096 : i32 to index
        %parallel_loop3A_1098 = arith.index_cast %parallel_loop3A_1062 : i32 to index
        %parallel_loop3A_1099 = arith.constant 16 : index
        %parallel_loop3A_1100 = tpu.vector_load %arg9[%parallel_loop3A_1097, %parallel_loop3A_1098, %parallel_loop3A_1099] {strides = array<i32>} : memref<3x64x128xf32, #tpu.memory_space<vmem>>, vector<1x1x16xf32>,
        %parallel_loop3A_1101 = vector.shape_cast %parallel_loop3A_1100 : vector<1x1x16xf32> to vector<16xf32>
        %parallel_loop3A_1102 = vector.shape_cast %parallel_loop3A_1095 : vector<16xf32> to vector<1x1x16xf32>
        tpu.vector_store %arg9[%parallel_loop3A_1097, %parallel_loop3A_1098, %parallel_loop3A_1099], %parallel_loop3A_1102 {strides = array<i32>} : memref<3x64x128xf32, #tpu.memory_space<vmem>>, vector<1x1x16xf32>,
        %parallel_loop3A_1103 = arith.constant 0 : i32
        %parallel_loop3A_1104 = arith.index_cast %parallel_loop3A_1103 : i32 to index
        %parallel_loop3A_1105 = arith.index_cast %parallel_loop3A_1062 : i32 to index
        %parallel_loop3A_1106 = arith.constant 32 : index
        %parallel_loop3A_1107 = tpu.vector_load %arg9[%parallel_loop3A_1104, %parallel_loop3A_1105, %parallel_loop3A_1106] {strides = array<i32>} : memref<3x64x128xf32, #tpu.memory_space<vmem>>, vector<1x1x16xf32>,
        %parallel_loop3A_1108 = vector.shape_cast %parallel_loop3A_1107 : vector<1x1x16xf32> to vector<16xf32>
        %parallel_loop3A_1109 = arith.constant 1 : i32
        %parallel_loop3A_1110 = arith.index_cast %parallel_loop3A_1109 : i32 to index
        %parallel_loop3A_1111 = arith.index_cast %parallel_loop3A_1062 : i32 to index
        %parallel_loop3A_1112 = arith.constant 32 : index
        %parallel_loop3A_1113 = tpu.vector_load %arg10[%parallel_loop3A_1110, %parallel_loop3A_1111, %parallel_loop3A_1112] {strides = array<i32>} : memref<2x64x128xf32, #tpu.memory_space<vmem>>, vector<1x1x16xf32>,
        %parallel_loop3A_1114 = vector.shape_cast %parallel_loop3A_1113 : vector<1x1x16xf32> to vector<16xf32>
        %parallel_loop3A_1115 = arith.mulf %parallel_loop3A_1108, %parallel_loop3A_1114 : vector<16xf32>
        %parallel_loop3A_1116 = arith.constant 0 : i32
        %parallel_loop3A_1117 = arith.index_cast %parallel_loop3A_1116 : i32 to index
        %parallel_loop3A_1118 = arith.index_cast %parallel_loop3A_1062 : i32 to index
        %parallel_loop3A_1119 = arith.constant 32 : index
        %parallel_loop3A_1120 = tpu.vector_load %arg9[%parallel_loop3A_1117, %parallel_loop3A_1118, %parallel_loop3A_1119] {strides = array<i32>} : memref<3x64x128xf32, #tpu.memory_space<vmem>>, vector<1x1x16xf32>,
        %parallel_loop3A_1121 = vector.shape_cast %parallel_loop3A_1120 : vector<1x1x16xf32> to vector<16xf32>
        %parallel_loop3A_1122 = vector.shape_cast %parallel_loop3A_1115 : vector<16xf32> to vector<1x1x16xf32>
        tpu.vector_store %arg9[%parallel_loop3A_1117, %parallel_loop3A_1118, %parallel_loop3A_1119], %parallel_loop3A_1122 {strides = array<i32>} : memref<3x64x128xf32, #tpu.memory_space<vmem>>, vector<1x1x16xf32>,
        %parallel_loop3A_1123 = arith.constant 0 : i32
        %parallel_loop3A_1124 = arith.index_cast %parallel_loop3A_1123 : i32 to index
        %parallel_loop3A_1125 = arith.index_cast %parallel_loop3A_1062 : i32 to index
        %parallel_loop3A_1126 = arith.constant 48 : index
        %parallel_loop3A_1127 = tpu.vector_load %arg9[%parallel_loop3A_1124, %parallel_loop3A_1125, %parallel_loop3A_1126] {strides = array<i32>} : memref<3x64x128xf32, #tpu.memory_space<vmem>>, vector<1x1x16xf32>,
        %parallel_loop3A_1128 = vector.shape_cast %parallel_loop3A_1127 : vector<1x1x16xf32> to vector<16xf32>
        %parallel_loop3A_1129 = arith.constant 1 : i32
        %parallel_loop3A_1130 = arith.index_cast %parallel_loop3A_1129 : i32 to index
        %parallel_loop3A_1131 = arith.index_cast %parallel_loop3A_1062 : i32 to index
        %parallel_loop3A_1132 = arith.constant 48 : index
        %parallel_loop3A_1133 = tpu.vector_load %arg10[%parallel_loop3A_1130, %parallel_loop3A_1131, %parallel_loop3A_1132] {strides = array<i32>} : memref<2x64x128xf32, #tpu.memory_space<vmem>>, vector<1x1x16xf32>,
        %parallel_loop3A_1134 = vector.shape_cast %parallel_loop3A_1133 : vector<1x1x16xf32> to vector<16xf32>
        %parallel_loop3A_1135 = arith.mulf %parallel_loop3A_1128, %parallel_loop3A_1134 : vector<16xf32>
        %parallel_loop3A_1136 = arith.constant 0 : i32
        %parallel_loop3A_1137 = arith.index_cast %parallel_loop3A_1136 : i32 to index
        %parallel_loop3A_1138 = arith.index_cast %parallel_loop3A_1062 : i32 to index
        %parallel_loop3A_1139 = arith.constant 48 : index
        %parallel_loop3A_1140 = tpu.vector_load %arg9[%parallel_loop3A_1137, %parallel_loop3A_1138, %parallel_loop3A_1139] {strides = array<i32>} : memref<3x64x128xf32, #tpu.memory_space<vmem>>, vector<1x1x16xf32>,
        %parallel_loop3A_1141 = vector.shape_cast %parallel_loop3A_1140 : vector<1x1x16xf32> to vector<16xf32>
        %parallel_loop3A_1142 = vector.shape_cast %parallel_loop3A_1135 : vector<16xf32> to vector<1x1x16xf32>
        tpu.vector_store %arg9[%parallel_loop3A_1137, %parallel_loop3A_1138, %parallel_loop3A_1139], %parallel_loop3A_1142 {strides = array<i32>} : memref<3x64x128xf32, #tpu.memory_space<vmem>>, vector<1x1x16xf32>,
        %parallel_loop3A_1143 = arith.constant 0 : i32
        %parallel_loop3A_1144 = arith.index_cast %parallel_loop3A_1143 : i32 to index
        %parallel_loop3A_1145 = arith.index_cast %parallel_loop3A_1062 : i32 to index
        %parallel_loop3A_1146 = arith.constant 64 : index
        %parallel_loop3A_1147 = tpu.vector_load %arg9[%parallel_loop3A_1144, %parallel_loop3A_1145, %parallel_loop3A_1146] {strides = array<i32>} : memref<3x64x128xf32, #tpu.memory_space<vmem>>, vector<1x1x16xf32>,
        %parallel_loop3A_1148 = vector.shape_cast %parallel_loop3A_1147 : vector<1x1x16xf32> to vector<16xf32>
        %parallel_loop3A_1149 = arith.constant 1 : i32
        %parallel_loop3A_1150 = arith.index_cast %parallel_loop3A_1149 : i32 to index
        %parallel_loop3A_1151 = arith.index_cast %parallel_loop3A_1062 : i32 to index
        %parallel_loop3A_1152 = arith.constant 64 : index
        %parallel_loop3A_1153 = tpu.vector_load %arg10[%parallel_loop3A_1150, %parallel_loop3A_1151, %parallel_loop3A_1152] {strides = array<i32>} : memref<2x64x128xf32, #tpu.memory_space<vmem>>, vector<1x1x16xf32>,
        %parallel_loop3A_1154 = vector.shape_cast %parallel_loop3A_1153 : vector<1x1x16xf32> to vector<16xf32>
        %parallel_loop3A_1155 = arith.mulf %parallel_loop3A_1148, %parallel_loop3A_1154 : vector<16xf32>
        %parallel_loop3A_1156 = arith.constant 0 : i32
        %parallel_loop3A_1157 = arith.index_cast %parallel_loop3A_1156 : i32 to index
        %parallel_loop3A_1158 = arith.index_cast %parallel_loop3A_1062 : i32 to index
        %parallel_loop3A_1159 = arith.constant 64 : index
        %parallel_loop3A_1160 = tpu.vector_load %arg9[%parallel_loop3A_1157, %parallel_loop3A_1158, %parallel_loop3A_1159] {strides = array<i32>} : memref<3x64x128xf32, #tpu.memory_space<vmem>>, vector<1x1x16xf32>,
        %parallel_loop3A_1161 = vector.shape_cast %parallel_loop3A_1160 : vector<1x1x16xf32> to vector<16xf32>
        %parallel_loop3A_1162 = vector.shape_cast %parallel_loop3A_1155 : vector<16xf32> to vector<1x1x16xf32>
        tpu.vector_store %arg9[%parallel_loop3A_1157, %parallel_loop3A_1158, %parallel_loop3A_1159], %parallel_loop3A_1162 {strides = array<i32>} : memref<3x64x128xf32, #tpu.memory_space<vmem>>, vector<1x1x16xf32>,
        %parallel_loop3A_1163 = arith.constant 0 : i32
        %parallel_loop3A_1164 = arith.index_cast %parallel_loop3A_1163 : i32 to index
        %parallel_loop3A_1165 = arith.index_cast %parallel_loop3A_1062 : i32 to index
        %parallel_loop3A_1166 = arith.constant 80 : index
        %parallel_loop3A_1167 = tpu.vector_load %arg9[%parallel_loop3A_1164, %parallel_loop3A_1165, %parallel_loop3A_1166] {strides = array<i32>} : memref<3x64x128xf32, #tpu.memory_space<vmem>>, vector<1x1x16xf32>,
        %parallel_loop3A_1168 = vector.shape_cast %parallel_loop3A_1167 : vector<1x1x16xf32> to vector<16xf32>
        %parallel_loop3A_1169 = arith.constant 1 : i32
        %parallel_loop3A_1170 = arith.index_cast %parallel_loop3A_1169 : i32 to index
        %parallel_loop3A_1171 = arith.index_cast %parallel_loop3A_1062 : i32 to index
        %parallel_loop3A_1172 = arith.constant 80 : index
        %parallel_loop3A_1173 = tpu.vector_load %arg10[%parallel_loop3A_1170, %parallel_loop3A_1171, %parallel_loop3A_1172] {strides = array<i32>} : memref<2x64x128xf32, #tpu.memory_space<vmem>>, vector<1x1x16xf32>,
        %parallel_loop3A_1174 = vector.shape_cast %parallel_loop3A_1173 : vector<1x1x16xf32> to vector<16xf32>
        %parallel_loop3A_1175 = arith.mulf %parallel_loop3A_1168, %parallel_loop3A_1174 : vector<16xf32>
        %parallel_loop3A_1176 = arith.constant 0 : i32
        %parallel_loop3A_1177 = arith.index_cast %parallel_loop3A_1176 : i32 to index
        %parallel_loop3A_1178 = arith.index_cast %parallel_loop3A_1062 : i32 to index
        %parallel_loop3A_1179 = arith.constant 80 : index
        %parallel_loop3A_1180 = tpu.vector_load %arg9[%parallel_loop3A_1177, %parallel_loop3A_1178, %parallel_loop3A_1179] {strides = array<i32>} : memref<3x64x128xf32, #tpu.memory_space<vmem>>, vector<1x1x16xf32>,
        %parallel_loop3A_1181 = vector.shape_cast %parallel_loop3A_1180 : vector<1x1x16xf32> to vector<16xf32>
        %parallel_loop3A_1182 = vector.shape_cast %parallel_loop3A_1175 : vector<16xf32> to vector<1x1x16xf32>
        tpu.vector_store %arg9[%parallel_loop3A_1177, %parallel_loop3A_1178, %parallel_loop3A_1179], %parallel_loop3A_1182 {strides = array<i32>} : memref<3x64x128xf32, #tpu.memory_space<vmem>>, vector<1x1x16xf32>,
        %parallel_loop3A_1183 = arith.constant 0 : i32
        %parallel_loop3A_1184 = arith.index_cast %parallel_loop3A_1183 : i32 to index
        %parallel_loop3A_1185 = arith.index_cast %parallel_loop3A_1062 : i32 to index
        %parallel_loop3A_1186 = arith.constant 96 : index
        %parallel_loop3A_1187 = tpu.vector_load %arg9[%parallel_loop3A_1184, %parallel_loop3A_1185, %parallel_loop3A_1186] {strides = array<i32>} : memref<3x64x128xf32, #tpu.memory_space<vmem>>, vector<1x1x16xf32>,
        %parallel_loop3A_1188 = vector.shape_cast %parallel_loop3A_1187 : vector<1x1x16xf32> to vector<16xf32>
        %parallel_loop3A_1189 = arith.constant 1 : i32
        %parallel_loop3A_1190 = arith.index_cast %parallel_loop3A_1189 : i32 to index
        %parallel_loop3A_1191 = arith.index_cast %parallel_loop3A_1062 : i32 to index
        %parallel_loop3A_1192 = arith.constant 96 : index
        %parallel_loop3A_1193 = tpu.vector_load %arg10[%parallel_loop3A_1190, %parallel_loop3A_1191, %parallel_loop3A_1192] {strides = array<i32>} : memref<2x64x128xf32, #tpu.memory_space<vmem>>, vector<1x1x16xf32>,
        %parallel_loop3A_1194 = vector.shape_cast %parallel_loop3A_1193 : vector<1x1x16xf32> to vector<16xf32>
        %parallel_loop3A_1195 = arith.mulf %parallel_loop3A_1188, %parallel_loop3A_1194 : vector<16xf32>
        %parallel_loop3A_1196 = arith.constant 0 : i32
        %parallel_loop3A_1197 = arith.index_cast %parallel_loop3A_1196 : i32 to index
        %parallel_loop3A_1198 = arith.index_cast %parallel_loop3A_1062 : i32 to index
        %parallel_loop3A_1199 = arith.constant 96 : index
        %parallel_loop3A_1200 = tpu.vector_load %arg9[%parallel_loop3A_1197, %parallel_loop3A_1198, %parallel_loop3A_1199] {strides = array<i32>} : memref<3x64x128xf32, #tpu.memory_space<vmem>>, vector<1x1x16xf32>,
        %parallel_loop3A_1201 = vector.shape_cast %parallel_loop3A_1200 : vector<1x1x16xf32> to vector<16xf32>
        %parallel_loop3A_1202 = vector.shape_cast %parallel_loop3A_1195 : vector<16xf32> to vector<1x1x16xf32>
        tpu.vector_store %arg9[%parallel_loop3A_1197, %parallel_loop3A_1198, %parallel_loop3A_1199], %parallel_loop3A_1202 {strides = array<i32>} : memref<3x64x128xf32, #tpu.memory_space<vmem>>, vector<1x1x16xf32>,
        %parallel_loop3A_1203 = arith.constant 0 : i32
        %parallel_loop3A_1204 = arith.index_cast %parallel_loop3A_1203 : i32 to index
        %parallel_loop3A_1205 = arith.index_cast %parallel_loop3A_1062 : i32 to index
        %parallel_loop3A_1206 = arith.constant 112 : index
        %parallel_loop3A_1207 = tpu.vector_load %arg9[%parallel_loop3A_1204, %parallel_loop3A_1205, %parallel_loop3A_1206] {strides = array<i32>} : memref<3x64x128xf32, #tpu.memory_space<vmem>>, vector<1x1x16xf32>,
        %parallel_loop3A_1208 = vector.shape_cast %parallel_loop3A_1207 : vector<1x1x16xf32> to vector<16xf32>
        %parallel_loop3A_1209 = arith.constant 1 : i32
        %parallel_loop3A_1210 = arith.index_cast %parallel_loop3A_1209 : i32 to index
        %parallel_loop3A_1211 = arith.index_cast %parallel_loop3A_1062 : i32 to index
        %parallel_loop3A_1212 = arith.constant 112 : index
        %parallel_loop3A_1213 = tpu.vector_load %arg10[%parallel_loop3A_1210, %parallel_loop3A_1211, %parallel_loop3A_1212] {strides = array<i32>} : memref<2x64x128xf32, #tpu.memory_space<vmem>>, vector<1x1x16xf32>,
        %parallel_loop3A_1214 = vector.shape_cast %parallel_loop3A_1213 : vector<1x1x16xf32> to vector<16xf32>
        %parallel_loop3A_1215 = arith.mulf %parallel_loop3A_1208, %parallel_loop3A_1214 : vector<16xf32>
        %parallel_loop3A_1216 = arith.constant 0 : i32
        %parallel_loop3A_1217 = arith.index_cast %parallel_loop3A_1216 : i32 to index
        %parallel_loop3A_1218 = arith.index_cast %parallel_loop3A_1062 : i32 to index
        %parallel_loop3A_1219 = arith.constant 112 : index
        %parallel_loop3A_1220 = tpu.vector_load %arg9[%parallel_loop3A_1217, %parallel_loop3A_1218, %parallel_loop3A_1219] {strides = array<i32>} : memref<3x64x128xf32, #tpu.memory_space<vmem>>, vector<1x1x16xf32>,
        %parallel_loop3A_1221 = vector.shape_cast %parallel_loop3A_1220 : vector<1x1x16xf32> to vector<16xf32>
        %parallel_loop3A_1222 = vector.shape_cast %parallel_loop3A_1215 : vector<16xf32> to vector<1x1x16xf32>
        tpu.vector_store %arg9[%parallel_loop3A_1217, %parallel_loop3A_1218, %parallel_loop3A_1219], %parallel_loop3A_1222 {strides = array<i32>} : memref<3x64x128xf32, #tpu.memory_space<vmem>>, vector<1x1x16xf32>,
      } {sc.loop_unroll_factor = 2 : i64, sc.parallel_access}
      %dma_start3A_827 = arith.constant 0 : i32
      %dma_start3A_828 = arith.constant 0 : i32
      %dma_start3A_829 = arith.constant 0 : i32
      %dma_start3A_830 = arith.constant 0 : i32
      %dma_start3A_831 = arith.constant 0 : i32
      %dma_start3A_832 = tpu.memref_slice %arg9[%dma_start3A_827, %dma_start3A_830, %dma_start3A_831] : memref<3x64x128xf32, #tpu.memory_space<vmem>> -> memref<1x64x128xf32, #tpu.memory_space<vmem>>
      %dma_start3A_833 = tpu.memref_squeeze %dma_start3A_832 : memref<1x64x128xf32, #tpu.memory_space<vmem>> -> memref<64x128xf32, #tpu.memory_space<vmem>>
      %dma_start3A_834 = arith.constant 0 : i32
      %dma_start3A_835 = tpu.memref_slice %arg8[%dma_start3A_828, %dma_start3A_834] : memref<3x64xi32, #tpu.memory_space<vmem>> -> memref<1x64xi32, #tpu.memory_space<vmem>>
      %dma_start3A_836 = tpu.memref_squeeze %dma_start3A_835 : memref<1x64xi32, #tpu.memory_space<vmem>> -> memref<64xi32, #tpu.memory_space<vmem>>
      %dma_start3A_837 = arith.constant 0 : i32
      %dma_start3A_838 = arith.constant 0 : i32
      %dma_start3A_839 = tpu.memref_slice %arg11[%dma_start3A_837, %dma_start3A_838] : memref<10112x128xf32, #tpu.memory_space<vmem_shared>> -> memref<10112x128xf32, #tpu.memory_space<vmem_shared>>
      %dma_start3A_840 = tpu.memref_slice %arg15[%dma_start3A_829] : memref<3x!tpu.dma_semaphore, #tpu.memory_space<semaphore_mem>> -> memref<1x!tpu.dma_semaphore, #tpu.memory_space<semaphore_mem>>
      %dma_start3A_841 = tpu.memref_squeeze %dma_start3A_840 : memref<1x!tpu.dma_semaphore, #tpu.memory_space<semaphore_mem>> -> memref<!tpu.dma_semaphore, #tpu.memory_space<semaphore_mem>>
      tpu.enqueue_indirect_dma source(%dma_start3A_833 : memref<64x128xf32, #tpu.memory_space<vmem>>) target(%dma_start3A_839 : memref<10112x128xf32, #tpu.memory_space<vmem_shared>>) offsets(%dma_start3A_836 : memref<64xi32, #tpu.memory_space<vmem>>) semaphore(%dma_start3A_841 : memref<!tpu.dma_semaphore, #tpu.memory_space<semaphore_mem>>) {add = true}
      %mul3A_842 = arith.constant 6 : i32
      %mul3A_843 = arith.muli %mul3A_842, %scan3A_231 : i32
      %add3A_844 = arith.constant 4 : i32
      %add3A_845 = arith.addi %mul3A_843, %add3A_844 : i32
      %add3A_846 = arith.constant 1 : i32
      %add3A_847 = arith.addi %add3A_845, %add3A_846 : i32
      %dma_wait3A_848 = arith.constant 2 : i32
      %dma_wait3A_849 = arith.constant 2 : i32
      %dma_wait3A_850 = arith.constant 2 : i32
      %dma_wait3A_851 = arith.constant 0 : i32
      %dma_wait3A_852 = arith.constant 0 : i32
      %dma_wait3A_853 = tpu.memref_slice %arg9[%dma_wait3A_848, %dma_wait3A_851, %dma_wait3A_852] : memref<3x64x128xf32, #tpu.memory_space<vmem>> -> memref<1x64x128xf32, #tpu.memory_space<vmem>>
      %dma_wait3A_854 = tpu.memref_squeeze %dma_wait3A_853 : memref<1x64x128xf32, #tpu.memory_space<vmem>> -> memref<64x128xf32, #tpu.memory_space<vmem>>
      %dma_wait3A_855 = arith.constant 0 : i32
      %dma_wait3A_856 = tpu.memref_slice %arg8[%dma_wait3A_849, %dma_wait3A_855] : memref<3x64xi32, #tpu.memory_space<vmem>> -> memref<1x64xi32, #tpu.memory_space<vmem>>
      %dma_wait3A_857 = tpu.memref_squeeze %dma_wait3A_856 : memref<1x64xi32, #tpu.memory_space<vmem>> -> memref<64xi32, #tpu.memory_space<vmem>>
      %dma_wait3A_858 = arith.constant 0 : i32
      %dma_wait3A_859 = arith.constant 0 : i32
      %dma_wait3A_860 = tpu.memref_slice %arg11[%dma_wait3A_858, %dma_wait3A_859] : memref<10112x128xf32, #tpu.memory_space<vmem_shared>> -> memref<10112x128xf32, #tpu.memory_space<vmem_shared>>
      %dma_wait3A_861 = tpu.memref_slice %arg15[%dma_wait3A_850] : memref<3x!tpu.dma_semaphore, #tpu.memory_space<semaphore_mem>> -> memref<1x!tpu.dma_semaphore, #tpu.memory_space<semaphore_mem>>
      %dma_wait3A_862 = tpu.memref_squeeze %dma_wait3A_861 : memref<1x!tpu.dma_semaphore, #tpu.memory_space<semaphore_mem>> -> memref<!tpu.dma_semaphore, #tpu.memory_space<semaphore_mem>>
      tpu.wait_indirect_dma semaphore(%dma_wait3A_862 : memref<!tpu.dma_semaphore, #tpu.memory_space<semaphore_mem>>) src(%dma_wait3A_854 : memref<64x128xf32, #tpu.memory_space<vmem>>) dst(%dma_wait3A_860 : memref<10112x128xf32, #tpu.memory_space<vmem_shared>>)
      %mul3A_863 = arith.constant 64 : i32
      %mul3A_864 = arith.muli %add3A_847, %mul3A_863 : i32
      %add3A_865 = arith.addi %mul3A_35, %mul3A_864 : i32
      %dma_start3A_866 = arith.constant 1 : i32
      %dma_start3A_867 = arith.constant 1 : i32
      %dma_start3A_868 = arith.constant 0 : i32
      %dma_start3A_869 = tpu.memref_slice %arg7[%dma_start3A_866, %dma_start3A_868] : memref<2x64xi32, #tpu.memory_space<vmem>> -> memref<1x64xi32, #tpu.memory_space<vmem>>
      %dma_start3A_870 = tpu.memref_squeeze %dma_start3A_869 : memref<1x64xi32, #tpu.memory_space<vmem>> -> memref<64xi32, #tpu.memory_space<vmem>>
      %dma_start3A_871 = tpu.memref_slice %arg4[%add3A_865] : memref<331776xi32, #tpu.memory_space<hbm>> -> memref<64xi32, #tpu.memory_space<hbm>>
      %dma_start3A_872 = tpu.memref_slice %arg12[%dma_start3A_867] : memref<2x!tpu.dma_semaphore, #tpu.memory_space<semaphore_mem>> -> memref<1x!tpu.dma_semaphore, #tpu.memory_space<semaphore_mem>>
      %dma_start3A_873 = tpu.memref_squeeze %dma_start3A_872 : memref<1x!tpu.dma_semaphore, #tpu.memory_space<semaphore_mem>> -> memref<!tpu.dma_semaphore, #tpu.memory_space<semaphore_mem>>
      %dma_start3A_874 = arith.constant 0 : i32
      %dma_start3A_875 = tpu.memref_slice %arg7[%dma_start3A_866, %dma_start3A_874] : memref<2x64xi32, #tpu.memory_space<vmem>> -> memref<1x64xi32, #tpu.memory_space<vmem>>
      %dma_start3A_876 = tpu.memref_squeeze %dma_start3A_875 : memref<1x64xi32, #tpu.memory_space<vmem>> -> memref<64xi32, #tpu.memory_space<vmem>>
      %dma_start3A_877 = tpu.memref_slice %arg4[%add3A_865] : memref<331776xi32, #tpu.memory_space<hbm>> -> memref<64xi32, #tpu.memory_space<hbm>>
      tpu.enqueue_dma source(%dma_start3A_877 : memref<64xi32, #tpu.memory_space<hbm>>) target(%dma_start3A_876 : memref<64xi32, #tpu.memory_space<vmem>>) target_semaphore(%dma_start3A_873 : memref<!tpu.dma_semaphore, #tpu.memory_space<semaphore_mem>>)
      %dma_start3A_878 = arith.constant 2 : i32
      %dma_start3A_879 = arith.constant 1 : i32
      %dma_start3A_880 = arith.constant 0 : i32
      %dma_start3A_881 = tpu.memref_slice %arg8[%dma_start3A_878, %dma_start3A_880] : memref<3x64xi32, #tpu.memory_space<vmem>> -> memref<1x64xi32, #tpu.memory_space<vmem>>
      %dma_start3A_882 = tpu.memref_squeeze %dma_start3A_881 : memref<1x64xi32, #tpu.memory_space<vmem>> -> memref<64xi32, #tpu.memory_space<vmem>>
      %dma_start3A_883 = tpu.memref_slice %arg5[%add3A_865] : memref<331776xi32, #tpu.memory_space<hbm>> -> memref<64xi32, #tpu.memory_space<hbm>>
      %dma_start3A_884 = tpu.memref_slice %arg12[%dma_start3A_879] : memref<2x!tpu.dma_semaphore, #tpu.memory_space<semaphore_mem>> -> memref<1x!tpu.dma_semaphore, #tpu.memory_space<semaphore_mem>>
      %dma_start3A_885 = tpu.memref_squeeze %dma_start3A_884 : memref<1x!tpu.dma_semaphore, #tpu.memory_space<semaphore_mem>> -> memref<!tpu.dma_semaphore, #tpu.memory_space<semaphore_mem>>
      %dma_start3A_886 = arith.constant 0 : i32
      %dma_start3A_887 = tpu.memref_slice %arg8[%dma_start3A_878, %dma_start3A_886] : memref<3x64xi32, #tpu.memory_space<vmem>> -> memref<1x64xi32, #tpu.memory_space<vmem>>
      %dma_start3A_888 = tpu.memref_squeeze %dma_start3A_887 : memref<1x64xi32, #tpu.memory_space<vmem>> -> memref<64xi32, #tpu.memory_space<vmem>>
      %dma_start3A_889 = tpu.memref_slice %arg5[%add3A_865] : memref<331776xi32, #tpu.memory_space<hbm>> -> memref<64xi32, #tpu.memory_space<hbm>>
      tpu.enqueue_dma source(%dma_start3A_889 : memref<64xi32, #tpu.memory_space<hbm>>) target(%dma_start3A_888 : memref<64xi32, #tpu.memory_space<vmem>>) target_semaphore(%dma_start3A_885 : memref<!tpu.dma_semaphore, #tpu.memory_space<semaphore_mem>>)
      %dma_start3A_890 = arith.constant 1 : i32
      %dma_start3A_891 = arith.constant 1 : i32
      %dma_start3A_892 = arith.constant 0 : i32
      %dma_start3A_893 = arith.constant 0 : i32
      %dma_start3A_894 = tpu.memref_slice %arg10[%dma_start3A_890, %dma_start3A_892, %dma_start3A_893] : memref<2x64x128xf32, #tpu.memory_space<vmem>> -> memref<1x64x128xf32, #tpu.memory_space<vmem>>
      %dma_start3A_895 = tpu.memref_squeeze %dma_start3A_894 : memref<1x64x128xf32, #tpu.memory_space<vmem>> -> memref<64x128xf32, #tpu.memory_space<vmem>>
      %dma_start3A_896 = arith.constant 0 : i32
      %dma_start3A_897 = tpu.memref_slice %arg3[%add3A_865, %dma_start3A_896] : memref<331776x128xf32, #tpu.memory_space<hbm>> -> memref<64x128xf32, #tpu.memory_space<hbm>>
      %dma_start3A_898 = tpu.memref_slice %arg13[%dma_start3A_891] : memref<2x!tpu.dma_semaphore, #tpu.memory_space<semaphore_mem>> -> memref<1x!tpu.dma_semaphore, #tpu.memory_space<semaphore_mem>>
      %dma_start3A_899 = tpu.memref_squeeze %dma_start3A_898 : memref<1x!tpu.dma_semaphore, #tpu.memory_space<semaphore_mem>> -> memref<!tpu.dma_semaphore, #tpu.memory_space<semaphore_mem>>
      %dma_start3A_900 = arith.constant 0 : i32
      %dma_start3A_901 = arith.constant 0 : i32
      %dma_start3A_902 = tpu.memref_slice %arg10[%dma_start3A_890, %dma_start3A_900, %dma_start3A_901] : memref<2x64x128xf32, #tpu.memory_space<vmem>> -> memref<1x64x128xf32, #tpu.memory_space<vmem>>
      %dma_start3A_903 = tpu.memref_squeeze %dma_start3A_902 : memref<1x64x128xf32, #tpu.memory_space<vmem>> -> memref<64x128xf32, #tpu.memory_space<vmem>>
      %dma_start3A_904 = arith.constant 0 : i32
      %dma_start3A_905 = tpu.memref_slice %arg3[%add3A_865, %dma_start3A_904] : memref<331776x128xf32, #tpu.memory_space<hbm>> -> memref<64x128xf32, #tpu.memory_space<hbm>>
      tpu.enqueue_dma source(%dma_start3A_905 : memref<64x128xf32, #tpu.memory_space<hbm>>) target(%dma_start3A_903 : memref<64x128xf32, #tpu.memory_space<vmem>>) target_semaphore(%dma_start3A_899 : memref<!tpu.dma_semaphore, #tpu.memory_space<semaphore_mem>>)
      %dma_wait3A_906 = arith.constant 1 : i32
      %dma_wait3A_907 = arith.constant 1 : i32
      %dma_wait3A_908 = arith.constant 0 : i32
      %dma_wait3A_909 = tpu.memref_slice %arg7[%dma_wait3A_906, %dma_wait3A_908] : memref<2x64xi32, #tpu.memory_space<vmem>> -> memref<1x64xi32, #tpu.memory_space<vmem>>
      %dma_wait3A_910 = tpu.memref_squeeze %dma_wait3A_909 : memref<1x64xi32, #tpu.memory_space<vmem>> -> memref<64xi32, #tpu.memory_space<vmem>>
      %dma_wait3A_911 = arith.constant 0 : i32
      %dma_wait3A_912 = tpu.memref_slice %arg4[%dma_wait3A_911] : memref<331776xi32, #tpu.memory_space<hbm>> -> memref<64xi32, #tpu.memory_space<hbm>>
      %dma_wait3A_913 = tpu.memref_slice %arg12[%dma_wait3A_907] : memref<2x!tpu.dma_semaphore, #tpu.memory_space<semaphore_mem>> -> memref<1x!tpu.dma_semaphore, #tpu.memory_space<semaphore_mem>>
      %dma_wait3A_914 = tpu.memref_squeeze %dma_wait3A_913 : memref<1x!tpu.dma_semaphore, #tpu.memory_space<semaphore_mem>> -> memref<!tpu.dma_semaphore, #tpu.memory_space<semaphore_mem>>
      %dma_wait3A_915 = arith.constant 0 : i32
      %dma_wait3A_916 = tpu.memref_slice %arg7[%dma_wait3A_906, %dma_wait3A_915] : memref<2x64xi32, #tpu.memory_space<vmem>> -> memref<1x64xi32, #tpu.memory_space<vmem>>
      %dma_wait3A_917 = tpu.memref_squeeze %dma_wait3A_916 : memref<1x64xi32, #tpu.memory_space<vmem>> -> memref<64xi32, #tpu.memory_space<vmem>>
      %dma_wait3A_918 = arith.constant 0 : i32
      %dma_wait3A_919 = tpu.memref_slice %arg4[%dma_wait3A_918] : memref<331776xi32, #tpu.memory_space<hbm>> -> memref<64xi32, #tpu.memory_space<hbm>>
      tpu.wait_dma2 semaphore(%dma_wait3A_914 : memref<!tpu.dma_semaphore, #tpu.memory_space<semaphore_mem>>) src(%dma_wait3A_919 : memref<64xi32, #tpu.memory_space<hbm>>) dst(%dma_wait3A_917 : memref<64xi32, #tpu.memory_space<vmem>>)
      %dma_wait3A_920 = arith.constant 2 : i32
      %dma_wait3A_921 = arith.constant 1 : i32
      %dma_wait3A_922 = arith.constant 0 : i32
      %dma_wait3A_923 = tpu.memref_slice %arg8[%dma_wait3A_920, %dma_wait3A_922] : memref<3x64xi32, #tpu.memory_space<vmem>> -> memref<1x64xi32, #tpu.memory_space<vmem>>
      %dma_wait3A_924 = tpu.memref_squeeze %dma_wait3A_923 : memref<1x64xi32, #tpu.memory_space<vmem>> -> memref<64xi32, #tpu.memory_space<vmem>>
      %dma_wait3A_925 = arith.constant 0 : i32
      %dma_wait3A_926 = tpu.memref_slice %arg5[%dma_wait3A_925] : memref<331776xi32, #tpu.memory_space<hbm>> -> memref<64xi32, #tpu.memory_space<hbm>>
      %dma_wait3A_927 = tpu.memref_slice %arg12[%dma_wait3A_921] : memref<2x!tpu.dma_semaphore, #tpu.memory_space<semaphore_mem>> -> memref<1x!tpu.dma_semaphore, #tpu.memory_space<semaphore_mem>>
      %dma_wait3A_928 = tpu.memref_squeeze %dma_wait3A_927 : memref<1x!tpu.dma_semaphore, #tpu.memory_space<semaphore_mem>> -> memref<!tpu.dma_semaphore, #tpu.memory_space<semaphore_mem>>
      %dma_wait3A_929 = arith.constant 0 : i32
      %dma_wait3A_930 = tpu.memref_slice %arg8[%dma_wait3A_920, %dma_wait3A_929] : memref<3x64xi32, #tpu.memory_space<vmem>> -> memref<1x64xi32, #tpu.memory_space<vmem>>
      %dma_wait3A_931 = tpu.memref_squeeze %dma_wait3A_930 : memref<1x64xi32, #tpu.memory_space<vmem>> -> memref<64xi32, #tpu.memory_space<vmem>>
      %dma_wait3A_932 = arith.constant 0 : i32
      %dma_wait3A_933 = tpu.memref_slice %arg5[%dma_wait3A_932] : memref<331776xi32, #tpu.memory_space<hbm>> -> memref<64xi32, #tpu.memory_space<hbm>>
      tpu.wait_dma2 semaphore(%dma_wait3A_928 : memref<!tpu.dma_semaphore, #tpu.memory_space<semaphore_mem>>) src(%dma_wait3A_933 : memref<64xi32, #tpu.memory_space<hbm>>) dst(%dma_wait3A_931 : memref<64xi32, #tpu.memory_space<vmem>>)
      %dma_start3A_934 = arith.constant 1 : i32
      %dma_start3A_935 = arith.constant 2 : i32
      %dma_start3A_936 = arith.constant 2 : i32
      %dma_start3A_937 = arith.constant 0 : i32
      %dma_start3A_938 = arith.constant 0 : i32
      %dma_start3A_939 = tpu.memref_slice %arg9[%dma_start3A_935, %dma_start3A_937, %dma_start3A_938] : memref<3x64x128xf32, #tpu.memory_space<vmem>> -> memref<1x64x128xf32, #tpu.memory_space<vmem>>
      %dma_start3A_940 = tpu.memref_squeeze %dma_start3A_939 : memref<1x64x128xf32, #tpu.memory_space<vmem>> -> memref<64x128xf32, #tpu.memory_space<vmem>>
      %dma_start3A_941 = arith.constant 0 : i32
      %dma_start3A_942 = tpu.memref_slice %arg7[%dma_start3A_934, %dma_start3A_941] : memref<2x64xi32, #tpu.memory_space<vmem>> -> memref<1x64xi32, #tpu.memory_space<vmem>>
      %dma_start3A_943 = tpu.memref_squeeze %dma_start3A_942 : memref<1x64xi32, #tpu.memory_space<vmem>> -> memref<64xi32, #tpu.memory_space<vmem>>
      %dma_start3A_944 = arith.constant 0 : i32
      %dma_start3A_945 = arith.constant 0 : i32
      %dma_start3A_946 = tpu.memref_slice %arg2[%dma_start3A_944, %dma_start3A_945] : memref<10000x128xf32, #tpu.memory_space<hbm>> -> memref<10000x128xf32, #tpu.memory_space<hbm>>
      %dma_start3A_947 = tpu.memref_slice %arg14[%dma_start3A_936] : memref<3x!tpu.dma_semaphore, #tpu.memory_space<semaphore_mem>> -> memref<1x!tpu.dma_semaphore, #tpu.memory_space<semaphore_mem>>
      %dma_start3A_948 = tpu.memref_squeeze %dma_start3A_947 : memref<1x!tpu.dma_semaphore, #tpu.memory_space<semaphore_mem>> -> memref<!tpu.dma_semaphore, #tpu.memory_space<semaphore_mem>>
      tpu.enqueue_indirect_dma source(%dma_start3A_946 : memref<10000x128xf32, #tpu.memory_space<hbm>>) target(%dma_start3A_940 : memref<64x128xf32, #tpu.memory_space<vmem>>) offsets(%dma_start3A_943 : memref<64xi32, #tpu.memory_space<vmem>>) semaphore(%dma_start3A_948 : memref<!tpu.dma_semaphore, #tpu.memory_space<semaphore_mem>>)
      %dma_wait3A_949 = arith.constant 0 : i32
      %dma_wait3A_950 = arith.constant 1 : i32
      %dma_wait3A_951 = arith.constant 1 : i32
      %dma_wait3A_952 = arith.constant 0 : i32
      %dma_wait3A_953 = arith.constant 0 : i32
      %dma_wait3A_954 = tpu.memref_slice %arg9[%dma_wait3A_950, %dma_wait3A_952, %dma_wait3A_953] : memref<3x64x128xf32, #tpu.memory_space<vmem>> -> memref<1x64x128xf32, #tpu.memory_space<vmem>>
      %dma_wait3A_955 = tpu.memref_squeeze %dma_wait3A_954 : memref<1x64x128xf32, #tpu.memory_space<vmem>> -> memref<64x128xf32, #tpu.memory_space<vmem>>
      %dma_wait3A_956 = arith.constant 0 : i32
      %dma_wait3A_957 = tpu.memref_slice %arg7[%dma_wait3A_949, %dma_wait3A_956] : memref<2x64xi32, #tpu.memory_space<vmem>> -> memref<1x64xi32, #tpu.memory_space<vmem>>
      %dma_wait3A_958 = tpu.memref_squeeze %dma_wait3A_957 : memref<1x64xi32, #tpu.memory_space<vmem>> -> memref<64xi32, #tpu.memory_space<vmem>>
      %dma_wait3A_959 = arith.constant 0 : i32
      %dma_wait3A_960 = arith.constant 0 : i32
      %dma_wait3A_961 = tpu.memref_slice %arg2[%dma_wait3A_959, %dma_wait3A_960] : memref<10000x128xf32, #tpu.memory_space<hbm>> -> memref<10000x128xf32, #tpu.memory_space<hbm>>
      %dma_wait3A_962 = tpu.memref_slice %arg14[%dma_wait3A_951] : memref<3x!tpu.dma_semaphore, #tpu.memory_space<semaphore_mem>> -> memref<1x!tpu.dma_semaphore, #tpu.memory_space<semaphore_mem>>
      %dma_wait3A_963 = tpu.memref_squeeze %dma_wait3A_962 : memref<1x!tpu.dma_semaphore, #tpu.memory_space<semaphore_mem>> -> memref<!tpu.dma_semaphore, #tpu.memory_space<semaphore_mem>>
      tpu.wait_indirect_dma semaphore(%dma_wait3A_963 : memref<!tpu.dma_semaphore, #tpu.memory_space<semaphore_mem>>) src(%dma_wait3A_961 : memref<10000x128xf32, #tpu.memory_space<hbm>>) dst(%dma_wait3A_955 : memref<64x128xf32, #tpu.memory_space<vmem>>)
      %dma_wait3A_964 = arith.constant 0 : i32
      %dma_wait3A_965 = arith.constant 0 : i32
      %dma_wait3A_966 = arith.constant 0 : i32
      %dma_wait3A_967 = arith.constant 0 : i32
      %dma_wait3A_968 = tpu.memref_slice %arg10[%dma_wait3A_964, %dma_wait3A_966, %dma_wait3A_967] : memref<2x64x128xf32, #tpu.memory_space<vmem>> -> memref<1x64x128xf32, #tpu.memory_space<vmem>>
      %dma_wait3A_969 = tpu.memref_squeeze %dma_wait3A_968 : memref<1x64x128xf32, #tpu.memory_space<vmem>> -> memref<64x128xf32, #tpu.memory_space<vmem>>
      %dma_wait3A_970 = arith.constant 0 : i32
      %dma_wait3A_971 = arith.constant 0 : i32
      %dma_wait3A_972 = tpu.memref_slice %arg3[%dma_wait3A_970, %dma_wait3A_971] : memref<331776x128xf32, #tpu.memory_space<hbm>> -> memref<64x128xf32, #tpu.memory_space<hbm>>
      %dma_wait3A_973 = tpu.memref_slice %arg13[%dma_wait3A_965] : memref<2x!tpu.dma_semaphore, #tpu.memory_space<semaphore_mem>> -> memref<1x!tpu.dma_semaphore, #tpu.memory_space<semaphore_mem>>
      %dma_wait3A_974 = tpu.memref_squeeze %dma_wait3A_973 : memref<1x!tpu.dma_semaphore, #tpu.memory_space<semaphore_mem>> -> memref<!tpu.dma_semaphore, #tpu.memory_space<semaphore_mem>>
      %dma_wait3A_975 = arith.constant 0 : i32
      %dma_wait3A_976 = arith.constant 0 : i32
      %dma_wait3A_977 = tpu.memref_slice %arg10[%dma_wait3A_964, %dma_wait3A_975, %dma_wait3A_976] : memref<2x64x128xf32, #tpu.memory_space<vmem>> -> memref<1x64x128xf32, #tpu.memory_space<vmem>>
      %dma_wait3A_978 = tpu.memref_squeeze %dma_wait3A_977 : memref<1x64x128xf32, #tpu.memory_space<vmem>> -> memref<64x128xf32, #tpu.memory_space<vmem>>
      %dma_wait3A_979 = arith.constant 0 : i32
      %dma_wait3A_980 = arith.constant 0 : i32
      %dma_wait3A_981 = tpu.memref_slice %arg3[%dma_wait3A_979, %dma_wait3A_980] : memref<331776x128xf32, #tpu.memory_space<hbm>> -> memref<64x128xf32, #tpu.memory_space<hbm>>
      tpu.wait_dma2 semaphore(%dma_wait3A_974 : memref<!tpu.dma_semaphore, #tpu.memory_space<semaphore_mem>>) src(%dma_wait3A_981 : memref<64x128xf32, #tpu.memory_space<hbm>>) dst(%dma_wait3A_978 : memref<64x128xf32, #tpu.memory_space<vmem>>)
      %parallel_loop3A_982 = arith.constant 0 : i32
      %parallel_loop3A_983 = arith.constant 64 : i32
      %parallel_loop3A_984 = arith.constant 1 : i32
      scf.for %parallel_loop3A_1062 = %parallel_loop3A_982 to %parallel_loop3A_983 step %parallel_loop3A_984  : i32 {
        %parallel_loop3A_1063 = arith.constant 1 : i32
        %parallel_loop3A_1064 = arith.index_cast %parallel_loop3A_1063 : i32 to index
        %parallel_loop3A_1065 = arith.index_cast %parallel_loop3A_1062 : i32 to index
        %parallel_loop3A_1066 = arith.constant 0 : index
        %parallel_loop3A_1067 = tpu.vector_load %arg9[%parallel_loop3A_1064, %parallel_loop3A_1065, %parallel_loop3A_1066] {strides = array<i32>} : memref<3x64x128xf32, #tpu.memory_space<vmem>>, vector<1x1x16xf32>,
        %parallel_loop3A_1068 = vector.shape_cast %parallel_loop3A_1067 : vector<1x1x16xf32> to vector<16xf32>
        %parallel_loop3A_1069 = arith.constant 0 : i32
        %parallel_loop3A_1070 = arith.index_cast %parallel_loop3A_1069 : i32 to index
        %parallel_loop3A_1071 = arith.index_cast %parallel_loop3A_1062 : i32 to index
        %parallel_loop3A_1072 = arith.constant 0 : index
        %parallel_loop3A_1073 = tpu.vector_load %arg10[%parallel_loop3A_1070, %parallel_loop3A_1071, %parallel_loop3A_1072] {strides = array<i32>} : memref<2x64x128xf32, #tpu.memory_space<vmem>>, vector<1x1x16xf32>,
        %parallel_loop3A_1074 = vector.shape_cast %parallel_loop3A_1073 : vector<1x1x16xf32> to vector<16xf32>
        %parallel_loop3A_1075 = arith.mulf %parallel_loop3A_1068, %parallel_loop3A_1074 : vector<16xf32>
        %parallel_loop3A_1076 = arith.constant 1 : i32
        %parallel_loop3A_1077 = arith.index_cast %parallel_loop3A_1076 : i32 to index
        %parallel_loop3A_1078 = arith.index_cast %parallel_loop3A_1062 : i32 to index
        %parallel_loop3A_1079 = arith.constant 0 : index
        %parallel_loop3A_1080 = tpu.vector_load %arg9[%parallel_loop3A_1077, %parallel_loop3A_1078, %parallel_loop3A_1079] {strides = array<i32>} : memref<3x64x128xf32, #tpu.memory_space<vmem>>, vector<1x1x16xf32>,
        %parallel_loop3A_1081 = vector.shape_cast %parallel_loop3A_1080 : vector<1x1x16xf32> to vector<16xf32>
        %parallel_loop3A_1082 = vector.shape_cast %parallel_loop3A_1075 : vector<16xf32> to vector<1x1x16xf32>
        tpu.vector_store %arg9[%parallel_loop3A_1077, %parallel_loop3A_1078, %parallel_loop3A_1079], %parallel_loop3A_1082 {strides = array<i32>} : memref<3x64x128xf32, #tpu.memory_space<vmem>>, vector<1x1x16xf32>,
        %parallel_loop3A_1083 = arith.constant 1 : i32
        %parallel_loop3A_1084 = arith.index_cast %parallel_loop3A_1083 : i32 to index
        %parallel_loop3A_1085 = arith.index_cast %parallel_loop3A_1062 : i32 to index
        %parallel_loop3A_1086 = arith.constant 16 : index
        %parallel_loop3A_1087 = tpu.vector_load %arg9[%parallel_loop3A_1084, %parallel_loop3A_1085, %parallel_loop3A_1086] {strides = array<i32>} : memref<3x64x128xf32, #tpu.memory_space<vmem>>, vector<1x1x16xf32>,
        %parallel_loop3A_1088 = vector.shape_cast %parallel_loop3A_1087 : vector<1x1x16xf32> to vector<16xf32>
        %parallel_loop3A_1089 = arith.constant 0 : i32
        %parallel_loop3A_1090 = arith.index_cast %parallel_loop3A_1089 : i32 to index
        %parallel_loop3A_1091 = arith.index_cast %parallel_loop3A_1062 : i32 to index
        %parallel_loop3A_1092 = arith.constant 16 : index
        %parallel_loop3A_1093 = tpu.vector_load %arg10[%parallel_loop3A_1090, %parallel_loop3A_1091, %parallel_loop3A_1092] {strides = array<i32>} : memref<2x64x128xf32, #tpu.memory_space<vmem>>, vector<1x1x16xf32>,
        %parallel_loop3A_1094 = vector.shape_cast %parallel_loop3A_1093 : vector<1x1x16xf32> to vector<16xf32>
        %parallel_loop3A_1095 = arith.mulf %parallel_loop3A_1088, %parallel_loop3A_1094 : vector<16xf32>
        %parallel_loop3A_1096 = arith.constant 1 : i32
        %parallel_loop3A_1097 = arith.index_cast %parallel_loop3A_1096 : i32 to index
        %parallel_loop3A_1098 = arith.index_cast %parallel_loop3A_1062 : i32 to index
        %parallel_loop3A_1099 = arith.constant 16 : index
        %parallel_loop3A_1100 = tpu.vector_load %arg9[%parallel_loop3A_1097, %parallel_loop3A_1098, %parallel_loop3A_1099] {strides = array<i32>} : memref<3x64x128xf32, #tpu.memory_space<vmem>>, vector<1x1x16xf32>,
        %parallel_loop3A_1101 = vector.shape_cast %parallel_loop3A_1100 : vector<1x1x16xf32> to vector<16xf32>
        %parallel_loop3A_1102 = vector.shape_cast %parallel_loop3A_1095 : vector<16xf32> to vector<1x1x16xf32>
        tpu.vector_store %arg9[%parallel_loop3A_1097, %parallel_loop3A_1098, %parallel_loop3A_1099], %parallel_loop3A_1102 {strides = array<i32>} : memref<3x64x128xf32, #tpu.memory_space<vmem>>, vector<1x1x16xf32>,
        %parallel_loop3A_1103 = arith.constant 1 : i32
        %parallel_loop3A_1104 = arith.index_cast %parallel_loop3A_1103 : i32 to index
        %parallel_loop3A_1105 = arith.index_cast %parallel_loop3A_1062 : i32 to index
        %parallel_loop3A_1106 = arith.constant 32 : index
        %parallel_loop3A_1107 = tpu.vector_load %arg9[%parallel_loop3A_1104, %parallel_loop3A_1105, %parallel_loop3A_1106] {strides = array<i32>} : memref<3x64x128xf32, #tpu.memory_space<vmem>>, vector<1x1x16xf32>,
        %parallel_loop3A_1108 = vector.shape_cast %parallel_loop3A_1107 : vector<1x1x16xf32> to vector<16xf32>
        %parallel_loop3A_1109 = arith.constant 0 : i32
        %parallel_loop3A_1110 = arith.index_cast %parallel_loop3A_1109 : i32 to index
        %parallel_loop3A_1111 = arith.index_cast %parallel_loop3A_1062 : i32 to index
        %parallel_loop3A_1112 = arith.constant 32 : index
        %parallel_loop3A_1113 = tpu.vector_load %arg10[%parallel_loop3A_1110, %parallel_loop3A_1111, %parallel_loop3A_1112] {strides = array<i32>} : memref<2x64x128xf32, #tpu.memory_space<vmem>>, vector<1x1x16xf32>,
        %parallel_loop3A_1114 = vector.shape_cast %parallel_loop3A_1113 : vector<1x1x16xf32> to vector<16xf32>
        %parallel_loop3A_1115 = arith.mulf %parallel_loop3A_1108, %parallel_loop3A_1114 : vector<16xf32>
        %parallel_loop3A_1116 = arith.constant 1 : i32
        %parallel_loop3A_1117 = arith.index_cast %parallel_loop3A_1116 : i32 to index
        %parallel_loop3A_1118 = arith.index_cast %parallel_loop3A_1062 : i32 to index
        %parallel_loop3A_1119 = arith.constant 32 : index
        %parallel_loop3A_1120 = tpu.vector_load %arg9[%parallel_loop3A_1117, %parallel_loop3A_1118, %parallel_loop3A_1119] {strides = array<i32>} : memref<3x64x128xf32, #tpu.memory_space<vmem>>, vector<1x1x16xf32>,
        %parallel_loop3A_1121 = vector.shape_cast %parallel_loop3A_1120 : vector<1x1x16xf32> to vector<16xf32>
        %parallel_loop3A_1122 = vector.shape_cast %parallel_loop3A_1115 : vector<16xf32> to vector<1x1x16xf32>
        tpu.vector_store %arg9[%parallel_loop3A_1117, %parallel_loop3A_1118, %parallel_loop3A_1119], %parallel_loop3A_1122 {strides = array<i32>} : memref<3x64x128xf32, #tpu.memory_space<vmem>>, vector<1x1x16xf32>,
        %parallel_loop3A_1123 = arith.constant 1 : i32
        %parallel_loop3A_1124 = arith.index_cast %parallel_loop3A_1123 : i32 to index
        %parallel_loop3A_1125 = arith.index_cast %parallel_loop3A_1062 : i32 to index
        %parallel_loop3A_1126 = arith.constant 48 : index
        %parallel_loop3A_1127 = tpu.vector_load %arg9[%parallel_loop3A_1124, %parallel_loop3A_1125, %parallel_loop3A_1126] {strides = array<i32>} : memref<3x64x128xf32, #tpu.memory_space<vmem>>, vector<1x1x16xf32>,
        %parallel_loop3A_1128 = vector.shape_cast %parallel_loop3A_1127 : vector<1x1x16xf32> to vector<16xf32>
        %parallel_loop3A_1129 = arith.constant 0 : i32
        %parallel_loop3A_1130 = arith.index_cast %parallel_loop3A_1129 : i32 to index
        %parallel_loop3A_1131 = arith.index_cast %parallel_loop3A_1062 : i32 to index
        %parallel_loop3A_1132 = arith.constant 48 : index
        %parallel_loop3A_1133 = tpu.vector_load %arg10[%parallel_loop3A_1130, %parallel_loop3A_1131, %parallel_loop3A_1132] {strides = array<i32>} : memref<2x64x128xf32, #tpu.memory_space<vmem>>, vector<1x1x16xf32>,
        %parallel_loop3A_1134 = vector.shape_cast %parallel_loop3A_1133 : vector<1x1x16xf32> to vector<16xf32>
        %parallel_loop3A_1135 = arith.mulf %parallel_loop3A_1128, %parallel_loop3A_1134 : vector<16xf32>
        %parallel_loop3A_1136 = arith.constant 1 : i32
        %parallel_loop3A_1137 = arith.index_cast %parallel_loop3A_1136 : i32 to index
        %parallel_loop3A_1138 = arith.index_cast %parallel_loop3A_1062 : i32 to index
        %parallel_loop3A_1139 = arith.constant 48 : index
        %parallel_loop3A_1140 = tpu.vector_load %arg9[%parallel_loop3A_1137, %parallel_loop3A_1138, %parallel_loop3A_1139] {strides = array<i32>} : memref<3x64x128xf32, #tpu.memory_space<vmem>>, vector<1x1x16xf32>,
        %parallel_loop3A_1141 = vector.shape_cast %parallel_loop3A_1140 : vector<1x1x16xf32> to vector<16xf32>
        %parallel_loop3A_1142 = vector.shape_cast %parallel_loop3A_1135 : vector<16xf32> to vector<1x1x16xf32>
        tpu.vector_store %arg9[%parallel_loop3A_1137, %parallel_loop3A_1138, %parallel_loop3A_1139], %parallel_loop3A_1142 {strides = array<i32>} : memref<3x64x128xf32, #tpu.memory_space<vmem>>, vector<1x1x16xf32>,
        %parallel_loop3A_1143 = arith.constant 1 : i32
        %parallel_loop3A_1144 = arith.index_cast %parallel_loop3A_1143 : i32 to index
        %parallel_loop3A_1145 = arith.index_cast %parallel_loop3A_1062 : i32 to index
        %parallel_loop3A_1146 = arith.constant 64 : index
        %parallel_loop3A_1147 = tpu.vector_load %arg9[%parallel_loop3A_1144, %parallel_loop3A_1145, %parallel_loop3A_1146] {strides = array<i32>} : memref<3x64x128xf32, #tpu.memory_space<vmem>>, vector<1x1x16xf32>,
        %parallel_loop3A_1148 = vector.shape_cast %parallel_loop3A_1147 : vector<1x1x16xf32> to vector<16xf32>
        %parallel_loop3A_1149 = arith.constant 0 : i32
        %parallel_loop3A_1150 = arith.index_cast %parallel_loop3A_1149 : i32 to index
        %parallel_loop3A_1151 = arith.index_cast %parallel_loop3A_1062 : i32 to index
        %parallel_loop3A_1152 = arith.constant 64 : index
        %parallel_loop3A_1153 = tpu.vector_load %arg10[%parallel_loop3A_1150, %parallel_loop3A_1151, %parallel_loop3A_1152] {strides = array<i32>} : memref<2x64x128xf32, #tpu.memory_space<vmem>>, vector<1x1x16xf32>,
        %parallel_loop3A_1154 = vector.shape_cast %parallel_loop3A_1153 : vector<1x1x16xf32> to vector<16xf32>
        %parallel_loop3A_1155 = arith.mulf %parallel_loop3A_1148, %parallel_loop3A_1154 : vector<16xf32>
        %parallel_loop3A_1156 = arith.constant 1 : i32
        %parallel_loop3A_1157 = arith.index_cast %parallel_loop3A_1156 : i32 to index
        %parallel_loop3A_1158 = arith.index_cast %parallel_loop3A_1062 : i32 to index
        %parallel_loop3A_1159 = arith.constant 64 : index
        %parallel_loop3A_1160 = tpu.vector_load %arg9[%parallel_loop3A_1157, %parallel_loop3A_1158, %parallel_loop3A_1159] {strides = array<i32>} : memref<3x64x128xf32, #tpu.memory_space<vmem>>, vector<1x1x16xf32>,
        %parallel_loop3A_1161 = vector.shape_cast %parallel_loop3A_1160 : vector<1x1x16xf32> to vector<16xf32>
        %parallel_loop3A_1162 = vector.shape_cast %parallel_loop3A_1155 : vector<16xf32> to vector<1x1x16xf32>
        tpu.vector_store %arg9[%parallel_loop3A_1157, %parallel_loop3A_1158, %parallel_loop3A_1159], %parallel_loop3A_1162 {strides = array<i32>} : memref<3x64x128xf32, #tpu.memory_space<vmem>>, vector<1x1x16xf32>,
        %parallel_loop3A_1163 = arith.constant 1 : i32
        %parallel_loop3A_1164 = arith.index_cast %parallel_loop3A_1163 : i32 to index
        %parallel_loop3A_1165 = arith.index_cast %parallel_loop3A_1062 : i32 to index
        %parallel_loop3A_1166 = arith.constant 80 : index
        %parallel_loop3A_1167 = tpu.vector_load %arg9[%parallel_loop3A_1164, %parallel_loop3A_1165, %parallel_loop3A_1166] {strides = array<i32>} : memref<3x64x128xf32, #tpu.memory_space<vmem>>, vector<1x1x16xf32>,
        %parallel_loop3A_1168 = vector.shape_cast %parallel_loop3A_1167 : vector<1x1x16xf32> to vector<16xf32>
        %parallel_loop3A_1169 = arith.constant 0 : i32
        %parallel_loop3A_1170 = arith.index_cast %parallel_loop3A_1169 : i32 to index
        %parallel_loop3A_1171 = arith.index_cast %parallel_loop3A_1062 : i32 to index
        %parallel_loop3A_1172 = arith.constant 80 : index
        %parallel_loop3A_1173 = tpu.vector_load %arg10[%parallel_loop3A_1170, %parallel_loop3A_1171, %parallel_loop3A_1172] {strides = array<i32>} : memref<2x64x128xf32, #tpu.memory_space<vmem>>, vector<1x1x16xf32>,
        %parallel_loop3A_1174 = vector.shape_cast %parallel_loop3A_1173 : vector<1x1x16xf32> to vector<16xf32>
        %parallel_loop3A_1175 = arith.mulf %parallel_loop3A_1168, %parallel_loop3A_1174 : vector<16xf32>
        %parallel_loop3A_1176 = arith.constant 1 : i32
        %parallel_loop3A_1177 = arith.index_cast %parallel_loop3A_1176 : i32 to index
        %parallel_loop3A_1178 = arith.index_cast %parallel_loop3A_1062 : i32 to index
        %parallel_loop3A_1179 = arith.constant 80 : index
        %parallel_loop3A_1180 = tpu.vector_load %arg9[%parallel_loop3A_1177, %parallel_loop3A_1178, %parallel_loop3A_1179] {strides = array<i32>} : memref<3x64x128xf32, #tpu.memory_space<vmem>>, vector<1x1x16xf32>,
        %parallel_loop3A_1181 = vector.shape_cast %parallel_loop3A_1180 : vector<1x1x16xf32> to vector<16xf32>
        %parallel_loop3A_1182 = vector.shape_cast %parallel_loop3A_1175 : vector<16xf32> to vector<1x1x16xf32>
        tpu.vector_store %arg9[%parallel_loop3A_1177, %parallel_loop3A_1178, %parallel_loop3A_1179], %parallel_loop3A_1182 {strides = array<i32>} : memref<3x64x128xf32, #tpu.memory_space<vmem>>, vector<1x1x16xf32>,
        %parallel_loop3A_1183 = arith.constant 1 : i32
        %parallel_loop3A_1184 = arith.index_cast %parallel_loop3A_1183 : i32 to index
        %parallel_loop3A_1185 = arith.index_cast %parallel_loop3A_1062 : i32 to index
        %parallel_loop3A_1186 = arith.constant 96 : index
        %parallel_loop3A_1187 = tpu.vector_load %arg9[%parallel_loop3A_1184, %parallel_loop3A_1185, %parallel_loop3A_1186] {strides = array<i32>} : memref<3x64x128xf32, #tpu.memory_space<vmem>>, vector<1x1x16xf32>,
        %parallel_loop3A_1188 = vector.shape_cast %parallel_loop3A_1187 : vector<1x1x16xf32> to vector<16xf32>
        %parallel_loop3A_1189 = arith.constant 0 : i32
        %parallel_loop3A_1190 = arith.index_cast %parallel_loop3A_1189 : i32 to index
        %parallel_loop3A_1191 = arith.index_cast %parallel_loop3A_1062 : i32 to index
        %parallel_loop3A_1192 = arith.constant 96 : index
        %parallel_loop3A_1193 = tpu.vector_load %arg10[%parallel_loop3A_1190, %parallel_loop3A_1191, %parallel_loop3A_1192] {strides = array<i32>} : memref<2x64x128xf32, #tpu.memory_space<vmem>>, vector<1x1x16xf32>,
        %parallel_loop3A_1194 = vector.shape_cast %parallel_loop3A_1193 : vector<1x1x16xf32> to vector<16xf32>
        %parallel_loop3A_1195 = arith.mulf %parallel_loop3A_1188, %parallel_loop3A_1194 : vector<16xf32>
        %parallel_loop3A_1196 = arith.constant 1 : i32
        %parallel_loop3A_1197 = arith.index_cast %parallel_loop3A_1196 : i32 to index
        %parallel_loop3A_1198 = arith.index_cast %parallel_loop3A_1062 : i32 to index
        %parallel_loop3A_1199 = arith.constant 96 : index
        %parallel_loop3A_1200 = tpu.vector_load %arg9[%parallel_loop3A_1197, %parallel_loop3A_1198, %parallel_loop3A_1199] {strides = array<i32>} : memref<3x64x128xf32, #tpu.memory_space<vmem>>, vector<1x1x16xf32>,
        %parallel_loop3A_1201 = vector.shape_cast %parallel_loop3A_1200 : vector<1x1x16xf32> to vector<16xf32>
        %parallel_loop3A_1202 = vector.shape_cast %parallel_loop3A_1195 : vector<16xf32> to vector<1x1x16xf32>
        tpu.vector_store %arg9[%parallel_loop3A_1197, %parallel_loop3A_1198, %parallel_loop3A_1199], %parallel_loop3A_1202 {strides = array<i32>} : memref<3x64x128xf32, #tpu.memory_space<vmem>>, vector<1x1x16xf32>,
        %parallel_loop3A_1203 = arith.constant 1 : i32
        %parallel_loop3A_1204 = arith.index_cast %parallel_loop3A_1203 : i32 to index
        %parallel_loop3A_1205 = arith.index_cast %parallel_loop3A_1062 : i32 to index
        %parallel_loop3A_1206 = arith.constant 112 : index
        %parallel_loop3A_1207 = tpu.vector_load %arg9[%parallel_loop3A_1204, %parallel_loop3A_1205, %parallel_loop3A_1206] {strides = array<i32>} : memref<3x64x128xf32, #tpu.memory_space<vmem>>, vector<1x1x16xf32>,
        %parallel_loop3A_1208 = vector.shape_cast %parallel_loop3A_1207 : vector<1x1x16xf32> to vector<16xf32>
        %parallel_loop3A_1209 = arith.constant 0 : i32
        %parallel_loop3A_1210 = arith.index_cast %parallel_loop3A_1209 : i32 to index
        %parallel_loop3A_1211 = arith.index_cast %parallel_loop3A_1062 : i32 to index
        %parallel_loop3A_1212 = arith.constant 112 : index
        %parallel_loop3A_1213 = tpu.vector_load %arg10[%parallel_loop3A_1210, %parallel_loop3A_1211, %parallel_loop3A_1212] {strides = array<i32>} : memref<2x64x128xf32, #tpu.memory_space<vmem>>, vector<1x1x16xf32>,
        %parallel_loop3A_1214 = vector.shape_cast %parallel_loop3A_1213 : vector<1x1x16xf32> to vector<16xf32>
        %parallel_loop3A_1215 = arith.mulf %parallel_loop3A_1208, %parallel_loop3A_1214 : vector<16xf32>
        %parallel_loop3A_1216 = arith.constant 1 : i32
        %parallel_loop3A_1217 = arith.index_cast %parallel_loop3A_1216 : i32 to index
        %parallel_loop3A_1218 = arith.index_cast %parallel_loop3A_1062 : i32 to index
        %parallel_loop3A_1219 = arith.constant 112 : index
        %parallel_loop3A_1220 = tpu.vector_load %arg9[%parallel_loop3A_1217, %parallel_loop3A_1218, %parallel_loop3A_1219] {strides = array<i32>} : memref<3x64x128xf32, #tpu.memory_space<vmem>>, vector<1x1x16xf32>,
        %parallel_loop3A_1221 = vector.shape_cast %parallel_loop3A_1220 : vector<1x1x16xf32> to vector<16xf32>
        %parallel_loop3A_1222 = vector.shape_cast %parallel_loop3A_1215 : vector<16xf32> to vector<1x1x16xf32>
        tpu.vector_store %arg9[%parallel_loop3A_1217, %parallel_loop3A_1218, %parallel_loop3A_1219], %parallel_loop3A_1222 {strides = array<i32>} : memref<3x64x128xf32, #tpu.memory_space<vmem>>, vector<1x1x16xf32>,
      } {sc.loop_unroll_factor = 2 : i64, sc.parallel_access}
      %dma_start3A_985 = arith.constant 1 : i32
      %dma_start3A_986 = arith.constant 1 : i32
      %dma_start3A_987 = arith.constant 1 : i32
      %dma_start3A_988 = arith.constant 0 : i32
      %dma_start3A_989 = arith.constant 0 : i32
      %dma_start3A_990 = tpu.memref_slice %arg9[%dma_start3A_985, %dma_start3A_988, %dma_start3A_989] : memref<3x64x128xf32, #tpu.memory_space<vmem>> -> memref<1x64x128xf32, #tpu.memory_space<vmem>>
      %dma_start3A_991 = tpu.memref_squeeze %dma_start3A_990 : memref<1x64x128xf32, #tpu.memory_space<vmem>> -> memref<64x128xf32, #tpu.memory_space<vmem>>
      %dma_start3A_992 = arith.constant 0 : i32
      %dma_start3A_993 = tpu.memref_slice %arg8[%dma_start3A_986, %dma_start3A_992] : memref<3x64xi32, #tpu.memory_space<vmem>> -> memref<1x64xi32, #tpu.memory_space<vmem>>
      %dma_start3A_994 = tpu.memref_squeeze %dma_start3A_993 : memref<1x64xi32, #tpu.memory_space<vmem>> -> memref<64xi32, #tpu.memory_space<vmem>>
      %dma_start3A_995 = arith.constant 0 : i32
      %dma_start3A_996 = arith.constant 0 : i32
      %dma_start3A_997 = tpu.memref_slice %arg11[%dma_start3A_995, %dma_start3A_996] : memref<10112x128xf32, #tpu.memory_space<vmem_shared>> -> memref<10112x128xf32, #tpu.memory_space<vmem_shared>>
      %dma_start3A_998 = tpu.memref_slice %arg15[%dma_start3A_987] : memref<3x!tpu.dma_semaphore, #tpu.memory_space<semaphore_mem>> -> memref<1x!tpu.dma_semaphore, #tpu.memory_space<semaphore_mem>>
      %dma_start3A_999 = tpu.memref_squeeze %dma_start3A_998 : memref<1x!tpu.dma_semaphore, #tpu.memory_space<semaphore_mem>> -> memref<!tpu.dma_semaphore, #tpu.memory_space<semaphore_mem>>
      tpu.enqueue_indirect_dma source(%dma_start3A_991 : memref<64x128xf32, #tpu.memory_space<vmem>>) target(%dma_start3A_997 : memref<10112x128xf32, #tpu.memory_space<vmem_shared>>) offsets(%dma_start3A_994 : memref<64xi32, #tpu.memory_space<vmem>>) semaphore(%dma_start3A_999 : memref<!tpu.dma_semaphore, #tpu.memory_space<semaphore_mem>>) {add = true}
      %mul3A_1000 = arith.constant 6 : i32
      %mul3A_1001 = arith.muli %mul3A_1000, %scan3A_231 : i32
      %add3A_1002 = arith.constant 5 : i32
      %add3A_1003 = arith.addi %mul3A_1001, %add3A_1002 : i32
      %add3A_1004 = arith.constant 1 : i32
      %add3A_1005 = arith.addi %add3A_1003, %add3A_1004 : i32
      %lt3A = arith.constant 26 : i32
      %lt3A_1006 = arith.cmpi slt, %scan3A_231, %lt3A : i32
      %convert_element_type3A_1007 = arith.extui %lt3A_1006 : i1 to i32
      %cond3A_1008 = arith.constant 0 : i32
      %cond3A_1009 = arith.cmpi ne, %convert_element_type3A_1007, %cond3A_1008 : i32
      scf.if %cond3A_1009 {
        %dma_wait3A_1062 = arith.constant 0 : i32
        %dma_wait3A_1063 = arith.constant 0 : i32
        %dma_wait3A_1064 = arith.constant 0 : i32
        %dma_wait3A_1065 = arith.constant 0 : i32
        %dma_wait3A_1066 = arith.constant 0 : i32
        %dma_wait3A_1067 = tpu.memref_slice %arg9[%dma_wait3A_1062, %dma_wait3A_1065, %dma_wait3A_1066] : memref<3x64x128xf32, #tpu.memory_space<vmem>> -> memref<1x64x128xf32, #tpu.memory_space<vmem>>
        %dma_wait3A_1068 = tpu.memref_squeeze %dma_wait3A_1067 : memref<1x64x128xf32, #tpu.memory_space<vmem>> -> memref<64x128xf32, #tpu.memory_space<vmem>>
        %dma_wait3A_1069 = arith.constant 0 : i32
        %dma_wait3A_1070 = tpu.memref_slice %arg8[%dma_wait3A_1063, %dma_wait3A_1069] : memref<3x64xi32, #tpu.memory_space<vmem>> -> memref<1x64xi32, #tpu.memory_space<vmem>>
        %dma_wait3A_1071 = tpu.memref_squeeze %dma_wait3A_1070 : memref<1x64xi32, #tpu.memory_space<vmem>> -> memref<64xi32, #tpu.memory_space<vmem>>
        %dma_wait3A_1072 = arith.constant 0 : i32
        %dma_wait3A_1073 = arith.constant 0 : i32
        %dma_wait3A_1074 = tpu.memref_slice %arg11[%dma_wait3A_1072, %dma_wait3A_1073] : memref<10112x128xf32, #tpu.memory_space<vmem_shared>> -> memref<10112x128xf32, #tpu.memory_space<vmem_shared>>
        %dma_wait3A_1075 = tpu.memref_slice %arg15[%dma_wait3A_1064] : memref<3x!tpu.dma_semaphore, #tpu.memory_space<semaphore_mem>> -> memref<1x!tpu.dma_semaphore, #tpu.memory_space<semaphore_mem>>
        %dma_wait3A_1076 = tpu.memref_squeeze %dma_wait3A_1075 : memref<1x!tpu.dma_semaphore, #tpu.memory_space<semaphore_mem>> -> memref<!tpu.dma_semaphore, #tpu.memory_space<semaphore_mem>>
        tpu.wait_indirect_dma semaphore(%dma_wait3A_1076 : memref<!tpu.dma_semaphore, #tpu.memory_space<semaphore_mem>>) src(%dma_wait3A_1068 : memref<64x128xf32, #tpu.memory_space<vmem>>) dst(%dma_wait3A_1074 : memref<10112x128xf32, #tpu.memory_space<vmem_shared>>)
        %mul3A_1077 = arith.constant 64 : i32
        %mul3A_1078 = arith.muli %add3A_1005, %mul3A_1077 : i32
        %add3A_1079 = arith.addi %mul3A_35, %mul3A_1078 : i32
        %dma_start3A_1080 = arith.constant 0 : i32
        %dma_start3A_1081 = arith.constant 0 : i32
        %dma_start3A_1082 = arith.constant 0 : i32
        %dma_start3A_1083 = tpu.memref_slice %arg7[%dma_start3A_1080, %dma_start3A_1082] : memref<2x64xi32, #tpu.memory_space<vmem>> -> memref<1x64xi32, #tpu.memory_space<vmem>>
        %dma_start3A_1084 = tpu.memref_squeeze %dma_start3A_1083 : memref<1x64xi32, #tpu.memory_space<vmem>> -> memref<64xi32, #tpu.memory_space<vmem>>
        %dma_start3A_1085 = tpu.memref_slice %arg4[%add3A_1079] : memref<331776xi32, #tpu.memory_space<hbm>> -> memref<64xi32, #tpu.memory_space<hbm>>
        %dma_start3A_1086 = tpu.memref_slice %arg12[%dma_start3A_1081] : memref<2x!tpu.dma_semaphore, #tpu.memory_space<semaphore_mem>> -> memref<1x!tpu.dma_semaphore, #tpu.memory_space<semaphore_mem>>
        %dma_start3A_1087 = tpu.memref_squeeze %dma_start3A_1086 : memref<1x!tpu.dma_semaphore, #tpu.memory_space<semaphore_mem>> -> memref<!tpu.dma_semaphore, #tpu.memory_space<semaphore_mem>>
        %dma_start3A_1088 = arith.constant 0 : i32
        %dma_start3A_1089 = tpu.memref_slice %arg7[%dma_start3A_1080, %dma_start3A_1088] : memref<2x64xi32, #tpu.memory_space<vmem>> -> memref<1x64xi32, #tpu.memory_space<vmem>>
        %dma_start3A_1090 = tpu.memref_squeeze %dma_start3A_1089 : memref<1x64xi32, #tpu.memory_space<vmem>> -> memref<64xi32, #tpu.memory_space<vmem>>
        %dma_start3A_1091 = tpu.memref_slice %arg4[%add3A_1079] : memref<331776xi32, #tpu.memory_space<hbm>> -> memref<64xi32, #tpu.memory_space<hbm>>
        tpu.enqueue_dma source(%dma_start3A_1091 : memref<64xi32, #tpu.memory_space<hbm>>) target(%dma_start3A_1090 : memref<64xi32, #tpu.memory_space<vmem>>) target_semaphore(%dma_start3A_1087 : memref<!tpu.dma_semaphore, #tpu.memory_space<semaphore_mem>>)
        %dma_start3A_1092 = arith.constant 0 : i32
        %dma_start3A_1093 = arith.constant 0 : i32
        %dma_start3A_1094 = arith.constant 0 : i32
        %dma_start3A_1095 = tpu.memref_slice %arg8[%dma_start3A_1092, %dma_start3A_1094] : memref<3x64xi32, #tpu.memory_space<vmem>> -> memref<1x64xi32, #tpu.memory_space<vmem>>
        %dma_start3A_1096 = tpu.memref_squeeze %dma_start3A_1095 : memref<1x64xi32, #tpu.memory_space<vmem>> -> memref<64xi32, #tpu.memory_space<vmem>>
        %dma_start3A_1097 = tpu.memref_slice %arg5[%add3A_1079] : memref<331776xi32, #tpu.memory_space<hbm>> -> memref<64xi32, #tpu.memory_space<hbm>>
        %dma_start3A_1098 = tpu.memref_slice %arg12[%dma_start3A_1093] : memref<2x!tpu.dma_semaphore, #tpu.memory_space<semaphore_mem>> -> memref<1x!tpu.dma_semaphore, #tpu.memory_space<semaphore_mem>>
        %dma_start3A_1099 = tpu.memref_squeeze %dma_start3A_1098 : memref<1x!tpu.dma_semaphore, #tpu.memory_space<semaphore_mem>> -> memref<!tpu.dma_semaphore, #tpu.memory_space<semaphore_mem>>
        %dma_start3A_1100 = arith.constant 0 : i32
        %dma_start3A_1101 = tpu.memref_slice %arg8[%dma_start3A_1092, %dma_start3A_1100] : memref<3x64xi32, #tpu.memory_space<vmem>> -> memref<1x64xi32, #tpu.memory_space<vmem>>
        %dma_start3A_1102 = tpu.memref_squeeze %dma_start3A_1101 : memref<1x64xi32, #tpu.memory_space<vmem>> -> memref<64xi32, #tpu.memory_space<vmem>>
        %dma_start3A_1103 = tpu.memref_slice %arg5[%add3A_1079] : memref<331776xi32, #tpu.memory_space<hbm>> -> memref<64xi32, #tpu.memory_space<hbm>>
        tpu.enqueue_dma source(%dma_start3A_1103 : memref<64xi32, #tpu.memory_space<hbm>>) target(%dma_start3A_1102 : memref<64xi32, #tpu.memory_space<vmem>>) target_semaphore(%dma_start3A_1099 : memref<!tpu.dma_semaphore, #tpu.memory_space<semaphore_mem>>)
        %dma_start3A_1104 = arith.constant 0 : i32
        %dma_start3A_1105 = arith.constant 0 : i32
        %dma_start3A_1106 = arith.constant 0 : i32
        %dma_start3A_1107 = arith.constant 0 : i32
        %dma_start3A_1108 = tpu.memref_slice %arg10[%dma_start3A_1104, %dma_start3A_1106, %dma_start3A_1107] : memref<2x64x128xf32, #tpu.memory_space<vmem>> -> memref<1x64x128xf32, #tpu.memory_space<vmem>>
        %dma_start3A_1109 = tpu.memref_squeeze %dma_start3A_1108 : memref<1x64x128xf32, #tpu.memory_space<vmem>> -> memref<64x128xf32, #tpu.memory_space<vmem>>
        %dma_start3A_1110 = arith.constant 0 : i32
        %dma_start3A_1111 = tpu.memref_slice %arg3[%add3A_1079, %dma_start3A_1110] : memref<331776x128xf32, #tpu.memory_space<hbm>> -> memref<64x128xf32, #tpu.memory_space<hbm>>
        %dma_start3A_1112 = tpu.memref_slice %arg13[%dma_start3A_1105] : memref<2x!tpu.dma_semaphore, #tpu.memory_space<semaphore_mem>> -> memref<1x!tpu.dma_semaphore, #tpu.memory_space<semaphore_mem>>
        %dma_start3A_1113 = tpu.memref_squeeze %dma_start3A_1112 : memref<1x!tpu.dma_semaphore, #tpu.memory_space<semaphore_mem>> -> memref<!tpu.dma_semaphore, #tpu.memory_space<semaphore_mem>>
        %dma_start3A_1114 = arith.constant 0 : i32
        %dma_start3A_1115 = arith.constant 0 : i32
        %dma_start3A_1116 = tpu.memref_slice %arg10[%dma_start3A_1104, %dma_start3A_1114, %dma_start3A_1115] : memref<2x64x128xf32, #tpu.memory_space<vmem>> -> memref<1x64x128xf32, #tpu.memory_space<vmem>>
        %dma_start3A_1117 = tpu.memref_squeeze %dma_start3A_1116 : memref<1x64x128xf32, #tpu.memory_space<vmem>> -> memref<64x128xf32, #tpu.memory_space<vmem>>
        %dma_start3A_1118 = arith.constant 0 : i32
        %dma_start3A_1119 = tpu.memref_slice %arg3[%add3A_1079, %dma_start3A_1118] : memref<331776x128xf32, #tpu.memory_space<hbm>> -> memref<64x128xf32, #tpu.memory_space<hbm>>
        tpu.enqueue_dma source(%dma_start3A_1119 : memref<64x128xf32, #tpu.memory_space<hbm>>) target(%dma_start3A_1117 : memref<64x128xf32, #tpu.memory_space<vmem>>) target_semaphore(%dma_start3A_1113 : memref<!tpu.dma_semaphore, #tpu.memory_space<semaphore_mem>>)
        %dma_wait3A_1120 = arith.constant 0 : i32
        %dma_wait3A_1121 = arith.constant 0 : i32
        %dma_wait3A_1122 = arith.constant 0 : i32
        %dma_wait3A_1123 = tpu.memref_slice %arg7[%dma_wait3A_1120, %dma_wait3A_1122] : memref<2x64xi32, #tpu.memory_space<vmem>> -> memref<1x64xi32, #tpu.memory_space<vmem>>
        %dma_wait3A_1124 = tpu.memref_squeeze %dma_wait3A_1123 : memref<1x64xi32, #tpu.memory_space<vmem>> -> memref<64xi32, #tpu.memory_space<vmem>>
        %dma_wait3A_1125 = arith.constant 0 : i32
        %dma_wait3A_1126 = tpu.memref_slice %arg4[%dma_wait3A_1125] : memref<331776xi32, #tpu.memory_space<hbm>> -> memref<64xi32, #tpu.memory_space<hbm>>
        %dma_wait3A_1127 = tpu.memref_slice %arg12[%dma_wait3A_1121] : memref<2x!tpu.dma_semaphore, #tpu.memory_space<semaphore_mem>> -> memref<1x!tpu.dma_semaphore, #tpu.memory_space<semaphore_mem>>
        %dma_wait3A_1128 = tpu.memref_squeeze %dma_wait3A_1127 : memref<1x!tpu.dma_semaphore, #tpu.memory_space<semaphore_mem>> -> memref<!tpu.dma_semaphore, #tpu.memory_space<semaphore_mem>>
        %dma_wait3A_1129 = arith.constant 0 : i32
        %dma_wait3A_1130 = tpu.memref_slice %arg7[%dma_wait3A_1120, %dma_wait3A_1129] : memref<2x64xi32, #tpu.memory_space<vmem>> -> memref<1x64xi32, #tpu.memory_space<vmem>>
        %dma_wait3A_1131 = tpu.memref_squeeze %dma_wait3A_1130 : memref<1x64xi32, #tpu.memory_space<vmem>> -> memref<64xi32, #tpu.memory_space<vmem>>
        %dma_wait3A_1132 = arith.constant 0 : i32
        %dma_wait3A_1133 = tpu.memref_slice %arg4[%dma_wait3A_1132] : memref<331776xi32, #tpu.memory_space<hbm>> -> memref<64xi32, #tpu.memory_space<hbm>>
        tpu.wait_dma2 semaphore(%dma_wait3A_1128 : memref<!tpu.dma_semaphore, #tpu.memory_space<semaphore_mem>>) src(%dma_wait3A_1133 : memref<64xi32, #tpu.memory_space<hbm>>) dst(%dma_wait3A_1131 : memref<64xi32, #tpu.memory_space<vmem>>)
        %dma_wait3A_1134 = arith.constant 0 : i32
        %dma_wait3A_1135 = arith.constant 0 : i32
        %dma_wait3A_1136 = arith.constant 0 : i32
        %dma_wait3A_1137 = tpu.memref_slice %arg8[%dma_wait3A_1134, %dma_wait3A_1136] : memref<3x64xi32, #tpu.memory_space<vmem>> -> memref<1x64xi32, #tpu.memory_space<vmem>>
        %dma_wait3A_1138 = tpu.memref_squeeze %dma_wait3A_1137 : memref<1x64xi32, #tpu.memory_space<vmem>> -> memref<64xi32, #tpu.memory_space<vmem>>
        %dma_wait3A_1139 = arith.constant 0 : i32
        %dma_wait3A_1140 = tpu.memref_slice %arg5[%dma_wait3A_1139] : memref<331776xi32, #tpu.memory_space<hbm>> -> memref<64xi32, #tpu.memory_space<hbm>>
        %dma_wait3A_1141 = tpu.memref_slice %arg12[%dma_wait3A_1135] : memref<2x!tpu.dma_semaphore, #tpu.memory_space<semaphore_mem>> -> memref<1x!tpu.dma_semaphore, #tpu.memory_space<semaphore_mem>>
        %dma_wait3A_1142 = tpu.memref_squeeze %dma_wait3A_1141 : memref<1x!tpu.dma_semaphore, #tpu.memory_space<semaphore_mem>> -> memref<!tpu.dma_semaphore, #tpu.memory_space<semaphore_mem>>
        %dma_wait3A_1143 = arith.constant 0 : i32
        %dma_wait3A_1144 = tpu.memref_slice %arg8[%dma_wait3A_1134, %dma_wait3A_1143] : memref<3x64xi32, #tpu.memory_space<vmem>> -> memref<1x64xi32, #tpu.memory_space<vmem>>
        %dma_wait3A_1145 = tpu.memref_squeeze %dma_wait3A_1144 : memref<1x64xi32, #tpu.memory_space<vmem>> -> memref<64xi32, #tpu.memory_space<vmem>>
        %dma_wait3A_1146 = arith.constant 0 : i32
        %dma_wait3A_1147 = tpu.memref_slice %arg5[%dma_wait3A_1146] : memref<331776xi32, #tpu.memory_space<hbm>> -> memref<64xi32, #tpu.memory_space<hbm>>
        tpu.wait_dma2 semaphore(%dma_wait3A_1142 : memref<!tpu.dma_semaphore, #tpu.memory_space<semaphore_mem>>) src(%dma_wait3A_1147 : memref<64xi32, #tpu.memory_space<hbm>>) dst(%dma_wait3A_1145 : memref<64xi32, #tpu.memory_space<vmem>>)
        %dma_start3A_1148 = arith.constant 0 : i32
        %dma_start3A_1149 = arith.constant 0 : i32
        %dma_start3A_1150 = arith.constant 0 : i32
        %dma_start3A_1151 = arith.constant 0 : i32
        %dma_start3A_1152 = arith.constant 0 : i32
        %dma_start3A_1153 = tpu.memref_slice %arg9[%dma_start3A_1149, %dma_start3A_1151, %dma_start3A_1152] : memref<3x64x128xf32, #tpu.memory_space<vmem>> -> memref<1x64x128xf32, #tpu.memory_space<vmem>>
        %dma_start3A_1154 = tpu.memref_squeeze %dma_start3A_1153 : memref<1x64x128xf32, #tpu.memory_space<vmem>> -> memref<64x128xf32, #tpu.memory_space<vmem>>
        %dma_start3A_1155 = arith.constant 0 : i32
        %dma_start3A_1156 = tpu.memref_slice %arg7[%dma_start3A_1148, %dma_start3A_1155] : memref<2x64xi32, #tpu.memory_space<vmem>> -> memref<1x64xi32, #tpu.memory_space<vmem>>
        %dma_start3A_1157 = tpu.memref_squeeze %dma_start3A_1156 : memref<1x64xi32, #tpu.memory_space<vmem>> -> memref<64xi32, #tpu.memory_space<vmem>>
        %dma_start3A_1158 = arith.constant 0 : i32
        %dma_start3A_1159 = arith.constant 0 : i32
        %dma_start3A_1160 = tpu.memref_slice %arg2[%dma_start3A_1158, %dma_start3A_1159] : memref<10000x128xf32, #tpu.memory_space<hbm>> -> memref<10000x128xf32, #tpu.memory_space<hbm>>
        %dma_start3A_1161 = tpu.memref_slice %arg14[%dma_start3A_1150] : memref<3x!tpu.dma_semaphore, #tpu.memory_space<semaphore_mem>> -> memref<1x!tpu.dma_semaphore, #tpu.memory_space<semaphore_mem>>
        %dma_start3A_1162 = tpu.memref_squeeze %dma_start3A_1161 : memref<1x!tpu.dma_semaphore, #tpu.memory_space<semaphore_mem>> -> memref<!tpu.dma_semaphore, #tpu.memory_space<semaphore_mem>>
        tpu.enqueue_indirect_dma source(%dma_start3A_1160 : memref<10000x128xf32, #tpu.memory_space<hbm>>) target(%dma_start3A_1154 : memref<64x128xf32, #tpu.memory_space<vmem>>) offsets(%dma_start3A_1157 : memref<64xi32, #tpu.memory_space<vmem>>) semaphore(%dma_start3A_1162 : memref<!tpu.dma_semaphore, #tpu.memory_space<semaphore_mem>>)
      } else {
      }
      %dma_wait3A_1010 = arith.constant 1 : i32
      %dma_wait3A_1011 = arith.constant 2 : i32
      %dma_wait3A_1012 = arith.constant 2 : i32
      %dma_wait3A_1013 = arith.constant 0 : i32
      %dma_wait3A_1014 = arith.constant 0 : i32
      %dma_wait3A_1015 = tpu.memref_slice %arg9[%dma_wait3A_1011, %dma_wait3A_1013, %dma_wait3A_1014] : memref<3x64x128xf32, #tpu.memory_space<vmem>> -> memref<1x64x128xf32, #tpu.memory_space<vmem>>
      %dma_wait3A_1016 = tpu.memref_squeeze %dma_wait3A_1015 : memref<1x64x128xf32, #tpu.memory_space<vmem>> -> memref<64x128xf32, #tpu.memory_space<vmem>>
      %dma_wait3A_1017 = arith.constant 0 : i32
      %dma_wait3A_1018 = tpu.memref_slice %arg7[%dma_wait3A_1010, %dma_wait3A_1017] : memref<2x64xi32, #tpu.memory_space<vmem>> -> memref<1x64xi32, #tpu.memory_space<vmem>>
      %dma_wait3A_1019 = tpu.memref_squeeze %dma_wait3A_1018 : memref<1x64xi32, #tpu.memory_space<vmem>> -> memref<64xi32, #tpu.memory_space<vmem>>
      %dma_wait3A_1020 = arith.constant 0 : i32
      %dma_wait3A_1021 = arith.constant 0 : i32
      %dma_wait3A_1022 = tpu.memref_slice %arg2[%dma_wait3A_1020, %dma_wait3A_1021] : memref<10000x128xf32, #tpu.memory_space<hbm>> -> memref<10000x128xf32, #tpu.memory_space<hbm>>
      %dma_wait3A_1023 = tpu.memref_slice %arg14[%dma_wait3A_1012] : memref<3x!tpu.dma_semaphore, #tpu.memory_space<semaphore_mem>> -> memref<1x!tpu.dma_semaphore, #tpu.memory_space<semaphore_mem>>
      %dma_wait3A_1024 = tpu.memref_squeeze %dma_wait3A_1023 : memref<1x!tpu.dma_semaphore, #tpu.memory_space<semaphore_mem>> -> memref<!tpu.dma_semaphore, #tpu.memory_space<semaphore_mem>>
      tpu.wait_indirect_dma semaphore(%dma_wait3A_1024 : memref<!tpu.dma_semaphore, #tpu.memory_space<semaphore_mem>>) src(%dma_wait3A_1022 : memref<10000x128xf32, #tpu.memory_space<hbm>>) dst(%dma_wait3A_1016 : memref<64x128xf32, #tpu.memory_space<vmem>>)
      %dma_wait3A_1025 = arith.constant 1 : i32
      %dma_wait3A_1026 = arith.constant 1 : i32
      %dma_wait3A_1027 = arith.constant 0 : i32
      %dma_wait3A_1028 = arith.constant 0 : i32
      %dma_wait3A_1029 = tpu.memref_slice %arg10[%dma_wait3A_1025, %dma_wait3A_1027, %dma_wait3A_1028] : memref<2x64x128xf32, #tpu.memory_space<vmem>> -> memref<1x64x128xf32, #tpu.memory_space<vmem>>
      %dma_wait3A_1030 = tpu.memref_squeeze %dma_wait3A_1029 : memref<1x64x128xf32, #tpu.memory_space<vmem>> -> memref<64x128xf32, #tpu.memory_space<vmem>>
      %dma_wait3A_1031 = arith.constant 0 : i32
      %dma_wait3A_1032 = arith.constant 0 : i32
      %dma_wait3A_1033 = tpu.memref_slice %arg3[%dma_wait3A_1031, %dma_wait3A_1032] : memref<331776x128xf32, #tpu.memory_space<hbm>> -> memref<64x128xf32, #tpu.memory_space<hbm>>
      %dma_wait3A_1034 = tpu.memref_slice %arg13[%dma_wait3A_1026] : memref<2x!tpu.dma_semaphore, #tpu.memory_space<semaphore_mem>> -> memref<1x!tpu.dma_semaphore, #tpu.memory_space<semaphore_mem>>
      %dma_wait3A_1035 = tpu.memref_squeeze %dma_wait3A_1034 : memref<1x!tpu.dma_semaphore, #tpu.memory_space<semaphore_mem>> -> memref<!tpu.dma_semaphore, #tpu.memory_space<semaphore_mem>>
      %dma_wait3A_1036 = arith.constant 0 : i32
      %dma_wait3A_1037 = arith.constant 0 : i32
      %dma_wait3A_1038 = tpu.memref_slice %arg10[%dma_wait3A_1025, %dma_wait3A_1036, %dma_wait3A_1037] : memref<2x64x128xf32, #tpu.memory_space<vmem>> -> memref<1x64x128xf32, #tpu.memory_space<vmem>>
      %dma_wait3A_1039 = tpu.memref_squeeze %dma_wait3A_1038 : memref<1x64x128xf32, #tpu.memory_space<vmem>> -> memref<64x128xf32, #tpu.memory_space<vmem>>
      %dma_wait3A_1040 = arith.constant 0 : i32
      %dma_wait3A_1041 = arith.constant 0 : i32
      %dma_wait3A_1042 = tpu.memref_slice %arg3[%dma_wait3A_1040, %dma_wait3A_1041] : memref<331776x128xf32, #tpu.memory_space<hbm>> -> memref<64x128xf32, #tpu.memory_space<hbm>>
      tpu.wait_dma2 semaphore(%dma_wait3A_1035 : memref<!tpu.dma_semaphore, #tpu.memory_space<semaphore_mem>>) src(%dma_wait3A_1042 : memref<64x128xf32, #tpu.memory_space<hbm>>) dst(%dma_wait3A_1039 : memref<64x128xf32, #tpu.memory_space<vmem>>)
      %parallel_loop3A_1043 = arith.constant 0 : i32
      %parallel_loop3A_1044 = arith.constant 64 : i32
      %parallel_loop3A_1045 = arith.constant 1 : i32
      scf.for %parallel_loop3A_1062 = %parallel_loop3A_1043 to %parallel_loop3A_1044 step %parallel_loop3A_1045  : i32 {
        %parallel_loop3A_1063 = arith.constant 2 : i32
        %parallel_loop3A_1064 = arith.index_cast %parallel_loop3A_1063 : i32 to index
        %parallel_loop3A_1065 = arith.index_cast %parallel_loop3A_1062 : i32 to index
        %parallel_loop3A_1066 = arith.constant 0 : index
        %parallel_loop3A_1067 = tpu.vector_load %arg9[%parallel_loop3A_1064, %parallel_loop3A_1065, %parallel_loop3A_1066] {strides = array<i32>} : memref<3x64x128xf32, #tpu.memory_space<vmem>>, vector<1x1x16xf32>,
        %parallel_loop3A_1068 = vector.shape_cast %parallel_loop3A_1067 : vector<1x1x16xf32> to vector<16xf32>
        %parallel_loop3A_1069 = arith.constant 1 : i32
        %parallel_loop3A_1070 = arith.index_cast %parallel_loop3A_1069 : i32 to index
        %parallel_loop3A_1071 = arith.index_cast %parallel_loop3A_1062 : i32 to index
        %parallel_loop3A_1072 = arith.constant 0 : index
        %parallel_loop3A_1073 = tpu.vector_load %arg10[%parallel_loop3A_1070, %parallel_loop3A_1071, %parallel_loop3A_1072] {strides = array<i32>} : memref<2x64x128xf32, #tpu.memory_space<vmem>>, vector<1x1x16xf32>,
        %parallel_loop3A_1074 = vector.shape_cast %parallel_loop3A_1073 : vector<1x1x16xf32> to vector<16xf32>
        %parallel_loop3A_1075 = arith.mulf %parallel_loop3A_1068, %parallel_loop3A_1074 : vector<16xf32>
        %parallel_loop3A_1076 = arith.constant 2 : i32
        %parallel_loop3A_1077 = arith.index_cast %parallel_loop3A_1076 : i32 to index
        %parallel_loop3A_1078 = arith.index_cast %parallel_loop3A_1062 : i32 to index
        %parallel_loop3A_1079 = arith.constant 0 : index
        %parallel_loop3A_1080 = tpu.vector_load %arg9[%parallel_loop3A_1077, %parallel_loop3A_1078, %parallel_loop3A_1079] {strides = array<i32>} : memref<3x64x128xf32, #tpu.memory_space<vmem>>, vector<1x1x16xf32>,
        %parallel_loop3A_1081 = vector.shape_cast %parallel_loop3A_1080 : vector<1x1x16xf32> to vector<16xf32>
        %parallel_loop3A_1082 = vector.shape_cast %parallel_loop3A_1075 : vector<16xf32> to vector<1x1x16xf32>
        tpu.vector_store %arg9[%parallel_loop3A_1077, %parallel_loop3A_1078, %parallel_loop3A_1079], %parallel_loop3A_1082 {strides = array<i32>} : memref<3x64x128xf32, #tpu.memory_space<vmem>>, vector<1x1x16xf32>,
        %parallel_loop3A_1083 = arith.constant 2 : i32
        %parallel_loop3A_1084 = arith.index_cast %parallel_loop3A_1083 : i32 to index
        %parallel_loop3A_1085 = arith.index_cast %parallel_loop3A_1062 : i32 to index
        %parallel_loop3A_1086 = arith.constant 16 : index
        %parallel_loop3A_1087 = tpu.vector_load %arg9[%parallel_loop3A_1084, %parallel_loop3A_1085, %parallel_loop3A_1086] {strides = array<i32>} : memref<3x64x128xf32, #tpu.memory_space<vmem>>, vector<1x1x16xf32>,
        %parallel_loop3A_1088 = vector.shape_cast %parallel_loop3A_1087 : vector<1x1x16xf32> to vector<16xf32>
        %parallel_loop3A_1089 = arith.constant 1 : i32
        %parallel_loop3A_1090 = arith.index_cast %parallel_loop3A_1089 : i32 to index
        %parallel_loop3A_1091 = arith.index_cast %parallel_loop3A_1062 : i32 to index
        %parallel_loop3A_1092 = arith.constant 16 : index
        %parallel_loop3A_1093 = tpu.vector_load %arg10[%parallel_loop3A_1090, %parallel_loop3A_1091, %parallel_loop3A_1092] {strides = array<i32>} : memref<2x64x128xf32, #tpu.memory_space<vmem>>, vector<1x1x16xf32>,
        %parallel_loop3A_1094 = vector.shape_cast %parallel_loop3A_1093 : vector<1x1x16xf32> to vector<16xf32>
        %parallel_loop3A_1095 = arith.mulf %parallel_loop3A_1088, %parallel_loop3A_1094 : vector<16xf32>
        %parallel_loop3A_1096 = arith.constant 2 : i32
        %parallel_loop3A_1097 = arith.index_cast %parallel_loop3A_1096 : i32 to index
        %parallel_loop3A_1098 = arith.index_cast %parallel_loop3A_1062 : i32 to index
        %parallel_loop3A_1099 = arith.constant 16 : index
        %parallel_loop3A_1100 = tpu.vector_load %arg9[%parallel_loop3A_1097, %parallel_loop3A_1098, %parallel_loop3A_1099] {strides = array<i32>} : memref<3x64x128xf32, #tpu.memory_space<vmem>>, vector<1x1x16xf32>,
        %parallel_loop3A_1101 = vector.shape_cast %parallel_loop3A_1100 : vector<1x1x16xf32> to vector<16xf32>
        %parallel_loop3A_1102 = vector.shape_cast %parallel_loop3A_1095 : vector<16xf32> to vector<1x1x16xf32>
        tpu.vector_store %arg9[%parallel_loop3A_1097, %parallel_loop3A_1098, %parallel_loop3A_1099], %parallel_loop3A_1102 {strides = array<i32>} : memref<3x64x128xf32, #tpu.memory_space<vmem>>, vector<1x1x16xf32>,
        %parallel_loop3A_1103 = arith.constant 2 : i32
        %parallel_loop3A_1104 = arith.index_cast %parallel_loop3A_1103 : i32 to index
        %parallel_loop3A_1105 = arith.index_cast %parallel_loop3A_1062 : i32 to index
        %parallel_loop3A_1106 = arith.constant 32 : index
        %parallel_loop3A_1107 = tpu.vector_load %arg9[%parallel_loop3A_1104, %parallel_loop3A_1105, %parallel_loop3A_1106] {strides = array<i32>} : memref<3x64x128xf32, #tpu.memory_space<vmem>>, vector<1x1x16xf32>,
        %parallel_loop3A_1108 = vector.shape_cast %parallel_loop3A_1107 : vector<1x1x16xf32> to vector<16xf32>
        %parallel_loop3A_1109 = arith.constant 1 : i32
        %parallel_loop3A_1110 = arith.index_cast %parallel_loop3A_1109 : i32 to index
        %parallel_loop3A_1111 = arith.index_cast %parallel_loop3A_1062 : i32 to index
        %parallel_loop3A_1112 = arith.constant 32 : index
        %parallel_loop3A_1113 = tpu.vector_load %arg10[%parallel_loop3A_1110, %parallel_loop3A_1111, %parallel_loop3A_1112] {strides = array<i32>} : memref<2x64x128xf32, #tpu.memory_space<vmem>>, vector<1x1x16xf32>,
        %parallel_loop3A_1114 = vector.shape_cast %parallel_loop3A_1113 : vector<1x1x16xf32> to vector<16xf32>
        %parallel_loop3A_1115 = arith.mulf %parallel_loop3A_1108, %parallel_loop3A_1114 : vector<16xf32>
        %parallel_loop3A_1116 = arith.constant 2 : i32
        %parallel_loop3A_1117 = arith.index_cast %parallel_loop3A_1116 : i32 to index
        %parallel_loop3A_1118 = arith.index_cast %parallel_loop3A_1062 : i32 to index
        %parallel_loop3A_1119 = arith.constant 32 : index
        %parallel_loop3A_1120 = tpu.vector_load %arg9[%parallel_loop3A_1117, %parallel_loop3A_1118, %parallel_loop3A_1119] {strides = array<i32>} : memref<3x64x128xf32, #tpu.memory_space<vmem>>, vector<1x1x16xf32>,
        %parallel_loop3A_1121 = vector.shape_cast %parallel_loop3A_1120 : vector<1x1x16xf32> to vector<16xf32>
        %parallel_loop3A_1122 = vector.shape_cast %parallel_loop3A_1115 : vector<16xf32> to vector<1x1x16xf32>
        tpu.vector_store %arg9[%parallel_loop3A_1117, %parallel_loop3A_1118, %parallel_loop3A_1119], %parallel_loop3A_1122 {strides = array<i32>} : memref<3x64x128xf32, #tpu.memory_space<vmem>>, vector<1x1x16xf32>,
        %parallel_loop3A_1123 = arith.constant 2 : i32
        %parallel_loop3A_1124 = arith.index_cast %parallel_loop3A_1123 : i32 to index
        %parallel_loop3A_1125 = arith.index_cast %parallel_loop3A_1062 : i32 to index
        %parallel_loop3A_1126 = arith.constant 48 : index
        %parallel_loop3A_1127 = tpu.vector_load %arg9[%parallel_loop3A_1124, %parallel_loop3A_1125, %parallel_loop3A_1126] {strides = array<i32>} : memref<3x64x128xf32, #tpu.memory_space<vmem>>, vector<1x1x16xf32>,
        %parallel_loop3A_1128 = vector.shape_cast %parallel_loop3A_1127 : vector<1x1x16xf32> to vector<16xf32>
        %parallel_loop3A_1129 = arith.constant 1 : i32
        %parallel_loop3A_1130 = arith.index_cast %parallel_loop3A_1129 : i32 to index
        %parallel_loop3A_1131 = arith.index_cast %parallel_loop3A_1062 : i32 to index
        %parallel_loop3A_1132 = arith.constant 48 : index
        %parallel_loop3A_1133 = tpu.vector_load %arg10[%parallel_loop3A_1130, %parallel_loop3A_1131, %parallel_loop3A_1132] {strides = array<i32>} : memref<2x64x128xf32, #tpu.memory_space<vmem>>, vector<1x1x16xf32>,
        %parallel_loop3A_1134 = vector.shape_cast %parallel_loop3A_1133 : vector<1x1x16xf32> to vector<16xf32>
        %parallel_loop3A_1135 = arith.mulf %parallel_loop3A_1128, %parallel_loop3A_1134 : vector<16xf32>
        %parallel_loop3A_1136 = arith.constant 2 : i32
        %parallel_loop3A_1137 = arith.index_cast %parallel_loop3A_1136 : i32 to index
        %parallel_loop3A_1138 = arith.index_cast %parallel_loop3A_1062 : i32 to index
        %parallel_loop3A_1139 = arith.constant 48 : index
        %parallel_loop3A_1140 = tpu.vector_load %arg9[%parallel_loop3A_1137, %parallel_loop3A_1138, %parallel_loop3A_1139] {strides = array<i32>} : memref<3x64x128xf32, #tpu.memory_space<vmem>>, vector<1x1x16xf32>,
        %parallel_loop3A_1141 = vector.shape_cast %parallel_loop3A_1140 : vector<1x1x16xf32> to vector<16xf32>
        %parallel_loop3A_1142 = vector.shape_cast %parallel_loop3A_1135 : vector<16xf32> to vector<1x1x16xf32>
        tpu.vector_store %arg9[%parallel_loop3A_1137, %parallel_loop3A_1138, %parallel_loop3A_1139], %parallel_loop3A_1142 {strides = array<i32>} : memref<3x64x128xf32, #tpu.memory_space<vmem>>, vector<1x1x16xf32>,
        %parallel_loop3A_1143 = arith.constant 2 : i32
        %parallel_loop3A_1144 = arith.index_cast %parallel_loop3A_1143 : i32 to index
        %parallel_loop3A_1145 = arith.index_cast %parallel_loop3A_1062 : i32 to index
        %parallel_loop3A_1146 = arith.constant 64 : index
        %parallel_loop3A_1147 = tpu.vector_load %arg9[%parallel_loop3A_1144, %parallel_loop3A_1145, %parallel_loop3A_1146] {strides = array<i32>} : memref<3x64x128xf32, #tpu.memory_space<vmem>>, vector<1x1x16xf32>,
        %parallel_loop3A_1148 = vector.shape_cast %parallel_loop3A_1147 : vector<1x1x16xf32> to vector<16xf32>
        %parallel_loop3A_1149 = arith.constant 1 : i32
        %parallel_loop3A_1150 = arith.index_cast %parallel_loop3A_1149 : i32 to index
        %parallel_loop3A_1151 = arith.index_cast %parallel_loop3A_1062 : i32 to index
        %parallel_loop3A_1152 = arith.constant 64 : index
        %parallel_loop3A_1153 = tpu.vector_load %arg10[%parallel_loop3A_1150, %parallel_loop3A_1151, %parallel_loop3A_1152] {strides = array<i32>} : memref<2x64x128xf32, #tpu.memory_space<vmem>>, vector<1x1x16xf32>,
        %parallel_loop3A_1154 = vector.shape_cast %parallel_loop3A_1153 : vector<1x1x16xf32> to vector<16xf32>
        %parallel_loop3A_1155 = arith.mulf %parallel_loop3A_1148, %parallel_loop3A_1154 : vector<16xf32>
        %parallel_loop3A_1156 = arith.constant 2 : i32
        %parallel_loop3A_1157 = arith.index_cast %parallel_loop3A_1156 : i32 to index
        %parallel_loop3A_1158 = arith.index_cast %parallel_loop3A_1062 : i32 to index
        %parallel_loop3A_1159 = arith.constant 64 : index
        %parallel_loop3A_1160 = tpu.vector_load %arg9[%parallel_loop3A_1157, %parallel_loop3A_1158, %parallel_loop3A_1159] {strides = array<i32>} : memref<3x64x128xf32, #tpu.memory_space<vmem>>, vector<1x1x16xf32>,
        %parallel_loop3A_1161 = vector.shape_cast %parallel_loop3A_1160 : vector<1x1x16xf32> to vector<16xf32>
        %parallel_loop3A_1162 = vector.shape_cast %parallel_loop3A_1155 : vector<16xf32> to vector<1x1x16xf32>
        tpu.vector_store %arg9[%parallel_loop3A_1157, %parallel_loop3A_1158, %parallel_loop3A_1159], %parallel_loop3A_1162 {strides = array<i32>} : memref<3x64x128xf32, #tpu.memory_space<vmem>>, vector<1x1x16xf32>,
        %parallel_loop3A_1163 = arith.constant 2 : i32
        %parallel_loop3A_1164 = arith.index_cast %parallel_loop3A_1163 : i32 to index
        %parallel_loop3A_1165 = arith.index_cast %parallel_loop3A_1062 : i32 to index
        %parallel_loop3A_1166 = arith.constant 80 : index
        %parallel_loop3A_1167 = tpu.vector_load %arg9[%parallel_loop3A_1164, %parallel_loop3A_1165, %parallel_loop3A_1166] {strides = array<i32>} : memref<3x64x128xf32, #tpu.memory_space<vmem>>, vector<1x1x16xf32>,
        %parallel_loop3A_1168 = vector.shape_cast %parallel_loop3A_1167 : vector<1x1x16xf32> to vector<16xf32>
        %parallel_loop3A_1169 = arith.constant 1 : i32
        %parallel_loop3A_1170 = arith.index_cast %parallel_loop3A_1169 : i32 to index
        %parallel_loop3A_1171 = arith.index_cast %parallel_loop3A_1062 : i32 to index
        %parallel_loop3A_1172 = arith.constant 80 : index
        %parallel_loop3A_1173 = tpu.vector_load %arg10[%parallel_loop3A_1170, %parallel_loop3A_1171, %parallel_loop3A_1172] {strides = array<i32>} : memref<2x64x128xf32, #tpu.memory_space<vmem>>, vector<1x1x16xf32>,
        %parallel_loop3A_1174 = vector.shape_cast %parallel_loop3A_1173 : vector<1x1x16xf32> to vector<16xf32>
        %parallel_loop3A_1175 = arith.mulf %parallel_loop3A_1168, %parallel_loop3A_1174 : vector<16xf32>
        %parallel_loop3A_1176 = arith.constant 2 : i32
        %parallel_loop3A_1177 = arith.index_cast %parallel_loop3A_1176 : i32 to index
        %parallel_loop3A_1178 = arith.index_cast %parallel_loop3A_1062 : i32 to index
        %parallel_loop3A_1179 = arith.constant 80 : index
        %parallel_loop3A_1180 = tpu.vector_load %arg9[%parallel_loop3A_1177, %parallel_loop3A_1178, %parallel_loop3A_1179] {strides = array<i32>} : memref<3x64x128xf32, #tpu.memory_space<vmem>>, vector<1x1x16xf32>,
        %parallel_loop3A_1181 = vector.shape_cast %parallel_loop3A_1180 : vector<1x1x16xf32> to vector<16xf32>
        %parallel_loop3A_1182 = vector.shape_cast %parallel_loop3A_1175 : vector<16xf32> to vector<1x1x16xf32>
        tpu.vector_store %arg9[%parallel_loop3A_1177, %parallel_loop3A_1178, %parallel_loop3A_1179], %parallel_loop3A_1182 {strides = array<i32>} : memref<3x64x128xf32, #tpu.memory_space<vmem>>, vector<1x1x16xf32>,
        %parallel_loop3A_1183 = arith.constant 2 : i32
        %parallel_loop3A_1184 = arith.index_cast %parallel_loop3A_1183 : i32 to index
        %parallel_loop3A_1185 = arith.index_cast %parallel_loop3A_1062 : i32 to index
        %parallel_loop3A_1186 = arith.constant 96 : index
        %parallel_loop3A_1187 = tpu.vector_load %arg9[%parallel_loop3A_1184, %parallel_loop3A_1185, %parallel_loop3A_1186] {strides = array<i32>} : memref<3x64x128xf32, #tpu.memory_space<vmem>>, vector<1x1x16xf32>,
        %parallel_loop3A_1188 = vector.shape_cast %parallel_loop3A_1187 : vector<1x1x16xf32> to vector<16xf32>
        %parallel_loop3A_1189 = arith.constant 1 : i32
        %parallel_loop3A_1190 = arith.index_cast %parallel_loop3A_1189 : i32 to index
        %parallel_loop3A_1191 = arith.index_cast %parallel_loop3A_1062 : i32 to index
        %parallel_loop3A_1192 = arith.constant 96 : index
        %parallel_loop3A_1193 = tpu.vector_load %arg10[%parallel_loop3A_1190, %parallel_loop3A_1191, %parallel_loop3A_1192] {strides = array<i32>} : memref<2x64x128xf32, #tpu.memory_space<vmem>>, vector<1x1x16xf32>,
        %parallel_loop3A_1194 = vector.shape_cast %parallel_loop3A_1193 : vector<1x1x16xf32> to vector<16xf32>
        %parallel_loop3A_1195 = arith.mulf %parallel_loop3A_1188, %parallel_loop3A_1194 : vector<16xf32>
        %parallel_loop3A_1196 = arith.constant 2 : i32
        %parallel_loop3A_1197 = arith.index_cast %parallel_loop3A_1196 : i32 to index
        %parallel_loop3A_1198 = arith.index_cast %parallel_loop3A_1062 : i32 to index
        %parallel_loop3A_1199 = arith.constant 96 : index
        %parallel_loop3A_1200 = tpu.vector_load %arg9[%parallel_loop3A_1197, %parallel_loop3A_1198, %parallel_loop3A_1199] {strides = array<i32>} : memref<3x64x128xf32, #tpu.memory_space<vmem>>, vector<1x1x16xf32>,
        %parallel_loop3A_1201 = vector.shape_cast %parallel_loop3A_1200 : vector<1x1x16xf32> to vector<16xf32>
        %parallel_loop3A_1202 = vector.shape_cast %parallel_loop3A_1195 : vector<16xf32> to vector<1x1x16xf32>
        tpu.vector_store %arg9[%parallel_loop3A_1197, %parallel_loop3A_1198, %parallel_loop3A_1199], %parallel_loop3A_1202 {strides = array<i32>} : memref<3x64x128xf32, #tpu.memory_space<vmem>>, vector<1x1x16xf32>,
        %parallel_loop3A_1203 = arith.constant 2 : i32
        %parallel_loop3A_1204 = arith.index_cast %parallel_loop3A_1203 : i32 to index
        %parallel_loop3A_1205 = arith.index_cast %parallel_loop3A_1062 : i32 to index
        %parallel_loop3A_1206 = arith.constant 112 : index
        %parallel_loop3A_1207 = tpu.vector_load %arg9[%parallel_loop3A_1204, %parallel_loop3A_1205, %parallel_loop3A_1206] {strides = array<i32>} : memref<3x64x128xf32, #tpu.memory_space<vmem>>, vector<1x1x16xf32>,
        %parallel_loop3A_1208 = vector.shape_cast %parallel_loop3A_1207 : vector<1x1x16xf32> to vector<16xf32>
        %parallel_loop3A_1209 = arith.constant 1 : i32
        %parallel_loop3A_1210 = arith.index_cast %parallel_loop3A_1209 : i32 to index
        %parallel_loop3A_1211 = arith.index_cast %parallel_loop3A_1062 : i32 to index
        %parallel_loop3A_1212 = arith.constant 112 : index
        %parallel_loop3A_1213 = tpu.vector_load %arg10[%parallel_loop3A_1210, %parallel_loop3A_1211, %parallel_loop3A_1212] {strides = array<i32>} : memref<2x64x128xf32, #tpu.memory_space<vmem>>, vector<1x1x16xf32>,
        %parallel_loop3A_1214 = vector.shape_cast %parallel_loop3A_1213 : vector<1x1x16xf32> to vector<16xf32>
        %parallel_loop3A_1215 = arith.mulf %parallel_loop3A_1208, %parallel_loop3A_1214 : vector<16xf32>
        %parallel_loop3A_1216 = arith.constant 2 : i32
        %parallel_loop3A_1217 = arith.index_cast %parallel_loop3A_1216 : i32 to index
        %parallel_loop3A_1218 = arith.index_cast %parallel_loop3A_1062 : i32 to index
        %parallel_loop3A_1219 = arith.constant 112 : index
        %parallel_loop3A_1220 = tpu.vector_load %arg9[%parallel_loop3A_1217, %parallel_loop3A_1218, %parallel_loop3A_1219] {strides = array<i32>} : memref<3x64x128xf32, #tpu.memory_space<vmem>>, vector<1x1x16xf32>,
        %parallel_loop3A_1221 = vector.shape_cast %parallel_loop3A_1220 : vector<1x1x16xf32> to vector<16xf32>
        %parallel_loop3A_1222 = vector.shape_cast %parallel_loop3A_1215 : vector<16xf32> to vector<1x1x16xf32>
        tpu.vector_store %arg9[%parallel_loop3A_1217, %parallel_loop3A_1218, %parallel_loop3A_1219], %parallel_loop3A_1222 {strides = array<i32>} : memref<3x64x128xf32, #tpu.memory_space<vmem>>, vector<1x1x16xf32>,
      } {sc.loop_unroll_factor = 2 : i64, sc.parallel_access}
      %dma_start3A_1046 = arith.constant 2 : i32
      %dma_start3A_1047 = arith.constant 2 : i32
      %dma_start3A_1048 = arith.constant 2 : i32
      %dma_start3A_1049 = arith.constant 0 : i32
      %dma_start3A_1050 = arith.constant 0 : i32
      %dma_start3A_1051 = tpu.memref_slice %arg9[%dma_start3A_1046, %dma_start3A_1049, %dma_start3A_1050] : memref<3x64x128xf32, #tpu.memory_space<vmem>> -> memref<1x64x128xf32, #tpu.memory_space<vmem>>
      %dma_start3A_1052 = tpu.memref_squeeze %dma_start3A_1051 : memref<1x64x128xf32, #tpu.memory_space<vmem>> -> memref<64x128xf32, #tpu.memory_space<vmem>>
      %dma_start3A_1053 = arith.constant 0 : i32
      %dma_start3A_1054 = tpu.memref_slice %arg8[%dma_start3A_1047, %dma_start3A_1053] : memref<3x64xi32, #tpu.memory_space<vmem>> -> memref<1x64xi32, #tpu.memory_space<vmem>>
      %dma_start3A_1055 = tpu.memref_squeeze %dma_start3A_1054 : memref<1x64xi32, #tpu.memory_space<vmem>> -> memref<64xi32, #tpu.memory_space<vmem>>
      %dma_start3A_1056 = arith.constant 0 : i32
      %dma_start3A_1057 = arith.constant 0 : i32
      %dma_start3A_1058 = tpu.memref_slice %arg11[%dma_start3A_1056, %dma_start3A_1057] : memref<10112x128xf32, #tpu.memory_space<vmem_shared>> -> memref<10112x128xf32, #tpu.memory_space<vmem_shared>>
      %dma_start3A_1059 = tpu.memref_slice %arg15[%dma_start3A_1048] : memref<3x!tpu.dma_semaphore, #tpu.memory_space<semaphore_mem>> -> memref<1x!tpu.dma_semaphore, #tpu.memory_space<semaphore_mem>>
      %dma_start3A_1060 = tpu.memref_squeeze %dma_start3A_1059 : memref<1x!tpu.dma_semaphore, #tpu.memory_space<semaphore_mem>> -> memref<!tpu.dma_semaphore, #tpu.memory_space<semaphore_mem>>
      tpu.enqueue_indirect_dma source(%dma_start3A_1052 : memref<64x128xf32, #tpu.memory_space<vmem>>) target(%dma_start3A_1058 : memref<10112x128xf32, #tpu.memory_space<vmem_shared>>) offsets(%dma_start3A_1055 : memref<64xi32, #tpu.memory_space<vmem>>) semaphore(%dma_start3A_1060 : memref<!tpu.dma_semaphore, #tpu.memory_space<semaphore_mem>>) {add = true}
      %scan3A_1061 = arith.constant 0 : i32
      scf.yield %scan3A_1061 : i32
    }
    %scan3A_124 = arith.constant 27 : i32
    %dma_wait3A_125 = arith.constant 0 : i32
    %dma_wait3A_126 = arith.constant 0 : i32
    %dma_wait3A_127 = arith.constant 0 : i32
    %dma_wait3A_128 = arith.constant 0 : i32
    %dma_wait3A_129 = arith.constant 0 : i32
    %dma_wait3A_130 = tpu.memref_slice %arg9[%dma_wait3A_125, %dma_wait3A_128, %dma_wait3A_129] : memref<3x64x128xf32, #tpu.memory_space<vmem>> -> memref<1x64x128xf32, #tpu.memory_space<vmem>>
    %dma_wait3A_131 = tpu.memref_squeeze %dma_wait3A_130 : memref<1x64x128xf32, #tpu.memory_space<vmem>> -> memref<64x128xf32, #tpu.memory_space<vmem>>
    %dma_wait3A_132 = arith.constant 0 : i32
    %dma_wait3A_133 = tpu.memref_slice %arg8[%dma_wait3A_126, %dma_wait3A_132] : memref<3x64xi32, #tpu.memory_space<vmem>> -> memref<1x64xi32, #tpu.memory_space<vmem>>
    %dma_wait3A_134 = tpu.memref_squeeze %dma_wait3A_133 : memref<1x64xi32, #tpu.memory_space<vmem>> -> memref<64xi32, #tpu.memory_space<vmem>>
    %dma_wait3A_135 = arith.constant 0 : i32
    %dma_wait3A_136 = arith.constant 0 : i32
    %dma_wait3A_137 = tpu.memref_slice %arg11[%dma_wait3A_135, %dma_wait3A_136] : memref<10112x128xf32, #tpu.memory_space<vmem_shared>> -> memref<10112x128xf32, #tpu.memory_space<vmem_shared>>
    %dma_wait3A_138 = tpu.memref_slice %arg15[%dma_wait3A_127] : memref<3x!tpu.dma_semaphore, #tpu.memory_space<semaphore_mem>> -> memref<1x!tpu.dma_semaphore, #tpu.memory_space<semaphore_mem>>
    %dma_wait3A_139 = tpu.memref_squeeze %dma_wait3A_138 : memref<1x!tpu.dma_semaphore, #tpu.memory_space<semaphore_mem>> -> memref<!tpu.dma_semaphore, #tpu.memory_space<semaphore_mem>>
    tpu.wait_indirect_dma semaphore(%dma_wait3A_139 : memref<!tpu.dma_semaphore, #tpu.memory_space<semaphore_mem>>) src(%dma_wait3A_131 : memref<64x128xf32, #tpu.memory_space<vmem>>) dst(%dma_wait3A_137 : memref<10112x128xf32, #tpu.memory_space<vmem_shared>>)
    %dma_wait3A_140 = arith.constant 1 : i32
    %dma_wait3A_141 = arith.constant 1 : i32
    %dma_wait3A_142 = arith.constant 1 : i32
    %dma_wait3A_143 = arith.constant 0 : i32
    %dma_wait3A_144 = arith.constant 0 : i32
    %dma_wait3A_145 = tpu.memref_slice %arg9[%dma_wait3A_140, %dma_wait3A_143, %dma_wait3A_144] : memref<3x64x128xf32, #tpu.memory_space<vmem>> -> memref<1x64x128xf32, #tpu.memory_space<vmem>>
    %dma_wait3A_146 = tpu.memref_squeeze %dma_wait3A_145 : memref<1x64x128xf32, #tpu.memory_space<vmem>> -> memref<64x128xf32, #tpu.memory_space<vmem>>
    %dma_wait3A_147 = arith.constant 0 : i32
    %dma_wait3A_148 = tpu.memref_slice %arg8[%dma_wait3A_141, %dma_wait3A_147] : memref<3x64xi32, #tpu.memory_space<vmem>> -> memref<1x64xi32, #tpu.memory_space<vmem>>
    %dma_wait3A_149 = tpu.memref_squeeze %dma_wait3A_148 : memref<1x64xi32, #tpu.memory_space<vmem>> -> memref<64xi32, #tpu.memory_space<vmem>>
    %dma_wait3A_150 = arith.constant 0 : i32
    %dma_wait3A_151 = arith.constant 0 : i32
    %dma_wait3A_152 = tpu.memref_slice %arg11[%dma_wait3A_150, %dma_wait3A_151] : memref<10112x128xf32, #tpu.memory_space<vmem_shared>> -> memref<10112x128xf32, #tpu.memory_space<vmem_shared>>
    %dma_wait3A_153 = tpu.memref_slice %arg15[%dma_wait3A_142] : memref<3x!tpu.dma_semaphore, #tpu.memory_space<semaphore_mem>> -> memref<1x!tpu.dma_semaphore, #tpu.memory_space<semaphore_mem>>
    %dma_wait3A_154 = tpu.memref_squeeze %dma_wait3A_153 : memref<1x!tpu.dma_semaphore, #tpu.memory_space<semaphore_mem>> -> memref<!tpu.dma_semaphore, #tpu.memory_space<semaphore_mem>>
    tpu.wait_indirect_dma semaphore(%dma_wait3A_154 : memref<!tpu.dma_semaphore, #tpu.memory_space<semaphore_mem>>) src(%dma_wait3A_146 : memref<64x128xf32, #tpu.memory_space<vmem>>) dst(%dma_wait3A_152 : memref<10112x128xf32, #tpu.memory_space<vmem_shared>>)
    %dma_wait3A_155 = arith.constant 2 : i32
    %dma_wait3A_156 = arith.constant 2 : i32
    %dma_wait3A_157 = arith.constant 2 : i32
    %dma_wait3A_158 = arith.constant 0 : i32
    %dma_wait3A_159 = arith.constant 0 : i32
    %dma_wait3A_160 = tpu.memref_slice %arg9[%dma_wait3A_155, %dma_wait3A_158, %dma_wait3A_159] : memref<3x64x128xf32, #tpu.memory_space<vmem>> -> memref<1x64x128xf32, #tpu.memory_space<vmem>>
    %dma_wait3A_161 = tpu.memref_squeeze %dma_wait3A_160 : memref<1x64x128xf32, #tpu.memory_space<vmem>> -> memref<64x128xf32, #tpu.memory_space<vmem>>
    %dma_wait3A_162 = arith.constant 0 : i32
    %dma_wait3A_163 = tpu.memref_slice %arg8[%dma_wait3A_156, %dma_wait3A_162] : memref<3x64xi32, #tpu.memory_space<vmem>> -> memref<1x64xi32, #tpu.memory_space<vmem>>
    %dma_wait3A_164 = tpu.memref_squeeze %dma_wait3A_163 : memref<1x64xi32, #tpu.memory_space<vmem>> -> memref<64xi32, #tpu.memory_space<vmem>>
    %dma_wait3A_165 = arith.constant 0 : i32
    %dma_wait3A_166 = arith.constant 0 : i32
    %dma_wait3A_167 = tpu.memref_slice %arg11[%dma_wait3A_165, %dma_wait3A_166] : memref<10112x128xf32, #tpu.memory_space<vmem_shared>> -> memref<10112x128xf32, #tpu.memory_space<vmem_shared>>
    %dma_wait3A_168 = tpu.memref_slice %arg15[%dma_wait3A_157] : memref<3x!tpu.dma_semaphore, #tpu.memory_space<semaphore_mem>> -> memref<1x!tpu.dma_semaphore, #tpu.memory_space<semaphore_mem>>
    %dma_wait3A_169 = tpu.memref_squeeze %dma_wait3A_168 : memref<1x!tpu.dma_semaphore, #tpu.memory_space<semaphore_mem>> -> memref<!tpu.dma_semaphore, #tpu.memory_space<semaphore_mem>>
    tpu.wait_indirect_dma semaphore(%dma_wait3A_169 : memref<!tpu.dma_semaphore, #tpu.memory_space<semaphore_mem>>) src(%dma_wait3A_161 : memref<64x128xf32, #tpu.memory_space<vmem>>) dst(%dma_wait3A_167 : memref<10112x128xf32, #tpu.memory_space<vmem_shared>>)
    %barrier3A_170 = arith.constant 0 : index
    tpu.barrier barrier_id(%barrier3A_170)
    %add3A_171 = arith.constant 0 : i32
    %add3A_172 = arith.addi %mul3A_2, %add3A_171 : i32
    %run_scoped3A_173 = arith.constant 0 : i32
    "tpu.region"() ({
      %run_scoped3A_231 = tpu.sem_alloc : memref<!tpu.dma_semaphore, #tpu.memory_space<semaphore_mem>>
      %dma_start3A_232 = arith.constant 0 : i32
      %dma_start3A_233 = arith.constant 0 : i32
      %dma_start3A_234 = tpu.memref_slice %arg9[%run_scoped3A_173, %dma_start3A_232, %dma_start3A_233] : memref<3x64x128xf32, #tpu.memory_space<vmem>> -> memref<1x64x128xf32, #tpu.memory_space<vmem>>
      %dma_start3A_235 = tpu.memref_squeeze %dma_start3A_234 : memref<1x64x128xf32, #tpu.memory_space<vmem>> -> memref<64x128xf32, #tpu.memory_space<vmem>>
      %dma_start3A_236 = arith.constant 0 : i32
      %dma_start3A_237 = tpu.memref_slice %arg11[%add3A_172, %dma_start3A_236] : memref<10112x128xf32, #tpu.memory_space<vmem_shared>> -> memref<64x128xf32, #tpu.memory_space<vmem_shared>>
      %dma_start3A_238 = arith.constant 0 : i32
      %dma_start3A_239 = arith.constant 0 : i32
      %dma_start3A_240 = tpu.memref_slice %arg9[%run_scoped3A_173, %dma_start3A_238, %dma_start3A_239] : memref<3x64x128xf32, #tpu.memory_space<vmem>> -> memref<1x64x128xf32, #tpu.memory_space<vmem>>
      %dma_start3A_241 = tpu.memref_squeeze %dma_start3A_240 : memref<1x64x128xf32, #tpu.memory_space<vmem>> -> memref<64x128xf32, #tpu.memory_space<vmem>>
      %dma_start3A_242 = arith.constant 0 : i32
      %dma_start3A_243 = tpu.memref_slice %arg11[%add3A_172, %dma_start3A_242] : memref<10112x128xf32, #tpu.memory_space<vmem_shared>> -> memref<64x128xf32, #tpu.memory_space<vmem_shared>>
      tpu.enqueue_dma source(%dma_start3A_243 : memref<64x128xf32, #tpu.memory_space<vmem_shared>>) target(%dma_start3A_241 : memref<64x128xf32, #tpu.memory_space<vmem>>) target_semaphore(%run_scoped3A_231 : memref<!tpu.dma_semaphore, #tpu.memory_space<semaphore_mem>>)
      %dma_wait3A_244 = arith.constant 0 : i32
      %dma_wait3A_245 = arith.constant 0 : i32
      %dma_wait3A_246 = tpu.memref_slice %arg9[%run_scoped3A_173, %dma_wait3A_244, %dma_wait3A_245] : memref<3x64x128xf32, #tpu.memory_space<vmem>> -> memref<1x64x128xf32, #tpu.memory_space<vmem>>
      %dma_wait3A_247 = tpu.memref_squeeze %dma_wait3A_246 : memref<1x64x128xf32, #tpu.memory_space<vmem>> -> memref<64x128xf32, #tpu.memory_space<vmem>>
      %dma_wait3A_248 = arith.constant 0 : i32
      %dma_wait3A_249 = tpu.memref_slice %arg11[%add3A_172, %dma_wait3A_248] : memref<10112x128xf32, #tpu.memory_space<vmem_shared>> -> memref<64x128xf32, #tpu.memory_space<vmem_shared>>
      %dma_wait3A_250 = arith.constant 0 : i32
      %dma_wait3A_251 = arith.constant 0 : i32
      %dma_wait3A_252 = tpu.memref_slice %arg9[%run_scoped3A_173, %dma_wait3A_250, %dma_wait3A_251] : memref<3x64x128xf32, #tpu.memory_space<vmem>> -> memref<1x64x128xf32, #tpu.memory_space<vmem>>
      %dma_wait3A_253 = tpu.memref_squeeze %dma_wait3A_252 : memref<1x64x128xf32, #tpu.memory_space<vmem>> -> memref<64x128xf32, #tpu.memory_space<vmem>>
      %dma_wait3A_254 = arith.constant 0 : i32
      %dma_wait3A_255 = tpu.memref_slice %arg11[%add3A_172, %dma_wait3A_254] : memref<10112x128xf32, #tpu.memory_space<vmem_shared>> -> memref<64x128xf32, #tpu.memory_space<vmem_shared>>
      tpu.wait_dma2 semaphore(%run_scoped3A_231 : memref<!tpu.dma_semaphore, #tpu.memory_space<semaphore_mem>>) src(%dma_wait3A_255 : memref<64x128xf32, #tpu.memory_space<vmem_shared>>) dst(%dma_wait3A_253 : memref<64x128xf32, #tpu.memory_space<vmem>>)
      tpu.yield
    }) : () -> ()
    %add3A_174 = arith.constant 0 : i32
    %add3A_175 = arith.addi %mul3A_2, %add3A_174 : i32
    %run_scoped3A_176 = arith.constant 0 : i32
    "tpu.region"() ({
      %run_scoped3A_231 = tpu.sem_alloc : memref<!tpu.dma_semaphore, #tpu.memory_space<semaphore_mem>>
      %dma_start3A_232 = arith.constant 0 : i32
      %dma_start3A_233 = arith.constant 0 : i32
      %dma_start3A_234 = tpu.memref_slice %arg9[%run_scoped3A_176, %dma_start3A_232, %dma_start3A_233] : memref<3x64x128xf32, #tpu.memory_space<vmem>> -> memref<1x64x128xf32, #tpu.memory_space<vmem>>
      %dma_start3A_235 = tpu.memref_squeeze %dma_start3A_234 : memref<1x64x128xf32, #tpu.memory_space<vmem>> -> memref<64x128xf32, #tpu.memory_space<vmem>>
      %dma_start3A_236 = arith.constant 0 : i32
      %dma_start3A_237 = tpu.memref_slice %arg6[%arg0, %add3A_175, %dma_start3A_236] : memref<2x10112x128xf32, #tpu.memory_space<hbm>> -> memref<1x64x128xf32, #tpu.memory_space<hbm>>
      %dma_start3A_238 = tpu.memref_squeeze %dma_start3A_237 : memref<1x64x128xf32, #tpu.memory_space<hbm>> -> memref<64x128xf32, #tpu.memory_space<hbm>>
      %dma_start3A_239 = arith.constant 0 : i32
      %dma_start3A_240 = tpu.memref_slice %arg6[%arg0, %add3A_175, %dma_start3A_239] : memref<2x10112x128xf32, #tpu.memory_space<hbm>> -> memref<1x64x128xf32, #tpu.memory_space<hbm>>
      %dma_start3A_241 = tpu.memref_squeeze %dma_start3A_240 : memref<1x64x128xf32, #tpu.memory_space<hbm>> -> memref<64x128xf32, #tpu.memory_space<hbm>>
      %dma_start3A_242 = arith.constant 0 : i32
      %dma_start3A_243 = arith.constant 0 : i32
      %dma_start3A_244 = tpu.memref_slice %arg9[%run_scoped3A_176, %dma_start3A_242, %dma_start3A_243] : memref<3x64x128xf32, #tpu.memory_space<vmem>> -> memref<1x64x128xf32, #tpu.memory_space<vmem>>
      %dma_start3A_245 = tpu.memref_squeeze %dma_start3A_244 : memref<1x64x128xf32, #tpu.memory_space<vmem>> -> memref<64x128xf32, #tpu.memory_space<vmem>>
      tpu.enqueue_dma source(%dma_start3A_245 : memref<64x128xf32, #tpu.memory_space<vmem>>) target(%dma_start3A_241 : memref<64x128xf32, #tpu.memory_space<hbm>>) target_semaphore(%run_scoped3A_231 : memref<!tpu.dma_semaphore, #tpu.memory_space<semaphore_mem>>)
      %dma_wait3A_246 = arith.constant 0 : i32
      %dma_wait3A_247 = arith.constant 0 : i32
      %dma_wait3A_248 = tpu.memref_slice %arg9[%run_scoped3A_176, %dma_wait3A_246, %dma_wait3A_247] : memref<3x64x128xf32, #tpu.memory_space<vmem>> -> memref<1x64x128xf32, #tpu.memory_space<vmem>>
      %dma_wait3A_249 = tpu.memref_squeeze %dma_wait3A_248 : memref<1x64x128xf32, #tpu.memory_space<vmem>> -> memref<64x128xf32, #tpu.memory_space<vmem>>
      %dma_wait3A_250 = arith.constant 0 : i32
      %dma_wait3A_251 = tpu.memref_slice %arg6[%arg0, %add3A_175, %dma_wait3A_250] : memref<2x10112x128xf32, #tpu.memory_space<hbm>> -> memref<1x64x128xf32, #tpu.memory_space<hbm>>
      %dma_wait3A_252 = tpu.memref_squeeze %dma_wait3A_251 : memref<1x64x128xf32, #tpu.memory_space<hbm>> -> memref<64x128xf32, #tpu.memory_space<hbm>>
      %dma_wait3A_253 = arith.constant 0 : i32
      %dma_wait3A_254 = tpu.memref_slice %arg6[%arg0, %add3A_175, %dma_wait3A_253] : memref<2x10112x128xf32, #tpu.memory_space<hbm>> -> memref<1x64x128xf32, #tpu.memory_space<hbm>>
      %dma_wait3A_255 = tpu.memref_squeeze %dma_wait3A_254 : memref<1x64x128xf32, #tpu.memory_space<hbm>> -> memref<64x128xf32, #tpu.memory_space<hbm>>
      %dma_wait3A_256 = arith.constant 0 : i32
      %dma_wait3A_257 = arith.constant 0 : i32
      %dma_wait3A_258 = tpu.memref_slice %arg9[%run_scoped3A_176, %dma_wait3A_256, %dma_wait3A_257] : memref<3x64x128xf32, #tpu.memory_space<vmem>> -> memref<1x64x128xf32, #tpu.memory_space<vmem>>
      %dma_wait3A_259 = tpu.memref_squeeze %dma_wait3A_258 : memref<1x64x128xf32, #tpu.memory_space<vmem>> -> memref<64x128xf32, #tpu.memory_space<vmem>>
      tpu.wait_dma2 semaphore(%run_scoped3A_231 : memref<!tpu.dma_semaphore, #tpu.memory_space<semaphore_mem>>) src(%dma_wait3A_259 : memref<64x128xf32, #tpu.memory_space<vmem>>) dst(%dma_wait3A_255 : memref<64x128xf32, #tpu.memory_space<hbm>>)
      tpu.yield
    }) : () -> ()
    %add3A_177 = arith.constant 64 : i32
    %add3A_178 = arith.addi %mul3A_2, %add3A_177 : i32
    %run_scoped3A_179 = arith.constant 0 : i32
    "tpu.region"() ({
      %run_scoped3A_231 = tpu.sem_alloc : memref<!tpu.dma_semaphore, #tpu.memory_space<semaphore_mem>>
      %dma_start3A_232 = arith.constant 0 : i32
      %dma_start3A_233 = arith.constant 0 : i32
      %dma_start3A_234 = tpu.memref_slice %arg9[%run_scoped3A_179, %dma_start3A_232, %dma_start3A_233] : memref<3x64x128xf32, #tpu.memory_space<vmem>> -> memref<1x64x128xf32, #tpu.memory_space<vmem>>
      %dma_start3A_235 = tpu.memref_squeeze %dma_start3A_234 : memref<1x64x128xf32, #tpu.memory_space<vmem>> -> memref<64x128xf32, #tpu.memory_space<vmem>>
      %dma_start3A_236 = arith.constant 0 : i32
      %dma_start3A_237 = tpu.memref_slice %arg11[%add3A_178, %dma_start3A_236] : memref<10112x128xf32, #tpu.memory_space<vmem_shared>> -> memref<64x128xf32, #tpu.memory_space<vmem_shared>>
      %dma_start3A_238 = arith.constant 0 : i32
      %dma_start3A_239 = arith.constant 0 : i32
      %dma_start3A_240 = tpu.memref_slice %arg9[%run_scoped3A_179, %dma_start3A_238, %dma_start3A_239] : memref<3x64x128xf32, #tpu.memory_space<vmem>> -> memref<1x64x128xf32, #tpu.memory_space<vmem>>
      %dma_start3A_241 = tpu.memref_squeeze %dma_start3A_240 : memref<1x64x128xf32, #tpu.memory_space<vmem>> -> memref<64x128xf32, #tpu.memory_space<vmem>>
      %dma_start3A_242 = arith.constant 0 : i32
      %dma_start3A_243 = tpu.memref_slice %arg11[%add3A_178, %dma_start3A_242] : memref<10112x128xf32, #tpu.memory_space<vmem_shared>> -> memref<64x128xf32, #tpu.memory_space<vmem_shared>>
      tpu.enqueue_dma source(%dma_start3A_243 : memref<64x128xf32, #tpu.memory_space<vmem_shared>>) target(%dma_start3A_241 : memref<64x128xf32, #tpu.memory_space<vmem>>) target_semaphore(%run_scoped3A_231 : memref<!tpu.dma_semaphore, #tpu.memory_space<semaphore_mem>>)
      %dma_wait3A_244 = arith.constant 0 : i32
      %dma_wait3A_245 = arith.constant 0 : i32
      %dma_wait3A_246 = tpu.memref_slice %arg9[%run_scoped3A_179, %dma_wait3A_244, %dma_wait3A_245] : memref<3x64x128xf32, #tpu.memory_space<vmem>> -> memref<1x64x128xf32, #tpu.memory_space<vmem>>
      %dma_wait3A_247 = tpu.memref_squeeze %dma_wait3A_246 : memref<1x64x128xf32, #tpu.memory_space<vmem>> -> memref<64x128xf32, #tpu.memory_space<vmem>>
      %dma_wait3A_248 = arith.constant 0 : i32
      %dma_wait3A_249 = tpu.memref_slice %arg11[%add3A_178, %dma_wait3A_248] : memref<10112x128xf32, #tpu.memory_space<vmem_shared>> -> memref<64x128xf32, #tpu.memory_space<vmem_shared>>
      %dma_wait3A_250 = arith.constant 0 : i32
      %dma_wait3A_251 = arith.constant 0 : i32
      %dma_wait3A_252 = tpu.memref_slice %arg9[%run_scoped3A_179, %dma_wait3A_250, %dma_wait3A_251] : memref<3x64x128xf32, #tpu.memory_space<vmem>> -> memref<1x64x128xf32, #tpu.memory_space<vmem>>
      %dma_wait3A_253 = tpu.memref_squeeze %dma_wait3A_252 : memref<1x64x128xf32, #tpu.memory_space<vmem>> -> memref<64x128xf32, #tpu.memory_space<vmem>>
      %dma_wait3A_254 = arith.constant 0 : i32
      %dma_wait3A_255 = tpu.memref_slice %arg11[%add3A_178, %dma_wait3A_254] : memref<10112x128xf32, #tpu.memory_space<vmem_shared>> -> memref<64x128xf32, #tpu.memory_space<vmem_shared>>
      tpu.wait_dma2 semaphore(%run_scoped3A_231 : memref<!tpu.dma_semaphore, #tpu.memory_space<semaphore_mem>>) src(%dma_wait3A_255 : memref<64x128xf32, #tpu.memory_space<vmem_shared>>) dst(%dma_wait3A_253 : memref<64x128xf32, #tpu.memory_space<vmem>>)
      tpu.yield
    }) : () -> ()
    %add3A_180 = arith.constant 64 : i32
    %add3A_181 = arith.addi %mul3A_2, %add3A_180 : i32
    %run_scoped3A_182 = arith.constant 0 : i32
    "tpu.region"() ({
      %run_scoped3A_231 = tpu.sem_alloc : memref<!tpu.dma_semaphore, #tpu.memory_space<semaphore_mem>>
      %dma_start3A_232 = arith.constant 0 : i32
      %dma_start3A_233 = arith.constant 0 : i32
      %dma_start3A_234 = tpu.memref_slice %arg9[%run_scoped3A_182, %dma_start3A_232, %dma_start3A_233] : memref<3x64x128xf32, #tpu.memory_space<vmem>> -> memref<1x64x128xf32, #tpu.memory_space<vmem>>
      %dma_start3A_235 = tpu.memref_squeeze %dma_start3A_234 : memref<1x64x128xf32, #tpu.memory_space<vmem>> -> memref<64x128xf32, #tpu.memory_space<vmem>>
      %dma_start3A_236 = arith.constant 0 : i32
      %dma_start3A_237 = tpu.memref_slice %arg6[%arg0, %add3A_181, %dma_start3A_236] : memref<2x10112x128xf32, #tpu.memory_space<hbm>> -> memref<1x64x128xf32, #tpu.memory_space<hbm>>
      %dma_start3A_238 = tpu.memref_squeeze %dma_start3A_237 : memref<1x64x128xf32, #tpu.memory_space<hbm>> -> memref<64x128xf32, #tpu.memory_space<hbm>>
      %dma_start3A_239 = arith.constant 0 : i32
      %dma_start3A_240 = tpu.memref_slice %arg6[%arg0, %add3A_181, %dma_start3A_239] : memref<2x10112x128xf32, #tpu.memory_space<hbm>> -> memref<1x64x128xf32, #tpu.memory_space<hbm>>
      %dma_start3A_241 = tpu.memref_squeeze %dma_start3A_240 : memref<1x64x128xf32, #tpu.memory_space<hbm>> -> memref<64x128xf32, #tpu.memory_space<hbm>>
      %dma_start3A_242 = arith.constant 0 : i32
      %dma_start3A_243 = arith.constant 0 : i32
      %dma_start3A_244 = tpu.memref_slice %arg9[%run_scoped3A_182, %dma_start3A_242, %dma_start3A_243] : memref<3x64x128xf32, #tpu.memory_space<vmem>> -> memref<1x64x128xf32, #tpu.memory_space<vmem>>
      %dma_start3A_245 = tpu.memref_squeeze %dma_start3A_244 : memref<1x64x128xf32, #tpu.memory_space<vmem>> -> memref<64x128xf32, #tpu.memory_space<vmem>>
      tpu.enqueue_dma source(%dma_start3A_245 : memref<64x128xf32, #tpu.memory_space<vmem>>) target(%dma_start3A_241 : memref<64x128xf32, #tpu.memory_space<hbm>>) target_semaphore(%run_scoped3A_231 : memref<!tpu.dma_semaphore, #tpu.memory_space<semaphore_mem>>)
      %dma_wait3A_246 = arith.constant 0 : i32
      %dma_wait3A_247 = arith.constant 0 : i32
      %dma_wait3A_248 = tpu.memref_slice %arg9[%run_scoped3A_182, %dma_wait3A_246, %dma_wait3A_247] : memref<3x64x128xf32, #tpu.memory_space<vmem>> -> memref<1x64x128xf32, #tpu.memory_space<vmem>>
      %dma_wait3A_249 = tpu.memref_squeeze %dma_wait3A_248 : memref<1x64x128xf32, #tpu.memory_space<vmem>> -> memref<64x128xf32, #tpu.memory_space<vmem>>
      %dma_wait3A_250 = arith.constant 0 : i32
      %dma_wait3A_251 = tpu.memref_slice %arg6[%arg0, %add3A_181, %dma_wait3A_250] : memref<2x10112x128xf32, #tpu.memory_space<hbm>> -> memref<1x64x128xf32, #tpu.memory_space<hbm>>
      %dma_wait3A_252 = tpu.memref_squeeze %dma_wait3A_251 : memref<1x64x128xf32, #tpu.memory_space<hbm>> -> memref<64x128xf32, #tpu.memory_space<hbm>>
      %dma_wait3A_253 = arith.constant 0 : i32
      %dma_wait3A_254 = tpu.memref_slice %arg6[%arg0, %add3A_181, %dma_wait3A_253] : memref<2x10112x128xf32, #tpu.memory_space<hbm>> -> memref<1x64x128xf32, #tpu.memory_space<hbm>>
      %dma_wait3A_255 = tpu.memref_squeeze %dma_wait3A_254 : memref<1x64x128xf32, #tpu.memory_space<hbm>> -> memref<64x128xf32, #tpu.memory_space<hbm>>
      %dma_wait3A_256 = arith.constant 0 : i32
      %dma_wait3A_257 = arith.constant 0 : i32
      %dma_wait3A_258 = tpu.memref_slice %arg9[%run_scoped3A_182, %dma_wait3A_256, %dma_wait3A_257] : memref<3x64x128xf32, #tpu.memory_space<vmem>> -> memref<1x64x128xf32, #tpu.memory_space<vmem>>
      %dma_wait3A_259 = tpu.memref_squeeze %dma_wait3A_258 : memref<1x64x128xf32, #tpu.memory_space<vmem>> -> memref<64x128xf32, #tpu.memory_space<vmem>>
      tpu.wait_dma2 semaphore(%run_scoped3A_231 : memref<!tpu.dma_semaphore, #tpu.memory_space<semaphore_mem>>) src(%dma_wait3A_259 : memref<64x128xf32, #tpu.memory_space<vmem>>) dst(%dma_wait3A_255 : memref<64x128xf32, #tpu.memory_space<hbm>>)
      tpu.yield
    }) : () -> ()
    %add3A_183 = arith.constant 128 : i32
    %add3A_184 = arith.addi %mul3A_2, %add3A_183 : i32
    %run_scoped3A_185 = arith.constant 0 : i32
    "tpu.region"() ({
      %run_scoped3A_231 = tpu.sem_alloc : memref<!tpu.dma_semaphore, #tpu.memory_space<semaphore_mem>>
      %dma_start3A_232 = arith.constant 0 : i32
      %dma_start3A_233 = arith.constant 0 : i32
      %dma_start3A_234 = tpu.memref_slice %arg9[%run_scoped3A_185, %dma_start3A_232, %dma_start3A_233] : memref<3x64x128xf32, #tpu.memory_space<vmem>> -> memref<1x64x128xf32, #tpu.memory_space<vmem>>
      %dma_start3A_235 = tpu.memref_squeeze %dma_start3A_234 : memref<1x64x128xf32, #tpu.memory_space<vmem>> -> memref<64x128xf32, #tpu.memory_space<vmem>>
      %dma_start3A_236 = arith.constant 0 : i32
      %dma_start3A_237 = tpu.memref_slice %arg11[%add3A_184, %dma_start3A_236] : memref<10112x128xf32, #tpu.memory_space<vmem_shared>> -> memref<64x128xf32, #tpu.memory_space<vmem_shared>>
      %dma_start3A_238 = arith.constant 0 : i32
      %dma_start3A_239 = arith.constant 0 : i32
      %dma_start3A_240 = tpu.memref_slice %arg9[%run_scoped3A_185, %dma_start3A_238, %dma_start3A_239] : memref<3x64x128xf32, #tpu.memory_space<vmem>> -> memref<1x64x128xf32, #tpu.memory_space<vmem>>
      %dma_start3A_241 = tpu.memref_squeeze %dma_start3A_240 : memref<1x64x128xf32, #tpu.memory_space<vmem>> -> memref<64x128xf32, #tpu.memory_space<vmem>>
      %dma_start3A_242 = arith.constant 0 : i32
      %dma_start3A_243 = tpu.memref_slice %arg11[%add3A_184, %dma_start3A_242] : memref<10112x128xf32, #tpu.memory_space<vmem_shared>> -> memref<64x128xf32, #tpu.memory_space<vmem_shared>>
      tpu.enqueue_dma source(%dma_start3A_243 : memref<64x128xf32, #tpu.memory_space<vmem_shared>>) target(%dma_start3A_241 : memref<64x128xf32, #tpu.memory_space<vmem>>) target_semaphore(%run_scoped3A_231 : memref<!tpu.dma_semaphore, #tpu.memory_space<semaphore_mem>>)
      %dma_wait3A_244 = arith.constant 0 : i32
      %dma_wait3A_245 = arith.constant 0 : i32
      %dma_wait3A_246 = tpu.memref_slice %arg9[%run_scoped3A_185, %dma_wait3A_244, %dma_wait3A_245] : memref<3x64x128xf32, #tpu.memory_space<vmem>> -> memref<1x64x128xf32, #tpu.memory_space<vmem>>
      %dma_wait3A_247 = tpu.memref_squeeze %dma_wait3A_246 : memref<1x64x128xf32, #tpu.memory_space<vmem>> -> memref<64x128xf32, #tpu.memory_space<vmem>>
      %dma_wait3A_248 = arith.constant 0 : i32
      %dma_wait3A_249 = tpu.memref_slice %arg11[%add3A_184, %dma_wait3A_248] : memref<10112x128xf32, #tpu.memory_space<vmem_shared>> -> memref<64x128xf32, #tpu.memory_space<vmem_shared>>
      %dma_wait3A_250 = arith.constant 0 : i32
      %dma_wait3A_251 = arith.constant 0 : i32
      %dma_wait3A_252 = tpu.memref_slice %arg9[%run_scoped3A_185, %dma_wait3A_250, %dma_wait3A_251] : memref<3x64x128xf32, #tpu.memory_space<vmem>> -> memref<1x64x128xf32, #tpu.memory_space<vmem>>
      %dma_wait3A_253 = tpu.memref_squeeze %dma_wait3A_252 : memref<1x64x128xf32, #tpu.memory_space<vmem>> -> memref<64x128xf32, #tpu.memory_space<vmem>>
      %dma_wait3A_254 = arith.constant 0 : i32
      %dma_wait3A_255 = tpu.memref_slice %arg11[%add3A_184, %dma_wait3A_254] : memref<10112x128xf32, #tpu.memory_space<vmem_shared>> -> memref<64x128xf32, #tpu.memory_space<vmem_shared>>
      tpu.wait_dma2 semaphore(%run_scoped3A_231 : memref<!tpu.dma_semaphore, #tpu.memory_space<semaphore_mem>>) src(%dma_wait3A_255 : memref<64x128xf32, #tpu.memory_space<vmem_shared>>) dst(%dma_wait3A_253 : memref<64x128xf32, #tpu.memory_space<vmem>>)
      tpu.yield
    }) : () -> ()
    %add3A_186 = arith.constant 128 : i32
    %add3A_187 = arith.addi %mul3A_2, %add3A_186 : i32
    %run_scoped3A_188 = arith.constant 0 : i32
    "tpu.region"() ({
      %run_scoped3A_231 = tpu.sem_alloc : memref<!tpu.dma_semaphore, #tpu.memory_space<semaphore_mem>>
      %dma_start3A_232 = arith.constant 0 : i32
      %dma_start3A_233 = arith.constant 0 : i32
      %dma_start3A_234 = tpu.memref_slice %arg9[%run_scoped3A_188, %dma_start3A_232, %dma_start3A_233] : memref<3x64x128xf32, #tpu.memory_space<vmem>> -> memref<1x64x128xf32, #tpu.memory_space<vmem>>
      %dma_start3A_235 = tpu.memref_squeeze %dma_start3A_234 : memref<1x64x128xf32, #tpu.memory_space<vmem>> -> memref<64x128xf32, #tpu.memory_space<vmem>>
      %dma_start3A_236 = arith.constant 0 : i32
      %dma_start3A_237 = tpu.memref_slice %arg6[%arg0, %add3A_187, %dma_start3A_236] : memref<2x10112x128xf32, #tpu.memory_space<hbm>> -> memref<1x64x128xf32, #tpu.memory_space<hbm>>
      %dma_start3A_238 = tpu.memref_squeeze %dma_start3A_237 : memref<1x64x128xf32, #tpu.memory_space<hbm>> -> memref<64x128xf32, #tpu.memory_space<hbm>>
      %dma_start3A_239 = arith.constant 0 : i32
      %dma_start3A_240 = tpu.memref_slice %arg6[%arg0, %add3A_187, %dma_start3A_239] : memref<2x10112x128xf32, #tpu.memory_space<hbm>> -> memref<1x64x128xf32, #tpu.memory_space<hbm>>
      %dma_start3A_241 = tpu.memref_squeeze %dma_start3A_240 : memref<1x64x128xf32, #tpu.memory_space<hbm>> -> memref<64x128xf32, #tpu.memory_space<hbm>>
      %dma_start3A_242 = arith.constant 0 : i32
      %dma_start3A_243 = arith.constant 0 : i32
      %dma_start3A_244 = tpu.memref_slice %arg9[%run_scoped3A_188, %dma_start3A_242, %dma_start3A_243] : memref<3x64x128xf32, #tpu.memory_space<vmem>> -> memref<1x64x128xf32, #tpu.memory_space<vmem>>
      %dma_start3A_245 = tpu.memref_squeeze %dma_start3A_244 : memref<1x64x128xf32, #tpu.memory_space<vmem>> -> memref<64x128xf32, #tpu.memory_space<vmem>>
      tpu.enqueue_dma source(%dma_start3A_245 : memref<64x128xf32, #tpu.memory_space<vmem>>) target(%dma_start3A_241 : memref<64x128xf32, #tpu.memory_space<hbm>>) target_semaphore(%run_scoped3A_231 : memref<!tpu.dma_semaphore, #tpu.memory_space<semaphore_mem>>)
      %dma_wait3A_246 = arith.constant 0 : i32
      %dma_wait3A_247 = arith.constant 0 : i32
      %dma_wait3A_248 = tpu.memref_slice %arg9[%run_scoped3A_188, %dma_wait3A_246, %dma_wait3A_247] : memref<3x64x128xf32, #tpu.memory_space<vmem>> -> memref<1x64x128xf32, #tpu.memory_space<vmem>>
      %dma_wait3A_249 = tpu.memref_squeeze %dma_wait3A_248 : memref<1x64x128xf32, #tpu.memory_space<vmem>> -> memref<64x128xf32, #tpu.memory_space<vmem>>
      %dma_wait3A_250 = arith.constant 0 : i32
      %dma_wait3A_251 = tpu.memref_slice %arg6[%arg0, %add3A_187, %dma_wait3A_250] : memref<2x10112x128xf32, #tpu.memory_space<hbm>> -> memref<1x64x128xf32, #tpu.memory_space<hbm>>
      %dma_wait3A_252 = tpu.memref_squeeze %dma_wait3A_251 : memref<1x64x128xf32, #tpu.memory_space<hbm>> -> memref<64x128xf32, #tpu.memory_space<hbm>>
      %dma_wait3A_253 = arith.constant 0 : i32
      %dma_wait3A_254 = tpu.memref_slice %arg6[%arg0, %add3A_187, %dma_wait3A_253] : memref<2x10112x128xf32, #tpu.memory_space<hbm>> -> memref<1x64x128xf32, #tpu.memory_space<hbm>>
      %dma_wait3A_255 = tpu.memref_squeeze %dma_wait3A_254 : memref<1x64x128xf32, #tpu.memory_space<hbm>> -> memref<64x128xf32, #tpu.memory_space<hbm>>
      %dma_wait3A_256 = arith.constant 0 : i32
      %dma_wait3A_257 = arith.constant 0 : i32
      %dma_wait3A_258 = tpu.memref_slice %arg9[%run_scoped3A_188, %dma_wait3A_256, %dma_wait3A_257] : memref<3x64x128xf32, #tpu.memory_space<vmem>> -> memref<1x64x128xf32, #tpu.memory_space<vmem>>
      %dma_wait3A_259 = tpu.memref_squeeze %dma_wait3A_258 : memref<1x64x128xf32, #tpu.memory_space<vmem>> -> memref<64x128xf32, #tpu.memory_space<vmem>>
      tpu.wait_dma2 semaphore(%run_scoped3A_231 : memref<!tpu.dma_semaphore, #tpu.memory_space<semaphore_mem>>) src(%dma_wait3A_259 : memref<64x128xf32, #tpu.memory_space<vmem>>) dst(%dma_wait3A_255 : memref<64x128xf32, #tpu.memory_space<hbm>>)
      tpu.yield
    }) : () -> ()
    %add3A_189 = arith.constant 192 : i32
    %add3A_190 = arith.addi %mul3A_2, %add3A_189 : i32
    %run_scoped3A_191 = arith.constant 0 : i32
    "tpu.region"() ({
      %run_scoped3A_231 = tpu.sem_alloc : memref<!tpu.dma_semaphore, #tpu.memory_space<semaphore_mem>>
      %dma_start3A_232 = arith.constant 0 : i32
      %dma_start3A_233 = arith.constant 0 : i32
      %dma_start3A_234 = tpu.memref_slice %arg9[%run_scoped3A_191, %dma_start3A_232, %dma_start3A_233] : memref<3x64x128xf32, #tpu.memory_space<vmem>> -> memref<1x64x128xf32, #tpu.memory_space<vmem>>
      %dma_start3A_235 = tpu.memref_squeeze %dma_start3A_234 : memref<1x64x128xf32, #tpu.memory_space<vmem>> -> memref<64x128xf32, #tpu.memory_space<vmem>>
      %dma_start3A_236 = arith.constant 0 : i32
      %dma_start3A_237 = tpu.memref_slice %arg11[%add3A_190, %dma_start3A_236] : memref<10112x128xf32, #tpu.memory_space<vmem_shared>> -> memref<64x128xf32, #tpu.memory_space<vmem_shared>>
      %dma_start3A_238 = arith.constant 0 : i32
      %dma_start3A_239 = arith.constant 0 : i32
      %dma_start3A_240 = tpu.memref_slice %arg9[%run_scoped3A_191, %dma_start3A_238, %dma_start3A_239] : memref<3x64x128xf32, #tpu.memory_space<vmem>> -> memref<1x64x128xf32, #tpu.memory_space<vmem>>
      %dma_start3A_241 = tpu.memref_squeeze %dma_start3A_240 : memref<1x64x128xf32, #tpu.memory_space<vmem>> -> memref<64x128xf32, #tpu.memory_space<vmem>>
      %dma_start3A_242 = arith.constant 0 : i32
      %dma_start3A_243 = tpu.memref_slice %arg11[%add3A_190, %dma_start3A_242] : memref<10112x128xf32, #tpu.memory_space<vmem_shared>> -> memref<64x128xf32, #tpu.memory_space<vmem_shared>>
      tpu.enqueue_dma source(%dma_start3A_243 : memref<64x128xf32, #tpu.memory_space<vmem_shared>>) target(%dma_start3A_241 : memref<64x128xf32, #tpu.memory_space<vmem>>) target_semaphore(%run_scoped3A_231 : memref<!tpu.dma_semaphore, #tpu.memory_space<semaphore_mem>>)
      %dma_wait3A_244 = arith.constant 0 : i32
      %dma_wait3A_245 = arith.constant 0 : i32
      %dma_wait3A_246 = tpu.memref_slice %arg9[%run_scoped3A_191, %dma_wait3A_244, %dma_wait3A_245] : memref<3x64x128xf32, #tpu.memory_space<vmem>> -> memref<1x64x128xf32, #tpu.memory_space<vmem>>
      %dma_wait3A_247 = tpu.memref_squeeze %dma_wait3A_246 : memref<1x64x128xf32, #tpu.memory_space<vmem>> -> memref<64x128xf32, #tpu.memory_space<vmem>>
      %dma_wait3A_248 = arith.constant 0 : i32
      %dma_wait3A_249 = tpu.memref_slice %arg11[%add3A_190, %dma_wait3A_248] : memref<10112x128xf32, #tpu.memory_space<vmem_shared>> -> memref<64x128xf32, #tpu.memory_space<vmem_shared>>
      %dma_wait3A_250 = arith.constant 0 : i32
      %dma_wait3A_251 = arith.constant 0 : i32
      %dma_wait3A_252 = tpu.memref_slice %arg9[%run_scoped3A_191, %dma_wait3A_250, %dma_wait3A_251] : memref<3x64x128xf32, #tpu.memory_space<vmem>> -> memref<1x64x128xf32, #tpu.memory_space<vmem>>
      %dma_wait3A_253 = tpu.memref_squeeze %dma_wait3A_252 : memref<1x64x128xf32, #tpu.memory_space<vmem>> -> memref<64x128xf32, #tpu.memory_space<vmem>>
      %dma_wait3A_254 = arith.constant 0 : i32
      %dma_wait3A_255 = tpu.memref_slice %arg11[%add3A_190, %dma_wait3A_254] : memref<10112x128xf32, #tpu.memory_space<vmem_shared>> -> memref<64x128xf32, #tpu.memory_space<vmem_shared>>
      tpu.wait_dma2 semaphore(%run_scoped3A_231 : memref<!tpu.dma_semaphore, #tpu.memory_space<semaphore_mem>>) src(%dma_wait3A_255 : memref<64x128xf32, #tpu.memory_space<vmem_shared>>) dst(%dma_wait3A_253 : memref<64x128xf32, #tpu.memory_space<vmem>>)
      tpu.yield
    }) : () -> ()
    %add3A_192 = arith.constant 192 : i32
    %add3A_193 = arith.addi %mul3A_2, %add3A_192 : i32
    %run_scoped3A_194 = arith.constant 0 : i32
    "tpu.region"() ({
      %run_scoped3A_231 = tpu.sem_alloc : memref<!tpu.dma_semaphore, #tpu.memory_space<semaphore_mem>>
      %dma_start3A_232 = arith.constant 0 : i32
      %dma_start3A_233 = arith.constant 0 : i32
      %dma_start3A_234 = tpu.memref_slice %arg9[%run_scoped3A_194, %dma_start3A_232, %dma_start3A_233] : memref<3x64x128xf32, #tpu.memory_space<vmem>> -> memref<1x64x128xf32, #tpu.memory_space<vmem>>
      %dma_start3A_235 = tpu.memref_squeeze %dma_start3A_234 : memref<1x64x128xf32, #tpu.memory_space<vmem>> -> memref<64x128xf32, #tpu.memory_space<vmem>>
      %dma_start3A_236 = arith.constant 0 : i32
      %dma_start3A_237 = tpu.memref_slice %arg6[%arg0, %add3A_193, %dma_start3A_236] : memref<2x10112x128xf32, #tpu.memory_space<hbm>> -> memref<1x64x128xf32, #tpu.memory_space<hbm>>
      %dma_start3A_238 = tpu.memref_squeeze %dma_start3A_237 : memref<1x64x128xf32, #tpu.memory_space<hbm>> -> memref<64x128xf32, #tpu.memory_space<hbm>>
      %dma_start3A_239 = arith.constant 0 : i32
      %dma_start3A_240 = tpu.memref_slice %arg6[%arg0, %add3A_193, %dma_start3A_239] : memref<2x10112x128xf32, #tpu.memory_space<hbm>> -> memref<1x64x128xf32, #tpu.memory_space<hbm>>
      %dma_start3A_241 = tpu.memref_squeeze %dma_start3A_240 : memref<1x64x128xf32, #tpu.memory_space<hbm>> -> memref<64x128xf32, #tpu.memory_space<hbm>>
      %dma_start3A_242 = arith.constant 0 : i32
      %dma_start3A_243 = arith.constant 0 : i32
      %dma_start3A_244 = tpu.memref_slice %arg9[%run_scoped3A_194, %dma_start3A_242, %dma_start3A_243] : memref<3x64x128xf32, #tpu.memory_space<vmem>> -> memref<1x64x128xf32, #tpu.memory_space<vmem>>
      %dma_start3A_245 = tpu.memref_squeeze %dma_start3A_244 : memref<1x64x128xf32, #tpu.memory_space<vmem>> -> memref<64x128xf32, #tpu.memory_space<vmem>>
      tpu.enqueue_dma source(%dma_start3A_245 : memref<64x128xf32, #tpu.memory_space<vmem>>) target(%dma_start3A_241 : memref<64x128xf32, #tpu.memory_space<hbm>>) target_semaphore(%run_scoped3A_231 : memref<!tpu.dma_semaphore, #tpu.memory_space<semaphore_mem>>)
      %dma_wait3A_246 = arith.constant 0 : i32
      %dma_wait3A_247 = arith.constant 0 : i32
      %dma_wait3A_248 = tpu.memref_slice %arg9[%run_scoped3A_194, %dma_wait3A_246, %dma_wait3A_247] : memref<3x64x128xf32, #tpu.memory_space<vmem>> -> memref<1x64x128xf32, #tpu.memory_space<vmem>>
      %dma_wait3A_249 = tpu.memref_squeeze %dma_wait3A_248 : memref<1x64x128xf32, #tpu.memory_space<vmem>> -> memref<64x128xf32, #tpu.memory_space<vmem>>
      %dma_wait3A_250 = arith.constant 0 : i32
      %dma_wait3A_251 = tpu.memref_slice %arg6[%arg0, %add3A_193, %dma_wait3A_250] : memref<2x10112x128xf32, #tpu.memory_space<hbm>> -> memref<1x64x128xf32, #tpu.memory_space<hbm>>
      %dma_wait3A_252 = tpu.memref_squeeze %dma_wait3A_251 : memref<1x64x128xf32, #tpu.memory_space<hbm>> -> memref<64x128xf32, #tpu.memory_space<hbm>>
      %dma_wait3A_253 = arith.constant 0 : i32
      %dma_wait3A_254 = tpu.memref_slice %arg6[%arg0, %add3A_193, %dma_wait3A_253] : memref<2x10112x128xf32, #tpu.memory_space<hbm>> -> memref<1x64x128xf32, #tpu.memory_space<hbm>>
      %dma_wait3A_255 = tpu.memref_squeeze %dma_wait3A_254 : memref<1x64x128xf32, #tpu.memory_space<hbm>> -> memref<64x128xf32, #tpu.memory_space<hbm>>
      %dma_wait3A_256 = arith.constant 0 : i32
      %dma_wait3A_257 = arith.constant 0 : i32
      %dma_wait3A_258 = tpu.memref_slice %arg9[%run_scoped3A_194, %dma_wait3A_256, %dma_wait3A_257] : memref<3x64x128xf32, #tpu.memory_space<vmem>> -> memref<1x64x128xf32, #tpu.memory_space<vmem>>
      %dma_wait3A_259 = tpu.memref_squeeze %dma_wait3A_258 : memref<1x64x128xf32, #tpu.memory_space<vmem>> -> memref<64x128xf32, #tpu.memory_space<vmem>>
      tpu.wait_dma2 semaphore(%run_scoped3A_231 : memref<!tpu.dma_semaphore, #tpu.memory_space<semaphore_mem>>) src(%dma_wait3A_259 : memref<64x128xf32, #tpu.memory_space<vmem>>) dst(%dma_wait3A_255 : memref<64x128xf32, #tpu.memory_space<hbm>>)
      tpu.yield
    }) : () -> ()
    %add3A_195 = arith.constant 256 : i32
    %add3A_196 = arith.addi %mul3A_2, %add3A_195 : i32
    %run_scoped3A_197 = arith.constant 0 : i32
    "tpu.region"() ({
      %run_scoped3A_231 = tpu.sem_alloc : memref<!tpu.dma_semaphore, #tpu.memory_space<semaphore_mem>>
      %dma_start3A_232 = arith.constant 0 : i32
      %dma_start3A_233 = arith.constant 0 : i32
      %dma_start3A_234 = tpu.memref_slice %arg9[%run_scoped3A_197, %dma_start3A_232, %dma_start3A_233] : memref<3x64x128xf32, #tpu.memory_space<vmem>> -> memref<1x64x128xf32, #tpu.memory_space<vmem>>
      %dma_start3A_235 = tpu.memref_squeeze %dma_start3A_234 : memref<1x64x128xf32, #tpu.memory_space<vmem>> -> memref<64x128xf32, #tpu.memory_space<vmem>>
      %dma_start3A_236 = arith.constant 0 : i32
      %dma_start3A_237 = tpu.memref_slice %arg11[%add3A_196, %dma_start3A_236] : memref<10112x128xf32, #tpu.memory_space<vmem_shared>> -> memref<64x128xf32, #tpu.memory_space<vmem_shared>>
      %dma_start3A_238 = arith.constant 0 : i32
      %dma_start3A_239 = arith.constant 0 : i32
      %dma_start3A_240 = tpu.memref_slice %arg9[%run_scoped3A_197, %dma_start3A_238, %dma_start3A_239] : memref<3x64x128xf32, #tpu.memory_space<vmem>> -> memref<1x64x128xf32, #tpu.memory_space<vmem>>
      %dma_start3A_241 = tpu.memref_squeeze %dma_start3A_240 : memref<1x64x128xf32, #tpu.memory_space<vmem>> -> memref<64x128xf32, #tpu.memory_space<vmem>>
      %dma_start3A_242 = arith.constant 0 : i32
      %dma_start3A_243 = tpu.memref_slice %arg11[%add3A_196, %dma_start3A_242] : memref<10112x128xf32, #tpu.memory_space<vmem_shared>> -> memref<64x128xf32, #tpu.memory_space<vmem_shared>>
      tpu.enqueue_dma source(%dma_start3A_243 : memref<64x128xf32, #tpu.memory_space<vmem_shared>>) target(%dma_start3A_241 : memref<64x128xf32, #tpu.memory_space<vmem>>) target_semaphore(%run_scoped3A_231 : memref<!tpu.dma_semaphore, #tpu.memory_space<semaphore_mem>>)
      %dma_wait3A_244 = arith.constant 0 : i32
      %dma_wait3A_245 = arith.constant 0 : i32
      %dma_wait3A_246 = tpu.memref_slice %arg9[%run_scoped3A_197, %dma_wait3A_244, %dma_wait3A_245] : memref<3x64x128xf32, #tpu.memory_space<vmem>> -> memref<1x64x128xf32, #tpu.memory_space<vmem>>
      %dma_wait3A_247 = tpu.memref_squeeze %dma_wait3A_246 : memref<1x64x128xf32, #tpu.memory_space<vmem>> -> memref<64x128xf32, #tpu.memory_space<vmem>>
      %dma_wait3A_248 = arith.constant 0 : i32
      %dma_wait3A_249 = tpu.memref_slice %arg11[%add3A_196, %dma_wait3A_248] : memref<10112x128xf32, #tpu.memory_space<vmem_shared>> -> memref<64x128xf32, #tpu.memory_space<vmem_shared>>
      %dma_wait3A_250 = arith.constant 0 : i32
      %dma_wait3A_251 = arith.constant 0 : i32
      %dma_wait3A_252 = tpu.memref_slice %arg9[%run_scoped3A_197, %dma_wait3A_250, %dma_wait3A_251] : memref<3x64x128xf32, #tpu.memory_space<vmem>> -> memref<1x64x128xf32, #tpu.memory_space<vmem>>
      %dma_wait3A_253 = tpu.memref_squeeze %dma_wait3A_252 : memref<1x64x128xf32, #tpu.memory_space<vmem>> -> memref<64x128xf32, #tpu.memory_space<vmem>>
      %dma_wait3A_254 = arith.constant 0 : i32
      %dma_wait3A_255 = tpu.memref_slice %arg11[%add3A_196, %dma_wait3A_254] : memref<10112x128xf32, #tpu.memory_space<vmem_shared>> -> memref<64x128xf32, #tpu.memory_space<vmem_shared>>
      tpu.wait_dma2 semaphore(%run_scoped3A_231 : memref<!tpu.dma_semaphore, #tpu.memory_space<semaphore_mem>>) src(%dma_wait3A_255 : memref<64x128xf32, #tpu.memory_space<vmem_shared>>) dst(%dma_wait3A_253 : memref<64x128xf32, #tpu.memory_space<vmem>>)
      tpu.yield
    }) : () -> ()
    %add3A_198 = arith.constant 256 : i32
    %add3A_199 = arith.addi %mul3A_2, %add3A_198 : i32
    %run_scoped3A_200 = arith.constant 0 : i32
    "tpu.region"() ({
      %run_scoped3A_231 = tpu.sem_alloc : memref<!tpu.dma_semaphore, #tpu.memory_space<semaphore_mem>>
      %dma_start3A_232 = arith.constant 0 : i32
      %dma_start3A_233 = arith.constant 0 : i32
      %dma_start3A_234 = tpu.memref_slice %arg9[%run_scoped3A_200, %dma_start3A_232, %dma_start3A_233] : memref<3x64x128xf32, #tpu.memory_space<vmem>> -> memref<1x64x128xf32, #tpu.memory_space<vmem>>
      %dma_start3A_235 = tpu.memref_squeeze %dma_start3A_234 : memref<1x64x128xf32, #tpu.memory_space<vmem>> -> memref<64x128xf32, #tpu.memory_space<vmem>>
      %dma_start3A_236 = arith.constant 0 : i32
      %dma_start3A_237 = tpu.memref_slice %arg6[%arg0, %add3A_199, %dma_start3A_236] : memref<2x10112x128xf32, #tpu.memory_space<hbm>> -> memref<1x64x128xf32, #tpu.memory_space<hbm>>
      %dma_start3A_238 = tpu.memref_squeeze %dma_start3A_237 : memref<1x64x128xf32, #tpu.memory_space<hbm>> -> memref<64x128xf32, #tpu.memory_space<hbm>>
      %dma_start3A_239 = arith.constant 0 : i32
      %dma_start3A_240 = tpu.memref_slice %arg6[%arg0, %add3A_199, %dma_start3A_239] : memref<2x10112x128xf32, #tpu.memory_space<hbm>> -> memref<1x64x128xf32, #tpu.memory_space<hbm>>
      %dma_start3A_241 = tpu.memref_squeeze %dma_start3A_240 : memref<1x64x128xf32, #tpu.memory_space<hbm>> -> memref<64x128xf32, #tpu.memory_space<hbm>>
      %dma_start3A_242 = arith.constant 0 : i32
      %dma_start3A_243 = arith.constant 0 : i32
      %dma_start3A_244 = tpu.memref_slice %arg9[%run_scoped3A_200, %dma_start3A_242, %dma_start3A_243] : memref<3x64x128xf32, #tpu.memory_space<vmem>> -> memref<1x64x128xf32, #tpu.memory_space<vmem>>
      %dma_start3A_245 = tpu.memref_squeeze %dma_start3A_244 : memref<1x64x128xf32, #tpu.memory_space<vmem>> -> memref<64x128xf32, #tpu.memory_space<vmem>>
      tpu.enqueue_dma source(%dma_start3A_245 : memref<64x128xf32, #tpu.memory_space<vmem>>) target(%dma_start3A_241 : memref<64x128xf32, #tpu.memory_space<hbm>>) target_semaphore(%run_scoped3A_231 : memref<!tpu.dma_semaphore, #tpu.memory_space<semaphore_mem>>)
      %dma_wait3A_246 = arith.constant 0 : i32
      %dma_wait3A_247 = arith.constant 0 : i32
      %dma_wait3A_248 = tpu.memref_slice %arg9[%run_scoped3A_200, %dma_wait3A_246, %dma_wait3A_247] : memref<3x64x128xf32, #tpu.memory_space<vmem>> -> memref<1x64x128xf32, #tpu.memory_space<vmem>>
      %dma_wait3A_249 = tpu.memref_squeeze %dma_wait3A_248 : memref<1x64x128xf32, #tpu.memory_space<vmem>> -> memref<64x128xf32, #tpu.memory_space<vmem>>
      %dma_wait3A_250 = arith.constant 0 : i32
      %dma_wait3A_251 = tpu.memref_slice %arg6[%arg0, %add3A_199, %dma_wait3A_250] : memref<2x10112x128xf32, #tpu.memory_space<hbm>> -> memref<1x64x128xf32, #tpu.memory_space<hbm>>
      %dma_wait3A_252 = tpu.memref_squeeze %dma_wait3A_251 : memref<1x64x128xf32, #tpu.memory_space<hbm>> -> memref<64x128xf32, #tpu.memory_space<hbm>>
      %dma_wait3A_253 = arith.constant 0 : i32
      %dma_wait3A_254 = tpu.memref_slice %arg6[%arg0, %add3A_199, %dma_wait3A_253] : memref<2x10112x128xf32, #tpu.memory_space<hbm>> -> memref<1x64x128xf32, #tpu.memory_space<hbm>>
      %dma_wait3A_255 = tpu.memref_squeeze %dma_wait3A_254 : memref<1x64x128xf32, #tpu.memory_space<hbm>> -> memref<64x128xf32, #tpu.memory_space<hbm>>
      %dma_wait3A_256 = arith.constant 0 : i32
      %dma_wait3A_257 = arith.constant 0 : i32
      %dma_wait3A_258 = tpu.memref_slice %arg9[%run_scoped3A_200, %dma_wait3A_256, %dma_wait3A_257] : memref<3x64x128xf32, #tpu.memory_space<vmem>> -> memref<1x64x128xf32, #tpu.memory_space<vmem>>
      %dma_wait3A_259 = tpu.memref_squeeze %dma_wait3A_258 : memref<1x64x128xf32, #tpu.memory_space<vmem>> -> memref<64x128xf32, #tpu.memory_space<vmem>>
      tpu.wait_dma2 semaphore(%run_scoped3A_231 : memref<!tpu.dma_semaphore, #tpu.memory_space<semaphore_mem>>) src(%dma_wait3A_259 : memref<64x128xf32, #tpu.memory_space<vmem>>) dst(%dma_wait3A_255 : memref<64x128xf32, #tpu.memory_space<hbm>>)
      tpu.yield
    }) : () -> ()
    %add3A_201 = arith.constant 320 : i32
    %add3A_202 = arith.addi %mul3A_2, %add3A_201 : i32
    %run_scoped3A_203 = arith.constant 0 : i32
    "tpu.region"() ({
      %run_scoped3A_231 = tpu.sem_alloc : memref<!tpu.dma_semaphore, #tpu.memory_space<semaphore_mem>>
      %dma_start3A_232 = arith.constant 0 : i32
      %dma_start3A_233 = arith.constant 0 : i32
      %dma_start3A_234 = tpu.memref_slice %arg9[%run_scoped3A_203, %dma_start3A_232, %dma_start3A_233] : memref<3x64x128xf32, #tpu.memory_space<vmem>> -> memref<1x64x128xf32, #tpu.memory_space<vmem>>
      %dma_start3A_235 = tpu.memref_squeeze %dma_start3A_234 : memref<1x64x128xf32, #tpu.memory_space<vmem>> -> memref<64x128xf32, #tpu.memory_space<vmem>>
      %dma_start3A_236 = arith.constant 0 : i32
      %dma_start3A_237 = tpu.memref_slice %arg11[%add3A_202, %dma_start3A_236] : memref<10112x128xf32, #tpu.memory_space<vmem_shared>> -> memref<64x128xf32, #tpu.memory_space<vmem_shared>>
      %dma_start3A_238 = arith.constant 0 : i32
      %dma_start3A_239 = arith.constant 0 : i32
      %dma_start3A_240 = tpu.memref_slice %arg9[%run_scoped3A_203, %dma_start3A_238, %dma_start3A_239] : memref<3x64x128xf32, #tpu.memory_space<vmem>> -> memref<1x64x128xf32, #tpu.memory_space<vmem>>
      %dma_start3A_241 = tpu.memref_squeeze %dma_start3A_240 : memref<1x64x128xf32, #tpu.memory_space<vmem>> -> memref<64x128xf32, #tpu.memory_space<vmem>>
      %dma_start3A_242 = arith.constant 0 : i32
      %dma_start3A_243 = tpu.memref_slice %arg11[%add3A_202, %dma_start3A_242] : memref<10112x128xf32, #tpu.memory_space<vmem_shared>> -> memref<64x128xf32, #tpu.memory_space<vmem_shared>>
      tpu.enqueue_dma source(%dma_start3A_243 : memref<64x128xf32, #tpu.memory_space<vmem_shared>>) target(%dma_start3A_241 : memref<64x128xf32, #tpu.memory_space<vmem>>) target_semaphore(%run_scoped3A_231 : memref<!tpu.dma_semaphore, #tpu.memory_space<semaphore_mem>>)
      %dma_wait3A_244 = arith.constant 0 : i32
      %dma_wait3A_245 = arith.constant 0 : i32
      %dma_wait3A_246 = tpu.memref_slice %arg9[%run_scoped3A_203, %dma_wait3A_244, %dma_wait3A_245] : memref<3x64x128xf32, #tpu.memory_space<vmem>> -> memref<1x64x128xf32, #tpu.memory_space<vmem>>
      %dma_wait3A_247 = tpu.memref_squeeze %dma_wait3A_246 : memref<1x64x128xf32, #tpu.memory_space<vmem>> -> memref<64x128xf32, #tpu.memory_space<vmem>>
      %dma_wait3A_248 = arith.constant 0 : i32
      %dma_wait3A_249 = tpu.memref_slice %arg11[%add3A_202, %dma_wait3A_248] : memref<10112x128xf32, #tpu.memory_space<vmem_shared>> -> memref<64x128xf32, #tpu.memory_space<vmem_shared>>
      %dma_wait3A_250 = arith.constant 0 : i32
      %dma_wait3A_251 = arith.constant 0 : i32
      %dma_wait3A_252 = tpu.memref_slice %arg9[%run_scoped3A_203, %dma_wait3A_250, %dma_wait3A_251] : memref<3x64x128xf32, #tpu.memory_space<vmem>> -> memref<1x64x128xf32, #tpu.memory_space<vmem>>
      %dma_wait3A_253 = tpu.memref_squeeze %dma_wait3A_252 : memref<1x64x128xf32, #tpu.memory_space<vmem>> -> memref<64x128xf32, #tpu.memory_space<vmem>>
      %dma_wait3A_254 = arith.constant 0 : i32
      %dma_wait3A_255 = tpu.memref_slice %arg11[%add3A_202, %dma_wait3A_254] : memref<10112x128xf32, #tpu.memory_space<vmem_shared>> -> memref<64x128xf32, #tpu.memory_space<vmem_shared>>
      tpu.wait_dma2 semaphore(%run_scoped3A_231 : memref<!tpu.dma_semaphore, #tpu.memory_space<semaphore_mem>>) src(%dma_wait3A_255 : memref<64x128xf32, #tpu.memory_space<vmem_shared>>) dst(%dma_wait3A_253 : memref<64x128xf32, #tpu.memory_space<vmem>>)
      tpu.yield
    }) : () -> ()
    %add3A_204 = arith.constant 320 : i32
    %add3A_205 = arith.addi %mul3A_2, %add3A_204 : i32
    %run_scoped3A_206 = arith.constant 0 : i32
    "tpu.region"() ({
      %run_scoped3A_231 = tpu.sem_alloc : memref<!tpu.dma_semaphore, #tpu.memory_space<semaphore_mem>>
      %dma_start3A_232 = arith.constant 0 : i32
      %dma_start3A_233 = arith.constant 0 : i32
      %dma_start3A_234 = tpu.memref_slice %arg9[%run_scoped3A_206, %dma_start3A_232, %dma_start3A_233] : memref<3x64x128xf32, #tpu.memory_space<vmem>> -> memref<1x64x128xf32, #tpu.memory_space<vmem>>
      %dma_start3A_235 = tpu.memref_squeeze %dma_start3A_234 : memref<1x64x128xf32, #tpu.memory_space<vmem>> -> memref<64x128xf32, #tpu.memory_space<vmem>>
      %dma_start3A_236 = arith.constant 0 : i32
      %dma_start3A_237 = tpu.memref_slice %arg6[%arg0, %add3A_205, %dma_start3A_236] : memref<2x10112x128xf32, #tpu.memory_space<hbm>> -> memref<1x64x128xf32, #tpu.memory_space<hbm>>
      %dma_start3A_238 = tpu.memref_squeeze %dma_start3A_237 : memref<1x64x128xf32, #tpu.memory_space<hbm>> -> memref<64x128xf32, #tpu.memory_space<hbm>>
      %dma_start3A_239 = arith.constant 0 : i32
      %dma_start3A_240 = tpu.memref_slice %arg6[%arg0, %add3A_205, %dma_start3A_239] : memref<2x10112x128xf32, #tpu.memory_space<hbm>> -> memref<1x64x128xf32, #tpu.memory_space<hbm>>
      %dma_start3A_241 = tpu.memref_squeeze %dma_start3A_240 : memref<1x64x128xf32, #tpu.memory_space<hbm>> -> memref<64x128xf32, #tpu.memory_space<hbm>>
      %dma_start3A_242 = arith.constant 0 : i32
      %dma_start3A_243 = arith.constant 0 : i32
      %dma_start3A_244 = tpu.memref_slice %arg9[%run_scoped3A_206, %dma_start3A_242, %dma_start3A_243] : memref<3x64x128xf32, #tpu.memory_space<vmem>> -> memref<1x64x128xf32, #tpu.memory_space<vmem>>
      %dma_start3A_245 = tpu.memref_squeeze %dma_start3A_244 : memref<1x64x128xf32, #tpu.memory_space<vmem>> -> memref<64x128xf32, #tpu.memory_space<vmem>>
      tpu.enqueue_dma source(%dma_start3A_245 : memref<64x128xf32, #tpu.memory_space<vmem>>) target(%dma_start3A_241 : memref<64x128xf32, #tpu.memory_space<hbm>>) target_semaphore(%run_scoped3A_231 : memref<!tpu.dma_semaphore, #tpu.memory_space<semaphore_mem>>)
      %dma_wait3A_246 = arith.constant 0 : i32
      %dma_wait3A_247 = arith.constant 0 : i32
      %dma_wait3A_248 = tpu.memref_slice %arg9[%run_scoped3A_206, %dma_wait3A_246, %dma_wait3A_247] : memref<3x64x128xf32, #tpu.memory_space<vmem>> -> memref<1x64x128xf32, #tpu.memory_space<vmem>>
      %dma_wait3A_249 = tpu.memref_squeeze %dma_wait3A_248 : memref<1x64x128xf32, #tpu.memory_space<vmem>> -> memref<64x128xf32, #tpu.memory_space<vmem>>
      %dma_wait3A_250 = arith.constant 0 : i32
      %dma_wait3A_251 = tpu.memref_slice %arg6[%arg0, %add3A_205, %dma_wait3A_250] : memref<2x10112x128xf32, #tpu.memory_space<hbm>> -> memref<1x64x128xf32, #tpu.memory_space<hbm>>
      %dma_wait3A_252 = tpu.memref_squeeze %dma_wait3A_251 : memref<1x64x128xf32, #tpu.memory_space<hbm>> -> memref<64x128xf32, #tpu.memory_space<hbm>>
      %dma_wait3A_253 = arith.constant 0 : i32
      %dma_wait3A_254 = tpu.memref_slice %arg6[%arg0, %add3A_205, %dma_wait3A_253] : memref<2x10112x128xf32, #tpu.memory_space<hbm>> -> memref<1x64x128xf32, #tpu.memory_space<hbm>>
      %dma_wait3A_255 = tpu.memref_squeeze %dma_wait3A_254 : memref<1x64x128xf32, #tpu.memory_space<hbm>> -> memref<64x128xf32, #tpu.memory_space<hbm>>
      %dma_wait3A_256 = arith.constant 0 : i32
      %dma_wait3A_257 = arith.constant 0 : i32
      %dma_wait3A_258 = tpu.memref_slice %arg9[%run_scoped3A_206, %dma_wait3A_256, %dma_wait3A_257] : memref<3x64x128xf32, #tpu.memory_space<vmem>> -> memref<1x64x128xf32, #tpu.memory_space<vmem>>
      %dma_wait3A_259 = tpu.memref_squeeze %dma_wait3A_258 : memref<1x64x128xf32, #tpu.memory_space<vmem>> -> memref<64x128xf32, #tpu.memory_space<vmem>>
      tpu.wait_dma2 semaphore(%run_scoped3A_231 : memref<!tpu.dma_semaphore, #tpu.memory_space<semaphore_mem>>) src(%dma_wait3A_259 : memref<64x128xf32, #tpu.memory_space<vmem>>) dst(%dma_wait3A_255 : memref<64x128xf32, #tpu.memory_space<hbm>>)
      tpu.yield
    }) : () -> ()
    %add3A_207 = arith.constant 384 : i32
    %add3A_208 = arith.addi %mul3A_2, %add3A_207 : i32
    %run_scoped3A_209 = arith.constant 0 : i32
    "tpu.region"() ({
      %run_scoped3A_231 = tpu.sem_alloc : memref<!tpu.dma_semaphore, #tpu.memory_space<semaphore_mem>>
      %dma_start3A_232 = arith.constant 0 : i32
      %dma_start3A_233 = arith.constant 0 : i32
      %dma_start3A_234 = tpu.memref_slice %arg9[%run_scoped3A_209, %dma_start3A_232, %dma_start3A_233] : memref<3x64x128xf32, #tpu.memory_space<vmem>> -> memref<1x64x128xf32, #tpu.memory_space<vmem>>
      %dma_start3A_235 = tpu.memref_squeeze %dma_start3A_234 : memref<1x64x128xf32, #tpu.memory_space<vmem>> -> memref<64x128xf32, #tpu.memory_space<vmem>>
      %dma_start3A_236 = arith.constant 0 : i32
      %dma_start3A_237 = tpu.memref_slice %arg11[%add3A_208, %dma_start3A_236] : memref<10112x128xf32, #tpu.memory_space<vmem_shared>> -> memref<64x128xf32, #tpu.memory_space<vmem_shared>>
      %dma_start3A_238 = arith.constant 0 : i32
      %dma_start3A_239 = arith.constant 0 : i32
      %dma_start3A_240 = tpu.memref_slice %arg9[%run_scoped3A_209, %dma_start3A_238, %dma_start3A_239] : memref<3x64x128xf32, #tpu.memory_space<vmem>> -> memref<1x64x128xf32, #tpu.memory_space<vmem>>
      %dma_start3A_241 = tpu.memref_squeeze %dma_start3A_240 : memref<1x64x128xf32, #tpu.memory_space<vmem>> -> memref<64x128xf32, #tpu.memory_space<vmem>>
      %dma_start3A_242 = arith.constant 0 : i32
      %dma_start3A_243 = tpu.memref_slice %arg11[%add3A_208, %dma_start3A_242] : memref<10112x128xf32, #tpu.memory_space<vmem_shared>> -> memref<64x128xf32, #tpu.memory_space<vmem_shared>>
      tpu.enqueue_dma source(%dma_start3A_243 : memref<64x128xf32, #tpu.memory_space<vmem_shared>>) target(%dma_start3A_241 : memref<64x128xf32, #tpu.memory_space<vmem>>) target_semaphore(%run_scoped3A_231 : memref<!tpu.dma_semaphore, #tpu.memory_space<semaphore_mem>>)
      %dma_wait3A_244 = arith.constant 0 : i32
      %dma_wait3A_245 = arith.constant 0 : i32
      %dma_wait3A_246 = tpu.memref_slice %arg9[%run_scoped3A_209, %dma_wait3A_244, %dma_wait3A_245] : memref<3x64x128xf32, #tpu.memory_space<vmem>> -> memref<1x64x128xf32, #tpu.memory_space<vmem>>
      %dma_wait3A_247 = tpu.memref_squeeze %dma_wait3A_246 : memref<1x64x128xf32, #tpu.memory_space<vmem>> -> memref<64x128xf32, #tpu.memory_space<vmem>>
      %dma_wait3A_248 = arith.constant 0 : i32
      %dma_wait3A_249 = tpu.memref_slice %arg11[%add3A_208, %dma_wait3A_248] : memref<10112x128xf32, #tpu.memory_space<vmem_shared>> -> memref<64x128xf32, #tpu.memory_space<vmem_shared>>
      %dma_wait3A_250 = arith.constant 0 : i32
      %dma_wait3A_251 = arith.constant 0 : i32
      %dma_wait3A_252 = tpu.memref_slice %arg9[%run_scoped3A_209, %dma_wait3A_250, %dma_wait3A_251] : memref<3x64x128xf32, #tpu.memory_space<vmem>> -> memref<1x64x128xf32, #tpu.memory_space<vmem>>
      %dma_wait3A_253 = tpu.memref_squeeze %dma_wait3A_252 : memref<1x64x128xf32, #tpu.memory_space<vmem>> -> memref<64x128xf32, #tpu.memory_space<vmem>>
      %dma_wait3A_254 = arith.constant 0 : i32
      %dma_wait3A_255 = tpu.memref_slice %arg11[%add3A_208, %dma_wait3A_254] : memref<10112x128xf32, #tpu.memory_space<vmem_shared>> -> memref<64x128xf32, #tpu.memory_space<vmem_shared>>
      tpu.wait_dma2 semaphore(%run_scoped3A_231 : memref<!tpu.dma_semaphore, #tpu.memory_space<semaphore_mem>>) src(%dma_wait3A_255 : memref<64x128xf32, #tpu.memory_space<vmem_shared>>) dst(%dma_wait3A_253 : memref<64x128xf32, #tpu.memory_space<vmem>>)
      tpu.yield
    }) : () -> ()
    %add3A_210 = arith.constant 384 : i32
    %add3A_211 = arith.addi %mul3A_2, %add3A_210 : i32
    %run_scoped3A_212 = arith.constant 0 : i32
    "tpu.region"() ({
      %run_scoped3A_231 = tpu.sem_alloc : memref<!tpu.dma_semaphore, #tpu.memory_space<semaphore_mem>>
      %dma_start3A_232 = arith.constant 0 : i32
      %dma_start3A_233 = arith.constant 0 : i32
      %dma_start3A_234 = tpu.memref_slice %arg9[%run_scoped3A_212, %dma_start3A_232, %dma_start3A_233] : memref<3x64x128xf32, #tpu.memory_space<vmem>> -> memref<1x64x128xf32, #tpu.memory_space<vmem>>
      %dma_start3A_235 = tpu.memref_squeeze %dma_start3A_234 : memref<1x64x128xf32, #tpu.memory_space<vmem>> -> memref<64x128xf32, #tpu.memory_space<vmem>>
      %dma_start3A_236 = arith.constant 0 : i32
      %dma_start3A_237 = tpu.memref_slice %arg6[%arg0, %add3A_211, %dma_start3A_236] : memref<2x10112x128xf32, #tpu.memory_space<hbm>> -> memref<1x64x128xf32, #tpu.memory_space<hbm>>
      %dma_start3A_238 = tpu.memref_squeeze %dma_start3A_237 : memref<1x64x128xf32, #tpu.memory_space<hbm>> -> memref<64x128xf32, #tpu.memory_space<hbm>>
      %dma_start3A_239 = arith.constant 0 : i32
      %dma_start3A_240 = tpu.memref_slice %arg6[%arg0, %add3A_211, %dma_start3A_239] : memref<2x10112x128xf32, #tpu.memory_space<hbm>> -> memref<1x64x128xf32, #tpu.memory_space<hbm>>
      %dma_start3A_241 = tpu.memref_squeeze %dma_start3A_240 : memref<1x64x128xf32, #tpu.memory_space<hbm>> -> memref<64x128xf32, #tpu.memory_space<hbm>>
      %dma_start3A_242 = arith.constant 0 : i32
      %dma_start3A_243 = arith.constant 0 : i32
      %dma_start3A_244 = tpu.memref_slice %arg9[%run_scoped3A_212, %dma_start3A_242, %dma_start3A_243] : memref<3x64x128xf32, #tpu.memory_space<vmem>> -> memref<1x64x128xf32, #tpu.memory_space<vmem>>
      %dma_start3A_245 = tpu.memref_squeeze %dma_start3A_244 : memref<1x64x128xf32, #tpu.memory_space<vmem>> -> memref<64x128xf32, #tpu.memory_space<vmem>>
      tpu.enqueue_dma source(%dma_start3A_245 : memref<64x128xf32, #tpu.memory_space<vmem>>) target(%dma_start3A_241 : memref<64x128xf32, #tpu.memory_space<hbm>>) target_semaphore(%run_scoped3A_231 : memref<!tpu.dma_semaphore, #tpu.memory_space<semaphore_mem>>)
      %dma_wait3A_246 = arith.constant 0 : i32
      %dma_wait3A_247 = arith.constant 0 : i32
      %dma_wait3A_248 = tpu.memref_slice %arg9[%run_scoped3A_212, %dma_wait3A_246, %dma_wait3A_247] : memref<3x64x128xf32, #tpu.memory_space<vmem>> -> memref<1x64x128xf32, #tpu.memory_space<vmem>>
      %dma_wait3A_249 = tpu.memref_squeeze %dma_wait3A_248 : memref<1x64x128xf32, #tpu.memory_space<vmem>> -> memref<64x128xf32, #tpu.memory_space<vmem>>
      %dma_wait3A_250 = arith.constant 0 : i32
      %dma_wait3A_251 = tpu.memref_slice %arg6[%arg0, %add3A_211, %dma_wait3A_250] : memref<2x10112x128xf32, #tpu.memory_space<hbm>> -> memref<1x64x128xf32, #tpu.memory_space<hbm>>
      %dma_wait3A_252 = tpu.memref_squeeze %dma_wait3A_251 : memref<1x64x128xf32, #tpu.memory_space<hbm>> -> memref<64x128xf32, #tpu.memory_space<hbm>>
      %dma_wait3A_253 = arith.constant 0 : i32
      %dma_wait3A_254 = tpu.memref_slice %arg6[%arg0, %add3A_211, %dma_wait3A_253] : memref<2x10112x128xf32, #tpu.memory_space<hbm>> -> memref<1x64x128xf32, #tpu.memory_space<hbm>>
      %dma_wait3A_255 = tpu.memref_squeeze %dma_wait3A_254 : memref<1x64x128xf32, #tpu.memory_space<hbm>> -> memref<64x128xf32, #tpu.memory_space<hbm>>
      %dma_wait3A_256 = arith.constant 0 : i32
      %dma_wait3A_257 = arith.constant 0 : i32
      %dma_wait3A_258 = tpu.memref_slice %arg9[%run_scoped3A_212, %dma_wait3A_256, %dma_wait3A_257] : memref<3x64x128xf32, #tpu.memory_space<vmem>> -> memref<1x64x128xf32, #tpu.memory_space<vmem>>
      %dma_wait3A_259 = tpu.memref_squeeze %dma_wait3A_258 : memref<1x64x128xf32, #tpu.memory_space<vmem>> -> memref<64x128xf32, #tpu.memory_space<vmem>>
      tpu.wait_dma2 semaphore(%run_scoped3A_231 : memref<!tpu.dma_semaphore, #tpu.memory_space<semaphore_mem>>) src(%dma_wait3A_259 : memref<64x128xf32, #tpu.memory_space<vmem>>) dst(%dma_wait3A_255 : memref<64x128xf32, #tpu.memory_space<hbm>>)
      tpu.yield
    }) : () -> ()
    %add3A_213 = arith.constant 448 : i32
    %add3A_214 = arith.addi %mul3A_2, %add3A_213 : i32
    %run_scoped3A_215 = arith.constant 0 : i32
    "tpu.region"() ({
      %run_scoped3A_231 = tpu.sem_alloc : memref<!tpu.dma_semaphore, #tpu.memory_space<semaphore_mem>>
      %dma_start3A_232 = arith.constant 0 : i32
      %dma_start3A_233 = arith.constant 0 : i32
      %dma_start3A_234 = tpu.memref_slice %arg9[%run_scoped3A_215, %dma_start3A_232, %dma_start3A_233] : memref<3x64x128xf32, #tpu.memory_space<vmem>> -> memref<1x64x128xf32, #tpu.memory_space<vmem>>
      %dma_start3A_235 = tpu.memref_squeeze %dma_start3A_234 : memref<1x64x128xf32, #tpu.memory_space<vmem>> -> memref<64x128xf32, #tpu.memory_space<vmem>>
      %dma_start3A_236 = arith.constant 0 : i32
      %dma_start3A_237 = tpu.memref_slice %arg11[%add3A_214, %dma_start3A_236] : memref<10112x128xf32, #tpu.memory_space<vmem_shared>> -> memref<64x128xf32, #tpu.memory_space<vmem_shared>>
      %dma_start3A_238 = arith.constant 0 : i32
      %dma_start3A_239 = arith.constant 0 : i32
      %dma_start3A_240 = tpu.memref_slice %arg9[%run_scoped3A_215, %dma_start3A_238, %dma_start3A_239] : memref<3x64x128xf32, #tpu.memory_space<vmem>> -> memref<1x64x128xf32, #tpu.memory_space<vmem>>
      %dma_start3A_241 = tpu.memref_squeeze %dma_start3A_240 : memref<1x64x128xf32, #tpu.memory_space<vmem>> -> memref<64x128xf32, #tpu.memory_space<vmem>>
      %dma_start3A_242 = arith.constant 0 : i32
      %dma_start3A_243 = tpu.memref_slice %arg11[%add3A_214, %dma_start3A_242] : memref<10112x128xf32, #tpu.memory_space<vmem_shared>> -> memref<64x128xf32, #tpu.memory_space<vmem_shared>>
      tpu.enqueue_dma source(%dma_start3A_243 : memref<64x128xf32, #tpu.memory_space<vmem_shared>>) target(%dma_start3A_241 : memref<64x128xf32, #tpu.memory_space<vmem>>) target_semaphore(%run_scoped3A_231 : memref<!tpu.dma_semaphore, #tpu.memory_space<semaphore_mem>>)
      %dma_wait3A_244 = arith.constant 0 : i32
      %dma_wait3A_245 = arith.constant 0 : i32
      %dma_wait3A_246 = tpu.memref_slice %arg9[%run_scoped3A_215, %dma_wait3A_244, %dma_wait3A_245] : memref<3x64x128xf32, #tpu.memory_space<vmem>> -> memref<1x64x128xf32, #tpu.memory_space<vmem>>
      %dma_wait3A_247 = tpu.memref_squeeze %dma_wait3A_246 : memref<1x64x128xf32, #tpu.memory_space<vmem>> -> memref<64x128xf32, #tpu.memory_space<vmem>>
      %dma_wait3A_248 = arith.constant 0 : i32
      %dma_wait3A_249 = tpu.memref_slice %arg11[%add3A_214, %dma_wait3A_248] : memref<10112x128xf32, #tpu.memory_space<vmem_shared>> -> memref<64x128xf32, #tpu.memory_space<vmem_shared>>
      %dma_wait3A_250 = arith.constant 0 : i32
      %dma_wait3A_251 = arith.constant 0 : i32
      %dma_wait3A_252 = tpu.memref_slice %arg9[%run_scoped3A_215, %dma_wait3A_250, %dma_wait3A_251] : memref<3x64x128xf32, #tpu.memory_space<vmem>> -> memref<1x64x128xf32, #tpu.memory_space<vmem>>
      %dma_wait3A_253 = tpu.memref_squeeze %dma_wait3A_252 : memref<1x64x128xf32, #tpu.memory_space<vmem>> -> memref<64x128xf32, #tpu.memory_space<vmem>>
      %dma_wait3A_254 = arith.constant 0 : i32
      %dma_wait3A_255 = tpu.memref_slice %arg11[%add3A_214, %dma_wait3A_254] : memref<10112x128xf32, #tpu.memory_space<vmem_shared>> -> memref<64x128xf32, #tpu.memory_space<vmem_shared>>
      tpu.wait_dma2 semaphore(%run_scoped3A_231 : memref<!tpu.dma_semaphore, #tpu.memory_space<semaphore_mem>>) src(%dma_wait3A_255 : memref<64x128xf32, #tpu.memory_space<vmem_shared>>) dst(%dma_wait3A_253 : memref<64x128xf32, #tpu.memory_space<vmem>>)
      tpu.yield
    }) : () -> ()
    %add3A_216 = arith.constant 448 : i32
    %add3A_217 = arith.addi %mul3A_2, %add3A_216 : i32
    %run_scoped3A_218 = arith.constant 0 : i32
    "tpu.region"() ({
      %run_scoped3A_231 = tpu.sem_alloc : memref<!tpu.dma_semaphore, #tpu.memory_space<semaphore_mem>>
      %dma_start3A_232 = arith.constant 0 : i32
      %dma_start3A_233 = arith.constant 0 : i32
      %dma_start3A_234 = tpu.memref_slice %arg9[%run_scoped3A_218, %dma_start3A_232, %dma_start3A_233] : memref<3x64x128xf32, #tpu.memory_space<vmem>> -> memref<1x64x128xf32, #tpu.memory_space<vmem>>
      %dma_start3A_235 = tpu.memref_squeeze %dma_start3A_234 : memref<1x64x128xf32, #tpu.memory_space<vmem>> -> memref<64x128xf32, #tpu.memory_space<vmem>>
      %dma_start3A_236 = arith.constant 0 : i32
      %dma_start3A_237 = tpu.memref_slice %arg6[%arg0, %add3A_217, %dma_start3A_236] : memref<2x10112x128xf32, #tpu.memory_space<hbm>> -> memref<1x64x128xf32, #tpu.memory_space<hbm>>
      %dma_start3A_238 = tpu.memref_squeeze %dma_start3A_237 : memref<1x64x128xf32, #tpu.memory_space<hbm>> -> memref<64x128xf32, #tpu.memory_space<hbm>>
      %dma_start3A_239 = arith.constant 0 : i32
      %dma_start3A_240 = tpu.memref_slice %arg6[%arg0, %add3A_217, %dma_start3A_239] : memref<2x10112x128xf32, #tpu.memory_space<hbm>> -> memref<1x64x128xf32, #tpu.memory_space<hbm>>
      %dma_start3A_241 = tpu.memref_squeeze %dma_start3A_240 : memref<1x64x128xf32, #tpu.memory_space<hbm>> -> memref<64x128xf32, #tpu.memory_space<hbm>>
      %dma_start3A_242 = arith.constant 0 : i32
      %dma_start3A_243 = arith.constant 0 : i32
      %dma_start3A_244 = tpu.memref_slice %arg9[%run_scoped3A_218, %dma_start3A_242, %dma_start3A_243] : memref<3x64x128xf32, #tpu.memory_space<vmem>> -> memref<1x64x128xf32, #tpu.memory_space<vmem>>
      %dma_start3A_245 = tpu.memref_squeeze %dma_start3A_244 : memref<1x64x128xf32, #tpu.memory_space<vmem>> -> memref<64x128xf32, #tpu.memory_space<vmem>>
      tpu.enqueue_dma source(%dma_start3A_245 : memref<64x128xf32, #tpu.memory_space<vmem>>) target(%dma_start3A_241 : memref<64x128xf32, #tpu.memory_space<hbm>>) target_semaphore(%run_scoped3A_231 : memref<!tpu.dma_semaphore, #tpu.memory_space<semaphore_mem>>)
      %dma_wait3A_246 = arith.constant 0 : i32
      %dma_wait3A_247 = arith.constant 0 : i32
      %dma_wait3A_248 = tpu.memref_slice %arg9[%run_scoped3A_218, %dma_wait3A_246, %dma_wait3A_247] : memref<3x64x128xf32, #tpu.memory_space<vmem>> -> memref<1x64x128xf32, #tpu.memory_space<vmem>>
      %dma_wait3A_249 = tpu.memref_squeeze %dma_wait3A_248 : memref<1x64x128xf32, #tpu.memory_space<vmem>> -> memref<64x128xf32, #tpu.memory_space<vmem>>
      %dma_wait3A_250 = arith.constant 0 : i32
      %dma_wait3A_251 = tpu.memref_slice %arg6[%arg0, %add3A_217, %dma_wait3A_250] : memref<2x10112x128xf32, #tpu.memory_space<hbm>> -> memref<1x64x128xf32, #tpu.memory_space<hbm>>
      %dma_wait3A_252 = tpu.memref_squeeze %dma_wait3A_251 : memref<1x64x128xf32, #tpu.memory_space<hbm>> -> memref<64x128xf32, #tpu.memory_space<hbm>>
      %dma_wait3A_253 = arith.constant 0 : i32
      %dma_wait3A_254 = tpu.memref_slice %arg6[%arg0, %add3A_217, %dma_wait3A_253] : memref<2x10112x128xf32, #tpu.memory_space<hbm>> -> memref<1x64x128xf32, #tpu.memory_space<hbm>>
      %dma_wait3A_255 = tpu.memref_squeeze %dma_wait3A_254 : memref<1x64x128xf32, #tpu.memory_space<hbm>> -> memref<64x128xf32, #tpu.memory_space<hbm>>
      %dma_wait3A_256 = arith.constant 0 : i32
      %dma_wait3A_257 = arith.constant 0 : i32
      %dma_wait3A_258 = tpu.memref_slice %arg9[%run_scoped3A_218, %dma_wait3A_256, %dma_wait3A_257] : memref<3x64x128xf32, #tpu.memory_space<vmem>> -> memref<1x64x128xf32, #tpu.memory_space<vmem>>
      %dma_wait3A_259 = tpu.memref_squeeze %dma_wait3A_258 : memref<1x64x128xf32, #tpu.memory_space<vmem>> -> memref<64x128xf32, #tpu.memory_space<vmem>>
      tpu.wait_dma2 semaphore(%run_scoped3A_231 : memref<!tpu.dma_semaphore, #tpu.memory_space<semaphore_mem>>) src(%dma_wait3A_259 : memref<64x128xf32, #tpu.memory_space<vmem>>) dst(%dma_wait3A_255 : memref<64x128xf32, #tpu.memory_space<hbm>>)
      tpu.yield
    }) : () -> ()
    %add3A_219 = arith.constant 512 : i32
    %add3A_220 = arith.addi %mul3A_2, %add3A_219 : i32
    %run_scoped3A_221 = arith.constant 0 : i32
    "tpu.region"() ({
      %run_scoped3A_231 = tpu.sem_alloc : memref<!tpu.dma_semaphore, #tpu.memory_space<semaphore_mem>>
      %dma_start3A_232 = arith.constant 0 : i32
      %dma_start3A_233 = arith.constant 0 : i32
      %dma_start3A_234 = tpu.memref_slice %arg9[%run_scoped3A_221, %dma_start3A_232, %dma_start3A_233] : memref<3x64x128xf32, #tpu.memory_space<vmem>> -> memref<1x64x128xf32, #tpu.memory_space<vmem>>
      %dma_start3A_235 = tpu.memref_squeeze %dma_start3A_234 : memref<1x64x128xf32, #tpu.memory_space<vmem>> -> memref<64x128xf32, #tpu.memory_space<vmem>>
      %dma_start3A_236 = arith.constant 0 : i32
      %dma_start3A_237 = tpu.memref_slice %arg11[%add3A_220, %dma_start3A_236] : memref<10112x128xf32, #tpu.memory_space<vmem_shared>> -> memref<64x128xf32, #tpu.memory_space<vmem_shared>>
      %dma_start3A_238 = arith.constant 0 : i32
      %dma_start3A_239 = arith.constant 0 : i32
      %dma_start3A_240 = tpu.memref_slice %arg9[%run_scoped3A_221, %dma_start3A_238, %dma_start3A_239] : memref<3x64x128xf32, #tpu.memory_space<vmem>> -> memref<1x64x128xf32, #tpu.memory_space<vmem>>
      %dma_start3A_241 = tpu.memref_squeeze %dma_start3A_240 : memref<1x64x128xf32, #tpu.memory_space<vmem>> -> memref<64x128xf32, #tpu.memory_space<vmem>>
      %dma_start3A_242 = arith.constant 0 : i32
      %dma_start3A_243 = tpu.memref_slice %arg11[%add3A_220, %dma_start3A_242] : memref<10112x128xf32, #tpu.memory_space<vmem_shared>> -> memref<64x128xf32, #tpu.memory_space<vmem_shared>>
      tpu.enqueue_dma source(%dma_start3A_243 : memref<64x128xf32, #tpu.memory_space<vmem_shared>>) target(%dma_start3A_241 : memref<64x128xf32, #tpu.memory_space<vmem>>) target_semaphore(%run_scoped3A_231 : memref<!tpu.dma_semaphore, #tpu.memory_space<semaphore_mem>>)
      %dma_wait3A_244 = arith.constant 0 : i32
      %dma_wait3A_245 = arith.constant 0 : i32
      %dma_wait3A_246 = tpu.memref_slice %arg9[%run_scoped3A_221, %dma_wait3A_244, %dma_wait3A_245] : memref<3x64x128xf32, #tpu.memory_space<vmem>> -> memref<1x64x128xf32, #tpu.memory_space<vmem>>
      %dma_wait3A_247 = tpu.memref_squeeze %dma_wait3A_246 : memref<1x64x128xf32, #tpu.memory_space<vmem>> -> memref<64x128xf32, #tpu.memory_space<vmem>>
      %dma_wait3A_248 = arith.constant 0 : i32
      %dma_wait3A_249 = tpu.memref_slice %arg11[%add3A_220, %dma_wait3A_248] : memref<10112x128xf32, #tpu.memory_space<vmem_shared>> -> memref<64x128xf32, #tpu.memory_space<vmem_shared>>
      %dma_wait3A_250 = arith.constant 0 : i32
      %dma_wait3A_251 = arith.constant 0 : i32
      %dma_wait3A_252 = tpu.memref_slice %arg9[%run_scoped3A_221, %dma_wait3A_250, %dma_wait3A_251] : memref<3x64x128xf32, #tpu.memory_space<vmem>> -> memref<1x64x128xf32, #tpu.memory_space<vmem>>
      %dma_wait3A_253 = tpu.memref_squeeze %dma_wait3A_252 : memref<1x64x128xf32, #tpu.memory_space<vmem>> -> memref<64x128xf32, #tpu.memory_space<vmem>>
      %dma_wait3A_254 = arith.constant 0 : i32
      %dma_wait3A_255 = tpu.memref_slice %arg11[%add3A_220, %dma_wait3A_254] : memref<10112x128xf32, #tpu.memory_space<vmem_shared>> -> memref<64x128xf32, #tpu.memory_space<vmem_shared>>
      tpu.wait_dma2 semaphore(%run_scoped3A_231 : memref<!tpu.dma_semaphore, #tpu.memory_space<semaphore_mem>>) src(%dma_wait3A_255 : memref<64x128xf32, #tpu.memory_space<vmem_shared>>) dst(%dma_wait3A_253 : memref<64x128xf32, #tpu.memory_space<vmem>>)
      tpu.yield
    }) : () -> ()
    %add3A_222 = arith.constant 512 : i32
    %add3A_223 = arith.addi %mul3A_2, %add3A_222 : i32
    %run_scoped3A_224 = arith.constant 0 : i32
    "tpu.region"() ({
      %run_scoped3A_231 = tpu.sem_alloc : memref<!tpu.dma_semaphore, #tpu.memory_space<semaphore_mem>>
      %dma_start3A_232 = arith.constant 0 : i32
      %dma_start3A_233 = arith.constant 0 : i32
      %dma_start3A_234 = tpu.memref_slice %arg9[%run_scoped3A_224, %dma_start3A_232, %dma_start3A_233] : memref<3x64x128xf32, #tpu.memory_space<vmem>> -> memref<1x64x128xf32, #tpu.memory_space<vmem>>
      %dma_start3A_235 = tpu.memref_squeeze %dma_start3A_234 : memref<1x64x128xf32, #tpu.memory_space<vmem>> -> memref<64x128xf32, #tpu.memory_space<vmem>>
      %dma_start3A_236 = arith.constant 0 : i32
      %dma_start3A_237 = tpu.memref_slice %arg6[%arg0, %add3A_223, %dma_start3A_236] : memref<2x10112x128xf32, #tpu.memory_space<hbm>> -> memref<1x64x128xf32, #tpu.memory_space<hbm>>
      %dma_start3A_238 = tpu.memref_squeeze %dma_start3A_237 : memref<1x64x128xf32, #tpu.memory_space<hbm>> -> memref<64x128xf32, #tpu.memory_space<hbm>>
      %dma_start3A_239 = arith.constant 0 : i32
      %dma_start3A_240 = tpu.memref_slice %arg6[%arg0, %add3A_223, %dma_start3A_239] : memref<2x10112x128xf32, #tpu.memory_space<hbm>> -> memref<1x64x128xf32, #tpu.memory_space<hbm>>
      %dma_start3A_241 = tpu.memref_squeeze %dma_start3A_240 : memref<1x64x128xf32, #tpu.memory_space<hbm>> -> memref<64x128xf32, #tpu.memory_space<hbm>>
      %dma_start3A_242 = arith.constant 0 : i32
      %dma_start3A_243 = arith.constant 0 : i32
      %dma_start3A_244 = tpu.memref_slice %arg9[%run_scoped3A_224, %dma_start3A_242, %dma_start3A_243] : memref<3x64x128xf32, #tpu.memory_space<vmem>> -> memref<1x64x128xf32, #tpu.memory_space<vmem>>
      %dma_start3A_245 = tpu.memref_squeeze %dma_start3A_244 : memref<1x64x128xf32, #tpu.memory_space<vmem>> -> memref<64x128xf32, #tpu.memory_space<vmem>>
      tpu.enqueue_dma source(%dma_start3A_245 : memref<64x128xf32, #tpu.memory_space<vmem>>) target(%dma_start3A_241 : memref<64x128xf32, #tpu.memory_space<hbm>>) target_semaphore(%run_scoped3A_231 : memref<!tpu.dma_semaphore, #tpu.memory_space<semaphore_mem>>)
      %dma_wait3A_246 = arith.constant 0 : i32
      %dma_wait3A_247 = arith.constant 0 : i32
      %dma_wait3A_248 = tpu.memref_slice %arg9[%run_scoped3A_224, %dma_wait3A_246, %dma_wait3A_247] : memref<3x64x128xf32, #tpu.memory_space<vmem>> -> memref<1x64x128xf32, #tpu.memory_space<vmem>>
      %dma_wait3A_249 = tpu.memref_squeeze %dma_wait3A_248 : memref<1x64x128xf32, #tpu.memory_space<vmem>> -> memref<64x128xf32, #tpu.memory_space<vmem>>
      %dma_wait3A_250 = arith.constant 0 : i32
      %dma_wait3A_251 = tpu.memref_slice %arg6[%arg0, %add3A_223, %dma_wait3A_250] : memref<2x10112x128xf32, #tpu.memory_space<hbm>> -> memref<1x64x128xf32, #tpu.memory_space<hbm>>
      %dma_wait3A_252 = tpu.memref_squeeze %dma_wait3A_251 : memref<1x64x128xf32, #tpu.memory_space<hbm>> -> memref<64x128xf32, #tpu.memory_space<hbm>>
      %dma_wait3A_253 = arith.constant 0 : i32
      %dma_wait3A_254 = tpu.memref_slice %arg6[%arg0, %add3A_223, %dma_wait3A_253] : memref<2x10112x128xf32, #tpu.memory_space<hbm>> -> memref<1x64x128xf32, #tpu.memory_space<hbm>>
      %dma_wait3A_255 = tpu.memref_squeeze %dma_wait3A_254 : memref<1x64x128xf32, #tpu.memory_space<hbm>> -> memref<64x128xf32, #tpu.memory_space<hbm>>
      %dma_wait3A_256 = arith.constant 0 : i32
      %dma_wait3A_257 = arith.constant 0 : i32
      %dma_wait3A_258 = tpu.memref_slice %arg9[%run_scoped3A_224, %dma_wait3A_256, %dma_wait3A_257] : memref<3x64x128xf32, #tpu.memory_space<vmem>> -> memref<1x64x128xf32, #tpu.memory_space<vmem>>
      %dma_wait3A_259 = tpu.memref_squeeze %dma_wait3A_258 : memref<1x64x128xf32, #tpu.memory_space<vmem>> -> memref<64x128xf32, #tpu.memory_space<vmem>>
      tpu.wait_dma2 semaphore(%run_scoped3A_231 : memref<!tpu.dma_semaphore, #tpu.memory_space<semaphore_mem>>) src(%dma_wait3A_259 : memref<64x128xf32, #tpu.memory_space<vmem>>) dst(%dma_wait3A_255 : memref<64x128xf32, #tpu.memory_space<hbm>>)
      tpu.yield
    }) : () -> ()
    %add3A_225 = arith.constant 576 : i32
    %add3A_226 = arith.addi %mul3A_2, %add3A_225 : i32
    %run_scoped3A_227 = arith.constant 0 : i32
    "tpu.region"() ({
      %run_scoped3A_231 = tpu.sem_alloc : memref<!tpu.dma_semaphore, #tpu.memory_space<semaphore_mem>>
      %dma_start3A_232 = arith.constant 0 : i32
      %dma_start3A_233 = arith.constant 0 : i32
      %dma_start3A_234 = tpu.memref_slice %arg9[%run_scoped3A_227, %dma_start3A_232, %dma_start3A_233] : memref<3x64x128xf32, #tpu.memory_space<vmem>> -> memref<1x56x128xf32, #tpu.memory_space<vmem>>
      %dma_start3A_235 = tpu.memref_squeeze %dma_start3A_234 : memref<1x56x128xf32, #tpu.memory_space<vmem>> -> memref<56x128xf32, #tpu.memory_space<vmem>>
      %dma_start3A_236 = arith.constant 0 : i32
      %dma_start3A_237 = tpu.memref_slice %arg11[%add3A_226, %dma_start3A_236] : memref<10112x128xf32, #tpu.memory_space<vmem_shared>> -> memref<56x128xf32, #tpu.memory_space<vmem_shared>>
      %dma_start3A_238 = arith.constant 0 : i32
      %dma_start3A_239 = arith.constant 0 : i32
      %dma_start3A_240 = tpu.memref_slice %arg9[%run_scoped3A_227, %dma_start3A_238, %dma_start3A_239] : memref<3x64x128xf32, #tpu.memory_space<vmem>> -> memref<1x56x128xf32, #tpu.memory_space<vmem>>
      %dma_start3A_241 = tpu.memref_squeeze %dma_start3A_240 : memref<1x56x128xf32, #tpu.memory_space<vmem>> -> memref<56x128xf32, #tpu.memory_space<vmem>>
      %dma_start3A_242 = arith.constant 0 : i32
      %dma_start3A_243 = tpu.memref_slice %arg11[%add3A_226, %dma_start3A_242] : memref<10112x128xf32, #tpu.memory_space<vmem_shared>> -> memref<56x128xf32, #tpu.memory_space<vmem_shared>>
      tpu.enqueue_dma source(%dma_start3A_243 : memref<56x128xf32, #tpu.memory_space<vmem_shared>>) target(%dma_start3A_241 : memref<56x128xf32, #tpu.memory_space<vmem>>) target_semaphore(%run_scoped3A_231 : memref<!tpu.dma_semaphore, #tpu.memory_space<semaphore_mem>>)
      %dma_wait3A_244 = arith.constant 0 : i32
      %dma_wait3A_245 = arith.constant 0 : i32
      %dma_wait3A_246 = tpu.memref_slice %arg9[%run_scoped3A_227, %dma_wait3A_244, %dma_wait3A_245] : memref<3x64x128xf32, #tpu.memory_space<vmem>> -> memref<1x56x128xf32, #tpu.memory_space<vmem>>
      %dma_wait3A_247 = tpu.memref_squeeze %dma_wait3A_246 : memref<1x56x128xf32, #tpu.memory_space<vmem>> -> memref<56x128xf32, #tpu.memory_space<vmem>>
      %dma_wait3A_248 = arith.constant 0 : i32
      %dma_wait3A_249 = tpu.memref_slice %arg11[%add3A_226, %dma_wait3A_248] : memref<10112x128xf32, #tpu.memory_space<vmem_shared>> -> memref<56x128xf32, #tpu.memory_space<vmem_shared>>
      %dma_wait3A_250 = arith.constant 0 : i32
      %dma_wait3A_251 = arith.constant 0 : i32
      %dma_wait3A_252 = tpu.memref_slice %arg9[%run_scoped3A_227, %dma_wait3A_250, %dma_wait3A_251] : memref<3x64x128xf32, #tpu.memory_space<vmem>> -> memref<1x56x128xf32, #tpu.memory_space<vmem>>
      %dma_wait3A_253 = tpu.memref_squeeze %dma_wait3A_252 : memref<1x56x128xf32, #tpu.memory_space<vmem>> -> memref<56x128xf32, #tpu.memory_space<vmem>>
      %dma_wait3A_254 = arith.constant 0 : i32
      %dma_wait3A_255 = tpu.memref_slice %arg11[%add3A_226, %dma_wait3A_254] : memref<10112x128xf32, #tpu.memory_space<vmem_shared>> -> memref<56x128xf32, #tpu.memory_space<vmem_shared>>
      tpu.wait_dma2 semaphore(%run_scoped3A_231 : memref<!tpu.dma_semaphore, #tpu.memory_space<semaphore_mem>>) src(%dma_wait3A_255 : memref<56x128xf32, #tpu.memory_space<vmem_shared>>) dst(%dma_wait3A_253 : memref<56x128xf32, #tpu.memory_space<vmem>>)
      tpu.yield
    }) : () -> ()
    %add3A_228 = arith.constant 576 : i32
    %add3A_229 = arith.addi %mul3A_2, %add3A_228 : i32
    %run_scoped3A_230 = arith.constant 0 : i32
    "tpu.region"() ({
      %run_scoped3A_231 = tpu.sem_alloc : memref<!tpu.dma_semaphore, #tpu.memory_space<semaphore_mem>>
      %dma_start3A_232 = arith.constant 0 : i32
      %dma_start3A_233 = arith.constant 0 : i32
      %dma_start3A_234 = tpu.memref_slice %arg9[%run_scoped3A_230, %dma_start3A_232, %dma_start3A_233] : memref<3x64x128xf32, #tpu.memory_space<vmem>> -> memref<1x56x128xf32, #tpu.memory_space<vmem>>
      %dma_start3A_235 = tpu.memref_squeeze %dma_start3A_234 : memref<1x56x128xf32, #tpu.memory_space<vmem>> -> memref<56x128xf32, #tpu.memory_space<vmem>>
      %dma_start3A_236 = arith.constant 0 : i32
      %dma_start3A_237 = tpu.memref_slice %arg6[%arg0, %add3A_229, %dma_start3A_236] : memref<2x10112x128xf32, #tpu.memory_space<hbm>> -> memref<1x56x128xf32, #tpu.memory_space<hbm>>
      %dma_start3A_238 = tpu.memref_squeeze %dma_start3A_237 : memref<1x56x128xf32, #tpu.memory_space<hbm>> -> memref<56x128xf32, #tpu.memory_space<hbm>>
      %dma_start3A_239 = arith.constant 0 : i32
      %dma_start3A_240 = tpu.memref_slice %arg6[%arg0, %add3A_229, %dma_start3A_239] : memref<2x10112x128xf32, #tpu.memory_space<hbm>> -> memref<1x56x128xf32, #tpu.memory_space<hbm>>
      %dma_start3A_241 = tpu.memref_squeeze %dma_start3A_240 : memref<1x56x128xf32, #tpu.memory_space<hbm>> -> memref<56x128xf32, #tpu.memory_space<hbm>>
      %dma_start3A_242 = arith.constant 0 : i32
      %dma_start3A_243 = arith.constant 0 : i32
      %dma_start3A_244 = tpu.memref_slice %arg9[%run_scoped3A_230, %dma_start3A_242, %dma_start3A_243] : memref<3x64x128xf32, #tpu.memory_space<vmem>> -> memref<1x56x128xf32, #tpu.memory_space<vmem>>
      %dma_start3A_245 = tpu.memref_squeeze %dma_start3A_244 : memref<1x56x128xf32, #tpu.memory_space<vmem>> -> memref<56x128xf32, #tpu.memory_space<vmem>>
      tpu.enqueue_dma source(%dma_start3A_245 : memref<56x128xf32, #tpu.memory_space<vmem>>) target(%dma_start3A_241 : memref<56x128xf32, #tpu.memory_space<hbm>>) target_semaphore(%run_scoped3A_231 : memref<!tpu.dma_semaphore, #tpu.memory_space<semaphore_mem>>)
      %dma_wait3A_246 = arith.constant 0 : i32
      %dma_wait3A_247 = arith.constant 0 : i32
      %dma_wait3A_248 = tpu.memref_slice %arg9[%run_scoped3A_230, %dma_wait3A_246, %dma_wait3A_247] : memref<3x64x128xf32, #tpu.memory_space<vmem>> -> memref<1x56x128xf32, #tpu.memory_space<vmem>>
      %dma_wait3A_249 = tpu.memref_squeeze %dma_wait3A_248 : memref<1x56x128xf32, #tpu.memory_space<vmem>> -> memref<56x128xf32, #tpu.memory_space<vmem>>
      %dma_wait3A_250 = arith.constant 0 : i32
      %dma_wait3A_251 = tpu.memref_slice %arg6[%arg0, %add3A_229, %dma_wait3A_250] : memref<2x10112x128xf32, #tpu.memory_space<hbm>> -> memref<1x56x128xf32, #tpu.memory_space<hbm>>
      %dma_wait3A_252 = tpu.memref_squeeze %dma_wait3A_251 : memref<1x56x128xf32, #tpu.memory_space<hbm>> -> memref<56x128xf32, #tpu.memory_space<hbm>>
      %dma_wait3A_253 = arith.constant 0 : i32
      %dma_wait3A_254 = tpu.memref_slice %arg6[%arg0, %add3A_229, %dma_wait3A_253] : memref<2x10112x128xf32, #tpu.memory_space<hbm>> -> memref<1x56x128xf32, #tpu.memory_space<hbm>>
      %dma_wait3A_255 = tpu.memref_squeeze %dma_wait3A_254 : memref<1x56x128xf32, #tpu.memory_space<hbm>> -> memref<56x128xf32, #tpu.memory_space<hbm>>
      %dma_wait3A_256 = arith.constant 0 : i32
      %dma_wait3A_257 = arith.constant 0 : i32
      %dma_wait3A_258 = tpu.memref_slice %arg9[%run_scoped3A_230, %dma_wait3A_256, %dma_wait3A_257] : memref<3x64x128xf32, #tpu.memory_space<vmem>> -> memref<1x56x128xf32, #tpu.memory_space<vmem>>
      %dma_wait3A_259 = tpu.memref_squeeze %dma_wait3A_258 : memref<1x56x128xf32, #tpu.memory_space<vmem>> -> memref<56x128xf32, #tpu.memory_space<vmem>>
      tpu.wait_dma2 semaphore(%run_scoped3A_231 : memref<!tpu.dma_semaphore, #tpu.memory_space<semaphore_mem>>) src(%dma_wait3A_259 : memref<56x128xf32, #tpu.memory_space<vmem>>) dst(%dma_wait3A_255 : memref<56x128xf32, #tpu.memory_space<hbm>>)
      tpu.yield
    }) : () -> ()
    return
  }
}

module attributes {stable_mosaic.version = 14 : i64} {
  func.func @_xh_body(%arg0: i32, %arg1: memref<2000x128xf32, #tpu.memory_space<vmem>>, %arg2: memref<128x128xf32, #tpu.memory_space<vmem>>, %arg3: memref<2000x128xf32, #tpu.memory_space<vmem>>) attributes {dimension_semantics = [#tpu.dimension_semantics<arbitrary>], iteration_bounds = array<i64: 5>, scalar_prefetch = 0 : i64, scratch_operands = 0 : i64, tpu.core_type = #tpu.core_type<tc>, window_params = [{transform_indices = @transform_0, window_bounds = array<i64: 2000, 128>}, {pipeline_mode = #tpu.pipeline_mode<synchronous>, transform_indices = @transform_1, window_bounds = array<i64: 128, 128>}, {transform_indices = @transform_2, window_bounds = array<i64: 2000, 128>}]} {
    %get3A = arith.constant 0 : index
    %get3A_0 = arith.constant 0 : index
    %get3A_1 = vector.load %arg1[%get3A, %get3A_0] : memref<2000x128xf32, #tpu.memory_space<vmem>>, vector<2000x128xf32>
    %get3A_2 = arith.constant 0 : index
    %get3A_3 = arith.constant 0 : index
    %get3A_4 = vector.load %arg2[%get3A_2, %get3A_3] : memref<128x128xf32, #tpu.memory_space<vmem>>, vector<128x128xf32>
    %dot_general3A = arith.constant dense<0.000000e+00> : vector<2000x128xf32>
    %dot_general3A_5 = tpu.matmul %get3A_1, %get3A_4, %dot_general3A {dimension_numbers = #tpu.dot_dimension_numbers<[1], [0], [0], [1], [0, 0, 1, 1], [], []>, transpose_lhs_hint = false} : vector<2000x128xf32>, vector<128x128xf32>, vector<2000x128xf32> -> vector<2000x128xf32>
    %swap3A = arith.constant 0 : index
    %swap3A_6 = arith.constant 0 : index
    %swap3A_7 = vector.load %arg3[%swap3A, %swap3A_6] : memref<2000x128xf32, #tpu.memory_space<vmem>>, vector<2000x128xf32>
    tpu.vector_store %arg3[%swap3A, %swap3A_6], %dot_general3A_5 {strides = array<i32>} : memref<2000x128xf32, #tpu.memory_space<vmem>>, vector<2000x128xf32>,
    return
  }
  func.func @transform_0(%arg0: i32) -> (i32, i32) {
    %c0_i32 = arith.constant 0 : i32
    %c0_i32_0 = arith.constant 0 : i32
    return %arg0, %c0_i32 : i32, i32
  }
  func.func @transform_1(%arg0: i32) -> (i32, i32) {
    %c0_i32 = arith.constant 0 : i32
    %c0_i32_0 = arith.constant 0 : i32
    %c0_i32_1 = arith.constant 0 : i32
    return %c0_i32, %c0_i32_0 : i32, i32
  }
  func.func @transform_2(%arg0: i32) -> (i32, i32) {
    %c0_i32 = arith.constant 0 : i32
    %c0_i32_0 = arith.constant 0 : i32
    return %arg0, %c0_i32 : i32, i32
  }
}

module attributes {stable_mosaic.version = 14 : i64} {
  func.func @_filter_body(%arg0: i32, %arg1: memref<1024x50xf32, #tpu.memory_space<vmem>>, %arg2: memref<8x128xf32, #tpu.memory_space<vmem>>, %arg3: memref<50x128xf32, #tpu.memory_space<vmem>>, %arg4: memref<1x128xf32, #tpu.memory_space<vmem>>, %arg5: memref<128x128xf32, #tpu.memory_space<vmem>>, %arg6: memref<1x128xf32, #tpu.memory_space<vmem>>, %arg7: memref<1024x128xf32, #tpu.memory_space<vmem>>) attributes {dimension_semantics = [#tpu.dimension_semantics<arbitrary>], iteration_bounds = array<i64: 324>, scalar_prefetch = 0 : i64, scratch_operands = 0 : i64, tpu.core_type = #tpu.core_type<tc>, window_params = [{transform_indices = @transform_0, window_bounds = array<i64: 1024, 50>}, {transform_indices = @transform_1, window_bounds = array<i64: 8, 128>}, {pipeline_mode = #tpu.pipeline_mode<synchronous>, transform_indices = @transform_2, window_bounds = array<i64: 50, 128>}, {pipeline_mode = #tpu.pipeline_mode<synchronous>, transform_indices = @transform_3, window_bounds = array<i64: 1, 128>}, {pipeline_mode = #tpu.pipeline_mode<synchronous>, transform_indices = @transform_4, window_bounds = array<i64: 128, 128>}, {pipeline_mode = #tpu.pipeline_mode<synchronous>, transform_indices = @transform_5, window_bounds = array<i64: 1, 128>}, {transform_indices = @transform_6, window_bounds = array<i64: 1024, 128>}]} {
    %get3A = arith.constant 0 : index
    %get3A_0 = arith.constant 0 : index
    %get3A_1 = vector.load %arg1[%get3A, %get3A_0] : memref<1024x50xf32, #tpu.memory_space<vmem>>, vector<1024x50xf32>
    %get3A_2 = arith.constant 0 : index
    %get3A_3 = arith.constant 0 : index
    %get3A_4 = vector.load %arg3[%get3A_2, %get3A_3] : memref<50x128xf32, #tpu.memory_space<vmem>>, vector<50x128xf32>
    %dot_general3A = arith.constant dense<0.000000e+00> : vector<1024x128xf32>
    %dot_general3A_5 = tpu.matmul %get3A_1, %get3A_4, %dot_general3A {dimension_numbers = #tpu.dot_dimension_numbers<[1], [0], [0], [1], [0, 0, 1, 1], [], []>, transpose_lhs_hint = false} : vector<1024x50xf32>, vector<50x128xf32>, vector<1024x128xf32> -> vector<1024x128xf32>
    %get3A_6 = arith.constant 0 : index
    %get3A_7 = arith.constant 0 : index
    %get3A_8 = vector.load %arg4[%get3A_6, %get3A_7] : memref<1x128xf32, #tpu.memory_space<vmem>>, vector<1x128xf32>
    %add3A = vector.broadcast %get3A_8 : vector<1x128xf32> to vector<1024x128xf32>
    %add3A_9 = arith.addf %dot_general3A_5, %add3A : vector<1024x128xf32>
    %logistic3A = arith.negf %add3A_9 : vector<1024x128xf32>
    %logistic3A_10 = math.exp %logistic3A : vector<1024x128xf32>
    %logistic3A_11 = arith.constant 1.000000e+00 : f32
    %logistic3A_12 = vector.broadcast %logistic3A_11 : f32 to vector<1024x128xf32>
    %logistic3A_13 = arith.addf %logistic3A_12, %logistic3A_10 : vector<1024x128xf32>
    %logistic3A_14 = arith.divf %logistic3A_12, %logistic3A_13 : vector<1024x128xf32>
    %mul3A = arith.mulf %add3A_9, %logistic3A_14 : vector<1024x128xf32>
    %get3A_15 = arith.constant 0 : index
    %get3A_16 = arith.constant 0 : index
    %get3A_17 = vector.load %arg5[%get3A_15, %get3A_16] : memref<128x128xf32, #tpu.memory_space<vmem>>, vector<128x128xf32>
    %dot_general3A_18 = arith.constant dense<0.000000e+00> : vector<1024x128xf32>
    %dot_general3A_19 = tpu.matmul %mul3A, %get3A_17, %dot_general3A_18 {dimension_numbers = #tpu.dot_dimension_numbers<[1], [0], [0], [1], [0, 0, 1, 1], [], []>, transpose_lhs_hint = false} : vector<1024x128xf32>, vector<128x128xf32>, vector<1024x128xf32> -> vector<1024x128xf32>
    %get3A_20 = arith.constant 0 : index
    %get3A_21 = arith.constant 0 : index
    %get3A_22 = vector.load %arg6[%get3A_20, %get3A_21] : memref<1x128xf32, #tpu.memory_space<vmem>>, vector<1x128xf32>
    %add3A_23 = vector.broadcast %get3A_22 : vector<1x128xf32> to vector<1024x128xf32>
    %add3A_24 = arith.addf %dot_general3A_19, %add3A_23 : vector<1024x128xf32>
    %get3A_25 = arith.constant 0 : index
    %get3A_26 = arith.constant 0 : index
    %get3A_27 = vector.load %arg2[%get3A_25, %get3A_26] : memref<8x128xf32, #tpu.memory_space<vmem>>, vector<8x128xf32>
    %mul3A_28 = arith.constant 0.314159274 : f32
    %mul3A_29 = vector.broadcast %mul3A_28 : f32 to vector<8x128xf32>
    %mul3A_30 = arith.mulf %get3A_27, %mul3A_29 : vector<8x128xf32>
    %cos3A = math.cos %mul3A_30 : vector<8x128xf32>
    %add3A_31 = arith.constant 1.000000e+00 : f32
    %add3A_32 = vector.broadcast %add3A_31 : f32 to vector<8x128xf32>
    %add3A_33 = arith.addf %cos3A, %add3A_32 : vector<8x128xf32>
    %mul3A_34 = arith.constant 5.000000e-01 : f32
    %mul3A_35 = vector.broadcast %mul3A_34 : f32 to vector<8x128xf32>
    %mul3A_36 = arith.mulf %mul3A_35, %add3A_33 : vector<8x128xf32>
    %reshape3A = vector.shape_cast %add3A_24 : vector<1024x128xf32> to vector<8x128x128xf32>
    %broadcast_in_dim3A = vector.shape_cast %mul3A_36 : vector<8x128xf32> to vector<8x128x1xf32>
    %mul3A_37 = vector.broadcast %broadcast_in_dim3A : vector<8x128x1xf32> to vector<8x128x128xf32>
    %mul3A_38 = arith.mulf %reshape3A, %mul3A_37 : vector<8x128x128xf32>
    %reshape3A_39 = vector.shape_cast %mul3A_38 : vector<8x128x128xf32> to vector<1024x128xf32>
    %swap3A = arith.constant 0 : index
    %swap3A_40 = arith.constant 0 : index
    %swap3A_41 = vector.load %arg7[%swap3A, %swap3A_40] : memref<1024x128xf32, #tpu.memory_space<vmem>>, vector<1024x128xf32>
    tpu.vector_store %arg7[%swap3A, %swap3A_40], %reshape3A_39 {strides = array<i32>} : memref<1024x128xf32, #tpu.memory_space<vmem>>, vector<1024x128xf32>,
    return
  }
  func.func @transform_0(%arg0: i32) -> (i32, i32) {
    %c0_i32 = arith.constant 0 : i32
    %c0_i32_0 = arith.constant 0 : i32
    return %arg0, %c0_i32 : i32, i32
  }
  func.func @transform_1(%arg0: i32) -> (i32, i32) {
    %c0_i32 = arith.constant 0 : i32
    %c0_i32_0 = arith.constant 0 : i32
    return %arg0, %c0_i32 : i32, i32
  }
  func.func @transform_2(%arg0: i32) -> (i32, i32) {
    %c0_i32 = arith.constant 0 : i32
    %c0_i32_0 = arith.constant 0 : i32
    %c0_i32_1 = arith.constant 0 : i32
    return %c0_i32, %c0_i32_0 : i32, i32
  }
  func.func @transform_3(%arg0: i32) -> (i32, i32) {
    %c0_i32 = arith.constant 0 : i32
    %c0_i32_0 = arith.constant 0 : i32
    %c0_i32_1 = arith.constant 0 : i32
    return %c0_i32, %c0_i32_0 : i32, i32
  }
  func.func @transform_4(%arg0: i32) -> (i32, i32) {
    %c0_i32 = arith.constant 0 : i32
    %c0_i32_0 = arith.constant 0 : i32
    %c0_i32_1 = arith.constant 0 : i32
    return %c0_i32, %c0_i32_0 : i32, i32
  }
  func.func @transform_5(%arg0: i32) -> (i32, i32) {
    %c0_i32 = arith.constant 0 : i32
    %c0_i32_0 = arith.constant 0 : i32
    %c0_i32_1 = arith.constant 0 : i32
    return %c0_i32, %c0_i32_0 : i32, i32
  }
  func.func @transform_6(%arg0: i32) -> (i32, i32) {
    %c0_i32 = arith.constant 0 : i32
    %c0_i32_0 = arith.constant 0 : i32
    return %arg0, %c0_i32 : i32, i32
  }
}

module attributes {stable_mosaic.version = 14 : i64} {
  func.func @_tail_body(%arg0: i32, %arg1: memref<2x2000x128xf32, #tpu.memory_space<vmem>>, %arg2: memref<128x128xf32, #tpu.memory_space<vmem>>, %arg3: memref<1x128xf32, #tpu.memory_space<vmem>>, %arg4: memref<128x128xf32, #tpu.memory_space<vmem>>, %arg5: memref<1x128xf32, #tpu.memory_space<vmem>>, %arg6: memref<2000x128xf32, #tpu.memory_space<vmem>>) attributes {dimension_semantics = [#tpu.dimension_semantics<arbitrary>], iteration_bounds = array<i64: 5>, scalar_prefetch = 0 : i64, scratch_operands = 0 : i64, tpu.core_type = #tpu.core_type<tc>, window_params = [{transform_indices = @transform_0, window_bounds = array<i64: 2, 2000, 128>}, {pipeline_mode = #tpu.pipeline_mode<synchronous>, transform_indices = @transform_1, window_bounds = array<i64: 128, 128>}, {pipeline_mode = #tpu.pipeline_mode<synchronous>, transform_indices = @transform_2, window_bounds = array<i64: 1, 128>}, {pipeline_mode = #tpu.pipeline_mode<synchronous>, transform_indices = @transform_3, window_bounds = array<i64: 128, 128>}, {pipeline_mode = #tpu.pipeline_mode<synchronous>, transform_indices = @transform_4, window_bounds = array<i64: 1, 128>}, {transform_indices = @transform_5, window_bounds = array<i64: 2000, 128>}]} {
    %get3A = arith.constant 0 : index
    %get3A_0 = arith.constant 0 : index
    %get3A_1 = arith.constant 0 : index
    %get3A_2 = vector.load %arg1[%get3A, %get3A_0, %get3A_1] : memref<2x2000x128xf32, #tpu.memory_space<vmem>>, vector<1x2000x128xf32>
    %get3A_3 = vector.shape_cast %get3A_2 : vector<1x2000x128xf32> to vector<2000x128xf32>
    %get3A_4 = arith.constant 1 : index
    %get3A_5 = arith.constant 0 : index
    %get3A_6 = arith.constant 0 : index
    %get3A_7 = vector.load %arg1[%get3A_4, %get3A_5, %get3A_6] : memref<2x2000x128xf32, #tpu.memory_space<vmem>>, vector<1x2000x128xf32>
    %get3A_8 = vector.shape_cast %get3A_7 : vector<1x2000x128xf32> to vector<2000x128xf32>
    %add3A = arith.addf %get3A_3, %get3A_8 : vector<2000x128xf32>
    %get3A_9 = arith.constant 0 : index
    %get3A_10 = arith.constant 0 : index
    %get3A_11 = vector.load %arg2[%get3A_9, %get3A_10] : memref<128x128xf32, #tpu.memory_space<vmem>>, vector<128x128xf32>
    %dot_general3A = arith.constant dense<0.000000e+00> : vector<2000x128xf32>
    %dot_general3A_12 = tpu.matmul %add3A, %get3A_11, %dot_general3A {dimension_numbers = #tpu.dot_dimension_numbers<[1], [0], [0], [1], [0, 0, 1, 1], [], []>, transpose_lhs_hint = false} : vector<2000x128xf32>, vector<128x128xf32>, vector<2000x128xf32> -> vector<2000x128xf32>
    %get3A_13 = arith.constant 0 : index
    %get3A_14 = arith.constant 0 : index
    %get3A_15 = vector.load %arg3[%get3A_13, %get3A_14] : memref<1x128xf32, #tpu.memory_space<vmem>>, vector<1x128xf32>
    %add3A_16 = vector.broadcast %get3A_15 : vector<1x128xf32> to vector<2000x128xf32>
    %add3A_17 = arith.addf %dot_general3A_12, %add3A_16 : vector<2000x128xf32>
    %logistic3A = arith.negf %add3A_17 : vector<2000x128xf32>
    %logistic3A_18 = math.exp %logistic3A : vector<2000x128xf32>
    %logistic3A_19 = arith.constant 1.000000e+00 : f32
    %logistic3A_20 = vector.broadcast %logistic3A_19 : f32 to vector<2000x128xf32>
    %logistic3A_21 = arith.addf %logistic3A_20, %logistic3A_18 : vector<2000x128xf32>
    %logistic3A_22 = arith.divf %logistic3A_20, %logistic3A_21 : vector<2000x128xf32>
    %mul3A = arith.mulf %add3A_17, %logistic3A_22 : vector<2000x128xf32>
    %get3A_23 = arith.constant 0 : index
    %get3A_24 = arith.constant 0 : index
    %get3A_25 = vector.load %arg4[%get3A_23, %get3A_24] : memref<128x128xf32, #tpu.memory_space<vmem>>, vector<128x128xf32>
    %dot_general3A_26 = arith.constant dense<0.000000e+00> : vector<2000x128xf32>
    %dot_general3A_27 = tpu.matmul %mul3A, %get3A_25, %dot_general3A_26 {dimension_numbers = #tpu.dot_dimension_numbers<[1], [0], [0], [1], [0, 0, 1, 1], [], []>, transpose_lhs_hint = false} : vector<2000x128xf32>, vector<128x128xf32>, vector<2000x128xf32> -> vector<2000x128xf32>
    %get3A_28 = arith.constant 0 : index
    %get3A_29 = arith.constant 0 : index
    %get3A_30 = vector.load %arg5[%get3A_28, %get3A_29] : memref<1x128xf32, #tpu.memory_space<vmem>>, vector<1x128xf32>
    %add3A_31 = vector.broadcast %get3A_30 : vector<1x128xf32> to vector<2000x128xf32>
    %add3A_32 = arith.addf %dot_general3A_27, %add3A_31 : vector<2000x128xf32>
    %swap3A = arith.constant 0 : index
    %swap3A_33 = arith.constant 0 : index
    %swap3A_34 = vector.load %arg6[%swap3A, %swap3A_33] : memref<2000x128xf32, #tpu.memory_space<vmem>>, vector<2000x128xf32>
    tpu.vector_store %arg6[%swap3A, %swap3A_33], %add3A_32 {strides = array<i32>} : memref<2000x128xf32, #tpu.memory_space<vmem>>, vector<2000x128xf32>,
    return
  }
  func.func @transform_0(%arg0: i32) -> (i32, i32, i32) {
    %c0_i32 = arith.constant 0 : i32
    %c0_i32_0 = arith.constant 0 : i32
    %c0_i32_1 = arith.constant 0 : i32
    return %c0_i32, %arg0, %c0_i32_0 : i32, i32, i32
  }
  func.func @transform_1(%arg0: i32) -> (i32, i32) {
    %c0_i32 = arith.constant 0 : i32
    %c0_i32_0 = arith.constant 0 : i32
    %c0_i32_1 = arith.constant 0 : i32
    return %c0_i32, %c0_i32_0 : i32, i32
  }
  func.func @transform_2(%arg0: i32) -> (i32, i32) {
    %c0_i32 = arith.constant 0 : i32
    %c0_i32_0 = arith.constant 0 : i32
    %c0_i32_1 = arith.constant 0 : i32
    return %c0_i32, %c0_i32_0 : i32, i32
  }
  func.func @transform_3(%arg0: i32) -> (i32, i32) {
    %c0_i32 = arith.constant 0 : i32
    %c0_i32_0 = arith.constant 0 : i32
    %c0_i32_1 = arith.constant 0 : i32
    return %c0_i32, %c0_i32_0 : i32, i32
  }
  func.func @transform_4(%arg0: i32) -> (i32, i32) {
    %c0_i32 = arith.constant 0 : i32
    %c0_i32_0 = arith.constant 0 : i32
    %c0_i32_1 = arith.constant 0 : i32
    return %c0_i32, %c0_i32_0 : i32, i32
  }
  func.func @transform_5(%arg0: i32) -> (i32, i32) {
    %c0_i32 = arith.constant 0 : i32
    %c0_i32_0 = arith.constant 0 : i32
    return %arg0, %c0_i32 : i32, i32
  }
}

</mosaic_0001>

<sc_bundles>
// kernel: kernel.6.cloned.1.call-start
scs
__scs_entry_jumppad:
0x0: {  	(pc) =	sbr.rel $0x88, $3  }
0x1: {  	(tag) =	ssettag $0x0;
	lr =	simm.s32 $0x1  }
0x2: {  	[smem:$0x3F94] =	sst lr;
	_ =	strace $0xD0000000  }
0x3: {  	_ = 	snop  }
0x4: {  	_ = 	snop  }
0x5: {  	_ = 	snop  }
0x6: {  	_ = 	snop  }
0x7: {  	_ = 	snop  }
__scs_overlays_trampoline_lowered:
0x8: {  	[smem:$0x3FA3] =	sst s0  }
0x9: {  	[smem:$0x3FA4] =	sst s1  }
0xa: {  	[smem:$0x3FA5] =	sst s2  }
0xb: {  	[smem:$0x3FA6] =	sst s3  }
0xc: {  	[smem:$0x3FA7] =	sst s4  }
0xd: {  	[smem:$0x3FA8] =	sst s5  }
0xe: {  	[smem:$0x3FA9] =	sst s6  }
0xf: {  	[smem:$0x3FAA] =	sst s7  }
0x10: {  	[smem:$0x3FAB] =	sst s8  }
0x11: {  	[smem:$0x3FAC] =	sst s9;
	s0 =	simm.s32 @!p0 $0x0  }
0x12: {  	s1 =	sld [smem:$0x3F92];
	s0 =	simm.s32 @p0 $0x1  }
0x13: {  	[smem:$0x3FAD] =	sst s0;
	s0 =	simm.s32 @!p1 $0x0  }
0x14: {  	s2 =	sld [smem:$0x3F91];
	s0 =	simm.s32 @p1 $0x1  }
0x15: {  	[smem:$0x3FAE] =	sst s0;
	s0 =	simm.s32 @!p2 $0x0  }
0x16: {  	s3 =	sld [smem:$0x3FDB];
	s0 =	simm.s32 @p2 $0x1  }
0x17: {  	s4 =	simm.s32 $0x1BF5;
	[smem:$0x3FB0] =	sst s0  }
0x18: {  	s0 =	sld [smem:$0x3F93];
	_ =	swait.ge [sflag:s4], $0x0  }
0x19: {  	s7 =	sld [smem:$0x3F94]  }
0x1a: {  	s8 =	sadd.s32 $0xFFFFE003, lr  }
0x1b: {  	s9 =	sadd.s32 $0xFFFFFEF7, lr;
	s5 =	simm.s32 $0xFFFFFFFF;
	p2 =	slt.u32 s8, $0xFFFFF086  }
0x1c: {  	p1 =	slt.u32 s9, $0xF7A;
	s5 =	simm.s32 @!p2 $0x0  }
0x1d: {  	s5 =	simm.s32 @p1 $0x1;
	p0 =	seq.s32 s7, s2  }
0x1e: {  	s7 =	smul.u32 @!p0 $0xF7A, s2;
	p2 =	seq.s32 @!p0 s5, $0x0  }
0x1f: {  	s9 =	smul.u32 $0xF7A, s1;
	s8 =	simm.s32 @!p0 $0x1BF5;
	p2 =	por !p2, p0  }
0x20: {  	[sflag:s8] =	ssyncset.s32 @!p0 $0xFFFFF086;
	s6 =	sadd.s32 @!p0 s3, s7;
	s7 =	simm.s32 @!p0 $0x108  }
0x21: {  	s3 =	sadd.s32 s3, s9;
	s6 =	sadd.s32 @!p0 $0x88, s6;
	s7 =	simm.s32 @p2 $0x1082  }
0x22: {  	[simem:s7], [sflag:s8] =	dma.local @!p0 [hbm:s6], $0xF7A  }
0x23: {  	s9 =	sor.u32 $0xD0000000, s2;
	s6 =	simm.s32 $0x108;
	_ =	swait.ge @!p0 [sflag:s8], $0x0  }
0x24: {  	s3 =	sadd.s32 $0x88, s3;
	s6 =	simm.s32 @!p1 $0x1082;
	[sflag:s4] =	ssyncset.s32 $0xFFFFF086  }
0x25: {  	[simem:s6], [sflag:s4] =	dma.local [hbm:s3], $0xF7A  }
0x26: {  	[smem:$0x3F94] =	sst s1;
	(tag) =	ssettag s2;
	_ =	strace s9  }
0x27: {  	s1 =	sld [smem:$0x3FA4]  }
0x28: {  	s2 =	sld [smem:$0x3FA5]  }
0x29: {  	s4 =	sld [smem:$0x3FA7]  }
0x2a: {  	p0 =	seq.s32 s5, $0x0;
	s5 =	sld [smem:$0x3FA8]  }
0x2b: {  	s6 =	sld [smem:$0x3FA9]  }
0x2c: {  	s7 =	sld [smem:$0x3FAA]  }
0x2d: {  	s3 =	simm.s32 $0x108;
	s8 =	sld [smem:$0x3FAB]  }
0x2e: {  	s3 =	simm.s32 @!p0 $0x1082;
	s9 =	sld [smem:$0x3FAC]  }
0x2f: {  	lr =	sadd.s32 s0, s3;
	s0 =	sld [smem:$0x3FA3]  }
0x30: {  	s3 =	sld [smem:$0x3FA6]  }
0x31: {  	[smem:$0x3FAF] =	sst s10  }
0x32: {  	s10 =	sld [smem:$0x3FAD];
	_ =	sdelay $0x3  }
0x33: {  	p0 =	seq.s32 s10, $0x1;
	s10 =	sld [smem:$0x3FAF];
	_ =	sdelay $0x3  }
0x34: {  	[smem:$0x3FAF] =	sst s10  }
0x35: {  	s10 =	sld [smem:$0x3FAE];
	_ =	sdelay $0x3  }
0x36: {  	p1 =	seq.s32 s10, $0x1;
	s10 =	sld [smem:$0x3FAF];
	_ =	sdelay $0x3  }
0x37: {  	[smem:$0x3FAF] =	sst s10  }
0x38: {  	s10 =	sld [smem:$0x3FB0]  }
0x39: {  	_ = 	snop;
	(pc) =	sbr.ind lr, $3  }
0x3a: {  	_ = 	snop  }
0x3b: {  	_ = 	snop  }
0x3c: {  	p2 =	seq.s32 s10, $0x1;
	s10 =	sld [smem:$0x3FAF]  }
0x3d: {  	_ =	shalt  }
0x3e: {  	_ =	shalt  }
0x3f: {  	_ =	shalt  }
0x40: {  	_ =	shalt  }
0x41: {  	_ =	shalt  }
0x42: {  	_ =	shalt  }
0x43: {  	_ =	shalt  }
0x44: {  	_ =	shalt  }
0x45: {  	_ =	shalt  }
0x46: {  	_ =	shalt  }
0x47: {  	_ =	shalt  }
0x48: {  	_ =	shalt  }
0x49: {  	_ =	shalt  }
0x4a: {  	_ =	shalt  }
0x4b: {  	_ =	shalt  }
0x4c: {  	_ =	shalt  }
0x4d: {  	_ =	shalt  }
0x4e: {  	_ =	shalt  }
0x4f: {  	_ =	shalt  }
0x50: {  	_ =	shalt  }
0x51: {  	_ =	shalt  }
0x52: {  	_ =	shalt  }
0x53: {  	_ =	shalt  }
0x54: {  	_ =	shalt  }
0x55: {  	_ =	shalt  }
0x56: {  	_ =	shalt  }
0x57: {  	_ =	shalt  }
0x58: {  	_ =	shalt  }
0x59: {  	_ =	shalt  }
0x5a: {  	_ =	shalt  }
0x5b: {  	_ =	shalt  }
0x5c: {  	_ =	shalt  }
0x5d: {  	_ =	shalt  }
0x5e: {  	_ =	shalt  }
0x5f: {  	_ =	shalt  }
0x60: {  	_ =	shalt  }
0x61: {  	_ =	shalt  }
0x62: {  	_ =	shalt  }
0x63: {  	_ =	shalt  }
0x64: {  	_ =	shalt  }
0x65: {  	_ =	shalt  }
0x66: {  	_ =	shalt  }
0x67: {  	_ =	shalt  }
0x68: {  	_ =	shalt  }
0x69: {  	_ =	shalt  }
0x6a: {  	_ =	shalt  }
0x6b: {  	_ =	shalt  }
0x6c: {  	_ =	shalt  }
0x6d: {  	_ =	shalt  }
0x6e: {  	_ =	shalt  }
0x6f: {  	_ =	shalt  }
0x70: {  	_ =	shalt  }
0x71: {  	_ =	shalt  }
0x72: {  	_ =	shalt  }
0x73: {  	_ =	shalt  }
0x74: {  	_ =	shalt  }
0x75: {  	_ =	shalt  }
0x76: {  	_ =	shalt  }
0x77: {  	_ =	shalt  }
0x78: {  	_ =	shalt  }
0x79: {  	_ =	shalt  }
0x7a: {  	_ =	shalt  }
0x7b: {  	_ =	shalt  }
0x7c: {  	_ =	shalt  }
0x7d: {  	_ =	shalt  }
0x7e: {  	_ =	shalt  }
0x7f: {  	_ =	shalt  }
0x80: {  	_ =	shalt  }
0x81: {  	_ =	shalt  }
0x82: {  	_ =	shalt  }
0x83: {  	_ =	shalt  }
0x84: {  	_ =	shalt  }
0x85: {  	_ =	shalt  }
0x86: {  	_ =	shalt  }
0x87: {  	_ =	shalt  }
.Lfunc_end0:
.L_simem_size_0:
called_computation_lowered:
.L_overlay_start_0:
0x88: {  	s2 =	sld [smem:$0x3FD9]  }
0x89: {  	s3 =	sld [smem:$0x3FFE];
	_ =	sdelay $0x1  }
0x8a: {  	s1 =	srdreg.scid  }
0x8b: {  	s0 =	sand.u32 $0x1, s1  }
0x8c: {  	s17 =	sshll.u32 s0, $0xA;
	s2 =	sadd.s32 s3, s2  }
0x8d: {  	s2 =	sadd.s32 s2, s17  }
0x8e: {  	[smem:$0x3FBB] =	sst s2  }
0x8f: {  	_ = 	snop  }
0x90: {  	s2 =	sld [smem:$0x3FD0];
	(tm) =	ssettm $0x1  }
0x91: {  	s18 =	sld [smem:$0x3FFB];
	_ =	sdelay $0x3  }
0x92: {  	_ =	strace s18  }
0x93: {  	s3 =	sld [smem:$0x3FFC];
	_ =	sdelay $0x3  }
0x94: {  	_ =	strace s3  }
0x95: {  	s3 =	sld [smem:$0x3FFD];
	_ =	sdelay $0x3  }
0x96: {  	_ =	strace s3  }
0x97: {  	_ =	strace $0x8FFFFFFF  }
0x98: {  	s19 =	sld [smem:$0x3FDB];
	_ =	sdelay $0x1  }
0x99: {  	s4 =	simm.s32 $_scs_section_size  }
0x9a: {  	s5 =	simm.s32 $_size__tile_overlayer_lowered;
	s6 =	simm.s32 $_tile_overlayer_lowered  }
0x9b: {  	s22 =	simm.s32 $0x1BFF;
	s21 =	sshll.u32 s6, $0x1;
	s3 =	sadd.s32 s4, s19  }
0x9c: {  	s7 =	simm.s32 $0x0;
	s20 =	sshll.u32 s5, $0x1;
	s5 =	sadd.s32 s21, s3  }
0x9d: {  	[timem:s7], [sflag:s22] =	dma.local [hbm:s5], s20  }
0x9e: {  	_ =	swait.ge [sflag:s22], s20  }
0x9f: {  	s4 =	ssub.s32 $0x0, s20;
	[sflag:s22] =	ssyncset.done $0x0  }
0xa0: {  	[sflag:s22] =	ssyncadd.s32 s4;
	_ =	sdelay $0x1  }
0xa1: {  	s23 =	simm.s32 $0x1B8B  }
0xa2: {  	_ =	swait.ge [sflag:s23], $0x1  }
0xa3: {  	[sflag:s23] =	ssyncset.done $0x0  }
0xa4: {  	s25 =	simm.s32 $0x1B8E;
	s24 =	sld [smem:$0x3FFE];
	[sflag:s23] =	ssyncadd.s32 $0xFFFFFFFF  }
0xa5: {  	s26 =	simm.s32 $execute0_lowered;
	[smem:$0x3FD2] =	sst s25  }
0xa6: {  	s5 =	sshll.u32 s26, $0x1;
	_ =	strace $0x80000046;
	[dreg:$0x1] =	wrdreg $0xFFFFFFFF  }
0xa7: {  	s28 =	simm.s32 $_size_execute0_lowered;
	s3 =	sadd.s32 s3, s5;
	[dreg:$0x0] =	wrdreg $0x0  }
0xa8: {  	s5 =	sshll.u32 s28, $0x1;
	[dreg:$0x2] =	wrdreg s3  }
0xa9: {  	[dreg:$0x3] =	wrdreg s5  }
0xaa: {  	[dreg:$0x4] =	wrdreg $0xC0  }
0xab: {  	_ =	task [dreg:s7], $0x5FFFF  }
0xac: {  	[dreg:$0x1] =	wrdreg $0xFFFFFFFF  }
0xad: {  	[dreg:$0x0] =	wrdreg $0x60  }
0xae: {  	[dreg:$0x2] =	wrdreg s2  }
0xaf: {  	[dreg:$0x3] =	wrdreg s24  }
0xb0: {  	[dreg:$0x4] =	wrdreg $0xA3000  }
0xb1: {  	[dreg:$0x5] =	wrdreg $0x9  }
0xb2: {  	_ =	task.clear_ibuf [dreg:s7], $0x6FFFF;
	_ =	strace $0x90000046  }
0xb3: {  	s29 =	simm.s32 $0x9;
	_ =	strace $0x80000048  }
0xb4: {  	_ =	swait.ge [sflag:s29], $0x1  }
0xb5: {  	[sflag:s29] =	ssyncadd.s32 $0xFFFFFFFF  }
0xb6: {  	_ =	strace $0x90000048  }
0xb7: {  	_ =	sfence  }
0xb8: {  	s30 =	sld [smem:$0x0];
	_ =	sdelay $0x2  }
0xb9: {  	s31 =	sshll.u32 s1, $0xD;
	s1 =	sshrl.u32 s1, $0x2  }
0xba: {  	s3 =	sand.u32 $0x4000, s31;
	s1 =	sadd.s32 s1, s30  }
0xbb: {  	s0 =	sor.u32 s3, s0;
	s1 =	sshll.u32 s1, $0x11  }
0xbc: {  	s0 =	sor.u32 s1, s0  }
0xbd: {  	s0 =	sadd.s32 $0x8F2B, s0  }
0xbe: {  	[sflag:s0] =	ssyncadd.remote.s32 $0x1  }
0xbf: {  	_ =	sfence.sel $0xFFFF  }
0xc0: {  	[dreg:$0x0] =	wrdreg $0xFFFFFFFF;
	(pc) =	sbr.abs _section_cstart, $3  }
0xc1: {  	[dreg:$0x1] =	wrdreg $0xFFFFFFFF  }
0xc2: {  	_ =	task.clear_ibuf [dreg:s7], $0x2FFFF;
	_ =	strace $0x9FFFFFFF  }
0xc3: {  	(tm) =	ssettm $0x7FFFFFFF  }
tec
execute0_lowered:
.L_overlay_start_1:
0x0: {  	(tag) =	ssettag $0x1  }
0x1: {  	s0 =	rddreg [dreg:$0x0];
	s1 =	srdreg.scid  }
0x2: {  	s3 =	rddreg [dreg:$0x1];
	s17 =	stileid.u32  }
0x3: {  	s2 =	simm.s32 $0x0;
	s4 =	sand.u32 $0x1, s1;
	s6 =	smul.u32 $0x13C00, s17  }
0x4: {  	[smem:$0x7FF] =	sst s2;
	s7 =	sadd.s32 $0x15A00, s3;
	s1 =	ssub.s32 $0x2, s4  }
0x5: {  	s20 =	sshll.u32 s17, $0x1;
	s5 =	sshrl.u32 s1, $0x1;
	s8 =	sadd.s32 $0x2000, s6  }
0x6: {  	s9 =	sadd.s32 $0x4000, s6;
	s10 =	sadd.s32 $0x6000, s6;
	s11 =	sadd.s32 $0x8000, s6  }
0x7: {  	s1 =	ssub.s32 s1, s5;
	s5 =	sor.u32 s4, s20;
	s4 =	smul.u32 $0x13C000, s4  }
0x8: {  	s13 =	sadd.s32 $0xA000, s6;
	s14 =	sadd.s32 $0xC000, s6;
	s18 =	sadd.s32 $0xE000, s6  }
0x9: {  	s19 =	sadd.s32 $0x10000, s6;
	s12 =	sadd.s32 s6, s4;
	s15 =	sadd.s32 s4, s8  }
0xa: {  	s6 =	sadd.s32 $0x12000, s6;
	s22 =	sadd.s32 s4, s9;
	s23 =	sadd.s32 s4, s10  }
0xb: {  	s16 =	sadd.s32 s4, s11;
	s20 =	sadd.s32 s4, s18;
	s12 =	sshrl.u32 s12, $0x3  }
0xc: {  	s15 =	sshrl.u32 s15, $0x3;
	s24 =	sshrl.u32 s23, $0x3;
	s12 =	sadd.s32 s7, s12  }
0xd: {  	s25 =	sshrl.u32 s16, $0x3;
	s21 =	sadd.s32 s7, s15;
	[dreg:$0x4] =	wrdreg s12  }
0xe: {  	s26 =	sadd.s32 s7, s25;
	[dreg:$0x5] =	wrdreg s21;
	s12 =	sshrl.u32 s22, $0x3  }
0xf: {  	[dreg:$0x8] =	wrdreg s26;
	s22 =	sshrl.u32 s20, $0x3;
	s12 =	sadd.s32 s7, s12  }
0x10: {  	s16 =	sadd.s32 s4, s14;
	s23 =	sadd.s32 s7, s22;
	[dreg:$0x6] =	wrdreg s12  }
0x11: {  	s15 =	sadd.s32 s4, s13;
	s12 =	sadd.s32 s7, s24;
	[dreg:$0xb] =	wrdreg s23  }
0x12: {  	s24 =	sadd.s32 s4, s19;
	[dreg:$0x7] =	wrdreg s12;
	s12 =	sshrl.u32 s15, $0x3  }
0x13: {  	s4 =	sadd.s32 s4, s6;
	s25 =	sshrl.u32 s24, $0x3;
	s12 =	sadd.s32 s7, s12  }
0x14: {  	s4 =	sshrl.u32 s4, $0x3;
	s15 =	sadd.s32 s7, s25;
	[dreg:$0x9] =	wrdreg s12  }
0x15: {  	s21 =	sshrl.u32 s16, $0x3;
	s4 =	sadd.s32 s7, s4;
	[dreg:$0xc] =	wrdreg s15  }
0x16: {  	s12 =	sadd.s32 s7, s21;
	[dreg:$0xd] =	wrdreg s4  }
0x17: {  	s1 =	smax.u32 s1, $0x1;
	[dreg:$0xa] =	wrdreg s12  }
0x18: {  	s26 =	smul.u32 $0x4F000, s17;
	s12 =	rddreg [dreg:$0x2];
	_ =	strace $0x80000047  }
0x19: {  	s28 =	sadd.s32 s10, s12;
	s10 =	sadd.s32 s14, s12;
	[dreg:$0x1c] =	wrdreg s1  }
0x1a: {  	s7 =	sshrl.u32 s26, $0x2;
	s14 =	sadd.s32 s18, s12;
	[dreg:$0x15] =	wrdreg s10  }
0x1b: {  	s7 =	sadd.s32 s7, s12;
	[dreg:$0x16] =	wrdreg s14  }
0x1c: {  	s22 =	sadd.s32 s8, s12;
	[dreg:$0xe] =	wrdreg s7  }
0x1d: {  	s30 =	simm.s32 $0x40;
	s9 =	sadd.s32 s9, s12;
	[dreg:$0xf] =	wrdreg s22  }
0x1e: {  	s31 =	simm.s32 $0x80;
	s29 =	simm.s32 $0x7;
	[dreg:$0x10] =	wrdreg s9  }
0x1f: {  	s16 =	sadd.s32 $0x1600, s3;
	s11 =	sadd.s32 s11, s12;
	[dreg:$0x11] =	wrdreg s28  }
0x20: {  	s8 =	smul.u32 $0x2880, s5;
	s13 =	sadd.s32 s13, s12;
	[dreg:$0x13] =	wrdreg s11  }
0x21: {  	s18 =	smul.u32 $0x28800, s5;
	s5 =	sadd.s32 s19, s12;
	[dreg:$0x14] =	wrdreg s13  }
0x22: {  	s17 =	sadd.s32 $0xB800, s3;
	s6 =	sadd.s32 s6, s12;
	[dreg:$0x17] =	wrdreg s5  }
0x23: {  	s15 =	sadd.s32 $0xA07A00, s3;
	s19 =	simm.s32 $0x2300;
	[dreg:$0x18] =	wrdreg s6  }
0x24: {  	s14 =	simm.s32 $0x1;
	s3 =	sadd.s32 s15, s18;
	[dreg:$0x12] =	wrdreg s8  }
0x25: {  	s10 =	simm.s32 $0x180;
	s23 =	sadd.s32 $0x80, s8;
	[dreg:$0x1b] =	wrdreg s3  }
0x26: {  	s20 =	sshrl.u32 s8, $0x3;
	s24 =	sadd.s32 $0xC0, s8;
	[dreg:$0x1d] =	wrdreg s23  }
0x27: {  	s25 =	sadd.s32 $0x100, s8;
	s26 =	sadd.s32 $0x140, s8;
	[dreg:$0x1e] =	wrdreg s24  }
0x28: {  	s18 =	simm.s32 $0x2;
	s21 =	sadd.s32 s16, s20;
	[dreg:$0x1f] =	wrdreg s25  }
0x29: {  	s4 =	sadd.s32 s17, s20;
	[smem:$0x7FB] =	sst s26;
	s3 =	sadd.s32 $0x180, s8  }
0x2a: {  	s8 =	simm.s32 $0x300;
	s20 =	simm.s32 $0x5;
	[dreg:$0x19] =	wrdreg s21  }
0x2b: {  	s23 =	simm.s32 $0x200;
	s24 =	simm.s32 $0x4300;
	[dreg:$0x1a] =	wrdreg s4  }
0x2c: {  	s25 =	simm.s32 $0x6;
	[smem:$0x7FC] =	sst s3;
	s4 =	simm.s32 $0x0  }
0x2d: {  	v0 =	vimm.f32 $0.0e+00;
	s26 =	simm.s32 $0x4;
	s21 =	simm.s32 $0x3;
	[smem:$0x7FD] =	sst s4  }
.LBB2_1:
0x2e: {  	s1 =	simm.s32 $0x0;
	s4 =	simm.s32 $0x200  }
.LBB2_2:
0x2f: {  	p0 =	sne.s32 s4, $0x7E00;
	[tilespmem:s1+$0x370] =	vst v0  }
0x30: {  	[tilespmem:s1+$0x300] =	vst v0  }
0x31: {  	[tilespmem:s1+$0x310] =	vst v0  }
.Ltmp0:
0x32: {  	[tilespmem:s1+$0x320] =	vst v0;
	(pc) =	sbr.rel @p0 .LBB2_2-.Ltmp0, $4  }
0x33: {  	[tilespmem:s1+$0x330] =	vst v0  }
0x34: {  	[tilespmem:s1+$0x340] =	vst v0  }
0x35: {  	[tilespmem:s1+$0x350] =	vst v0  }
0x36: {  	[tilespmem:s1+$0x360] =	vst v0;
	s1 =	sshra.s32 s4, $0x2;
	s4 =	sadd.s32 $0x200, s4  }
0x37: {  	[tilespmem:s1+$0x370] =	vst v0  }
0x38: {  	[tilespmem:s1+$0x300] =	vst v0  }
0x39: {  	[tilespmem:s1+$0x310] =	vst v0  }
0x3a: {  	[tilespmem:s1+$0x320] =	vst v0  }
0x3b: {  	[tilespmem:s1+$0x330] =	vst v0  }
0x3c: {  	[tilespmem:s1+$0x340] =	vst v0  }
0x3d: {  	[tilespmem:s1+$0x350] =	vst v0  }
0x3e: {  	[tilespmem:s1+$0x360] =	vst v0;
	s4 =	simm.s32 $0xB  }
0x3f: {  	[spmem:s7] =	stream.linear.scatter [tilespmem:s8], [sflag:$0xB], $0x2000, $0x38;
	[tilespmem:$0x1DF00] =	vst v63  }
0x40: {  	_ =	swait.ge [sflag:s4], $0x2000  }
0x41: {  	[sflag:s4] =	ssyncset.done $0x0  }
0x42: {  	[sflag:s4] =	ssyncadd.s32 $0xFFFFE000  }
0x43: {  	[spmem:s22] =	stream.linear.scatter [tilespmem:s8], [sflag:$0xB], $0x2000, $0x38;
	[tilespmem:$0x1DF00] =	vst v63  }
0x44: {  	_ =	swait.ge [sflag:s4], $0x2000  }
0x45: {  	[sflag:s4] =	ssyncset.done $0x0  }
0x46: {  	[sflag:s4] =	ssyncadd.s32 $0xFFFFE000  }
0x47: {  	[spmem:s9] =	stream.linear.scatter [tilespmem:s8], [sflag:$0xB], $0x2000, $0x38;
	[tilespmem:$0x1DF00] =	vst v63  }
0x48: {  	_ =	swait.ge [sflag:s4], $0x2000  }
0x49: {  	[sflag:s4] =	ssyncset.done $0x0  }
0x4a: {  	[sflag:s4] =	ssyncadd.s32 $0xFFFFE000  }
0x4b: {  	[spmem:s28] =	stream.linear.scatter [tilespmem:s8], [sflag:$0xB], $0x2000, $0x38;
	[tilespmem:$0x1DF00] =	vst v63  }
0x4c: {  	_ =	swait.ge [sflag:s4], $0x2000  }
0x4d: {  	[sflag:s4] =	ssyncset.done $0x0  }
0x4e: {  	[sflag:s4] =	ssyncadd.s32 $0xFFFFE000  }
0x4f: {  	[spmem:s11] =	stream.linear.scatter [tilespmem:s8], [sflag:$0xB], $0x2000, $0x38;
	[tilespmem:$0x1DF00] =	vst v63  }
0x50: {  	_ =	swait.ge [sflag:s4], $0x2000  }
0x51: {  	[sflag:s4] =	ssyncset.done $0x0  }
0x52: {  	[sflag:s4] =	ssyncadd.s32 $0xFFFFE000  }
0x53: {  	[spmem:s13] =	stream.linear.scatter [tilespmem:s8], [sflag:$0xB], $0x2000, $0x38;
	[tilespmem:$0x1DF00] =	vst v63  }
0x54: {  	_ =	swait.ge [sflag:s4], $0x2000  }
0x55: {  	[sflag:s4] =	ssyncset.done $0x0  }
0x56: {  	s3 =	rddreg [dreg:$0x15];
	[sflag:s4] =	ssyncadd.s32 $0xFFFFE000  }
0x57: {  	[spmem:s3] =	stream.linear.scatter [tilespmem:s8], [sflag:$0xB], $0x2000, $0x38;
	[tilespmem:$0x1DF00] =	vst v63  }
0x58: {  	_ =	swait.ge [sflag:s4], $0x2000  }
0x59: {  	[sflag:s4] =	ssyncset.done $0x0  }
0x5a: {  	s7 =	rddreg [dreg:$0x16];
	[sflag:s4] =	ssyncadd.s32 $0xFFFFE000  }
0x5b: {  	[spmem:s7] =	stream.linear.scatter [tilespmem:s8], [sflag:$0xB], $0x2000, $0x38;
	[tilespmem:$0x1DF00] =	vst v63  }
0x5c: {  	_ =	swait.ge [sflag:s4], $0x2000  }
0x5d: {  	[sflag:s4] =	ssyncset.done $0x0  }
0x5e: {  	[sflag:s4] =	ssyncadd.s32 $0xFFFFE000  }
0x5f: {  	[spmem:s5] =	stream.linear.scatter [tilespmem:s8], [sflag:$0xB], $0x2000, $0x38;
	[tilespmem:$0x1DF00] =	vst v63  }
0x60: {  	_ =	swait.ge [sflag:s4], $0x2000  }
0x61: {  	[sflag:s4] =	ssyncset.done $0x0  }
0x62: {  	[sflag:s4] =	ssyncadd.s32 $0xFFFFE000  }
0x63: {  	[spmem:s6] =	stream.linear.scatter [tilespmem:s8], [sflag:$0xB], $0x1C00, $0x38;
	[tilespmem:$0x1DF00] =	vst v63  }
0x64: {  	_ =	swait.ge [sflag:s4], $0x1C00  }
0x65: {  	[sflag:s4] =	ssyncset.done $0x0  }
0x66: {  	[sflag:s4] =	ssyncadd.s32 $0xFFFFE400  }
0x67: {  	[bflag:$0x0] =	sbarrier.arrive $0xFFFF  }
0x68: {  	s4 =	simm.s32 $0x0;
	s9 =	rddreg [dreg:$0x19]  }
0x69: {  	[tilespmem:s4], [sflag:$0x1] =	stream.linear.gather [hbm4b:s9+s4], $0x40, $0x38;
	[tilespmem:$0x1DF00] =	vst v63  }
0x6a: {  	s13 =	simm.s32 $0x100;
	s11 =	rddreg [dreg:$0x1a]  }
0x6b: {  	[tilespmem:s13], [sflag:$0x1] =	stream.linear.gather [hbm4b:s11+s4], $0x40, $0x38;
	[tilespmem:$0x1DF00] =	vst v63  }
0x6c: {  	s28 =	simm.s32 $0x6300;
	s22 =	rddreg [dreg:$0x1b]  }
0x6d: {  	[tilespmem:s28], [sflag:$0x3] =	stream.linear.gather [hbm4b:s22+s4], $0x2000, $0x38;
	[tilespmem:$0x1DF00] =	vst v63  }
0x6e: {  	_ =	swait.ge [sflag:s14], $0x40  }
0x6f: {  	[sflag:s14] =	ssyncset.done $0x0  }
0x70: {  	[sflag:s14] =	ssyncadd.s32 $0xFFFFFFC0  }
0x71: {  	_ =	swait.ge [sflag:s14], $0x40  }
0x72: {  	[sflag:s14] =	ssyncset.done $0x0  }
0x73: {  	s3 =	simm.s32 $0xA;
	[sflag:s14] =	ssyncadd.s32 $0xFFFFFFC0  }
0x74: {  	[tilespmem:s8], [sflag:$0x5] =	stream.indirect.gather [hbm4b:s0+s30], $0x80, s4, s30, $0xb8;
	[tilespmem:$0x1DF00] =	vst v63  }
.LBB2_4:
0x75: {  	s5 =	smul.u32 $0x180, s4  }
0x76: {  	p0 =	seq.s32 s4, $0x0;
	s6 =	rddreg [dreg:$0x12]  }
0x77: {  	s1 =	simm.s32 @!p0 $0x9;
	s6 =	sadd.s32 s5, s6  }
0x78: {  	_ =	swait.ge @!p0 [sflag:s1], $0x2000;
	s6 =	sadd.s32 $0x40, s6  }
0x79: {  	[sflag:s1] =	ssyncset.done @!p0 $0x0;
	s7 =	sshrl.u32 s6, $0x3  }
0x7a: {  	[sflag:s1] =	ssyncadd.s32 @!p0 $0xFFFFE000;
	s9 =	sadd.s32 s16, s7  }
0x7b: {  	[tilespmem:s31], [sflag:$0x2] =	stream.linear.gather [hbm4b:s9+s2], $0x40, $0x38;
	[tilespmem:$0x1DF00] =	vst v63  }
0x7c: {  	s13 =	sshll.u32 s6, $0x4;
	s11 =	sadd.s32 s17, s7  }
0x7d: {  	[tilespmem:s10], [sflag:$0x2] =	stream.linear.gather [hbm4b:s11+s2], $0x40, $0x38;
	[tilespmem:$0x1DF00] =	vst v63  }
0x7e: {  	s22 =	simm.s32 $0x8300;
	s1 =	sadd.s32 s15, s13  }
0x7f: {  	[tilespmem:s22], [sflag:$0x4] =	stream.linear.gather [hbm4b:s1+s2], $0x2000, $0x38;
	[tilespmem:$0x1DF00] =	vst v63  }
0x80: {  	_ =	swait.ge [sflag:s18], $0x40  }
0x81: {  	[sflag:s18] =	ssyncset.done $0x0  }
0x82: {  	[sflag:s18] =	ssyncadd.s32 $0xFFFFFFC0  }
0x83: {  	_ =	swait.ge [sflag:s18], $0x40  }
0x84: {  	[sflag:s18] =	ssyncset.done $0x0  }
0x85: {  	[sflag:s18] =	ssyncadd.s32 $0xFFFFFFC0  }
0x86: {  	[tilespmem:s19], [sflag:$0x6] =	stream.indirect.gather [hbm4b:s0+s30], $0x80, s31, s30, $0xb8;
	[tilespmem:$0x1DF00] =	vst v63  }
0x87: {  	_ =	swait.ge [sflag:s20], $0x2000  }
0x88: {  	[sflag:s20] =	ssyncset.done $0x0  }
0x89: {  	[sflag:s20] =	ssyncadd.s32 $0xFFFFE000  }
0x8a: {  	_ =	swait.ge [sflag:s21], $0x2000  }
0x8b: {  	[sflag:s21] =	ssyncset.done $0x0  }
0x8c: {  	s6 =	simm.s32 $0x380;
	[sflag:s21] =	ssyncadd.s32 $0xFFFFE000  }
0x8d: {  	s11 =	simm.s32 $0x6380;
	v1 =	vld [tilespmem:s6+$0x0]  }
0x8e: {  	v2 =	vld [tilespmem:s11+$0x0];
	_ =	sdelay $0x3  }
0x8f: {  	v3 =	vld [tilespmem:s6+$0xFFFFFF80]  }
0x90: {  	v1 =	vmul.f32 v2, v1;
	v2 =	vld [tilespmem:s11+$0xFFFFFF80];
	_ =	sdelay $0x1  }
0x91: {  	[tilespmem:s6+$0x0] =	vst v1;
	v1 =	vld [tilespmem:s6+$0x10]  }
0x92: {  	v4 =	vld [tilespmem:s11+$0x10];
	_ =	sdelay $0x1  }
0x93: {  	v2 =	vmul.f32 v2, v3;
	_ =	sdelay $0x1  }
0x94: {  	v5 =	vld [tilespmem:s6+$0xFFFFFF90];
	[tilespmem:s6+$0xFFFFFF80] =	vst v2  }
0x95: {  	v1 =	vmul.f32 v4, v1;
	v2 =	vld [tilespmem:s11+$0xFFFFFF90];
	_ =	sdelay $0x1  }
0x96: {  	[tilespmem:s6+$0x10] =	vst v1;
	v1 =	vld [tilespmem:s6+$0x20]  }
0x97: {  	v4 =	vld [tilespmem:s11+$0x20]  }
0x98: {  	v6 =	vld [tilespmem:s6+$0xFFFFFFB0]  }
0x99: {  	s7 =	simm.s32 $0x480;
	v7 =	vld [tilespmem:s6+$0xFFFFFFD0];
	v2 =	vmul.f32 v2, v5  }
0x9a: {  	v8 =	vld [tilespmem:s7+$0x0]  }
0x9b: {  	v3 =	vld [tilespmem:s6+$0xFFFFFFA0];
	[tilespmem:s6+$0xFFFFFF90] =	vst v2  }
0x9c: {  	v1 =	vmul.f32 v4, v1;
	v2 =	vld [tilespmem:s11+$0xFFFFFFA0]  }
0x9d: {  	v9 =	vld [tilespmem:s6+$0xFFFFFFE0]  }
0x9e: {  	[tilespmem:s6+$0x20] =	vst v1;
	v1 =	vld [tilespmem:s6+$0x30]  }
0x9f: {  	s13 =	simm.s32 $0x6480;
	v4 =	vld [tilespmem:s11+$0x30]  }
0xa0: {  	v11 =	vld [tilespmem:s13+$0xFFFFFF80]  }
0xa1: {  	v2 =	vmul.f32 v2, v3;
	v3 =	vld [tilespmem:s13+$0x0]  }
0xa2: {  	v13 =	vld [tilespmem:s7+$0xFFFFFF90]  }
0xa3: {  	s1 =	simm.s32 $0x6580;
	v14 =	vld [tilespmem:s7+$0xFFFFFFD0]  }
0xa4: {  	v16 =	vld [tilespmem:s1+$0xFFFFFF80];
	v1 =	vmul.f32 v4, v1  }
0xa5: {  	[tilespmem:s6+$0xFFFFFFA0] =	vst v2;
	v2 =	vld [tilespmem:s6+$0x40]  }
0xa6: {  	[tilespmem:s6+$0x30] =	vst v1;
	v3 =	vmul.f32 v3, v8;
	v8 =	vld [tilespmem:s7+$0xFFFFFF80]  }
0xa7: {  	s9 =	simm.s32 $0x580;
	v10 =	vld [tilespmem:s11+$0x40]  }
0xa8: {  	v17 =	vld [tilespmem:s9+$0xFFFFFF80]  }
0xa9: {  	v4 =	vld [tilespmem:s11+$0xFFFFFFB0]  }
0xaa: {  	v18 =	vld [tilespmem:s7+$0x50]  }
0xab: {  	[tilespmem:s7+$0x0] =	vst v3;
	v3 =	vld [tilespmem:s7+$0x10];
	v8 =	vmul.f32 v11, v8  }
0xac: {  	v12 =	vld [tilespmem:s13+$0x10];
	v2 =	vmul.f32 v10, v2  }
0xad: {  	v10 =	vld [tilespmem:s6+$0x50];
	[tilespmem:s7+$0xFFFFFF80] =	vst v8  }
0xae: {  	[tilespmem:s6+$0x40] =	vst v2;
	v2 =	vmul.f32 v4, v6;
	v6 =	vld [tilespmem:s13+$0xFFFFFF90]  }
0xaf: {  	v4 =	vld [tilespmem:s11+$0x50]  }
0xb0: {  	v58 =	vld [tilespmem:s9+$0xFFFFFFA0]  }
0xb1: {  	v5 =	vld [tilespmem:s6+$0xFFFFFFC0];
	v3 =	vmul.f32 v12, v3;
	[tilespmem:s6+$0xFFFFFFB0] =	vst v2  }
0xb2: {  	v2 =	vld [tilespmem:s11+$0xFFFFFFC0]  }
0xb3: {  	[tilespmem:s7+$0x10] =	vst v3;
	v3 =	vld [tilespmem:s7+$0x20]  }
0xb4: {  	v6 =	vmul.f32 v6, v13;
	v4 =	vmul.f32 v4, v10;
	v10 =	vld [tilespmem:s13+$0x20]  }
0xb5: {  	v19 =	vld [tilespmem:s7+$0x60]  }
0xb6: {  	v16 =	vmul.f32 v16, v17;
	v11 =	vld [tilespmem:s7+$0xFFFFFFA0];
	[tilespmem:s7+$0xFFFFFF90] =	vst v6  }
0xb7: {  	v2 =	vmul.f32 v2, v5;
	v5 =	vld [tilespmem:s13+$0xFFFFFFA0]  }
0xb8: {  	v61 =	vld [tilespmem:s7+$0x70];
	[tilespmem:s9+$0xFFFFFF80] =	vst v16  }
0xb9: {  	v16 =	vld [tilespmem:s1+$0xFFFFFF90];
	[tilespmem:s6+$0xFFFFFFC0] =	vst v2;
	v2 =	vmul.f32 v10, v3  }
0xba: {  	v1 =	vld [tilespmem:s6+$0xFFFFFFF0]  }
0xbb: {  	v6 =	vld [tilespmem:s7+$0x30];
	[tilespmem:s7+$0x20] =	vst v2  }
0xbc: {  	v5 =	vmul.f32 v5, v11;
	v11 =	vld [tilespmem:s13+$0x30]  }
0xbd: {  	v3 =	vld [tilespmem:s11+$0xFFFFFFD0]  }
0xbe: {  	v8 =	vld [tilespmem:s7+$0xFFFFFFB0]  }
0xbf: {  	v12 =	vld [tilespmem:s6+$0x60];
	[tilespmem:s6+$0x50] =	vst v4  }
0xc0: {  	v4 =	vld [tilespmem:s11+$0x60]  }
0xc1: {  	[tilespmem:s7+$0xFFFFFFA0] =	vst v5;
	v5 =	vld [tilespmem:s9+$0x0];
	v6 =	vmul.f32 v11, v6  }
0xc2: {  	v3 =	vmul.f32 v3, v7;
	v7 =	vld [tilespmem:s1+$0x0]  }
0xc3: {  	v11 =	vld [tilespmem:s7+$0x40];
	[tilespmem:s7+$0x30] =	vst v6  }
0xc4: {  	v6 =	vld [tilespmem:s13+$0x40]  }
0xc5: {  	v13 =	vld [tilespmem:s7+$0xFFFFFFC0];
	v4 =	vmul.f32 v4, v12  }
0xc6: {  	v10 =	vld [tilespmem:s6+$0x70]  }
0xc7: {  	[tilespmem:s6+$0x60] =	vst v4;
	v4 =	vld [tilespmem:s13+$0xFFFFFFB0];
	v5 =	vmul.f32 v7, v5  }
0xc8: {  	v7 =	vld [tilespmem:s9+$0xFFFFFF90]  }
0xc9: {  	[tilespmem:s9+$0x0] =	vst v5;
	v5 =	vld [tilespmem:s9+$0x10];
	v6 =	vmul.f32 v6, v11  }
0xca: {  	v11 =	vld [tilespmem:s1+$0x10]  }
0xcb: {  	v2 =	vld [tilespmem:s7+$0xFFFFFFE0];
	[tilespmem:s7+$0x40] =	vst v6  }
0xcc: {  	v4 =	vmul.f32 v4, v8;
	v8 =	vld [tilespmem:s13+$0x50]  }
0xcd: {  	v12 =	vld [tilespmem:s11+$0x70];
	[tilespmem:s6+$0xFFFFFFD0] =	vst v3  }
0xce: {  	v3 =	vld [tilespmem:s7+$0xFFFFFFF0];
	[tilespmem:s7+$0xFFFFFFB0] =	vst v4;
	v7 =	vmul.f32 v16, v7  }
0xcf: {  	v4 =	vmul.f32 v11, v5;
	v11 =	vld [tilespmem:s13+$0xFFFFFFC0]  }
0xd0: {  	v15 =	vld [tilespmem:s11+$0xFFFFFFE0];
	[tilespmem:s9+$0xFFFFFF90] =	vst v7  }
0xd1: {  	v7 =	vld [tilespmem:s9+$0xFFFFFFE0];
	[tilespmem:s9+$0x10] =	vst v4;
	v4 =	vmul.f32 v8, v18  }
0xd2: {  	v8 =	vld [tilespmem:s9+$0x20]  }
0xd3: {  	v59 =	vld [tilespmem:s1+$0x20];
	[tilespmem:s7+$0x50] =	vst v4  }
0xd4: {  	v11 =	vmul.f32 v11, v13;
	v13 =	vld [tilespmem:s13+$0x60]  }
0xd5: {  	v6 =	vld [tilespmem:s9+$0xFFFFFFB0]  }
0xd6: {  	v60 =	vld [tilespmem:s1+$0xFFFFFFA0];
	[tilespmem:s7+$0xFFFFFFC0] =	vst v11  }
0xd7: {  	v11 =	vld [tilespmem:s13+$0xFFFFFFD0]  }
0xd8: {  	v5 =	vld [tilespmem:s9+$0xFFFFFFC0];
	v8 =	vmul.f32 v59, v8  }
0xd9: {  	v4 =	vld [tilespmem:s9+$0xFFFFFFD0];
	v13 =	vmul.f32 v13, v19  }
0xda: {  	[tilespmem:s9+$0x20] =	vst v8;
	v8 =	vmul.f32 v15, v9;
	v15 =	vld [tilespmem:s9+$0x30]  }
0xdb: {  	v9 =	vmul.f32 v60, v58;
	v62 =	vld [tilespmem:s1+$0x30];
	[tilespmem:s7+$0x60] =	vst v13  }
0xdc: {  	[tilespmem:s6+$0xFFFFFFE0] =	vst v8;
	v8 =	vmul.f32 v11, v14;
	v63 =	vld [tilespmem:s13+$0x70]  }
0xdd: {  	[tilespmem:s9+$0xFFFFFFA0] =	vst v9;
	v9 =	vld [tilespmem:s11+$0xFFFFFFF0]  }
0xde: {  	v13 =	vld [tilespmem:s1+$0xFFFFFFB0];
	[tilespmem:s7+$0xFFFFFFD0] =	vst v8  }
0xdf: {  	v11 =	vmul.f32 v12, v10;
	v10 =	vld [tilespmem:s13+$0xFFFFFFE0]  }
0xe0: {  	v8 =	vld [tilespmem:s9+$0xFFFFFFF0];
	v14 =	vmul.f32 v62, v15  }
0xe1: {  	s28 =	simm.s32 $0x4;
	s22 =	simm.s32 $0x680;
	s11 =	simm.s32 $0x6580;
	[tilespmem:s6+$0x70] =	vst v11;
	v11 =	vld [tilespmem:s9+$0x40];
	v12 =	vmul.f32 v63, v61  }
.LBB2_5:
0xe2: {  	v15 =	vld [tilespmem:s22+$0x0];
	[tilespmem:s9+$0x30] =	vst v14;
	s1 =	sadd.s32 $0x100, s1;
	v9 =	vmul.f32 v9, v1;
	v1 =	vmov v3  }
0xe3: {  	v14 =	vld [tilespmem:s1+$0x0];
	v13 =	vmul.f32 v13, v6;
	[tilespmem:s7+$0x70] =	vst v12  }
0xe4: {  	s28 =	sadd.s32 $0x2, s28;
	v6 =	vld [tilespmem:s11+$0x40];
	v10 =	vmul.f32 v10, v2;
	[tilespmem:s6+$0xFFFFFFF0] =	vst v9;
	v2 =	vmov v7;
	s6 =	smov.u32 s7;
	s7 =	smov.u32 s9  }
0xe5: {  	p1 =	slt.u32 s28, $0x3E;
	s9 =	smov.u32 s22;
	v7 =	vld [tilespmem:s1+$0xFFFFFF80];
	[tilespmem:s7+$0xFFFFFFB0] =	vst v13;
	v3 =	vmov v8  }
0xe6: {  	v8 =	vld [tilespmem:s22+$0xFFFFFF80];
	[tilespmem:s6+$0xFFFFFFE0] =	vst v10  }
0xe7: {  	v9 =	vld [tilespmem:s22+$0xFFFFFF90]  }
0xe8: {  	v10 =	vld [tilespmem:s22+$0xFFFFFFA0];
	v12 =	vmul.f32 v14, v15  }
0xe9: {  	v6 =	vmul.f32 v6, v11;
	v11 =	vld [tilespmem:s7+$0x50]  }
0xea: {  	[tilespmem:s22+$0x0] =	vst v12;
	v12 =	vld [tilespmem:s22+$0x10]  }
0xeb: {  	v7 =	vmul.f32 v7, v8;
	v8 =	vld [tilespmem:s1+$0x10];
	[tilespmem:s7+$0x40] =	vst v6  }
0xec: {  	v13 =	vld [tilespmem:s11+$0x50]  }
0xed: {  	[tilespmem:s22+$0xFFFFFF80] =	vst v7;
	v6 =	vld [tilespmem:s22+$0xFFFFFFB0]  }
0xee: {  	v7 =	vld [tilespmem:s1+$0xFFFFFF90]  }
0xef: {  	v14 =	vld [tilespmem:s11+$0xFFFFFFC0]  }
0xf0: {  	v15 =	vld [tilespmem:s22+$0xFFFFFFC0];
	v8 =	vmul.f32 v8, v12  }
0xf1: {  	v11 =	vmul.f32 v13, v11;
	v12 =	vld [tilespmem:s7+$0x60]  }
0xf2: {  	[tilespmem:s22+$0x10] =	vst v8;
	v8 =	vld [tilespmem:s22+$0x20]  }
0xf3: {  	v7 =	vmul.f32 v7, v9;
	v9 =	vld [tilespmem:s1+$0x20];
	[tilespmem:s7+$0x50] =	vst v11  }
0xf4: {  	v11 =	vmul.f32 v14, v5;
	v13 =	vld [tilespmem:s11+$0x60]  }
0xf5: {  	[tilespmem:s22+$0xFFFFFF90] =	vst v7;
	v14 =	vld [tilespmem:s22+$0xFFFFFFD0];
	v5 =	vmov v15  }
0xf6: {  	v15 =	vld [tilespmem:s1+$0xFFFFFFA0];
	[tilespmem:s7+$0xFFFFFFC0] =	vst v11  }
0xf7: {  	v11 =	vld [tilespmem:s11+$0xFFFFFFD0]  }
0xf8: {  	v7 =	vld [tilespmem:s22+$0xFFFFFFE0];
	v8 =	vmul.f32 v9, v8  }
0xf9: {  	v9 =	vmul.f32 v13, v12;
	v12 =	vld [tilespmem:s7+$0x70]  }
0xfa: {  	[tilespmem:s22+$0x20] =	vst v8;
	v16 =	vld [tilespmem:s22+$0x30]  }
0xfb: {  	v8 =	vmul.f32 v15, v10;
	v15 =	vld [tilespmem:s1+$0x30];
	[tilespmem:s7+$0x60] =	vst v9  }
0xfc: {  	v10 =	vmul.f32 v11, v4;
	v17 =	vld [tilespmem:s11+$0x70];
	v4 =	vmov v14  }
.Ltmp1:
0xfd: {  	[tilespmem:s22+$0xFFFFFFA0] =	vst v8;
	v9 =	vld [tilespmem:s13+$0xFFFFFFF0];
	s13 =	smov.u32 s11;
	s11 =	smov.u32 s1;
	(pc) =	sbr.rel @p1 .LBB2_5-.Ltmp1, $4  }
0xfe: {  	v13 =	vld [tilespmem:s1+$0xFFFFFFB0];
	[tilespmem:s7+$0xFFFFFFD0] =	vst v10  }
0xff: {  	v10 =	vld [tilespmem:s13+$0xFFFFFFE0]  }
0x100: {  	v8 =	vld [tilespmem:s22+$0xFFFFFFF0];
	v14 =	vmul.f32 v15, v16  }
0x101: {  	s22 =	sadd.s32 $0x100, s22;
	v11 =	vld [tilespmem:s9+$0x40];
	v12 =	vmul.f32 v17, v12  }
0x102: {  	_ = 	snop  }
0x103: {  	[tilespmem:s9+$0x30] =	vst v14;
	v6 =	vmul.f32 v13, v6  }
0x104: {  	v13 =	vld [tilespmem:s11+$0x40]  }
0x105: {  	[tilespmem:s9+$0xFFFFFFB0] =	vst v6  }
0x106: {  	v6 =	vld [tilespmem:s11+$0xFFFFFFC0];
	_ =	sdelay $0x2  }
0x107: {  	v11 =	vmul.f32 v13, v11;
	_ =	sdelay $0x1  }
0x108: {  	v13 =	vld [tilespmem:s9+$0x50];
	[tilespmem:s9+$0x40] =	vst v11;
	v5 =	vmul.f32 v6, v5  }
0x109: {  	v6 =	vld [tilespmem:s11+$0x50]  }
0x10a: {  	[tilespmem:s9+$0xFFFFFFC0] =	vst v5  }
0x10b: {  	v5 =	vld [tilespmem:s11+$0xFFFFFFD0];
	_ =	sdelay $0x2  }
0x10c: {  	v6 =	vmul.f32 v6, v13;
	_ =	sdelay $0x1  }
0x10d: {  	v11 =	vld [tilespmem:s9+$0x60];
	[tilespmem:s9+$0x50] =	vst v6;
	v4 =	vmul.f32 v5, v4  }
0x10e: {  	v5 =	vld [tilespmem:s11+$0x60]  }
0x10f: {  	[tilespmem:s9+$0xFFFFFFD0] =	vst v4  }
0x110: {  	v4 =	vld [tilespmem:s11+$0xFFFFFFE0];
	_ =	sdelay $0x2  }
0x111: {  	v5 =	vmul.f32 v5, v11  }
0x112: {  	v2 =	vmul.f32 v10, v2  }
0x113: {  	v6 =	vld [tilespmem:s9+$0x70];
	[tilespmem:s9+$0x60] =	vst v5;
	v4 =	vmul.f32 v4, v7  }
0x114: {  	[tilespmem:s7+$0xFFFFFFE0] =	vst v2;
	v2 =	vld [tilespmem:s11+$0x70]  }
0x115: {  	v5 =	vld [tilespmem:s13+$0xFFFFFFF0];
	[tilespmem:s9+$0xFFFFFFE0] =	vst v4  }
0x116: {  	v4 =	vld [tilespmem:s11+$0xFFFFFFF0];
	_ =	sdelay $0x1  }
0x117: {  	v1 =	vmul.f32 v9, v1  }
0x118: {  	[tilespmem:s7+$0x70] =	vst v12;
	v2 =	vmul.f32 v2, v6  }
0x119: {  	[tilespmem:s6+$0xFFFFFFF0] =	vst v1;
	v1 =	vmul.f32 v5, v3  }
0x11a: {  	[tilespmem:s9+$0x70] =	vst v2;
	v2 =	vmul.f32 v4, v8  }
0x11b: {  	[tilespmem:s7+$0xFFFFFFF0] =	vst v1  }
0x11c: {  	s1 =	simm.s32 $0x100;
	[tilespmem:s9+$0xFFFFFFF0] =	vst v2  }
0x11d: {  	[spmem:s12] =	stream.indirect.scatter.add.f32 [tilespmem:s8], [sflag:$0x8], $0x80, s1, s30, $0xb8;
	[tilespmem:$0x1DF00] =	vst v63  }
0x11e: {  	s1 =	simm.s32 @!p0 $0xA  }
0x11f: {  	_ =	swait.ge @!p0 [sflag:s1], $0x2000  }
0x120: {  	s11 =	rddreg [dreg:$0x1d]  }
0x121: {  	s6 =	sadd.s32 s5, s11  }
0x122: {  	[sflag:s1] =	ssyncset.done @!p0 $0x0;
	s13 =	sshrl.u32 s6, $0x3  }
0x123: {  	[sflag:s1] =	ssyncadd.s32 @!p0 $0xFFFFE000;
	s22 =	sadd.s32 s16, s13  }
0x124: {  	[tilespmem:s2], [sflag:$0x1] =	stream.linear.gather [hbm4b:s22+s2], $0x40, $0x38;
	[tilespmem:$0x1DF00] =	vst v63  }
0x125: {  	s11 =	sshll.u32 s6, $0x4;
	s9 =	sadd.s32 s17, s13  }
0x126: {  	[tilespmem:s23], [sflag:$0x1] =	stream.linear.gather [hbm4b:s9+s2], $0x40, $0x38;
	[tilespmem:$0x1DF00] =	vst v63  }
0x127: {  	s1 =	sadd.s32 s15, s11;
	s13 =	simm.s32 $0x6300  }
0x128: {  	[tilespmem:s13], [sflag:$0x3] =	stream.linear.gather [hbm4b:s1+s2], $0x2000, $0x38;
	[tilespmem:$0x1DF00] =	vst v63  }
0x129: {  	_ =	swait.ge [sflag:s14], $0x40  }
0x12a: {  	[sflag:s14] =	ssyncset.done $0x0  }
0x12b: {  	[sflag:s14] =	ssyncadd.s32 $0xFFFFFFC0  }
0x12c: {  	_ =	swait.ge [sflag:s14], $0x40  }
0x12d: {  	[sflag:s14] =	ssyncset.done $0x0  }
0x12e: {  	[sflag:s14] =	ssyncadd.s32 $0xFFFFFFC0  }
0x12f: {  	[tilespmem:s24], [sflag:$0x7] =	stream.indirect.gather [hbm4b:s0+s30], $0x80, s2, s30, $0xb8;
	[tilespmem:$0x1DF00] =	vst v63  }
0x130: {  	_ =	swait.ge [sflag:s25], $0x2000  }
0x131: {  	[sflag:s25] =	ssyncset.done $0x0  }
0x132: {  	[sflag:s25] =	ssyncadd.s32 $0xFFFFE000  }
0x133: {  	_ =	swait.ge [sflag:s26], $0x2000  }
0x134: {  	[sflag:s26] =	ssyncset.done $0x0  }
0x135: {  	s6 =	simm.s32 $0x23F0;
	[sflag:s26] =	ssyncadd.s32 $0xFFFFE000  }
0x136: {  	s22 =	simm.s32 $0x83F0;
	v1 =	vld [tilespmem:s6+$0xFFFFFF90]  }
0x137: {  	v2 =	vld [tilespmem:s22+$0xFFFFFF90];
	_ =	sdelay $0x3  }
0x138: {  	v3 =	vld [tilespmem:s6+$0xFFFFFF10]  }
0x139: {  	v1 =	vmul.f32 v2, v1;
	v2 =	vld [tilespmem:s22+$0xFFFFFF10];
	_ =	sdelay $0x1  }
0x13a: {  	[tilespmem:s6+$0xFFFFFF90] =	vst v1;
	v1 =	vld [tilespmem:s6+$0xFFFFFFA0]  }
0x13b: {  	v4 =	vld [tilespmem:s22+$0xFFFFFFA0];
	_ =	sdelay $0x1  }
0x13c: {  	v2 =	vmul.f32 v2, v3;
	_ =	sdelay $0x1  }
0x13d: {  	v5 =	vld [tilespmem:s6+$0xFFFFFF20];
	[tilespmem:s6+$0xFFFFFF10] =	vst v2  }
0x13e: {  	v1 =	vmul.f32 v4, v1;
	v2 =	vld [tilespmem:s22+$0xFFFFFF20];
	_ =	sdelay $0x1  }
0x13f: {  	[tilespmem:s6+$0xFFFFFFA0] =	vst v1;
	v1 =	vld [tilespmem:s6+$0xFFFFFFB0]  }
0x140: {  	v4 =	vld [tilespmem:s22+$0xFFFFFFB0]  }
0x141: {  	v6 =	vld [tilespmem:s6+$0xFFFFFF40]  }
0x142: {  	s7 =	simm.s32 $0x24F0;
	v7 =	vld [tilespmem:s6+$0xFFFFFF60];
	v2 =	vmul.f32 v2, v5  }
0x143: {  	v8 =	vld [tilespmem:s7+$0xFFFFFF90]  }
0x144: {  	v3 =	vld [tilespmem:s6+$0xFFFFFF30];
	[tilespmem:s6+$0xFFFFFF20] =	vst v2  }
0x145: {  	v1 =	vmul.f32 v4, v1;
	v2 =	vld [tilespmem:s22+$0xFFFFFF30]  }
0x146: {  	v9 =	vld [tilespmem:s6+$0xFFFFFF70]  }
0x147: {  	[tilespmem:s6+$0xFFFFFFB0] =	vst v1;
	v1 =	vld [tilespmem:s6+$0xFFFFFFC0]  }
0x148: {  	s13 =	simm.s32 $0x84F0;
	v4 =	vld [tilespmem:s22+$0xFFFFFFC0]  }
0x149: {  	v11 =	vld [tilespmem:s13+$0xFFFFFF10]  }
0x14a: {  	v2 =	vmul.f32 v2, v3;
	v3 =	vld [tilespmem:s13+$0xFFFFFF90]  }
0x14b: {  	v13 =	vld [tilespmem:s7+$0xFFFFFF20]  }
0x14c: {  	s1 =	simm.s32 $0x85F0;
	v14 =	vld [tilespmem:s7+$0xFFFFFF60]  }
0x14d: {  	v16 =	vld [tilespmem:s1+$0xFFFFFF10];
	v1 =	vmul.f32 v4, v1  }
0x14e: {  	[tilespmem:s6+$0xFFFFFF30] =	vst v2;
	v2 =	vld [tilespmem:s6+$0xFFFFFFD0]  }
0x14f: {  	[tilespmem:s6+$0xFFFFFFC0] =	vst v1;
	v3 =	vmul.f32 v3, v8;
	v8 =	vld [tilespmem:s7+$0xFFFFFF10]  }
0x150: {  	s9 =	simm.s32 $0x25F0;
	v10 =	vld [tilespmem:s22+$0xFFFFFFD0]  }
0x151: {  	v17 =	vld [tilespmem:s9+$0xFFFFFF10]  }
0x152: {  	v4 =	vld [tilespmem:s22+$0xFFFFFF40]  }
0x153: {  	v18 =	vld [tilespmem:s7+$0xFFFFFFE0]  }
0x154: {  	[tilespmem:s7+$0xFFFFFF90] =	vst v3;
	v3 =	vld [tilespmem:s7+$0xFFFFFFA0];
	v8 =	vmul.f32 v11, v8  }
0x155: {  	v12 =	vld [tilespmem:s13+$0xFFFFFFA0];
	v2 =	vmul.f32 v10, v2  }
0x156: {  	v10 =	vld [tilespmem:s6+$0xFFFFFFE0];
	[tilespmem:s7+$0xFFFFFF10] =	vst v8  }
0x157: {  	[tilespmem:s6+$0xFFFFFFD0] =	vst v2;
	v2 =	vmul.f32 v4, v6;
	v6 =	vld [tilespmem:s13+$0xFFFFFF20]  }
0x158: {  	v4 =	vld [tilespmem:s22+$0xFFFFFFE0]  }
0x159: {  	v58 =	vld [tilespmem:s9+$0xFFFFFF30]  }
0x15a: {  	v5 =	vld [tilespmem:s6+$0xFFFFFF50];
	v3 =	vmul.f32 v12, v3;
	[tilespmem:s6+$0xFFFFFF40] =	vst v2  }
0x15b: {  	v2 =	vld [tilespmem:s22+$0xFFFFFF50]  }
0x15c: {  	[tilespmem:s7+$0xFFFFFFA0] =	vst v3;
	v3 =	vld [tilespmem:s7+$0xFFFFFFB0]  }
0x15d: {  	v6 =	vmul.f32 v6, v13;
	v4 =	vmul.f32 v4, v10;
	v10 =	vld [tilespmem:s13+$0xFFFFFFB0]  }
0x15e: {  	v19 =	vld [tilespmem:s7+$0xFFFFFFF0]  }
0x15f: {  	v16 =	vmul.f32 v16, v17;
	v11 =	vld [tilespmem:s7+$0xFFFFFF30];
	[tilespmem:s7+$0xFFFFFF20] =	vst v6  }
0x160: {  	v2 =	vmul.f32 v2, v5;
	v5 =	vld [tilespmem:s13+$0xFFFFFF30]  }
0x161: {  	v61 =	vld [tilespmem:s7+$0x0];
	[tilespmem:s9+$0xFFFFFF10] =	vst v16  }
0x162: {  	v16 =	vld [tilespmem:s1+$0xFFFFFF20];
	[tilespmem:s6+$0xFFFFFF50] =	vst v2;
	v2 =	vmul.f32 v10, v3  }
0x163: {  	v1 =	vld [tilespmem:s6+$0xFFFFFF80]  }
0x164: {  	v6 =	vld [tilespmem:s7+$0xFFFFFFC0];
	[tilespmem:s7+$0xFFFFFFB0] =	vst v2  }
0x165: {  	v5 =	vmul.f32 v5, v11;
	v11 =	vld [tilespmem:s13+$0xFFFFFFC0]  }
0x166: {  	v3 =	vld [tilespmem:s22+$0xFFFFFF60]  }
0x167: {  	v8 =	vld [tilespmem:s7+$0xFFFFFF40]  }
0x168: {  	v12 =	vld [tilespmem:s6+$0xFFFFFFF0];
	[tilespmem:s6+$0xFFFFFFE0] =	vst v4  }
0x169: {  	v4 =	vld [tilespmem:s22+$0xFFFFFFF0]  }
0x16a: {  	[tilespmem:s7+$0xFFFFFF30] =	vst v5;
	v5 =	vld [tilespmem:s9+$0xFFFFFF90];
	v6 =	vmul.f32 v11, v6  }
0x16b: {  	v3 =	vmul.f32 v3, v7;
	v7 =	vld [tilespmem:s1+$0xFFFFFF90]  }
0x16c: {  	v11 =	vld [tilespmem:s7+$0xFFFFFFD0];
	[tilespmem:s7+$0xFFFFFFC0] =	vst v6  }
0x16d: {  	v6 =	vld [tilespmem:s13+$0xFFFFFFD0]  }
0x16e: {  	v13 =	vld [tilespmem:s7+$0xFFFFFF50];
	v4 =	vmul.f32 v4, v12  }
0x16f: {  	v10 =	vld [tilespmem:s6+$0x0]  }
0x170: {  	[tilespmem:s6+$0xFFFFFFF0] =	vst v4;
	v4 =	vld [tilespmem:s13+$0xFFFFFF40];
	v5 =	vmul.f32 v7, v5  }
0x171: {  	v7 =	vld [tilespmem:s9+$0xFFFFFF20]  }
0x172: {  	[tilespmem:s9+$0xFFFFFF90] =	vst v5;
	v5 =	vld [tilespmem:s9+$0xFFFFFFA0];
	v6 =	vmul.f32 v6, v11  }
0x173: {  	v11 =	vld [tilespmem:s1+$0xFFFFFFA0]  }
0x174: {  	v2 =	vld [tilespmem:s7+$0xFFFFFF70];
	[tilespmem:s7+$0xFFFFFFD0] =	vst v6  }
0x175: {  	v4 =	vmul.f32 v4, v8;
	v8 =	vld [tilespmem:s13+$0xFFFFFFE0]  }
0x176: {  	v12 =	vld [tilespmem:s22+$0x0];
	[tilespmem:s6+$0xFFFFFF60] =	vst v3  }
0x177: {  	v3 =	vld [tilespmem:s7+$0xFFFFFF80];
	[tilespmem:s7+$0xFFFFFF40] =	vst v4;
	v7 =	vmul.f32 v16, v7  }
0x178: {  	v4 =	vmul.f32 v11, v5;
	v11 =	vld [tilespmem:s13+$0xFFFFFF50]  }
0x179: {  	v15 =	vld [tilespmem:s22+$0xFFFFFF70];
	[tilespmem:s9+$0xFFFFFF20] =	vst v7  }
0x17a: {  	v7 =	vld [tilespmem:s9+$0xFFFFFF70];
	[tilespmem:s9+$0xFFFFFFA0] =	vst v4;
	v4 =	vmul.f32 v8, v18  }
0x17b: {  	v8 =	vld [tilespmem:s9+$0xFFFFFFB0]  }
0x17c: {  	v59 =	vld [tilespmem:s1+$0xFFFFFFB0];
	[tilespmem:s7+$0xFFFFFFE0] =	vst v4  }
0x17d: {  	v11 =	vmul.f32 v11, v13;
	v13 =	vld [tilespmem:s13+$0xFFFFFFF0]  }
0x17e: {  	v6 =	vld [tilespmem:s9+$0xFFFFFF40]  }
0x17f: {  	v60 =	vld [tilespmem:s1+$0xFFFFFF30];
	[tilespmem:s7+$0xFFFFFF50] =	vst v11  }
0x180: {  	v11 =	vld [tilespmem:s13+$0xFFFFFF60]  }
0x181: {  	v5 =	vld [tilespmem:s9+$0xFFFFFF50];
	v8 =	vmul.f32 v59, v8  }
0x182: {  	v4 =	vld [tilespmem:s9+$0xFFFFFF60];
	v13 =	vmul.f32 v13, v19  }
0x183: {  	[tilespmem:s9+$0xFFFFFFB0] =	vst v8;
	v8 =	vmul.f32 v15, v9;
	v15 =	vld [tilespmem:s9+$0xFFFFFFC0]  }
0x184: {  	v9 =	vmul.f32 v60, v58;
	v62 =	vld [tilespmem:s1+$0xFFFFFFC0];
	[tilespmem:s7+$0xFFFFFFF0] =	vst v13  }
0x185: {  	[tilespmem:s6+$0xFFFFFF70] =	vst v8;
	v8 =	vmul.f32 v11, v14;
	v63 =	vld [tilespmem:s13+$0x0]  }
0x186: {  	[tilespmem:s9+$0xFFFFFF30] =	vst v9;
	v9 =	vld [tilespmem:s22+$0xFFFFFF80]  }
0x187: {  	v13 =	vld [tilespmem:s1+$0xFFFFFF40];
	[tilespmem:s7+$0xFFFFFF60] =	vst v8  }
0x188: {  	v11 =	vmul.f32 v12, v10;
	v10 =	vld [tilespmem:s13+$0xFFFFFF70]  }
0x189: {  	v8 =	vld [tilespmem:s9+$0xFFFFFF80];
	v14 =	vmul.f32 v62, v15  }
0x18a: {  	s28 =	simm.s32 $0x4;
	s11 =	simm.s32 $0x85F0;
	s22 =	simm.s32 $0x26F0;
	[tilespmem:s6+$0x0] =	vst v11;
	v11 =	vld [tilespmem:s9+$0xFFFFFFD0];
	v12 =	vmul.f32 v63, v61  }
.LBB2_7:
0x18b: {  	v15 =	vld [tilespmem:s22+$0xFFFFFF90];
	[tilespmem:s9+$0xFFFFFFC0] =	vst v14;
	s1 =	sadd.s32 $0x100, s1;
	v9 =	vmul.f32 v9, v1;
	v1 =	vmov v3  }
0x18c: {  	v14 =	vld [tilespmem:s1+$0xFFFFFF90];
	v13 =	vmul.f32 v13, v6;
	[tilespmem:s7+$0x0] =	vst v12  }
0x18d: {  	s28 =	sadd.s32 $0x2, s28;
	v6 =	vld [tilespmem:s11+$0xFFFFFFD0];
	v10 =	vmul.f32 v10, v2;
	[tilespmem:s6+$0xFFFFFF80] =	vst v9;
	v2 =	vmov v7;
	s6 =	smov.u32 s7;
	s7 =	smov.u32 s9  }
0x18e: {  	p0 =	slt.u32 s28, $0x3E;
	s9 =	smov.u32 s22;
	v7 =	vld [tilespmem:s1+$0xFFFFFF10];
	[tilespmem:s7+$0xFFFFFF40] =	vst v13;
	v3 =	vmov v8  }
0x18f: {  	v8 =	vld [tilespmem:s22+$0xFFFFFF10];
	[tilespmem:s6+$0xFFFFFF70] =	vst v10  }
0x190: {  	v9 =	vld [tilespmem:s22+$0xFFFFFF20]  }
0x191: {  	v10 =	vld [tilespmem:s22+$0xFFFFFF30];
	v12 =	vmul.f32 v14, v15  }
0x192: {  	v6 =	vmul.f32 v6, v11;
	v11 =	vld [tilespmem:s7+$0xFFFFFFE0]  }
0x193: {  	[tilespmem:s22+$0xFFFFFF90] =	vst v12;
	v12 =	vld [tilespmem:s22+$0xFFFFFFA0]  }
0x194: {  	v7 =	vmul.f32 v7, v8;
	v8 =	vld [tilespmem:s1+$0xFFFFFFA0];
	[tilespmem:s7+$0xFFFFFFD0] =	vst v6  }
0x195: {  	v13 =	vld [tilespmem:s11+$0xFFFFFFE0]  }
0x196: {  	[tilespmem:s22+$0xFFFFFF10] =	vst v7;
	v6 =	vld [tilespmem:s22+$0xFFFFFF40]  }
0x197: {  	v7 =	vld [tilespmem:s1+$0xFFFFFF20]  }
0x198: {  	v14 =	vld [tilespmem:s11+$0xFFFFFF50]  }
0x199: {  	v15 =	vld [tilespmem:s22+$0xFFFFFF50];
	v8 =	vmul.f32 v8, v12  }
0x19a: {  	v11 =	vmul.f32 v13, v11;
	v12 =	vld [tilespmem:s7+$0xFFFFFFF0]  }
0x19b: {  	[tilespmem:s22+$0xFFFFFFA0] =	vst v8;
	v8 =	vld [tilespmem:s22+$0xFFFFFFB0]  }
0x19c: {  	v7 =	vmul.f32 v7, v9;
	v9 =	vld [tilespmem:s1+$0xFFFFFFB0];
	[tilespmem:s7+$0xFFFFFFE0] =	vst v11  }
0x19d: {  	v11 =	vmul.f32 v14, v5;
	v13 =	vld [tilespmem:s11+$0xFFFFFFF0]  }
0x19e: {  	[tilespmem:s22+$0xFFFFFF20] =	vst v7;
	v14 =	vld [tilespmem:s22+$0xFFFFFF60];
	v5 =	vmov v15  }
0x19f: {  	v15 =	vld [tilespmem:s1+$0xFFFFFF30];
	[tilespmem:s7+$0xFFFFFF50] =	vst v11  }
0x1a0: {  	v11 =	vld [tilespmem:s11+$0xFFFFFF60]  }
0x1a1: {  	v7 =	vld [tilespmem:s22+$0xFFFFFF70];
	v8 =	vmul.f32 v9, v8  }
0x1a2: {  	v9 =	vmul.f32 v13, v12;
	v12 =	vld [tilespmem:s7+$0x0]  }
0x1a3: {  	[tilespmem:s22+$0xFFFFFFB0] =	vst v8;
	v16 =	vld [tilespmem:s22+$0xFFFFFFC0]  }
0x1a4: {  	v8 =	vmul.f32 v15, v10;
	v15 =	vld [tilespmem:s1+$0xFFFFFFC0];
	[tilespmem:s7+$0xFFFFFFF0] =	vst v9  }
0x1a5: {  	v10 =	vmul.f32 v11, v4;
	v17 =	vld [tilespmem:s11+$0x0];
	v4 =	vmov v14  }
.Ltmp2:
0x1a6: {  	[tilespmem:s22+$0xFFFFFF30] =	vst v8;
	v9 =	vld [tilespmem:s13+$0xFFFFFF80];
	s13 =	smov.u32 s11;
	s11 =	smov.u32 s1;
	(pc) =	sbr.rel @p0 .LBB2_7-.Ltmp2, $4  }
0x1a7: {  	v13 =	vld [tilespmem:s1+$0xFFFFFF40];
	[tilespmem:s7+$0xFFFFFF60] =	vst v10  }
0x1a8: {  	v10 =	vld [tilespmem:s13+$0xFFFFFF70]  }
0x1a9: {  	v8 =	vld [tilespmem:s22+$0xFFFFFF80];
	v14 =	vmul.f32 v15, v16  }
0x1aa: {  	s22 =	sadd.s32 $0x100, s22;
	v11 =	vld [tilespmem:s9+$0xFFFFFFD0];
	v12 =	vmul.f32 v17, v12  }
0x1ab: {  	_ = 	snop  }
0x1ac: {  	[tilespmem:s9+$0xFFFFFFC0] =	vst v14;
	v6 =	vmul.f32 v13, v6  }
0x1ad: {  	v54 =	vld [tilespmem:s11+$0xFFFFFFD0]  }
0x1ae: {  	[tilespmem:s9+$0xFFFFFF40] =	vst v6  }
0x1af: {  	v6 =	vld [tilespmem:s11+$0xFFFFFF50];
	_ =	sdelay $0x2  }
0x1b0: {  	v11 =	vmul.f32 v54, v11;
	_ =	sdelay $0x1  }
0x1b1: {  	v55 =	vld [tilespmem:s9+$0xFFFFFFE0];
	[tilespmem:s9+$0xFFFFFFD0] =	vst v11;
	v5 =	vmul.f32 v6, v5  }
0x1b2: {  	v6 =	vld [tilespmem:s11+$0xFFFFFFE0]  }
0x1b3: {  	[tilespmem:s9+$0xFFFFFF50] =	vst v5  }
0x1b4: {  	v5 =	vld [tilespmem:s11+$0xFFFFFF60];
	_ =	sdelay $0x2  }
0x1b5: {  	v6 =	vmul.f32 v6, v55;
	_ =	sdelay $0x1  }
0x1b6: {  	v56 =	vld [tilespmem:s9+$0xFFFFFFF0];
	[tilespmem:s9+$0xFFFFFFE0] =	vst v6;
	v4 =	vmul.f32 v5, v4  }
0x1b7: {  	v5 =	vld [tilespmem:s11+$0xFFFFFFF0]  }
0x1b8: {  	[tilespmem:s9+$0xFFFFFF60] =	vst v4  }
0x1b9: {  	v4 =	vld [tilespmem:s11+$0xFFFFFF70];
	_ =	sdelay $0x2  }
0x1ba: {  	v5 =	vmul.f32 v5, v56  }
0x1bb: {  	v2 =	vmul.f32 v10, v2  }
0x1bc: {  	v6 =	vld [tilespmem:s9+$0x0];
	[tilespmem:s9+$0xFFFFFFF0] =	vst v5;
	v4 =	vmul.f32 v4, v7  }
0x1bd: {  	[tilespmem:s7+$0xFFFFFF70] =	vst v2;
	v2 =	vld [tilespmem:s11+$0x0]  }
0x1be: {  	v5 =	vld [tilespmem:s13+$0xFFFFFF80];
	[tilespmem:s9+$0xFFFFFF70] =	vst v4  }
0x1bf: {  	v4 =	vld [tilespmem:s11+$0xFFFFFF80];
	_ =	sdelay $0x1  }
0x1c0: {  	v1 =	vmul.f32 v9, v1  }
0x1c1: {  	[tilespmem:s7+$0x0] =	vst v12;
	v2 =	vmul.f32 v2, v6  }
0x1c2: {  	[tilespmem:s6+$0xFFFFFF80] =	vst v1;
	v1 =	vmul.f32 v5, v3  }
0x1c3: {  	[tilespmem:s9+$0x0] =	vst v2;
	v2 =	vmul.f32 v4, v8  }
0x1c4: {  	[tilespmem:s7+$0xFFFFFF80] =	vst v1  }
0x1c5: {  	s6 =	simm.s32 $0x8;
	[tilespmem:s9+$0xFFFFFF80] =	vst v2  }
0x1c6: {  	[spmem:s12] =	stream.indirect.scatter.add.f32 [tilespmem:s19], [sflag:$0x9], $0x80, s10, s30, $0xb8;
	[tilespmem:$0x1DF00] =	vst v63  }
0x1c7: {  	_ =	swait.ge [sflag:s6], $0x2000  }
0x1c8: {  	s1 =	rddreg [dreg:$0x1e]  }
0x1c9: {  	s1 =	sadd.s32 s5, s1  }
0x1ca: {  	[sflag:s6] =	ssyncset.done $0x0;
	s9 =	sshrl.u32 s1, $0x3  }
0x1cb: {  	s13 =	simm.s32 $0x0;
	[sflag:s6] =	ssyncadd.s32 $0xFFFFE000;
	s11 =	sadd.s32 s16, s9  }
0x1cc: {  	[tilespmem:s31], [sflag:$0x2] =	stream.linear.gather [hbm4b:s11+s13], $0x40, $0x38;
	[tilespmem:$0x1DF00] =	vst v63  }
0x1cd: {  	s22 =	simm.s32 $0x100;
	s1 =	sshll.u32 s1, $0x4;
	s6 =	sadd.s32 s17, s9  }
0x1ce: {  	[tilespmem:s22], [sflag:$0x2] =	stream.linear.gather [hbm4b:s6+s13], $0x40, $0x38;
	[tilespmem:$0x1DF00] =	vst v63  }
0x1cf: {  	s28 =	simm.s32 $0x8300;
	s1 =	sadd.s32 s15, s1  }
0x1d0: {  	[tilespmem:s28], [sflag:$0x4] =	stream.linear.gather [hbm4b:s1+s13], $0x2000, $0x38;
	[tilespmem:$0x1DF00] =	vst v63  }
0x1d1: {  	_ =	swait.ge [sflag:s18], $0x40  }
0x1d2: {  	[sflag:s18] =	ssyncset.done $0x0  }
0x1d3: {  	[sflag:s18] =	ssyncadd.s32 $0xFFFFFFC0  }
0x1d4: {  	_ =	swait.ge [sflag:s18], $0x40  }
0x1d5: {  	[sflag:s18] =	ssyncset.done $0x0  }
0x1d6: {  	[sflag:s18] =	ssyncadd.s32 $0xFFFFFFC0  }
0x1d7: {  	[tilespmem:s8], [sflag:$0x5] =	stream.indirect.gather [hbm4b:s0+s30], $0x80, s31, s30, $0xb8;
	[tilespmem:$0x1DF00] =	vst v63  }
0x1d8: {  	_ =	swait.ge [sflag:s29], $0x2000  }
0x1d9: {  	[sflag:s29] =	ssyncset.done $0x0  }
0x1da: {  	[sflag:s29] =	ssyncadd.s32 $0xFFFFE000  }
0x1db: {  	_ =	swait.ge [sflag:s21], $0x2000  }
0x1dc: {  	[sflag:s21] =	ssyncset.done $0x0  }
0x1dd: {  	s1 =	simm.s32 $0x0;
	[sflag:s21] =	ssyncadd.s32 $0xFFFFE000  }
0x1de: {  	v1 =	vld [tilespmem:s1+$0x4300]  }
0x1df: {  	v2 =	vld [tilespmem:s1+$0x6300]  }
0x1e0: {  	v3 =	vld [tilespmem:s1+$0x4310]  }
0x1e1: {  	v4 =	vld [tilespmem:s1+$0x6310]  }
0x1e2: {  	v5 =	vld [tilespmem:s1+$0x4320]  }
0x1e3: {  	v6 =	vld [tilespmem:s1+$0x6320]  }
0x1e4: {  	v7 =	vld [tilespmem:s1+$0x6330]  }
0x1e5: {  	v8 =	vld [tilespmem:s1+$0x43F0]  }
0x1e6: {  	v57 =	vld [tilespmem:s1+$0x63F0]  }
0x1e7: {  	v58 =	vld [tilespmem:s1+$0x4370];
	v1 =	vmul.f32 v2, v1  }
0x1e8: {  	v2 =	vld [tilespmem:s1+$0x4330]  }
0x1e9: {  	[tilespmem:s1+$0x4300] =	vst v1;
	v1 =	vmul.f32 v4, v3;
	v3 =	vld [tilespmem:s1+$0x4340]  }
0x1ea: {  	v4 =	vld [tilespmem:s1+$0x6340]  }
0x1eb: {  	[tilespmem:s1+$0x4310] =	vst v1;
	v1 =	vmul.f32 v6, v5;
	v5 =	vld [tilespmem:s1+$0x4350]  }
0x1ec: {  	v6 =	vld [tilespmem:s1+$0x6350]  }
0x1ed: {  	[tilespmem:s1+$0x4320] =	vst v1;
	v1 =	vmul.f32 v7, v2;
	v7 =	vld [tilespmem:s1+$0x4360]  }
0x1ee: {  	v2 =	vmul.f32 v57, v8;
	v8 =	vld [tilespmem:s1+$0x6360]  }
0x1ef: {  	[tilespmem:s1+$0x4330] =	vst v1;
	v1 =	vld [tilespmem:s1+$0x4380]  }
0x1f0: {  	[tilespmem:s1+$0x43F0] =	vst v2;
	v2 =	vld [tilespmem:s1+$0x6380]  }
0x1f1: {  	v59 =	vld [tilespmem:s1+$0x4390]  }
0x1f2: {  	v60 =	vld [tilespmem:s1+$0x6390]  }
0x1f3: {  	v61 =	vld [tilespmem:s1+$0x43A0]  }
0x1f4: {  	v62 =	vld [tilespmem:s1+$0x63A0];
	v5 =	vmul.f32 v6, v5;
	v6 =	vmul.f32 v8, v7  }
0x1f5: {  	v1 =	vmul.f32 v2, v1;
	v2 =	vmul.f32 v4, v3;
	v4 =	vld [tilespmem:s1+$0x6370]  }
0x1f6: {  	v63 =	vld [tilespmem:s1+$0x43B0];
	[tilespmem:s1+$0x4350] =	vst v5  }
0x1f7: {  	v15 =	vld [tilespmem:s1+$0x63B0];
	[tilespmem:s1+$0x4360] =	vst v6  }
0x1f8: {  	v3 =	vmul.f32 v60, v59;
	[tilespmem:s1+$0x4380] =	vst v1;
	v1 =	vld [tilespmem:s1+$0x43C0]  }
0x1f9: {  	v5 =	vmul.f32 v62, v61;
	[tilespmem:s1+$0x4340] =	vst v2;
	v2 =	vld [tilespmem:s1+$0x63C0]  }
0x1fa: {  	[tilespmem:s1+$0x4390] =	vst v3;
	v3 =	vld [tilespmem:s1+$0x43D0];
	v6 =	vmul.f32 v4, v58  }
0x1fb: {  	[tilespmem:s1+$0x43A0] =	vst v5;
	v4 =	vld [tilespmem:s1+$0x63D0]  }
0x1fc: {  	s7 =	simm.s32 $0x400;
	s6 =	simm.s32 $0x0;
	v5 =	vld [tilespmem:s1+$0x43E0];
	[tilespmem:s1+$0x4370] =	vst v6;
	v6 =	vmul.f32 v15, v63  }
.LBB2_9:
0x1fd: {  	s9 =	sshra.s32 s7, $0x2;
	v7 =	vld [tilespmem:s1+$0x63E0]  }
0x1fe: {  	s6 =	sadd.s32 $0x2, s6;
	v8 =	vld [tilespmem:s9+$0x43F0];
	[tilespmem:s1+$0x43B0] =	vst v6;
	v1 =	vmul.f32 v2, v1  }
0x1ff: {  	p0 =	slt.u32 s6, $0x3E;
	v2 =	vld [tilespmem:s9+$0x63F0]  }
0x200: {  	v6 =	vld [tilespmem:s9+$0x4300];
	[tilespmem:s1+$0x43C0] =	vst v1;
	v1 =	vmul.f32 v4, v3  }
0x201: {  	v3 =	vld [tilespmem:s9+$0x6300]  }
0x202: {  	v4 =	vld [tilespmem:s9+$0x4310];
	[tilespmem:s1+$0x43D0] =	vst v1;
	v1 =	vmul.f32 v7, v5  }
0x203: {  	v5 =	vld [tilespmem:s9+$0x6310]  }
0x204: {  	v7 =	vld [tilespmem:s9+$0x4320];
	v2 =	vmul.f32 v2, v8;
	[tilespmem:s1+$0x43E0] =	vst v1;
	s1 =	smov.u32 s9  }
0x205: {  	v1 =	vld [tilespmem:s1+$0x6320]  }
0x206: {  	v3 =	vmul.f32 v3, v6;
	v6 =	vld [tilespmem:s1+$0x4330];
	[tilespmem:s1+$0x43F0] =	vst v2  }
0x207: {  	v2 =	vld [tilespmem:s1+$0x6330]  }
0x208: {  	[tilespmem:s1+$0x4300] =	vst v3;
	v3 =	vmul.f32 v5, v4;
	v4 =	vld [tilespmem:s1+$0x4340]  }
0x209: {  	v5 =	vld [tilespmem:s1+$0x6340]  }
0x20a: {  	[tilespmem:s1+$0x4310] =	vst v3;
	v1 =	vmul.f32 v1, v7;
	v3 =	vld [tilespmem:s1+$0x4350]  }
0x20b: {  	v7 =	vld [tilespmem:s1+$0x6350]  }
0x20c: {  	[tilespmem:s1+$0x4320] =	vst v1;
	v1 =	vmul.f32 v2, v6;
	v2 =	vld [tilespmem:s1+$0x4360]  }
0x20d: {  	v6 =	vld [tilespmem:s1+$0x6360]  }
0x20e: {  	[tilespmem:s1+$0x4330] =	vst v1;
	v1 =	vmul.f32 v5, v4;
	v4 =	vld [tilespmem:s1+$0x4370]  }
0x20f: {  	v5 =	vld [tilespmem:s1+$0x6370]  }
0x210: {  	[tilespmem:s1+$0x4340] =	vst v1;
	v1 =	vmul.f32 v7, v3;
	v3 =	vld [tilespmem:s1+$0x4380]  }
0x211: {  	v7 =	vld [tilespmem:s1+$0x6380]  }
0x212: {  	[tilespmem:s1+$0x4350] =	vst v1;
	v1 =	vmul.f32 v6, v2;
	v2 =	vld [tilespmem:s1+$0x4390]  }
0x213: {  	v6 =	vld [tilespmem:s1+$0x6390]  }
0x214: {  	[tilespmem:s1+$0x4360] =	vst v1;
	v1 =	vmul.f32 v5, v4;
	v4 =	vld [tilespmem:s1+$0x43A0]  }
0x215: {  	v5 =	vld [tilespmem:s1+$0x63A0]  }
0x216: {  	[tilespmem:s1+$0x4370] =	vst v1;
	v1 =	vmul.f32 v7, v3;
	v7 =	vld [tilespmem:s1+$0x43B0]  }
0x217: {  	v8 =	vld [tilespmem:s1+$0x63B0]  }
.Ltmp3:
0x218: {  	[tilespmem:s1+$0x4380] =	vst v1;
	v3 =	vmul.f32 v6, v2;
	v1 =	vld [tilespmem:s1+$0x43C0];
	(pc) =	sbr.rel @p0 .LBB2_9-.Ltmp3, $4  }
0x219: {  	v2 =	vld [tilespmem:s1+$0x63C0]  }
0x21a: {  	[tilespmem:s1+$0x4390] =	vst v3;
	v5 =	vmul.f32 v5, v4;
	v3 =	vld [tilespmem:s1+$0x43D0]  }
0x21b: {  	v4 =	vld [tilespmem:s1+$0x63D0]  }
0x21c: {  	s7 =	sadd.s32 $0x400, s7;
	[tilespmem:s1+$0x43A0] =	vst v5;
	v6 =	vmul.f32 v8, v7;
	v5 =	vld [tilespmem:s1+$0x43E0]  }
0x21d: {  	v7 =	vld [tilespmem:s1+$0x63E0];
	_ =	sdelay $0x2  }
0x21e: {  	v1 =	vmul.f32 v2, v1  }
0x21f: {  	[tilespmem:s1+$0x43B0] =	vst v6;
	v2 =	vmul.f32 v4, v3  }
0x220: {  	[tilespmem:s1+$0x43C0] =	vst v1;
	v1 =	vmul.f32 v7, v5  }
0x221: {  	[tilespmem:s1+$0x43D0] =	vst v2  }
0x222: {  	s7 =	simm.s32 $0x9;
	[tilespmem:s1+$0x43E0] =	vst v1  }
0x223: {  	[spmem:s12] =	stream.indirect.scatter.add.f32 [tilespmem:s24], [sflag:$0xA], $0x80, s23, s30, $0xb8;
	[tilespmem:$0x1DF00] =	vst v63  }
0x224: {  	_ =	swait.ge [sflag:s7], $0x2000  }
0x225: {  	s11 =	rddreg [dreg:$0x1f]  }
0x226: {  	s1 =	sadd.s32 s5, s11  }
0x227: {  	[sflag:s7] =	ssyncset.done $0x0;
	s6 =	sshrl.u32 s1, $0x3  }
0x228: {  	[sflag:s7] =	ssyncadd.s32 $0xFFFFE000;
	s13 =	sadd.s32 s16, s6  }
0x229: {  	[tilespmem:s2], [sflag:$0x1] =	stream.linear.gather [hbm4b:s13+s2], $0x40, $0x38;
	[tilespmem:$0x1DF00] =	vst v63  }
0x22a: {  	s1 =	sshll.u32 s1, $0x4;
	s6 =	sadd.s32 s17, s6  }
0x22b: {  	[tilespmem:s10], [sflag:$0x1] =	stream.linear.gather [hbm4b:s6+s2], $0x40, $0x38;
	[tilespmem:$0x1DF00] =	vst v63  }
0x22c: {  	s22 =	simm.s32 $0x6300;
	s1 =	sadd.s32 s15, s1  }
0x22d: {  	[tilespmem:s22], [sflag:$0x3] =	stream.linear.gather [hbm4b:s1+s2], $0x2000, $0x38;
	[tilespmem:$0x1DF00] =	vst v63  }
0x22e: {  	_ =	swait.ge [sflag:s14], $0x40  }
0x22f: {  	[sflag:s14] =	ssyncset.done $0x0  }
0x230: {  	[sflag:s14] =	ssyncadd.s32 $0xFFFFFFC0  }
0x231: {  	_ =	swait.ge [sflag:s14], $0x40  }
0x232: {  	[sflag:s14] =	ssyncset.done $0x0  }
0x233: {  	[sflag:s14] =	ssyncadd.s32 $0xFFFFFFC0  }
0x234: {  	[tilespmem:s19], [sflag:$0x6] =	stream.indirect.gather [hbm4b:s0+s30], $0x80, s2, s30, $0xb8;
	[tilespmem:$0x1DF00] =	vst v63  }
0x235: {  	_ =	swait.ge [sflag:s20], $0x2000  }
0x236: {  	[sflag:s20] =	ssyncset.done $0x0  }
0x237: {  	[sflag:s20] =	ssyncadd.s32 $0xFFFFE000  }
0x238: {  	_ =	swait.ge [sflag:s26], $0x2000  }
0x239: {  	[sflag:s26] =	ssyncset.done $0x0  }
0x23a: {  	s6 =	simm.s32 $0x380;
	[sflag:s26] =	ssyncadd.s32 $0xFFFFE000  }
0x23b: {  	s11 =	simm.s32 $0x83F0;
	v1 =	vld [tilespmem:s6+$0x0]  }
0x23c: {  	v2 =	vld [tilespmem:s11+$0xFFFFFF90];
	_ =	sdelay $0x3  }
0x23d: {  	v3 =	vld [tilespmem:s6+$0xFFFFFF80]  }
0x23e: {  	v1 =	vmul.f32 v2, v1;
	v2 =	vld [tilespmem:s11+$0xFFFFFF10];
	_ =	sdelay $0x1  }
0x23f: {  	[tilespmem:s6+$0x0] =	vst v1;
	v1 =	vld [tilespmem:s6+$0x10]  }
0x240: {  	v4 =	vld [tilespmem:s11+$0xFFFFFFA0];
	_ =	sdelay $0x1  }
0x241: {  	v2 =	vmul.f32 v2, v3;
	_ =	sdelay $0x1  }
0x242: {  	v5 =	vld [tilespmem:s6+$0xFFFFFF90];
	[tilespmem:s6+$0xFFFFFF80] =	vst v2  }
0x243: {  	v1 =	vmul.f32 v4, v1;
	v2 =	vld [tilespmem:s11+$0xFFFFFF20];
	_ =	sdelay $0x1  }
0x244: {  	[tilespmem:s6+$0x10] =	vst v1;
	v1 =	vld [tilespmem:s6+$0x20]  }
0x245: {  	v4 =	vld [tilespmem:s11+$0xFFFFFFB0]  }
0x246: {  	v6 =	vld [tilespmem:s6+$0xFFFFFFB0]  }
0x247: {  	s7 =	simm.s32 $0x480;
	v7 =	vld [tilespmem:s6+$0xFFFFFFD0];
	v2 =	vmul.f32 v2, v5  }
0x248: {  	v8 =	vld [tilespmem:s7+$0x0]  }
0x249: {  	v3 =	vld [tilespmem:s6+$0xFFFFFFA0];
	[tilespmem:s6+$0xFFFFFF90] =	vst v2  }
0x24a: {  	v1 =	vmul.f32 v4, v1;
	v2 =	vld [tilespmem:s11+$0xFFFFFF30]  }
0x24b: {  	v9 =	vld [tilespmem:s6+$0xFFFFFFE0]  }
0x24c: {  	[tilespmem:s6+$0x20] =	vst v1;
	v1 =	vld [tilespmem:s6+$0x30]  }
0x24d: {  	s13 =	simm.s32 $0x84F0;
	v4 =	vld [tilespmem:s11+$0xFFFFFFC0]  }
0x24e: {  	v11 =	vld [tilespmem:s13+$0xFFFFFF10]  }
0x24f: {  	v2 =	vmul.f32 v2, v3;
	v3 =	vld [tilespmem:s13+$0xFFFFFF90]  }
0x250: {  	v13 =	vld [tilespmem:s7+$0xFFFFFF90]  }
0x251: {  	s1 =	simm.s32 $0x85F0;
	v14 =	vld [tilespmem:s7+$0xFFFFFFD0]  }
0x252: {  	v16 =	vld [tilespmem:s1+$0xFFFFFF10];
	v1 =	vmul.f32 v4, v1  }
0x253: {  	[tilespmem:s6+$0xFFFFFFA0] =	vst v2;
	v2 =	vld [tilespmem:s6+$0x40]  }
0x254: {  	[tilespmem:s6+$0x30] =	vst v1;
	v3 =	vmul.f32 v3, v8;
	v8 =	vld [tilespmem:s7+$0xFFFFFF80]  }
0x255: {  	s9 =	simm.s32 $0x580;
	v10 =	vld [tilespmem:s11+$0xFFFFFFD0]  }
0x256: {  	v17 =	vld [tilespmem:s9+$0xFFFFFF80]  }
0x257: {  	v4 =	vld [tilespmem:s11+$0xFFFFFF40]  }
0x258: {  	v18 =	vld [tilespmem:s7+$0x50]  }
0x259: {  	[tilespmem:s7+$0x0] =	vst v3;
	v3 =	vld [tilespmem:s7+$0x10];
	v8 =	vmul.f32 v11, v8  }
0x25a: {  	v12 =	vld [tilespmem:s13+$0xFFFFFFA0];
	v2 =	vmul.f32 v10, v2  }
0x25b: {  	v10 =	vld [tilespmem:s6+$0x50];
	[tilespmem:s7+$0xFFFFFF80] =	vst v8  }
0x25c: {  	[tilespmem:s6+$0x40] =	vst v2;
	v2 =	vmul.f32 v4, v6;
	v6 =	vld [tilespmem:s13+$0xFFFFFF20]  }
0x25d: {  	v4 =	vld [tilespmem:s11+$0xFFFFFFE0]  }
0x25e: {  	v58 =	vld [tilespmem:s9+$0xFFFFFFA0]  }
0x25f: {  	v5 =	vld [tilespmem:s6+$0xFFFFFFC0];
	v3 =	vmul.f32 v12, v3;
	[tilespmem:s6+$0xFFFFFFB0] =	vst v2  }
0x260: {  	v2 =	vld [tilespmem:s11+$0xFFFFFF50]  }
0x261: {  	[tilespmem:s7+$0x10] =	vst v3;
	v3 =	vld [tilespmem:s7+$0x20]  }
0x262: {  	v6 =	vmul.f32 v6, v13;
	v4 =	vmul.f32 v4, v10;
	v10 =	vld [tilespmem:s13+$0xFFFFFFB0]  }
0x263: {  	v19 =	vld [tilespmem:s7+$0x60]  }
0x264: {  	v16 =	vmul.f32 v16, v17;
	v11 =	vld [tilespmem:s7+$0xFFFFFFA0];
	[tilespmem:s7+$0xFFFFFF90] =	vst v6  }
0x265: {  	v2 =	vmul.f32 v2, v5;
	v5 =	vld [tilespmem:s13+$0xFFFFFF30]  }
0x266: {  	v61 =	vld [tilespmem:s7+$0x70];
	[tilespmem:s9+$0xFFFFFF80] =	vst v16  }
0x267: {  	v16 =	vld [tilespmem:s1+$0xFFFFFF20];
	[tilespmem:s6+$0xFFFFFFC0] =	vst v2;
	v2 =	vmul.f32 v10, v3  }
0x268: {  	v1 =	vld [tilespmem:s6+$0xFFFFFFF0]  }
0x269: {  	v6 =	vld [tilespmem:s7+$0x30];
	[tilespmem:s7+$0x20] =	vst v2  }
0x26a: {  	v5 =	vmul.f32 v5, v11;
	v11 =	vld [tilespmem:s13+$0xFFFFFFC0]  }
0x26b: {  	v3 =	vld [tilespmem:s11+$0xFFFFFF60]  }
0x26c: {  	v8 =	vld [tilespmem:s7+$0xFFFFFFB0]  }
0x26d: {  	v12 =	vld [tilespmem:s6+$0x60];
	[tilespmem:s6+$0x50] =	vst v4  }
0x26e: {  	v4 =	vld [tilespmem:s11+$0xFFFFFFF0]  }
0x26f: {  	[tilespmem:s7+$0xFFFFFFA0] =	vst v5;
	v5 =	vld [tilespmem:s9+$0x0];
	v6 =	vmul.f32 v11, v6  }
0x270: {  	v3 =	vmul.f32 v3, v7;
	v7 =	vld [tilespmem:s1+$0xFFFFFF90]  }
0x271: {  	v11 =	vld [tilespmem:s7+$0x40];
	[tilespmem:s7+$0x30] =	vst v6  }
0x272: {  	v6 =	vld [tilespmem:s13+$0xFFFFFFD0]  }
0x273: {  	v13 =	vld [tilespmem:s7+$0xFFFFFFC0];
	v4 =	vmul.f32 v4, v12  }
0x274: {  	v10 =	vld [tilespmem:s6+$0x70]  }
0x275: {  	[tilespmem:s6+$0x60] =	vst v4;
	v4 =	vld [tilespmem:s13+$0xFFFFFF40];
	v5 =	vmul.f32 v7, v5  }
0x276: {  	v7 =	vld [tilespmem:s9+$0xFFFFFF90]  }
0x277: {  	[tilespmem:s9+$0x0] =	vst v5;
	v5 =	vld [tilespmem:s9+$0x10];
	v6 =	vmul.f32 v6, v11  }
0x278: {  	v11 =	vld [tilespmem:s1+$0xFFFFFFA0]  }
0x279: {  	v2 =	vld [tilespmem:s7+$0xFFFFFFE0];
	[tilespmem:s7+$0x40] =	vst v6  }
0x27a: {  	v4 =	vmul.f32 v4, v8;
	v8 =	vld [tilespmem:s13+$0xFFFFFFE0]  }
0x27b: {  	v12 =	vld [tilespmem:s11+$0x0];
	[tilespmem:s6+$0xFFFFFFD0] =	vst v3  }
0x27c: {  	v3 =	vld [tilespmem:s7+$0xFFFFFFF0];
	[tilespmem:s7+$0xFFFFFFB0] =	vst v4;
	v7 =	vmul.f32 v16, v7  }
0x27d: {  	v4 =	vmul.f32 v11, v5;
	v11 =	vld [tilespmem:s13+$0xFFFFFF50]  }
0x27e: {  	v15 =	vld [tilespmem:s11+$0xFFFFFF70];
	[tilespmem:s9+$0xFFFFFF90] =	vst v7  }
0x27f: {  	v7 =	vld [tilespmem:s9+$0xFFFFFFE0];
	[tilespmem:s9+$0x10] =	vst v4;
	v4 =	vmul.f32 v8, v18  }
0x280: {  	v8 =	vld [tilespmem:s9+$0x20]  }
0x281: {  	v59 =	vld [tilespmem:s1+$0xFFFFFFB0];
	[tilespmem:s7+$0x50] =	vst v4  }
0x282: {  	v11 =	vmul.f32 v11, v13;
	v13 =	vld [tilespmem:s13+$0xFFFFFFF0]  }
0x283: {  	v6 =	vld [tilespmem:s9+$0xFFFFFFB0]  }
0x284: {  	v60 =	vld [tilespmem:s1+$0xFFFFFF30];
	[tilespmem:s7+$0xFFFFFFC0] =	vst v11  }
0x285: {  	v11 =	vld [tilespmem:s13+$0xFFFFFF60]  }
0x286: {  	v5 =	vld [tilespmem:s9+$0xFFFFFFC0];
	v8 =	vmul.f32 v59, v8  }
0x287: {  	v4 =	vld [tilespmem:s9+$0xFFFFFFD0];
	v13 =	vmul.f32 v13, v19  }
0x288: {  	[tilespmem:s9+$0x20] =	vst v8;
	v8 =	vmul.f32 v15, v9;
	v15 =	vld [tilespmem:s9+$0x30]  }
0x289: {  	v9 =	vmul.f32 v60, v58;
	v62 =	vld [tilespmem:s1+$0xFFFFFFC0];
	[tilespmem:s7+$0x60] =	vst v13  }
0x28a: {  	[tilespmem:s6+$0xFFFFFFE0] =	vst v8;
	v8 =	vmul.f32 v11, v14;
	v63 =	vld [tilespmem:s13+$0x0]  }
0x28b: {  	[tilespmem:s9+$0xFFFFFFA0] =	vst v9;
	v9 =	vld [tilespmem:s11+$0xFFFFFF80]  }
0x28c: {  	v13 =	vld [tilespmem:s1+$0xFFFFFF40];
	[tilespmem:s7+$0xFFFFFFD0] =	vst v8  }
0x28d: {  	v11 =	vmul.f32 v12, v10;
	v10 =	vld [tilespmem:s13+$0xFFFFFF70]  }
0x28e: {  	v8 =	vld [tilespmem:s9+$0xFFFFFFF0];
	v14 =	vmul.f32 v62, v15  }
0x28f: {  	s28 =	simm.s32 $0x4;
	s22 =	simm.s32 $0x680;
	s11 =	simm.s32 $0x85F0;
	[tilespmem:s6+$0x70] =	vst v11;
	v11 =	vld [tilespmem:s9+$0x40];
	v12 =	vmul.f32 v63, v61  }
.LBB2_11:
0x290: {  	v15 =	vld [tilespmem:s22+$0x0];
	[tilespmem:s9+$0x30] =	vst v14;
	s1 =	sadd.s32 $0x100, s1;
	v9 =	vmul.f32 v9, v1;
	v1 =	vmov v3  }
0x291: {  	v14 =	vld [tilespmem:s1+$0xFFFFFF90];
	v13 =	vmul.f32 v13, v6;
	[tilespmem:s7+$0x70] =	vst v12  }
0x292: {  	s28 =	sadd.s32 $0x2, s28;
	v6 =	vld [tilespmem:s11+$0xFFFFFFD0];
	v10 =	vmul.f32 v10, v2;
	[tilespmem:s6+$0xFFFFFFF0] =	vst v9;
	v2 =	vmov v7;
	s6 =	smov.u32 s7;
	s7 =	smov.u32 s9  }
0x293: {  	p0 =	slt.u32 s28, $0x3E;
	s9 =	smov.u32 s22;
	v7 =	vld [tilespmem:s1+$0xFFFFFF10];
	[tilespmem:s7+$0xFFFFFFB0] =	vst v13;
	v3 =	vmov v8  }
0x294: {  	v8 =	vld [tilespmem:s22+$0xFFFFFF80];
	[tilespmem:s6+$0xFFFFFFE0] =	vst v10  }
0x295: {  	v9 =	vld [tilespmem:s22+$0xFFFFFF90]  }
0x296: {  	v10 =	vld [tilespmem:s22+$0xFFFFFFA0];
	v12 =	vmul.f32 v14, v15  }
0x297: {  	v6 =	vmul.f32 v6, v11;
	v11 =	vld [tilespmem:s7+$0x50]  }
0x298: {  	[tilespmem:s22+$0x0] =	vst v12;
	v12 =	vld [tilespmem:s22+$0x10]  }
0x299: {  	v7 =	vmul.f32 v7, v8;
	v8 =	vld [tilespmem:s1+$0xFFFFFFA0];
	[tilespmem:s7+$0x40] =	vst v6  }
0x29a: {  	v13 =	vld [tilespmem:s11+$0xFFFFFFE0]  }
0x29b: {  	[tilespmem:s22+$0xFFFFFF80] =	vst v7;
	v6 =	vld [tilespmem:s22+$0xFFFFFFB0]  }
0x29c: {  	v7 =	vld [tilespmem:s1+$0xFFFFFF20]  }
0x29d: {  	v14 =	vld [tilespmem:s11+$0xFFFFFF50]  }
0x29e: {  	v15 =	vld [tilespmem:s22+$0xFFFFFFC0];
	v8 =	vmul.f32 v8, v12  }
0x29f: {  	v11 =	vmul.f32 v13, v11;
	v12 =	vld [tilespmem:s7+$0x60]  }
0x2a0: {  	[tilespmem:s22+$0x10] =	vst v8;
	v8 =	vld [tilespmem:s22+$0x20]  }
0x2a1: {  	v7 =	vmul.f32 v7, v9;
	v9 =	vld [tilespmem:s1+$0xFFFFFFB0];
	[tilespmem:s7+$0x50] =	vst v11  }
0x2a2: {  	v11 =	vmul.f32 v14, v5;
	v13 =	vld [tilespmem:s11+$0xFFFFFFF0]  }
0x2a3: {  	[tilespmem:s22+$0xFFFFFF90] =	vst v7;
	v14 =	vld [tilespmem:s22+$0xFFFFFFD0];
	v5 =	vmov v15  }
0x2a4: {  	v15 =	vld [tilespmem:s1+$0xFFFFFF30];
	[tilespmem:s7+$0xFFFFFFC0] =	vst v11  }
0x2a5: {  	v11 =	vld [tilespmem:s11+$0xFFFFFF60]  }
0x2a6: {  	v7 =	vld [tilespmem:s22+$0xFFFFFFE0];
	v8 =	vmul.f32 v9, v8  }
0x2a7: {  	v9 =	vmul.f32 v13, v12;
	v12 =	vld [tilespmem:s7+$0x70]  }
0x2a8: {  	[tilespmem:s22+$0x20] =	vst v8;
	v16 =	vld [tilespmem:s22+$0x30]  }
0x2a9: {  	v8 =	vmul.f32 v15, v10;
	v15 =	vld [tilespmem:s1+$0xFFFFFFC0];
	[tilespmem:s7+$0x60] =	vst v9  }
0x2aa: {  	v10 =	vmul.f32 v11, v4;
	v17 =	vld [tilespmem:s11+$0x0];
	v4 =	vmov v14  }
.Ltmp4:
0x2ab: {  	[tilespmem:s22+$0xFFFFFFA0] =	vst v8;
	v9 =	vld [tilespmem:s13+$0xFFFFFF80];
	s13 =	smov.u32 s11;
	s11 =	smov.u32 s1;
	(pc) =	sbr.rel @p0 .LBB2_11-.Ltmp4, $4  }
0x2ac: {  	v13 =	vld [tilespmem:s1+$0xFFFFFF40];
	[tilespmem:s7+$0xFFFFFFD0] =	vst v10  }
0x2ad: {  	v10 =	vld [tilespmem:s13+$0xFFFFFF70]  }
0x2ae: {  	v8 =	vld [tilespmem:s22+$0xFFFFFFF0];
	v14 =	vmul.f32 v15, v16  }
0x2af: {  	s22 =	sadd.s32 $0x100, s22;
	v11 =	vld [tilespmem:s9+$0x40];
	v12 =	vmul.f32 v17, v12  }
0x2b0: {  	_ = 	snop  }
0x2b1: {  	[tilespmem:s9+$0x30] =	vst v14;
	v6 =	vmul.f32 v13, v6  }
0x2b2: {  	v13 =	vld [tilespmem:s11+$0xFFFFFFD0]  }
0x2b3: {  	[tilespmem:s9+$0xFFFFFFB0] =	vst v6  }
0x2b4: {  	v6 =	vld [tilespmem:s11+$0xFFFFFF50];
	_ =	sdelay $0x2  }
0x2b5: {  	v11 =	vmul.f32 v13, v11;
	_ =	sdelay $0x1  }
0x2b6: {  	v13 =	vld [tilespmem:s9+$0x50];
	[tilespmem:s9+$0x40] =	vst v11;
	v5 =	vmul.f32 v6, v5  }
0x2b7: {  	v6 =	vld [tilespmem:s11+$0xFFFFFFE0]  }
0x2b8: {  	[tilespmem:s9+$0xFFFFFFC0] =	vst v5  }
0x2b9: {  	v5 =	vld [tilespmem:s11+$0xFFFFFF60];
	_ =	sdelay $0x2  }
0x2ba: {  	v6 =	vmul.f32 v6, v13;
	_ =	sdelay $0x1  }
0x2bb: {  	v11 =	vld [tilespmem:s9+$0x60];
	[tilespmem:s9+$0x50] =	vst v6;
	v4 =	vmul.f32 v5, v4  }
0x2bc: {  	v5 =	vld [tilespmem:s11+$0xFFFFFFF0]  }
0x2bd: {  	[tilespmem:s9+$0xFFFFFFD0] =	vst v4  }
0x2be: {  	v4 =	vld [tilespmem:s11+$0xFFFFFF70];
	_ =	sdelay $0x2  }
0x2bf: {  	v5 =	vmul.f32 v5, v11  }
0x2c0: {  	v2 =	vmul.f32 v10, v2  }
0x2c1: {  	v6 =	vld [tilespmem:s9+$0x70];
	[tilespmem:s9+$0x60] =	vst v5;
	v4 =	vmul.f32 v4, v7  }
0x2c2: {  	[tilespmem:s7+$0xFFFFFFE0] =	vst v2;
	v2 =	vld [tilespmem:s11+$0x0]  }
0x2c3: {  	v5 =	vld [tilespmem:s13+$0xFFFFFF80];
	[tilespmem:s9+$0xFFFFFFE0] =	vst v4  }
0x2c4: {  	v4 =	vld [tilespmem:s11+$0xFFFFFF80];
	_ =	sdelay $0x1  }
0x2c5: {  	v1 =	vmul.f32 v9, v1  }
0x2c6: {  	[tilespmem:s7+$0x70] =	vst v12;
	v2 =	vmul.f32 v2, v6  }
0x2c7: {  	[tilespmem:s6+$0xFFFFFFF0] =	vst v1;
	v1 =	vmul.f32 v5, v3  }
0x2c8: {  	[tilespmem:s9+$0x70] =	vst v2;
	v2 =	vmul.f32 v4, v8  }
0x2c9: {  	[tilespmem:s7+$0xFFFFFFF0] =	vst v1  }
0x2ca: {  	s1 =	simm.s32 $0x100;
	[tilespmem:s9+$0xFFFFFFF0] =	vst v2  }
0x2cb: {  	[spmem:s12] =	stream.indirect.scatter.add.f32 [tilespmem:s8], [sflag:$0x8], $0x80, s1, s30, $0xb8;
	[tilespmem:$0x1DF00] =	vst v63  }
0x2cc: {  	_ =	swait.ge [sflag:s3], $0x2000  }
0x2cd: {  	s7 =	sld [smem:$0x7FB];
	_ =	sdelay $0x2  }
0x2ce: {  	s1 =	sadd.s32 s5, s7  }
0x2cf: {  	[sflag:s3] =	ssyncset.done $0x0;
	s9 =	sshrl.u32 s1, $0x3  }
0x2d0: {  	[sflag:s3] =	ssyncadd.s32 $0xFFFFE000;
	s11 =	sadd.s32 s16, s9  }
0x2d1: {  	[tilespmem:s31], [sflag:$0x2] =	stream.linear.gather [hbm4b:s11+s2], $0x40, $0x38;
	[tilespmem:$0x1DF00] =	vst v63  }
0x2d2: {  	s1 =	sshll.u32 s1, $0x4;
	s6 =	sadd.s32 s17, s9  }
0x2d3: {  	[tilespmem:s23], [sflag:$0x2] =	stream.linear.gather [hbm4b:s6+s2], $0x40, $0x38;
	[tilespmem:$0x1DF00] =	vst v63  }
0x2d4: {  	s13 =	simm.s32 $0x8300;
	s1 =	sadd.s32 s15, s1  }
0x2d5: {  	[tilespmem:s13], [sflag:$0x4] =	stream.linear.gather [hbm4b:s1+s2], $0x2000, $0x38;
	[tilespmem:$0x1DF00] =	vst v63  }
0x2d6: {  	_ =	swait.ge [sflag:s18], $0x40  }
0x2d7: {  	[sflag:s18] =	ssyncset.done $0x0  }
0x2d8: {  	[sflag:s18] =	ssyncadd.s32 $0xFFFFFFC0  }
0x2d9: {  	_ =	swait.ge [sflag:s18], $0x40  }
0x2da: {  	[sflag:s18] =	ssyncset.done $0x0  }
0x2db: {  	[sflag:s18] =	ssyncadd.s32 $0xFFFFFFC0  }
0x2dc: {  	[tilespmem:s24], [sflag:$0x7] =	stream.indirect.gather [hbm4b:s0+s30], $0x80, s31, s30, $0xb8;
	[tilespmem:$0x1DF00] =	vst v63  }
0x2dd: {  	_ =	swait.ge [sflag:s25], $0x2000  }
0x2de: {  	[sflag:s25] =	ssyncset.done $0x0  }
0x2df: {  	[sflag:s25] =	ssyncadd.s32 $0xFFFFE000  }
0x2e0: {  	_ =	swait.ge [sflag:s21], $0x2000  }
0x2e1: {  	[sflag:s21] =	ssyncset.done $0x0  }
0x2e2: {  	s6 =	simm.s32 $0x23F0;
	[sflag:s21] =	ssyncadd.s32 $0xFFFFE000  }
0x2e3: {  	s22 =	simm.s32 $0x6380;
	v1 =	vld [tilespmem:s6+$0xFFFFFF90]  }
0x2e4: {  	v2 =	vld [tilespmem:s22+$0x0];
	_ =	sdelay $0x3  }
0x2e5: {  	v3 =	vld [tilespmem:s6+$0xFFFFFF10]  }
0x2e6: {  	v1 =	vmul.f32 v2, v1;
	v2 =	vld [tilespmem:s22+$0xFFFFFF80];
	_ =	sdelay $0x1  }
0x2e7: {  	[tilespmem:s6+$0xFFFFFF90] =	vst v1;
	v1 =	vld [tilespmem:s6+$0xFFFFFFA0]  }
0x2e8: {  	v4 =	vld [tilespmem:s22+$0x10];
	_ =	sdelay $0x1  }
0x2e9: {  	v2 =	vmul.f32 v2, v3;
	_ =	sdelay $0x1  }
0x2ea: {  	v5 =	vld [tilespmem:s6+$0xFFFFFF20];
	[tilespmem:s6+$0xFFFFFF10] =	vst v2  }
0x2eb: {  	v1 =	vmul.f32 v4, v1;
	v2 =	vld [tilespmem:s22+$0xFFFFFF90];
	_ =	sdelay $0x1  }
0x2ec: {  	[tilespmem:s6+$0xFFFFFFA0] =	vst v1;
	v1 =	vld [tilespmem:s6+$0xFFFFFFB0]  }
0x2ed: {  	v4 =	vld [tilespmem:s22+$0x20]  }
0x2ee: {  	v6 =	vld [tilespmem:s6+$0xFFFFFF40]  }
0x2ef: {  	s7 =	simm.s32 $0x24F0;
	v7 =	vld [tilespmem:s6+$0xFFFFFF60];
	v2 =	vmul.f32 v2, v5  }
0x2f0: {  	v8 =	vld [tilespmem:s7+$0xFFFFFF90]  }
0x2f1: {  	v3 =	vld [tilespmem:s6+$0xFFFFFF30];
	[tilespmem:s6+$0xFFFFFF20] =	vst v2  }
0x2f2: {  	v1 =	vmul.f32 v4, v1;
	v2 =	vld [tilespmem:s22+$0xFFFFFFA0]  }
0x2f3: {  	v9 =	vld [tilespmem:s6+$0xFFFFFF70]  }
0x2f4: {  	[tilespmem:s6+$0xFFFFFFB0] =	vst v1;
	v1 =	vld [tilespmem:s6+$0xFFFFFFC0]  }
0x2f5: {  	s13 =	simm.s32 $0x6480;
	v4 =	vld [tilespmem:s22+$0x30]  }
0x2f6: {  	v11 =	vld [tilespmem:s13+$0xFFFFFF80]  }
0x2f7: {  	v2 =	vmul.f32 v2, v3;
	v3 =	vld [tilespmem:s13+$0x0]  }
0x2f8: {  	v13 =	vld [tilespmem:s7+$0xFFFFFF20]  }
0x2f9: {  	s1 =	simm.s32 $0x6580;
	v14 =	vld [tilespmem:s7+$0xFFFFFF60]  }
0x2fa: {  	v16 =	vld [tilespmem:s1+$0xFFFFFF80];
	v1 =	vmul.f32 v4, v1  }
0x2fb: {  	[tilespmem:s6+$0xFFFFFF30] =	vst v2;
	v2 =	vld [tilespmem:s6+$0xFFFFFFD0]  }
0x2fc: {  	[tilespmem:s6+$0xFFFFFFC0] =	vst v1;
	v3 =	vmul.f32 v3, v8;
	v8 =	vld [tilespmem:s7+$0xFFFFFF10]  }
0x2fd: {  	s9 =	simm.s32 $0x25F0;
	v10 =	vld [tilespmem:s22+$0x40]  }
0x2fe: {  	v17 =	vld [tilespmem:s9+$0xFFFFFF10]  }
0x2ff: {  	v4 =	vld [tilespmem:s22+$0xFFFFFFB0]  }
0x300: {  	v18 =	vld [tilespmem:s7+$0xFFFFFFE0]  }
0x301: {  	[tilespmem:s7+$0xFFFFFF90] =	vst v3;
	v3 =	vld [tilespmem:s7+$0xFFFFFFA0];
	v8 =	vmul.f32 v11, v8  }
0x302: {  	v12 =	vld [tilespmem:s13+$0x10];
	v2 =	vmul.f32 v10, v2  }
0x303: {  	v10 =	vld [tilespmem:s6+$0xFFFFFFE0];
	[tilespmem:s7+$0xFFFFFF10] =	vst v8  }
0x304: {  	[tilespmem:s6+$0xFFFFFFD0] =	vst v2;
	v2 =	vmul.f32 v4, v6;
	v6 =	vld [tilespmem:s13+$0xFFFFFF90]  }
0x305: {  	v4 =	vld [tilespmem:s22+$0x50]  }
0x306: {  	v58 =	vld [tilespmem:s9+$0xFFFFFF30]  }
0x307: {  	v5 =	vld [tilespmem:s6+$0xFFFFFF50];
	v3 =	vmul.f32 v12, v3;
	[tilespmem:s6+$0xFFFFFF40] =	vst v2  }
0x308: {  	v2 =	vld [tilespmem:s22+$0xFFFFFFC0]  }
0x309: {  	[tilespmem:s7+$0xFFFFFFA0] =	vst v3;
	v3 =	vld [tilespmem:s7+$0xFFFFFFB0]  }
0x30a: {  	v6 =	vmul.f32 v6, v13;
	v4 =	vmul.f32 v4, v10;
	v10 =	vld [tilespmem:s13+$0x20]  }
0x30b: {  	v19 =	vld [tilespmem:s7+$0xFFFFFFF0]  }
0x30c: {  	v16 =	vmul.f32 v16, v17;
	v11 =	vld [tilespmem:s7+$0xFFFFFF30];
	[tilespmem:s7+$0xFFFFFF20] =	vst v6  }
0x30d: {  	v2 =	vmul.f32 v2, v5;
	v5 =	vld [tilespmem:s13+$0xFFFFFFA0]  }
0x30e: {  	v61 =	vld [tilespmem:s7+$0x0];
	[tilespmem:s9+$0xFFFFFF10] =	vst v16  }
0x30f: {  	v16 =	vld [tilespmem:s1+$0xFFFFFF90];
	[tilespmem:s6+$0xFFFFFF50] =	vst v2;
	v2 =	vmul.f32 v10, v3  }
0x310: {  	v1 =	vld [tilespmem:s6+$0xFFFFFF80]  }
0x311: {  	v6 =	vld [tilespmem:s7+$0xFFFFFFC0];
	[tilespmem:s7+$0xFFFFFFB0] =	vst v2  }
0x312: {  	v5 =	vmul.f32 v5, v11;
	v11 =	vld [tilespmem:s13+$0x30]  }
0x313: {  	v3 =	vld [tilespmem:s22+$0xFFFFFFD0]  }
0x314: {  	v8 =	vld [tilespmem:s7+$0xFFFFFF40]  }
0x315: {  	v12 =	vld [tilespmem:s6+$0xFFFFFFF0];
	[tilespmem:s6+$0xFFFFFFE0] =	vst v4  }
0x316: {  	v4 =	vld [tilespmem:s22+$0x60]  }
0x317: {  	[tilespmem:s7+$0xFFFFFF30] =	vst v5;
	v5 =	vld [tilespmem:s9+$0xFFFFFF90];
	v6 =	vmul.f32 v11, v6  }
0x318: {  	v3 =	vmul.f32 v3, v7;
	v7 =	vld [tilespmem:s1+$0x0]  }
0x319: {  	v11 =	vld [tilespmem:s7+$0xFFFFFFD0];
	[tilespmem:s7+$0xFFFFFFC0] =	vst v6  }
0x31a: {  	v6 =	vld [tilespmem:s13+$0x40]  }
0x31b: {  	v13 =	vld [tilespmem:s7+$0xFFFFFF50];
	v4 =	vmul.f32 v4, v12  }
0x31c: {  	v10 =	vld [tilespmem:s6+$0x0]  }
0x31d: {  	[tilespmem:s6+$0xFFFFFFF0] =	vst v4;
	v4 =	vld [tilespmem:s13+$0xFFFFFFB0];
	v5 =	vmul.f32 v7, v5  }
0x31e: {  	v7 =	vld [tilespmem:s9+$0xFFFFFF20]  }
0x31f: {  	[tilespmem:s9+$0xFFFFFF90] =	vst v5;
	v5 =	vld [tilespmem:s9+$0xFFFFFFA0];
	v6 =	vmul.f32 v6, v11  }
0x320: {  	v11 =	vld [tilespmem:s1+$0x10]  }
0x321: {  	v2 =	vld [tilespmem:s7+$0xFFFFFF70];
	[tilespmem:s7+$0xFFFFFFD0] =	vst v6  }
0x322: {  	v4 =	vmul.f32 v4, v8;
	v8 =	vld [tilespmem:s13+$0x50]  }
0x323: {  	v12 =	vld [tilespmem:s22+$0x70];
	[tilespmem:s6+$0xFFFFFF60] =	vst v3  }
0x324: {  	v3 =	vld [tilespmem:s7+$0xFFFFFF80];
	[tilespmem:s7+$0xFFFFFF40] =	vst v4;
	v7 =	vmul.f32 v16, v7  }
0x325: {  	v4 =	vmul.f32 v11, v5;
	v11 =	vld [tilespmem:s13+$0xFFFFFFC0]  }
0x326: {  	v15 =	vld [tilespmem:s22+$0xFFFFFFE0];
	[tilespmem:s9+$0xFFFFFF20] =	vst v7  }
0x327: {  	v7 =	vld [tilespmem:s9+$0xFFFFFF70];
	[tilespmem:s9+$0xFFFFFFA0] =	vst v4;
	v4 =	vmul.f32 v8, v18  }
0x328: {  	v8 =	vld [tilespmem:s9+$0xFFFFFFB0]  }
0x329: {  	v59 =	vld [tilespmem:s1+$0x20];
	[tilespmem:s7+$0xFFFFFFE0] =	vst v4  }
0x32a: {  	v11 =	vmul.f32 v11, v13;
	v13 =	vld [tilespmem:s13+$0x60]  }
0x32b: {  	v6 =	vld [tilespmem:s9+$0xFFFFFF40]  }
0x32c: {  	v60 =	vld [tilespmem:s1+$0xFFFFFFA0];
	[tilespmem:s7+$0xFFFFFF50] =	vst v11  }
0x32d: {  	v11 =	vld [tilespmem:s13+$0xFFFFFFD0]  }
0x32e: {  	v5 =	vld [tilespmem:s9+$0xFFFFFF50];
	v8 =	vmul.f32 v59, v8  }
0x32f: {  	v4 =	vld [tilespmem:s9+$0xFFFFFF60];
	v13 =	vmul.f32 v13, v19  }
0x330: {  	[tilespmem:s9+$0xFFFFFFB0] =	vst v8;
	v8 =	vmul.f32 v15, v9;
	v15 =	vld [tilespmem:s9+$0xFFFFFFC0]  }
0x331: {  	v9 =	vmul.f32 v60, v58;
	v62 =	vld [tilespmem:s1+$0x30];
	[tilespmem:s7+$0xFFFFFFF0] =	vst v13  }
0x332: {  	[tilespmem:s6+$0xFFFFFF70] =	vst v8;
	v8 =	vmul.f32 v11, v14;
	v63 =	vld [tilespmem:s13+$0x70]  }
0x333: {  	[tilespmem:s9+$0xFFFFFF30] =	vst v9;
	v9 =	vld [tilespmem:s22+$0xFFFFFFF0]  }
0x334: {  	v13 =	vld [tilespmem:s1+$0xFFFFFFB0];
	[tilespmem:s7+$0xFFFFFF60] =	vst v8  }
0x335: {  	v11 =	vmul.f32 v12, v10;
	v10 =	vld [tilespmem:s13+$0xFFFFFFE0]  }
0x336: {  	v8 =	vld [tilespmem:s9+$0xFFFFFF80];
	v14 =	vmul.f32 v62, v15  }
0x337: {  	s28 =	simm.s32 $0x4;
	s11 =	simm.s32 $0x6580;
	s22 =	simm.s32 $0x26F0;
	[tilespmem:s6+$0x0] =	vst v11;
	v11 =	vld [tilespmem:s9+$0xFFFFFFD0];
	v12 =	vmul.f32 v63, v61  }
.LBB2_13:
0x338: {  	v15 =	vld [tilespmem:s22+$0xFFFFFF90];
	[tilespmem:s9+$0xFFFFFFC0] =	vst v14;
	s1 =	sadd.s32 $0x100, s1;
	v9 =	vmul.f32 v9, v1;
	v1 =	vmov v3  }
0x339: {  	v14 =	vld [tilespmem:s1+$0x0];
	v13 =	vmul.f32 v13, v6;
	[tilespmem:s7+$0x0] =	vst v12  }
0x33a: {  	s28 =	sadd.s32 $0x2, s28;
	v6 =	vld [tilespmem:s11+$0x40];
	v10 =	vmul.f32 v10, v2;
	[tilespmem:s6+$0xFFFFFF80] =	vst v9;
	v2 =	vmov v7;
	s6 =	smov.u32 s7;
	s7 =	smov.u32 s9  }
0x33b: {  	p0 =	slt.u32 s28, $0x3E;
	s9 =	smov.u32 s22;
	v7 =	vld [tilespmem:s1+$0xFFFFFF80];
	[tilespmem:s7+$0xFFFFFF40] =	vst v13;
	v3 =	vmov v8  }
0x33c: {  	v8 =	vld [tilespmem:s22+$0xFFFFFF10];
	[tilespmem:s6+$0xFFFFFF70] =	vst v10  }
0x33d: {  	v9 =	vld [tilespmem:s22+$0xFFFFFF20]  }
0x33e: {  	v10 =	vld [tilespmem:s22+$0xFFFFFF30];
	v12 =	vmul.f32 v14, v15  }
0x33f: {  	v6 =	vmul.f32 v6, v11;
	v11 =	vld [tilespmem:s7+$0xFFFFFFE0]  }
0x340: {  	[tilespmem:s22+$0xFFFFFF90] =	vst v12;
	v12 =	vld [tilespmem:s22+$0xFFFFFFA0]  }
0x341: {  	v7 =	vmul.f32 v7, v8;
	v8 =	vld [tilespmem:s1+$0x10];
	[tilespmem:s7+$0xFFFFFFD0] =	vst v6  }
0x342: {  	v13 =	vld [tilespmem:s11+$0x50]  }
0x343: {  	[tilespmem:s22+$0xFFFFFF10] =	vst v7;
	v6 =	vld [tilespmem:s22+$0xFFFFFF40]  }
0x344: {  	v7 =	vld [tilespmem:s1+$0xFFFFFF90]  }
0x345: {  	v14 =	vld [tilespmem:s11+$0xFFFFFFC0]  }
0x346: {  	v15 =	vld [tilespmem:s22+$0xFFFFFF50];
	v8 =	vmul.f32 v8, v12  }
0x347: {  	v11 =	vmul.f32 v13, v11;
	v12 =	vld [tilespmem:s7+$0xFFFFFFF0]  }
0x348: {  	[tilespmem:s22+$0xFFFFFFA0] =	vst v8;
	v8 =	vld [tilespmem:s22+$0xFFFFFFB0]  }
0x349: {  	v7 =	vmul.f32 v7, v9;
	v9 =	vld [tilespmem:s1+$0x20];
	[tilespmem:s7+$0xFFFFFFE0] =	vst v11  }
0x34a: {  	v11 =	vmul.f32 v14, v5;
	v13 =	vld [tilespmem:s11+$0x60]  }
0x34b: {  	[tilespmem:s22+$0xFFFFFF20] =	vst v7;
	v14 =	vld [tilespmem:s22+$0xFFFFFF60];
	v5 =	vmov v15  }
0x34c: {  	v15 =	vld [tilespmem:s1+$0xFFFFFFA0];
	[tilespmem:s7+$0xFFFFFF50] =	vst v11  }
0x34d: {  	v11 =	vld [tilespmem:s11+$0xFFFFFFD0]  }
0x34e: {  	v7 =	vld [tilespmem:s22+$0xFFFFFF70];
	v8 =	vmul.f32 v9, v8  }
0x34f: {  	v9 =	vmul.f32 v13, v12;
	v12 =	vld [tilespmem:s7+$0x0]  }
0x350: {  	[tilespmem:s22+$0xFFFFFFB0] =	vst v8;
	v16 =	vld [tilespmem:s22+$0xFFFFFFC0]  }
0x351: {  	v8 =	vmul.f32 v15, v10;
	v15 =	vld [tilespmem:s1+$0x30];
	[tilespmem:s7+$0xFFFFFFF0] =	vst v9  }
0x352: {  	v10 =	vmul.f32 v11, v4;
	v17 =	vld [tilespmem:s11+$0x70];
	v4 =	vmov v14  }
.Ltmp5:
0x353: {  	[tilespmem:s22+$0xFFFFFF30] =	vst v8;
	v9 =	vld [tilespmem:s13+$0xFFFFFFF0];
	s13 =	smov.u32 s11;
	s11 =	smov.u32 s1;
	(pc) =	sbr.rel @p0 .LBB2_13-.Ltmp5, $4  }
0x354: {  	v13 =	vld [tilespmem:s1+$0xFFFFFFB0];
	[tilespmem:s7+$0xFFFFFF60] =	vst v10  }
0x355: {  	v10 =	vld [tilespmem:s13+$0xFFFFFFE0]  }
0x356: {  	v8 =	vld [tilespmem:s22+$0xFFFFFF80];
	v14 =	vmul.f32 v15, v16  }
0x357: {  	s22 =	sadd.s32 $0x100, s22;
	v11 =	vld [tilespmem:s9+$0xFFFFFFD0];
	v12 =	vmul.f32 v17, v12  }
0x358: {  	_ = 	snop  }
0x359: {  	[tilespmem:s9+$0xFFFFFFC0] =	vst v14;
	v6 =	vmul.f32 v13, v6  }
0x35a: {  	v54 =	vld [tilespmem:s11+$0x40]  }
0x35b: {  	[tilespmem:s9+$0xFFFFFF40] =	vst v6  }
0x35c: {  	v6 =	vld [tilespmem:s11+$0xFFFFFFC0];
	_ =	sdelay $0x2  }
0x35d: {  	v11 =	vmul.f32 v54, v11;
	_ =	sdelay $0x1  }
0x35e: {  	v55 =	vld [tilespmem:s9+$0xFFFFFFE0];
	[tilespmem:s9+$0xFFFFFFD0] =	vst v11;
	v5 =	vmul.f32 v6, v5  }
0x35f: {  	v6 =	vld [tilespmem:s11+$0x50]  }
0x360: {  	[tilespmem:s9+$0xFFFFFF50] =	vst v5  }
0x361: {  	v5 =	vld [tilespmem:s11+$0xFFFFFFD0];
	_ =	sdelay $0x2  }
0x362: {  	v6 =	vmul.f32 v6, v55;
	_ =	sdelay $0x1  }
0x363: {  	v56 =	vld [tilespmem:s9+$0xFFFFFFF0];
	[tilespmem:s9+$0xFFFFFFE0] =	vst v6;
	v4 =	vmul.f32 v5, v4  }
0x364: {  	v5 =	vld [tilespmem:s11+$0x60]  }
0x365: {  	[tilespmem:s9+$0xFFFFFF60] =	vst v4  }
0x366: {  	v4 =	vld [tilespmem:s11+$0xFFFFFFE0];
	_ =	sdelay $0x2  }
0x367: {  	v5 =	vmul.f32 v5, v56  }
0x368: {  	v2 =	vmul.f32 v10, v2  }
0x369: {  	v6 =	vld [tilespmem:s9+$0x0];
	[tilespmem:s9+$0xFFFFFFF0] =	vst v5;
	v4 =	vmul.f32 v4, v7  }
0x36a: {  	[tilespmem:s7+$0xFFFFFF70] =	vst v2;
	v2 =	vld [tilespmem:s11+$0x70]  }
0x36b: {  	v5 =	vld [tilespmem:s13+$0xFFFFFFF0];
	[tilespmem:s9+$0xFFFFFF70] =	vst v4  }
0x36c: {  	v4 =	vld [tilespmem:s11+$0xFFFFFFF0];
	_ =	sdelay $0x1  }
0x36d: {  	v1 =	vmul.f32 v9, v1  }
0x36e: {  	[tilespmem:s7+$0x0] =	vst v12;
	v2 =	vmul.f32 v2, v6  }
0x36f: {  	[tilespmem:s6+$0xFFFFFF80] =	vst v1;
	v1 =	vmul.f32 v5, v3  }
0x370: {  	[tilespmem:s9+$0x0] =	vst v2;
	v2 =	vmul.f32 v4, v8  }
0x371: {  	p0 =	seq.s32 s4, $0x1A;
	[tilespmem:s7+$0xFFFFFF80] =	vst v1  }
0x372: {  	s1 =	simm.s32 @!p0 $0x8;
	[tilespmem:s9+$0xFFFFFF80] =	vst v2  }
0x373: {  	[spmem:s12] =	stream.indirect.scatter.add.f32 [tilespmem:s19], [sflag:$0x9], $0x80, s10, s30, $0xb8;
	[tilespmem:$0x1DF00] =	vst v63  }
0x374: {  	_ =	swait.ge @!p0 [sflag:s1], $0x2000  }
0x375: {  	s6 =	sld [smem:$0x7FC];
	_ =	sdelay $0x2  }
0x376: {  	s5 =	sadd.s32 @!p0 s5, s6  }
0x377: {  	[sflag:s1] =	ssyncset.done @!p0 $0x0;
	s6 =	sshrl.u32 @!p0 s5, $0x3  }
0x378: {  	s7 =	simm.s32 @!p0 $0x0;
	[sflag:s1] =	ssyncadd.s32 @!p0 $0xFFFFE000;
	s1 =	sadd.s32 @!p0 s16, s6  }
0x379: {  	[tilespmem:s7], [sflag:$0x1] =	stream.linear.gather @!p0 [hbm4b:s1+s7], $0x40, $0x38;
	[tilespmem:$0x1DF00] =	vst v63  }
0x37a: {  	s1 =	sadd.s32 @!p0 s17, s6;
	s6 =	simm.s32 @!p0 $0x100  }
0x37b: {  	[tilespmem:s6], [sflag:$0x1] =	stream.linear.gather @!p0 [hbm4b:s1+s7], $0x40, $0x38;
	[tilespmem:$0x1DF00] =	vst v63  }
0x37c: {  	s1 =	sshll.u32 @!p0 s5, $0x4  }
0x37d: {  	s5 =	simm.s32 @!p0 $0x6300;
	s1 =	sadd.s32 @!p0 s15, s1  }
0x37e: {  	[tilespmem:s5], [sflag:$0x3] =	stream.linear.gather @!p0 [hbm4b:s1+s7], $0x2000, $0x38;
	[tilespmem:$0x1DF00] =	vst v63  }
0x37f: {  	s1 =	simm.s32 @!p0 $0x1  }
0x380: {  	_ =	swait.ge @!p0 [sflag:s1], $0x40  }
0x381: {  	[sflag:s1] =	ssyncset.done @!p0 $0x0  }
0x382: {  	[sflag:s1] =	ssyncadd.s32 @!p0 $0xFFFFFFC0  }
0x383: {  	_ =	swait.ge @!p0 [sflag:s1], $0x40  }
0x384: {  	[sflag:s1] =	ssyncset.done @!p0 $0x0  }
0x385: {  	s5 =	simm.s32 @!p0 $0x300;
	[sflag:s1] =	ssyncadd.s32 @!p0 $0xFFFFFFC0;
	s1 =	simm.s32 @!p0 $0x40  }
0x386: {  	[tilespmem:s5], [sflag:$0x5] =	stream.indirect.gather @!p0 [hbm4b:s0+s1], $0x80, s7, s1, $0xb8;
	[tilespmem:$0x1DF00] =	vst v63  }
0x387: {  	_ =	swait.ge [sflag:s29], $0x2000  }
0x388: {  	[sflag:s29] =	ssyncset.done $0x0  }
0x389: {  	[sflag:s29] =	ssyncadd.s32 $0xFFFFE000  }
0x38a: {  	_ =	swait.ge [sflag:s26], $0x2000  }
0x38b: {  	[sflag:s26] =	ssyncset.done $0x0  }
0x38c: {  	s1 =	simm.s32 $0x0;
	[sflag:s26] =	ssyncadd.s32 $0xFFFFE000  }
0x38d: {  	v1 =	vld [tilespmem:s1+$0x4300]  }
0x38e: {  	v2 =	vld [tilespmem:s1+$0x8300]  }
0x38f: {  	v3 =	vld [tilespmem:s1+$0x4310]  }
0x390: {  	v4 =	vld [tilespmem:s1+$0x8310]  }
0x391: {  	v5 =	vld [tilespmem:s1+$0x4320]  }
0x392: {  	v6 =	vld [tilespmem:s1+$0x8320]  }
0x393: {  	v7 =	vld [tilespmem:s1+$0x8330]  }
0x394: {  	v8 =	vld [tilespmem:s1+$0x43F0]  }
0x395: {  	v57 =	vld [tilespmem:s1+$0x83F0]  }
0x396: {  	v58 =	vld [tilespmem:s1+$0x4370];
	v1 =	vmul.f32 v2, v1  }
0x397: {  	v2 =	vld [tilespmem:s1+$0x4330]  }
0x398: {  	[tilespmem:s1+$0x4300] =	vst v1;
	v1 =	vmul.f32 v4, v3;
	v3 =	vld [tilespmem:s1+$0x4340]  }
0x399: {  	v4 =	vld [tilespmem:s1+$0x8340]  }
0x39a: {  	[tilespmem:s1+$0x4310] =	vst v1;
	v1 =	vmul.f32 v6, v5;
	v5 =	vld [tilespmem:s1+$0x4350]  }
0x39b: {  	v6 =	vld [tilespmem:s1+$0x8350]  }
0x39c: {  	[tilespmem:s1+$0x4320] =	vst v1;
	v1 =	vmul.f32 v7, v2;
	v7 =	vld [tilespmem:s1+$0x4360]  }
0x39d: {  	v2 =	vmul.f32 v57, v8;
	v8 =	vld [tilespmem:s1+$0x8360]  }
0x39e: {  	[tilespmem:s1+$0x4330] =	vst v1;
	v1 =	vld [tilespmem:s1+$0x4380]  }
0x39f: {  	[tilespmem:s1+$0x43F0] =	vst v2;
	v2 =	vld [tilespmem:s1+$0x8380]  }
0x3a0: {  	v59 =	vld [tilespmem:s1+$0x4390]  }
0x3a1: {  	v60 =	vld [tilespmem:s1+$0x8390]  }
0x3a2: {  	v61 =	vld [tilespmem:s1+$0x43A0]  }
0x3a3: {  	v62 =	vld [tilespmem:s1+$0x83A0];
	v5 =	vmul.f32 v6, v5;
	v6 =	vmul.f32 v8, v7  }
0x3a4: {  	v1 =	vmul.f32 v2, v1;
	v2 =	vmul.f32 v4, v3;
	v4 =	vld [tilespmem:s1+$0x8370]  }
0x3a5: {  	v63 =	vld [tilespmem:s1+$0x43B0];
	[tilespmem:s1+$0x4350] =	vst v5  }
0x3a6: {  	v15 =	vld [tilespmem:s1+$0x83B0];
	[tilespmem:s1+$0x4360] =	vst v6  }
0x3a7: {  	v3 =	vmul.f32 v60, v59;
	[tilespmem:s1+$0x4380] =	vst v1;
	v1 =	vld [tilespmem:s1+$0x43C0]  }
0x3a8: {  	v5 =	vmul.f32 v62, v61;
	[tilespmem:s1+$0x4340] =	vst v2;
	v2 =	vld [tilespmem:s1+$0x83C0]  }
0x3a9: {  	[tilespmem:s1+$0x4390] =	vst v3;
	v3 =	vld [tilespmem:s1+$0x43D0];
	v6 =	vmul.f32 v4, v58  }
0x3aa: {  	[tilespmem:s1+$0x43A0] =	vst v5;
	v4 =	vld [tilespmem:s1+$0x83D0]  }
0x3ab: {  	s6 =	simm.s32 $0x400;
	s5 =	simm.s32 $0x0;
	v5 =	vld [tilespmem:s1+$0x43E0];
	[tilespmem:s1+$0x4370] =	vst v6;
	v6 =	vmul.f32 v15, v63  }
.LBB2_15:
0x3ac: {  	s7 =	sshra.s32 s6, $0x2;
	v7 =	vld [tilespmem:s1+$0x83E0]  }
0x3ad: {  	s5 =	sadd.s32 $0x2, s5;
	v8 =	vld [tilespmem:s7+$0x43F0];
	[tilespmem:s1+$0x43B0] =	vst v6;
	v1 =	vmul.f32 v2, v1  }
0x3ae: {  	p0 =	slt.u32 s5, $0x3E;
	v2 =	vld [tilespmem:s7+$0x83F0]  }
0x3af: {  	v6 =	vld [tilespmem:s7+$0x4300];
	[tilespmem:s1+$0x43C0] =	vst v1;
	v1 =	vmul.f32 v4, v3  }
0x3b0: {  	v3 =	vld [tilespmem:s7+$0x8300]  }
0x3b1: {  	v4 =	vld [tilespmem:s7+$0x4310];
	[tilespmem:s1+$0x43D0] =	vst v1;
	v1 =	vmul.f32 v7, v5  }
0x3b2: {  	v5 =	vld [tilespmem:s7+$0x8310]  }
0x3b3: {  	v7 =	vld [tilespmem:s7+$0x4320];
	v2 =	vmul.f32 v2, v8;
	[tilespmem:s1+$0x43E0] =	vst v1;
	s1 =	smov.u32 s7  }
0x3b4: {  	v1 =	vld [tilespmem:s1+$0x8320]  }
0x3b5: {  	v3 =	vmul.f32 v3, v6;
	v6 =	vld [tilespmem:s1+$0x4330];
	[tilespmem:s1+$0x43F0] =	vst v2  }
0x3b6: {  	v2 =	vld [tilespmem:s1+$0x8330]  }
0x3b7: {  	[tilespmem:s1+$0x4300] =	vst v3;
	v3 =	vmul.f32 v5, v4;
	v4 =	vld [tilespmem:s1+$0x4340]  }
0x3b8: {  	v5 =	vld [tilespmem:s1+$0x8340]  }
0x3b9: {  	[tilespmem:s1+$0x4310] =	vst v3;
	v1 =	vmul.f32 v1, v7;
	v3 =	vld [tilespmem:s1+$0x4350]  }
0x3ba: {  	v7 =	vld [tilespmem:s1+$0x8350]  }
0x3bb: {  	[tilespmem:s1+$0x4320] =	vst v1;
	v1 =	vmul.f32 v2, v6;
	v2 =	vld [tilespmem:s1+$0x4360]  }
0x3bc: {  	v6 =	vld [tilespmem:s1+$0x8360]  }
0x3bd: {  	[tilespmem:s1+$0x4330] =	vst v1;
	v1 =	vmul.f32 v5, v4;
	v4 =	vld [tilespmem:s1+$0x4370]  }
0x3be: {  	v5 =	vld [tilespmem:s1+$0x8370]  }
0x3bf: {  	[tilespmem:s1+$0x4340] =	vst v1;
	v1 =	vmul.f32 v7, v3;
	v3 =	vld [tilespmem:s1+$0x4380]  }
0x3c0: {  	v7 =	vld [tilespmem:s1+$0x8380]  }
0x3c1: {  	[tilespmem:s1+$0x4350] =	vst v1;
	v1 =	vmul.f32 v6, v2;
	v2 =	vld [tilespmem:s1+$0x4390]  }
0x3c2: {  	v6 =	vld [tilespmem:s1+$0x8390]  }
0x3c3: {  	[tilespmem:s1+$0x4360] =	vst v1;
	v1 =	vmul.f32 v5, v4;
	v4 =	vld [tilespmem:s1+$0x43A0]  }
0x3c4: {  	v5 =	vld [tilespmem:s1+$0x83A0]  }
0x3c5: {  	[tilespmem:s1+$0x4370] =	vst v1;
	v1 =	vmul.f32 v7, v3;
	v7 =	vld [tilespmem:s1+$0x43B0]  }
0x3c6: {  	v8 =	vld [tilespmem:s1+$0x83B0]  }
.Ltmp6:
0x3c7: {  	[tilespmem:s1+$0x4380] =	vst v1;
	v3 =	vmul.f32 v6, v2;
	v1 =	vld [tilespmem:s1+$0x43C0];
	(pc) =	sbr.rel @p0 .LBB2_15-.Ltmp6, $4  }
0x3c8: {  	v2 =	vld [tilespmem:s1+$0x83C0]  }
0x3c9: {  	[tilespmem:s1+$0x4390] =	vst v3;
	v5 =	vmul.f32 v5, v4;
	v3 =	vld [tilespmem:s1+$0x43D0]  }
0x3ca: {  	v4 =	vld [tilespmem:s1+$0x83D0]  }
0x3cb: {  	s6 =	sadd.s32 $0x400, s6;
	[tilespmem:s1+$0x43A0] =	vst v5;
	v6 =	vmul.f32 v8, v7;
	v5 =	vld [tilespmem:s1+$0x43E0]  }
0x3cc: {  	v7 =	vld [tilespmem:s1+$0x83E0];
	_ =	sdelay $0x1  }
0x3cd: {  	s4 =	sadd.s32 $0x1, s4  }
0x3ce: {  	v1 =	vmul.f32 v2, v1;
	p0 =	sne.s32 s4, $0x1B  }
.Ltmp7:
0x3cf: {  	[tilespmem:s1+$0x43B0] =	vst v6;
	v2 =	vmul.f32 v4, v3;
	(pc) =	sbr.rel @p0 .LBB2_4-.Ltmp7, $4  }
0x3d0: {  	[tilespmem:s1+$0x43C0] =	vst v1;
	v1 =	vmul.f32 v7, v5  }
0x3d1: {  	[tilespmem:s1+$0x43D0] =	vst v2  }
0x3d2: {  	[tilespmem:s1+$0x43E0] =	vst v1  }
0x3d3: {  	[spmem:s12] =	stream.indirect.scatter.add.f32 [tilespmem:s24], [sflag:$0xA], $0x80, s23, s30, $0xb8;
	[tilespmem:$0x1DF00] =	vst v63  }
0x3d4: {  	s1 =	simm.s32 $0x8  }
0x3d5: {  	_ =	swait.ge [sflag:s1], $0x2000  }
0x3d6: {  	[sflag:s1] =	ssyncset.done $0x0  }
0x3d7: {  	s22 =	simm.s32 $0x9;
	[sflag:s1] =	ssyncadd.s32 $0xFFFFE000  }
0x3d8: {  	_ =	swait.ge [sflag:s22], $0x2000  }
0x3d9: {  	[sflag:s22] =	ssyncset.done $0x0  }
0x3da: {  	[sflag:s22] =	ssyncadd.s32 $0xFFFFE000  }
0x3db: {  	_ =	swait.ge [sflag:s3], $0x2000  }
0x3dc: {  	[sflag:s3] =	ssyncset.done $0x0  }
0x3dd: {  	[sflag:s3] =	ssyncadd.s32 $0xFFFFE000  }
0x3de: {  	[bflag:$0x0] =	sbarrier.arrive $0xFFFF  }
0x3df: {  	s4 =	simm.s32 $0xB;
	s7 =	rddreg [dreg:$0xe]  }
0x3e0: {  	[tilespmem:s8], [sflag:$0xB] =	stream.linear.gather [spmem:s7], $0x2000, $0x38;
	[tilespmem:$0x1DF00] =	vst v63  }
0x3e1: {  	_ =	swait.ge [sflag:s4], $0x2000  }
0x3e2: {  	[sflag:s4] =	ssyncset.done $0x0  }
0x3e3: {  	s3 =	rddreg [dreg:$0x4];
	[sflag:s4] =	ssyncadd.s32 $0xFFFFE000  }
0x3e4: {  	[hbm4b:s3+s2] =	stream.linear.scatter [tilespmem:s8], [sflag:$0xB], $0x2000, $0x38;
	[tilespmem:$0x1DF00] =	vst v63  }
0x3e5: {  	_ =	swait.ge [sflag:s4], $0x2000  }
0x3e6: {  	[sflag:s4] =	ssyncset.done $0x0  }
0x3e7: {  	s22 =	rddreg [dreg:$0xf];
	[sflag:s4] =	ssyncadd.s32 $0xFFFFE000  }
0x3e8: {  	[tilespmem:s8], [sflag:$0xB] =	stream.linear.gather [spmem:s22], $0x2000, $0x38;
	[tilespmem:$0x1DF00] =	vst v63  }
0x3e9: {  	_ =	swait.ge [sflag:s4], $0x2000  }
0x3ea: {  	[sflag:s4] =	ssyncset.done $0x0  }
0x3eb: {  	s5 =	rddreg [dreg:$0x5];
	[sflag:s4] =	ssyncadd.s32 $0xFFFFE000  }
0x3ec: {  	[hbm4b:s5+s2] =	stream.linear.scatter [tilespmem:s8], [sflag:$0xB], $0x2000, $0x38;
	[tilespmem:$0x1DF00] =	vst v63  }
0x3ed: {  	_ =	swait.ge [sflag:s4], $0x2000  }
0x3ee: {  	[sflag:s4] =	ssyncset.done $0x0  }
0x3ef: {  	s9 =	rddreg [dreg:$0x10];
	[sflag:s4] =	ssyncadd.s32 $0xFFFFE000  }
0x3f0: {  	[tilespmem:s8], [sflag:$0xB] =	stream.linear.gather [spmem:s9], $0x2000, $0x38;
	[tilespmem:$0x1DF00] =	vst v63  }
0x3f1: {  	_ =	swait.ge [sflag:s4], $0x2000  }
0x3f2: {  	[sflag:s4] =	ssyncset.done $0x0  }
0x3f3: {  	s6 =	rddreg [dreg:$0x6];
	[sflag:s4] =	ssyncadd.s32 $0xFFFFE000  }
0x3f4: {  	[hbm4b:s6+s2] =	stream.linear.scatter [tilespmem:s8], [sflag:$0xB], $0x2000, $0x38;
	[tilespmem:$0x1DF00] =	vst v63  }
0x3f5: {  	_ =	swait.ge [sflag:s4], $0x2000  }
0x3f6: {  	[sflag:s4] =	ssyncset.done $0x0  }
0x3f7: {  	s28 =	rddreg [dreg:$0x11];
	[sflag:s4] =	ssyncadd.s32 $0xFFFFE000  }
0x3f8: {  	[tilespmem:s8], [sflag:$0xB] =	stream.linear.gather [spmem:s28], $0x2000, $0x38;
	[tilespmem:$0x1DF00] =	vst v63  }
0x3f9: {  	_ =	swait.ge [sflag:s4], $0x2000  }
0x3fa: {  	[sflag:s4] =	ssyncset.done $0x0  }
0x3fb: {  	s11 =	rddreg [dreg:$0x7];
	[sflag:s4] =	ssyncadd.s32 $0xFFFFE000  }
0x3fc: {  	[hbm4b:s11+s2] =	stream.linear.scatter [tilespmem:s8], [sflag:$0xB], $0x2000, $0x38;
	[tilespmem:$0x1DF00] =	vst v63  }
0x3fd: {  	_ =	swait.ge [sflag:s4], $0x2000  }
0x3fe: {  	[sflag:s4] =	ssyncset.done $0x0  }
0x3ff: {  	s11 =	rddreg [dreg:$0x13];
	[sflag:s4] =	ssyncadd.s32 $0xFFFFE000  }
0x400: {  	[tilespmem:s8], [sflag:$0xB] =	stream.linear.gather [spmem:s11], $0x2000, $0x38;
	[tilespmem:$0x1DF00] =	vst v63  }
0x401: {  	_ =	swait.ge [sflag:s4], $0x2000  }
0x402: {  	[sflag:s4] =	ssyncset.done $0x0  }
0x403: {  	s13 =	rddreg [dreg:$0x8];
	[sflag:s4] =	ssyncadd.s32 $0xFFFFE000  }
0x404: {  	[hbm4b:s13+s2] =	stream.linear.scatter [tilespmem:s8], [sflag:$0xB], $0x2000, $0x38;
	[tilespmem:$0x1DF00] =	vst v63  }
0x405: {  	_ =	swait.ge [sflag:s4], $0x2000  }
0x406: {  	[sflag:s4] =	ssyncset.done $0x0  }
0x407: {  	s13 =	rddreg [dreg:$0x14];
	[sflag:s4] =	ssyncadd.s32 $0xFFFFE000  }
0x408: {  	[tilespmem:s8], [sflag:$0xB] =	stream.linear.gather [spmem:s13], $0x2000, $0x38;
	[tilespmem:$0x1DF00] =	vst v63  }
0x409: {  	_ =	swait.ge [sflag:s4], $0x2000  }
0x40a: {  	[sflag:s4] =	ssyncset.done $0x0  }
0x40b: {  	s3 =	rddreg [dreg:$0x9];
	[sflag:s4] =	ssyncadd.s32 $0xFFFFE000  }
0x40c: {  	[hbm4b:s3+s2] =	stream.linear.scatter [tilespmem:s8], [sflag:$0xB], $0x2000, $0x38;
	[tilespmem:$0x1DF00] =	vst v63  }
0x40d: {  	_ =	swait.ge [sflag:s4], $0x2000  }
0x40e: {  	[sflag:s4] =	ssyncset.done $0x0  }
0x40f: {  	s5 =	rddreg [dreg:$0x15];
	[sflag:s4] =	ssyncadd.s32 $0xFFFFE000  }
0x410: {  	[tilespmem:s8], [sflag:$0xB] =	stream.linear.gather [spmem:s5], $0x2000, $0x38;
	[tilespmem:$0x1DF00] =	vst v63  }
0x411: {  	_ =	swait.ge [sflag:s4], $0x2000  }
0x412: {  	[sflag:s4] =	ssyncset.done $0x0  }
0x413: {  	s6 =	rddreg [dreg:$0xa];
	[sflag:s4] =	ssyncadd.s32 $0xFFFFE000  }
0x414: {  	[hbm4b:s6+s2] =	stream.linear.scatter [tilespmem:s8], [sflag:$0xB], $0x2000, $0x38;
	[tilespmem:$0x1DF00] =	vst v63  }
0x415: {  	_ =	swait.ge [sflag:s4], $0x2000  }
0x416: {  	[sflag:s4] =	ssyncset.done $0x0  }
0x417: {  	s3 =	rddreg [dreg:$0x16];
	[sflag:s4] =	ssyncadd.s32 $0xFFFFE000  }
0x418: {  	[tilespmem:s8], [sflag:$0xB] =	stream.linear.gather [spmem:s3], $0x2000, $0x38;
	[tilespmem:$0x1DF00] =	vst v63  }
0x419: {  	_ =	swait.ge [sflag:s4], $0x2000  }
0x41a: {  	[sflag:s4] =	ssyncset.done $0x0  }
0x41b: {  	s5 =	rddreg [dreg:$0xb];
	[sflag:s4] =	ssyncadd.s32 $0xFFFFE000  }
0x41c: {  	[hbm4b:s5+s2] =	stream.linear.scatter [tilespmem:s8], [sflag:$0xB], $0x2000, $0x38;
	[tilespmem:$0x1DF00] =	vst v63  }
0x41d: {  	_ =	swait.ge [sflag:s4], $0x2000  }
0x41e: {  	[sflag:s4] =	ssyncset.done $0x0  }
0x41f: {  	s5 =	rddreg [dreg:$0x17];
	[sflag:s4] =	ssyncadd.s32 $0xFFFFE000  }
0x420: {  	[tilespmem:s8], [sflag:$0xB] =	stream.linear.gather [spmem:s5], $0x2000, $0x38;
	[tilespmem:$0x1DF00] =	vst v63  }
0x421: {  	_ =	swait.ge [sflag:s4], $0x2000  }
0x422: {  	[sflag:s4] =	ssyncset.done $0x0  }
0x423: {  	s6 =	rddreg [dreg:$0xc];
	[sflag:s4] =	ssyncadd.s32 $0xFFFFE000  }
0x424: {  	[hbm4b:s6+s2] =	stream.linear.scatter [tilespmem:s8], [sflag:$0xB], $0x2000, $0x38;
	[tilespmem:$0x1DF00] =	vst v63  }
0x425: {  	_ =	swait.ge [sflag:s4], $0x2000  }
0x426: {  	[sflag:s4] =	ssyncset.done $0x0  }
0x427: {  	s6 =	rddreg [dreg:$0x18];
	[sflag:s4] =	ssyncadd.s32 $0xFFFFE000  }
0x428: {  	[tilespmem:s8], [sflag:$0xB] =	stream.linear.gather [spmem:s6], $0x1C00, $0x38;
	[tilespmem:$0x1DF00] =	vst v63  }
0x429: {  	_ =	swait.ge [sflag:s4], $0x1C00  }
0x42a: {  	[sflag:s4] =	ssyncset.done $0x0  }
0x42b: {  	s3 =	rddreg [dreg:$0xd];
	[sflag:s4] =	ssyncadd.s32 $0xFFFFE400  }
0x42c: {  	[hbm4b:s3+s2] =	stream.linear.scatter [tilespmem:s8], [sflag:$0xB], $0x1C00, $0x38;
	[tilespmem:$0x1DF00] =	vst v63  }
0x42d: {  	_ =	swait.ge [sflag:s4], $0x1C00  }
0x42e: {  	s1 =	sld [smem:$0x7FD];
	_ =	sdelay $0x2  }
0x42f: {  	s3 =	sadd.s32 $0x1, s1;
	s1 =	rddreg [dreg:$0x1c]  }
0x430: {  	p0 =	sne.s32 s3, s1  }
.Ltmp8:
0x431: {  	_ = 	snop;
	(pc) =	sbr.rel @p0 .LBB2_1-.Ltmp8, $3  }
0x432: {  	_ =	sdelay $0x1  }
0x433: {  	[sflag:s4] =	ssyncset.done $0x0  }
0x434: {  	[sflag:s4] =	ssyncadd.s32 $0xFFFFE400;
	[smem:$0x7FD] =	sst s3  }
0x435: {  	_ =	sfence.sel $0x180000  }
0x436: {  	[bflag:$0x0] =	sbarrier.arrive $0xFFFF  }
0x437: {  	_ =	strace $0x90000047  }
0x438: {  	s0 =	stileid.u32;
	[bflag:$0x2] =	sbarrier.arrive $0xFFFF  }
0x439: {  	p0 =	sne.s32 s0, $0x0;
	s0 =	rddreg [dreg:$0x3]  }
0x43a: {  	s0 =	sadd.s32 @!p0 $0x100000, s0  }
0x43b: {  	[sflag:s0] =	ssyncadd.tile.s32 @!p0 $0x1;
	_ =	shalt  }
.Lfunc_end2:
_tile_overlayer_lowered:
.L_overlay_start_2:
0x43c: {  	(tag) =	ssettag $0x2  }
0x43d: {  	s0 =	rddreg [dreg:$0x0];
	s2 =	stileid.u32  }
0x43e: {  	s1 =	rddreg [dreg:$0x1];
	p0 =	sne.s32 s2, $0x0  }
0x43f: {  	s3 =	rddreg [dreg:$0x2];
	[bflag:$0x3] =	sbarrier.arrive $0xFFFF;
	s2 =	simm.s32 @!p0 $0x1C0B  }
0x440: {  	[timem:s3], [sflag:s2] =	dma.local @!p0 [hbm:s0], s1  }
0x441: {  	s0 =	simm.s32 @!p0 $0xB  }
0x442: {  	_ =	swait.ge @!p0 [sflag:s0], s1  }
0x443: {  	s1 =	ssub.s32 @!p0 $0x0, s1;
	[sflag:s0] =	ssyncset.done @!p0 $0x0  }
0x444: {  	[sflag:s0] =	ssyncadd.s32 @!p0 s1  }
0x445: {  	[bflag:$0x3] =	sbarrier.arrive $0xFFFF  }
0x446: {  	_ =	shalt  }

</sc_bundles>
